<compile_context>
chip_gen: v7x
topology: tpu7x:2x2x1
jax: 0.10.2.dev20260603
libtpu: 0.0.44.dev20260713+nightly
codegen_flags: <defaults>
</compile_context>

<pallas_src>
import functools
import jax
import jax.numpy as jnp
from jax import lax
from jax.experimental import pallas as pl
from jax.experimental.pallas import tpu as pltpu
from jax.experimental.pallas import tpu_sc as plsc

_N = 8192
_K = 4096
_B = 128
_ROWS = 64
_NS = 16
_CHUNK = _N // _NS
_NV = _CHUNK // 16


def _popcnt(b):
    return plsc.all_reduce_population_count(b)


def _sc_mask_kernel(w_hbm, mask_hbm, uv, pv, zv, maskv, shared):
    c = lax.axis_index("c")
    s = lax.axis_index("s")

    @pl.when(c == 0)
    def _run():
        iota = lax.iota(jnp.int32, 16)
        base_off = s * _CHUNK

        pltpu.sync_copy(w_hbm.at[pl.ds(base_off, _CHUNK)], uv)
        zv[...] = jnp.zeros((16,), jnp.int32)
        pltpu.sync_copy(zv, shared.at[pl.ds(s * 16, 16)])

        def _stage(i, carry):
            wi = uv[pl.ds(i * 16, 16)]
            uv[pl.ds(i * 16, 16)] = wi & jnp.int32(0x7FFFFFFF)
            return carry
        lax.fori_loop(0, _NV, _stage, jnp.int32(0))
        plsc.subcore_barrier()

        kvec = jnp.full((16,), _K, jnp.int32)

        t = jnp.zeros((16,), jnp.int32)
        for r, (b, hi) in enumerate(((28, 7), (24, 15), (20, 15), (16, 15),
                                     (12, 15), (8, 15), (4, 15), (0, 15))):
            cands = [t | jnp.int32(j << b) for j in range(1, hi + 1)]

            def _cnt(i, accs):
                ui = uv[pl.ds(i * 16, 16)]
                return tuple(acc + _popcnt(ui >= cands[j])
                             for j, acc in enumerate(accs))
            accs = lax.fori_loop(
                0, _NV, _cnt,
                tuple(jnp.zeros((16,), jnp.int32) for _ in range(hi)))

            pvv = jnp.zeros((16,), jnp.int32)
            for j in range(hi):
                pvv = jnp.where(iota == j, accs[j], pvv)
            pv[...] = pvv
            pltpu.sync_copy(pv, shared.at[iota + 16 * r], add=True)
            plsc.subcore_barrier()
            pltpu.sync_copy(shared.at[pl.ds(16 * r, 16)], pv)
            d = _popcnt(pv[...] >= kvec)
            t = t | lax.shift_left(d, b)

        def _gt(i, acc):
            ui = uv[pl.ds(i * 16, 16)]
            return acc + _popcnt(ui > t)
        gta = lax.fori_loop(0, _NV, _gt, jnp.zeros((16,), jnp.int32))
        pv[...] = gta
        pltpu.sync_copy(pv, shared.at[iota + 128], add=True)
        plsc.subcore_barrier()
        pltpu.sync_copy(shared.at[pl.ds(128, 16)], pv)
        ties_m1 = jnp.full((16,), _K - 1, jnp.int32) - pv[...]

        fbase = base_off + iota
        m = jnp.zeros((16,), jnp.int32)
        for r, b in enumerate((12, 8, 4, 0)):
            cands = [m | jnp.int32(j << b) for j in range(1, 16)]

            def _icnt(i, accs):
                ui = uv[pl.ds(i * 16, 16)]
                eqv = ui == t
                fidx = fbase + i * 16
                return tuple(acc + _popcnt(eqv & (fidx < cands[j]))
                             for j, acc in enumerate(accs))
            accs = lax.fori_loop(
                0, _NV, _icnt,
                tuple(jnp.zeros((16,), jnp.int32) for _ in range(15)))

            pvv = jnp.zeros((16,), jnp.int32)
            for j in range(15):
                pvv = jnp.where(iota == j, accs[j], pvv)
            pv[...] = pvv
            pltpu.sync_copy(pv, shared.at[iota + 144 + 16 * r], add=True)
            plsc.subcore_barrier()
            pltpu.sync_copy(shared.at[pl.ds(144 + 16 * r, 16)], pv)
            d = _popcnt((pv[...] <= ties_m1) & (iota < 15))
            m = m | lax.shift_left(d, b)

        def _mask(i, carry):
            ui = uv[pl.ds(i * 16, 16)]
            fidx = fbase + i * 16
            keep = (ui > t) | ((ui == t) & (fidx <= m))
            maskv[pl.ds(i * 16, 16)] = jnp.where(keep, jnp.float32(1.0),
                                                 jnp.float32(0.0))
            return carry
        lax.fori_loop(0, _NV, _mask, jnp.int32(0))
        pltpu.sync_copy(maskv, mask_hbm.at[pl.ds(base_off, _CHUNK)])


_sc_mask = functools.partial(
    pl.kernel,
    out_type=jax.ShapeDtypeStruct((_N,), jnp.float32),
    mesh=plsc.VectorSubcoreMesh(core_axis_name="c", subcore_axis_name="s",
                                num_cores=2, num_subcores=16),
    compiler_params=pltpu.CompilerParams(needs_layout_passes=False),
    scratch_types=[
        pltpu.VMEM((_CHUNK,), jnp.int32),
        pltpu.VMEM((16,), jnp.int32),
        pltpu.VMEM((16,), jnp.int32),
        pltpu.VMEM((_CHUNK,), jnp.float32),
        pltpu.VMEM_SHARED((256,), jnp.int32),
    ],
)(_sc_mask_kernel)


def _mul_body(x_ref, m_ref, o_ref):
    o_ref[...] = x_ref[...] * m_ref[...]


def kernel(x, weights):
    w_bits = lax.bitcast_convert_type(weights, jnp.int32)
    mask = _sc_mask(w_bits)
    sel = pl.pallas_call(
        _mul_body,
        grid=(_B // _ROWS,),
        in_specs=[
            pl.BlockSpec((_ROWS, _N), lambda i: (i, 0)),
            pl.BlockSpec((1, _N), lambda i: (0, 0)),
        ],
        out_specs=pl.BlockSpec((_ROWS, _N), lambda i: (i, 0)),
        out_shape=jax.ShapeDtypeStruct((_B, _N), jnp.float32),
    )(x, mask.reshape(1, _N))
    return (sel, mask)

# --- scband reference (transcript-rebuilt; emitter-appended) ---
"""Pipeline reference for scband-l1-feature-selector-14766097564298 (READ-ONLY COPY).

The authoritative reference and input builder live on the scoring server;
editing this copy changes nothing except your own understanding.
"""

import jax, jax.numpy as jnp
import numpy as np

INPUT_SIZE = 8192
SPARSITY_RATIO = 0.5
BATCH = 128


def setup_inputs(seed: int = 0) -> dict:
    key = jax.random.key(seed)
    kx, kw = jax.random.split(key)
    x = jax.random.normal(kx, (BATCH, INPUT_SIZE), dtype=jnp.float32)
    # learned parameter; initialized randomly so topk is non-degenerate
    weights = jax.random.normal(kw, (INPUT_SIZE,), dtype=jnp.float32)
    return {"x": x, "weights": weights}


def reference(x, weights):
    l1_weights = jnp.abs(weights)
    k = max(1, int(INPUT_SIZE * SPARSITY_RATIO))
    _, top_indices = jax.lax.top_k(l1_weights, k)
    mask = jnp.zeros_like(l1_weights).at[top_indices].set(1.0)
    selected_features = x * mask
    return (selected_features, mask)

if __name__ == "__main__":
    import jax
    _d = setup_inputs()
    print(jax.jit(kernel)(*tuple(_d.values())))

</pallas_src>

<mosaic_0001>
#map = affine_map<(d0, d1) -> (0)>
module attributes {stable_mosaic.version = 14 : i64} {
  func.func @_sc_mask_kernel(%arg0: i32, %arg1: i32, %arg2: memref<8192xi32, #tpu.memory_space<hbm>>, %arg3: memref<8192xf32, #tpu.memory_space<hbm>>, %arg4: memref<512xi32, #tpu.memory_space<vmem>>, %arg5: memref<16xi32, #tpu.memory_space<vmem>>, %arg6: memref<16xi32, #tpu.memory_space<vmem>>, %arg7: memref<512xf32, #tpu.memory_space<vmem>>, %arg8: memref<256xi32, #tpu.memory_space<vmem_shared>>) attributes {dimension_semantics = [#tpu.dimension_semantics<core_parallel>, #tpu.dimension_semantics<subcore_parallel>], iteration_bounds = array<i64: 2, 16>, scalar_prefetch = 0 : i64, scratch_operands = 5 : i64, tpu.core_type = #tpu.core_type<sc_vector_subcore>, window_params = [{transform_indices = #map}, {transform_indices = #map}]} {
    %eq3A = arith.constant 0 : i32
    %eq3A_0 = arith.cmpi eq, %arg0, %eq3A : i32
    %convert_element_type3A = arith.extui %eq3A_0 : i1 to i32
    %cond3A = arith.constant 0 : i32
    %cond3A_1 = arith.cmpi ne, %convert_element_type3A, %cond3A : i32
    scf.if %cond3A_1 {
      %iota3A = tpu.iota {dimensions = array<i32: 0>} : vector<16xi32>
      %mul3A = arith.constant 512 : i32
      %mul3A_2 = arith.muli %arg1, %mul3A : i32
      "tpu.region"() ({
        %run_scoped3A = tpu.sem_alloc : memref<!tpu.dma_semaphore, #tpu.memory_space<semaphore_mem>>
        %dma_start3A = tpu.memref_slice %arg2[%mul3A_2] : memref<8192xi32, #tpu.memory_space<hbm>> -> memref<512xi32, #tpu.memory_space<hbm>>
        %dma_start3A_1874 = tpu.memref_slice %arg2[%mul3A_2] : memref<8192xi32, #tpu.memory_space<hbm>> -> memref<512xi32, #tpu.memory_space<hbm>>
        tpu.enqueue_dma source(%dma_start3A_1874 : memref<512xi32, #tpu.memory_space<hbm>>) target(%arg4 : memref<512xi32, #tpu.memory_space<vmem>>) target_semaphore(%run_scoped3A : memref<!tpu.dma_semaphore, #tpu.memory_space<semaphore_mem>>)
        %dma_wait3A = tpu.memref_slice %arg2[%mul3A_2] : memref<8192xi32, #tpu.memory_space<hbm>> -> memref<512xi32, #tpu.memory_space<hbm>>
        %dma_wait3A_1875 = tpu.memref_slice %arg2[%mul3A_2] : memref<8192xi32, #tpu.memory_space<hbm>> -> memref<512xi32, #tpu.memory_space<hbm>>
        tpu.wait_dma2 semaphore(%run_scoped3A : memref<!tpu.dma_semaphore, #tpu.memory_space<semaphore_mem>>) src(%dma_wait3A_1875 : memref<512xi32, #tpu.memory_space<hbm>>) dst(%arg4 : memref<512xi32, #tpu.memory_space<vmem>>)
        tpu.yield
      }) : () -> ()
      %broadcast_in_dim3A = arith.constant 0 : i32
      %broadcast_in_dim3A_3 = vector.broadcast %broadcast_in_dim3A : i32 to vector<16xi32>
      %swap3A = arith.constant 0 : index
      %swap3A_4 = tpu.vector_load %arg6[%swap3A] {strides = array<i32>} : memref<16xi32, #tpu.memory_space<vmem>>, vector<16xi32>,
      tpu.vector_store %arg6[%swap3A], %broadcast_in_dim3A_3 {strides = array<i32>} : memref<16xi32, #tpu.memory_space<vmem>>, vector<16xi32>,
      %mul3A_5 = arith.constant 16 : i32
      %mul3A_6 = arith.muli %arg1, %mul3A_5 : i32
      "tpu.region"() ({
        %run_scoped3A = tpu.sem_alloc : memref<!tpu.dma_semaphore, #tpu.memory_space<semaphore_mem>>
        %dma_start3A = tpu.memref_slice %arg8[%mul3A_6] : memref<256xi32, #tpu.memory_space<vmem_shared>> -> memref<16xi32, #tpu.memory_space<vmem_shared>>
        %dma_start3A_1874 = tpu.memref_slice %arg8[%mul3A_6] : memref<256xi32, #tpu.memory_space<vmem_shared>> -> memref<16xi32, #tpu.memory_space<vmem_shared>>
        tpu.enqueue_dma source(%arg6 : memref<16xi32, #tpu.memory_space<vmem>>) target(%dma_start3A_1874 : memref<16xi32, #tpu.memory_space<vmem_shared>>) target_semaphore(%run_scoped3A : memref<!tpu.dma_semaphore, #tpu.memory_space<semaphore_mem>>)
        %dma_wait3A = tpu.memref_slice %arg8[%mul3A_6] : memref<256xi32, #tpu.memory_space<vmem_shared>> -> memref<16xi32, #tpu.memory_space<vmem_shared>>
        %dma_wait3A_1875 = tpu.memref_slice %arg8[%mul3A_6] : memref<256xi32, #tpu.memory_space<vmem_shared>> -> memref<16xi32, #tpu.memory_space<vmem_shared>>
        tpu.wait_dma2 semaphore(%run_scoped3A : memref<!tpu.dma_semaphore, #tpu.memory_space<semaphore_mem>>) src(%arg6 : memref<16xi32, #tpu.memory_space<vmem>>) dst(%dma_wait3A_1875 : memref<16xi32, #tpu.memory_space<vmem_shared>>)
        tpu.yield
      }) : () -> ()
      %scan3A = arith.constant 0 : i32
      %scan3A_7 = arith.constant 0 : i32
      %scan3A_8 = arith.constant 32 : i32
      %scan3A_9 = arith.addi %scan3A_7, %scan3A_8 : i32
      %scan3A_10 = arith.constant 1 : i32
      scf.for %scan3A_1874 = %scan3A_7 to %scan3A_9 step %scan3A_10  : i32 {
        %mul3A_1875 = arith.constant 16 : i32
        %mul3A_1876 = arith.muli %scan3A_1874, %mul3A_1875 : i32
        %get3A_1877 = arith.index_cast %mul3A_1876 : i32 to index
        %get3A_1878 = tpu.vector_load %arg4[%get3A_1877] {strides = array<i32>} : memref<512xi32, #tpu.memory_space<vmem>>, vector<16xi32>,
        %and3A_1879 = arith.constant 2147483647 : i32
        %and3A_1880 = vector.broadcast %and3A_1879 : i32 to vector<16xi32>
        %and3A_1881 = arith.andi %get3A_1878, %and3A_1880 : vector<16xi32>
        %mul3A_1882 = arith.constant 16 : i32
        %mul3A_1883 = arith.muli %scan3A_1874, %mul3A_1882 : i32
        %swap3A_1884 = arith.index_cast %mul3A_1883 : i32 to index
        %swap3A_1885 = tpu.vector_load %arg4[%swap3A_1884] {strides = array<i32>} : memref<512xi32, #tpu.memory_space<vmem>>, vector<16xi32>,
        tpu.vector_store %arg4[%swap3A_1884], %and3A_1881 {strides = array<i32>} : memref<512xi32, #tpu.memory_space<vmem>>, vector<16xi32>,
      }
      %scan3A_11 = arith.constant 32 : i32
      %barrier3A = arith.constant 0 : index
      tpu.barrier barrier_id(%barrier3A)
      %broadcast_in_dim3A_12 = arith.constant 4096 : i32
      %broadcast_in_dim3A_13 = vector.broadcast %broadcast_in_dim3A_12 : i32 to vector<16xi32>
      %broadcast_in_dim3A_14 = arith.constant 0 : i32
      %broadcast_in_dim3A_15 = vector.broadcast %broadcast_in_dim3A_14 : i32 to vector<16xi32>
      %or3A = arith.constant 268435456 : i32
      %or3A_16 = vector.broadcast %or3A : i32 to vector<16xi32>
      %or3A_17 = arith.ori %broadcast_in_dim3A_15, %or3A_16 : vector<16xi32>
      %or3A_18 = arith.constant 536870912 : i32
      %or3A_19 = vector.broadcast %or3A_18 : i32 to vector<16xi32>
      %or3A_20 = arith.ori %broadcast_in_dim3A_15, %or3A_19 : vector<16xi32>
      %or3A_21 = arith.constant 805306368 : i32
      %or3A_22 = vector.broadcast %or3A_21 : i32 to vector<16xi32>
      %or3A_23 = arith.ori %broadcast_in_dim3A_15, %or3A_22 : vector<16xi32>
      %or3A_24 = arith.constant 1073741824 : i32
      %or3A_25 = vector.broadcast %or3A_24 : i32 to vector<16xi32>
      %or3A_26 = arith.ori %broadcast_in_dim3A_15, %or3A_25 : vector<16xi32>
      %or3A_27 = arith.constant 1342177280 : i32
      %or3A_28 = vector.broadcast %or3A_27 : i32 to vector<16xi32>
      %or3A_29 = arith.ori %broadcast_in_dim3A_15, %or3A_28 : vector<16xi32>
      %or3A_30 = arith.constant 1610612736 : i32
      %or3A_31 = vector.broadcast %or3A_30 : i32 to vector<16xi32>
      %or3A_32 = arith.ori %broadcast_in_dim3A_15, %or3A_31 : vector<16xi32>
      %or3A_33 = arith.constant 1879048192 : i32
      %or3A_34 = vector.broadcast %or3A_33 : i32 to vector<16xi32>
      %or3A_35 = arith.ori %broadcast_in_dim3A_15, %or3A_34 : vector<16xi32>
      %broadcast_in_dim3A_36 = arith.constant 0 : i32
      %broadcast_in_dim3A_37 = vector.broadcast %broadcast_in_dim3A_36 : i32 to vector<16xi32>
      %broadcast_in_dim3A_38 = arith.constant 0 : i32
      %broadcast_in_dim3A_39 = vector.broadcast %broadcast_in_dim3A_38 : i32 to vector<16xi32>
      %broadcast_in_dim3A_40 = arith.constant 0 : i32
      %broadcast_in_dim3A_41 = vector.broadcast %broadcast_in_dim3A_40 : i32 to vector<16xi32>
      %broadcast_in_dim3A_42 = arith.constant 0 : i32
      %broadcast_in_dim3A_43 = vector.broadcast %broadcast_in_dim3A_42 : i32 to vector<16xi32>
      %broadcast_in_dim3A_44 = arith.constant 0 : i32
      %broadcast_in_dim3A_45 = vector.broadcast %broadcast_in_dim3A_44 : i32 to vector<16xi32>
      %broadcast_in_dim3A_46 = arith.constant 0 : i32
      %broadcast_in_dim3A_47 = vector.broadcast %broadcast_in_dim3A_46 : i32 to vector<16xi32>
      %broadcast_in_dim3A_48 = arith.constant 0 : i32
      %broadcast_in_dim3A_49 = vector.broadcast %broadcast_in_dim3A_48 : i32 to vector<16xi32>
      %scan3A_50 = arith.constant 0 : i32
      %scan3A_51 = arith.constant 32 : i32
      %scan3A_52 = arith.addi %scan3A_50, %scan3A_51 : i32
      %scan3A_53 = arith.constant 1 : i32
      %scan3A_54:7 = scf.for %scan3A_1874 = %scan3A_50 to %scan3A_52 step %scan3A_53 iter_args(%scan3A_1875 = %broadcast_in_dim3A_37, %scan3A_1876 = %broadcast_in_dim3A_39, %scan3A_1877 = %broadcast_in_dim3A_41, %scan3A_1878 = %broadcast_in_dim3A_43, %scan3A_1879 = %broadcast_in_dim3A_45, %scan3A_1880 = %broadcast_in_dim3A_47, %scan3A_1881 = %broadcast_in_dim3A_49) -> (vector<16xi32>, vector<16xi32>, vector<16xi32>, vector<16xi32>, vector<16xi32>, vector<16xi32>, vector<16xi32>)  : i32 {
        %mul3A_1882 = arith.constant 16 : i32
        %mul3A_1883 = arith.muli %scan3A_1874, %mul3A_1882 : i32
        %get3A_1884 = arith.index_cast %mul3A_1883 : i32 to index
        %get3A_1885 = tpu.vector_load %arg4[%get3A_1884] {strides = array<i32>} : memref<512xi32, #tpu.memory_space<vmem>>, vector<16xi32>,
        %ge3A_1886 = arith.cmpi sge, %get3A_1885, %or3A_17 : vector<16xi32>
        %all_reduce_population_count3A_1887 = tpu.all_reduce %ge3A_1886 {dim = 0 : i64, kind = #tpu.reduction_kind<sum>} : vector<16xi1> -> vector<16xi32>
        %add3A_1888 = arith.addi %scan3A_1875, %all_reduce_population_count3A_1887 : vector<16xi32>
        %ge3A_1889 = arith.cmpi sge, %get3A_1885, %or3A_20 : vector<16xi32>
        %all_reduce_population_count3A_1890 = tpu.all_reduce %ge3A_1889 {dim = 0 : i64, kind = #tpu.reduction_kind<sum>} : vector<16xi1> -> vector<16xi32>
        %add3A_1891 = arith.addi %scan3A_1876, %all_reduce_population_count3A_1890 : vector<16xi32>
        %ge3A_1892 = arith.cmpi sge, %get3A_1885, %or3A_23 : vector<16xi32>
        %all_reduce_population_count3A_1893 = tpu.all_reduce %ge3A_1892 {dim = 0 : i64, kind = #tpu.reduction_kind<sum>} : vector<16xi1> -> vector<16xi32>
        %add3A_1894 = arith.addi %scan3A_1877, %all_reduce_population_count3A_1893 : vector<16xi32>
        %ge3A_1895 = arith.cmpi sge, %get3A_1885, %or3A_26 : vector<16xi32>
        %all_reduce_population_count3A_1896 = tpu.all_reduce %ge3A_1895 {dim = 0 : i64, kind = #tpu.reduction_kind<sum>} : vector<16xi1> -> vector<16xi32>
        %add3A_1897 = arith.addi %scan3A_1878, %all_reduce_population_count3A_1896 : vector<16xi32>
        %ge3A_1898 = arith.cmpi sge, %get3A_1885, %or3A_29 : vector<16xi32>
        %all_reduce_population_count3A_1899 = tpu.all_reduce %ge3A_1898 {dim = 0 : i64, kind = #tpu.reduction_kind<sum>} : vector<16xi1> -> vector<16xi32>
        %add3A_1900 = arith.addi %scan3A_1879, %all_reduce_population_count3A_1899 : vector<16xi32>
        %ge3A_1901 = arith.cmpi sge, %get3A_1885, %or3A_32 : vector<16xi32>
        %all_reduce_population_count3A_1902 = tpu.all_reduce %ge3A_1901 {dim = 0 : i64, kind = #tpu.reduction_kind<sum>} : vector<16xi1> -> vector<16xi32>
        %add3A_1903 = arith.addi %scan3A_1880, %all_reduce_population_count3A_1902 : vector<16xi32>
        %ge3A_1904 = arith.cmpi sge, %get3A_1885, %or3A_35 : vector<16xi32>
        %all_reduce_population_count3A_1905 = tpu.all_reduce %ge3A_1904 {dim = 0 : i64, kind = #tpu.reduction_kind<sum>} : vector<16xi1> -> vector<16xi32>
        %add3A_1906 = arith.addi %scan3A_1881, %all_reduce_population_count3A_1905 : vector<16xi32>
        scf.yield %add3A_1888, %add3A_1891, %add3A_1894, %add3A_1897, %add3A_1900, %add3A_1903, %add3A_1906 : vector<16xi32>, vector<16xi32>, vector<16xi32>, vector<16xi32>, vector<16xi32>, vector<16xi32>, vector<16xi32>
      }
      %scan3A_55 = arith.constant 32 : i32
      %broadcast_in_dim3A_56 = arith.constant 0 : i32
      %broadcast_in_dim3A_57 = vector.broadcast %broadcast_in_dim3A_56 : i32 to vector<16xi32>
      %eq3A_58 = arith.constant 0 : i32
      %eq3A_59 = vector.broadcast %eq3A_58 : i32 to vector<16xi32>
      %eq3A_60 = arith.cmpi eq, %iota3A, %eq3A_59 : vector<16xi32>
      %select_n3A = arith.select %eq3A_60, %scan3A_54#0, %broadcast_in_dim3A_57 : vector<16xi1>, vector<16xi32>
      %eq3A_61 = arith.constant 1 : i32
      %eq3A_62 = vector.broadcast %eq3A_61 : i32 to vector<16xi32>
      %eq3A_63 = arith.cmpi eq, %iota3A, %eq3A_62 : vector<16xi32>
      %select_n3A_64 = arith.select %eq3A_63, %scan3A_54#1, %select_n3A : vector<16xi1>, vector<16xi32>
      %eq3A_65 = arith.constant 2 : i32
      %eq3A_66 = vector.broadcast %eq3A_65 : i32 to vector<16xi32>
      %eq3A_67 = arith.cmpi eq, %iota3A, %eq3A_66 : vector<16xi32>
      %select_n3A_68 = arith.select %eq3A_67, %scan3A_54#2, %select_n3A_64 : vector<16xi1>, vector<16xi32>
      %eq3A_69 = arith.constant 3 : i32
      %eq3A_70 = vector.broadcast %eq3A_69 : i32 to vector<16xi32>
      %eq3A_71 = arith.cmpi eq, %iota3A, %eq3A_70 : vector<16xi32>
      %select_n3A_72 = arith.select %eq3A_71, %scan3A_54#3, %select_n3A_68 : vector<16xi1>, vector<16xi32>
      %eq3A_73 = arith.constant 4 : i32
      %eq3A_74 = vector.broadcast %eq3A_73 : i32 to vector<16xi32>
      %eq3A_75 = arith.cmpi eq, %iota3A, %eq3A_74 : vector<16xi32>
      %select_n3A_76 = arith.select %eq3A_75, %scan3A_54#4, %select_n3A_72 : vector<16xi1>, vector<16xi32>
      %eq3A_77 = arith.constant 5 : i32
      %eq3A_78 = vector.broadcast %eq3A_77 : i32 to vector<16xi32>
      %eq3A_79 = arith.cmpi eq, %iota3A, %eq3A_78 : vector<16xi32>
      %select_n3A_80 = arith.select %eq3A_79, %scan3A_54#5, %select_n3A_76 : vector<16xi1>, vector<16xi32>
      %eq3A_81 = arith.constant 6 : i32
      %eq3A_82 = vector.broadcast %eq3A_81 : i32 to vector<16xi32>
      %eq3A_83 = arith.cmpi eq, %iota3A, %eq3A_82 : vector<16xi32>
      %select_n3A_84 = arith.select %eq3A_83, %scan3A_54#6, %select_n3A_80 : vector<16xi1>, vector<16xi32>
      %swap3A_85 = arith.constant 0 : index
      %swap3A_86 = tpu.vector_load %arg5[%swap3A_85] {strides = array<i32>} : memref<16xi32, #tpu.memory_space<vmem>>, vector<16xi32>,
      tpu.vector_store %arg5[%swap3A_85], %select_n3A_84 {strides = array<i32>} : memref<16xi32, #tpu.memory_space<vmem>>, vector<16xi32>,
      %add3A = arith.constant 0 : i32
      %add3A_87 = vector.broadcast %add3A : i32 to vector<16xi32>
      %add3A_88 = arith.addi %iota3A, %add3A_87 : vector<16xi32>
      "tpu.region"() ({
        %run_scoped3A = tpu.sem_alloc : memref<!tpu.dma_semaphore, #tpu.memory_space<semaphore_mem>>
        %dma_start3A = arith.constant 0 : i32
        %dma_start3A_1874 = tpu.memref_slice %arg8[%dma_start3A] : memref<256xi32, #tpu.memory_space<vmem_shared>> -> memref<256xi32, #tpu.memory_space<vmem_shared>>
        tpu.enqueue_indirect_dma source(%arg5 : memref<16xi32, #tpu.memory_space<vmem>>) target(%dma_start3A_1874 : memref<256xi32, #tpu.memory_space<vmem_shared>>) offsets(%add3A_88 : vector<16xi32>) semaphore(%run_scoped3A : memref<!tpu.dma_semaphore, #tpu.memory_space<semaphore_mem>>) {add = true}
        %dma_wait3A = arith.constant 0 : i32
        %dma_wait3A_1875 = tpu.memref_slice %arg8[%dma_wait3A] : memref<256xi32, #tpu.memory_space<vmem_shared>> -> memref<256xi32, #tpu.memory_space<vmem_shared>>
        tpu.wait_indirect_dma semaphore(%run_scoped3A : memref<!tpu.dma_semaphore, #tpu.memory_space<semaphore_mem>>) src(%arg5 : memref<16xi32, #tpu.memory_space<vmem>>) dst(%dma_wait3A_1875 : memref<256xi32, #tpu.memory_space<vmem_shared>>)
        tpu.yield
      }) : () -> ()
      %barrier3A_89 = arith.constant 0 : index
      tpu.barrier barrier_id(%barrier3A_89)
      "tpu.region"() ({
        %run_scoped3A = tpu.sem_alloc : memref<!tpu.dma_semaphore, #tpu.memory_space<semaphore_mem>>
        %dma_start3A = arith.constant 0 : i32
        %dma_start3A_1874 = tpu.memref_slice %arg8[%dma_start3A] : memref<256xi32, #tpu.memory_space<vmem_shared>> -> memref<16xi32, #tpu.memory_space<vmem_shared>>
        %dma_start3A_1875 = arith.constant 0 : i32
        %dma_start3A_1876 = tpu.memref_slice %arg8[%dma_start3A_1875] : memref<256xi32, #tpu.memory_space<vmem_shared>> -> memref<16xi32, #tpu.memory_space<vmem_shared>>
        tpu.enqueue_dma source(%dma_start3A_1876 : memref<16xi32, #tpu.memory_space<vmem_shared>>) target(%arg5 : memref<16xi32, #tpu.memory_space<vmem>>) target_semaphore(%run_scoped3A : memref<!tpu.dma_semaphore, #tpu.memory_space<semaphore_mem>>)
        %dma_wait3A = arith.constant 0 : i32
        %dma_wait3A_1877 = tpu.memref_slice %arg8[%dma_wait3A] : memref<256xi32, #tpu.memory_space<vmem_shared>> -> memref<16xi32, #tpu.memory_space<vmem_shared>>
        %dma_wait3A_1878 = arith.constant 0 : i32
        %dma_wait3A_1879 = tpu.memref_slice %arg8[%dma_wait3A_1878] : memref<256xi32, #tpu.memory_space<vmem_shared>> -> memref<16xi32, #tpu.memory_space<vmem_shared>>
        tpu.wait_dma2 semaphore(%run_scoped3A : memref<!tpu.dma_semaphore, #tpu.memory_space<semaphore_mem>>) src(%dma_wait3A_1879 : memref<16xi32, #tpu.memory_space<vmem_shared>>) dst(%arg5 : memref<16xi32, #tpu.memory_space<vmem>>)
        tpu.yield
      }) : () -> ()
      %get3A = arith.constant 0 : index
      %get3A_90 = tpu.vector_load %arg5[%get3A] {strides = array<i32>} : memref<16xi32, #tpu.memory_space<vmem>>, vector<16xi32>,
      %ge3A = arith.cmpi sge, %get3A_90, %broadcast_in_dim3A_13 : vector<16xi32>
      %all_reduce_population_count3A = tpu.all_reduce %ge3A {dim = 0 : i64, kind = #tpu.reduction_kind<sum>} : vector<16xi1> -> vector<16xi32>
      %shift_left3A = arith.constant 28 : i32
      %shift_left3A_91 = vector.broadcast %shift_left3A : i32 to vector<16xi32>
      %shift_left3A_92 = arith.shli %all_reduce_population_count3A, %shift_left3A_91 : vector<16xi32>
      %or3A_93 = arith.ori %broadcast_in_dim3A_15, %shift_left3A_92 : vector<16xi32>
      %or3A_94 = arith.constant 16777216 : i32
      %or3A_95 = vector.broadcast %or3A_94 : i32 to vector<16xi32>
      %or3A_96 = arith.ori %or3A_93, %or3A_95 : vector<16xi32>
      %or3A_97 = arith.constant 33554432 : i32
      %or3A_98 = vector.broadcast %or3A_97 : i32 to vector<16xi32>
      %or3A_99 = arith.ori %or3A_93, %or3A_98 : vector<16xi32>
      %or3A_100 = arith.constant 50331648 : i32
      %or3A_101 = vector.broadcast %or3A_100 : i32 to vector<16xi32>
      %or3A_102 = arith.ori %or3A_93, %or3A_101 : vector<16xi32>
      %or3A_103 = arith.constant 67108864 : i32
      %or3A_104 = vector.broadcast %or3A_103 : i32 to vector<16xi32>
      %or3A_105 = arith.ori %or3A_93, %or3A_104 : vector<16xi32>
      %or3A_106 = arith.constant 83886080 : i32
      %or3A_107 = vector.broadcast %or3A_106 : i32 to vector<16xi32>
      %or3A_108 = arith.ori %or3A_93, %or3A_107 : vector<16xi32>
      %or3A_109 = arith.constant 100663296 : i32
      %or3A_110 = vector.broadcast %or3A_109 : i32 to vector<16xi32>
      %or3A_111 = arith.ori %or3A_93, %or3A_110 : vector<16xi32>
      %or3A_112 = arith.constant 117440512 : i32
      %or3A_113 = vector.broadcast %or3A_112 : i32 to vector<16xi32>
      %or3A_114 = arith.ori %or3A_93, %or3A_113 : vector<16xi32>
      %or3A_115 = arith.constant 134217728 : i32
      %or3A_116 = vector.broadcast %or3A_115 : i32 to vector<16xi32>
      %or3A_117 = arith.ori %or3A_93, %or3A_116 : vector<16xi32>
      %or3A_118 = arith.constant 150994944 : i32
      %or3A_119 = vector.broadcast %or3A_118 : i32 to vector<16xi32>
      %or3A_120 = arith.ori %or3A_93, %or3A_119 : vector<16xi32>
      %or3A_121 = arith.constant 167772160 : i32
      %or3A_122 = vector.broadcast %or3A_121 : i32 to vector<16xi32>
      %or3A_123 = arith.ori %or3A_93, %or3A_122 : vector<16xi32>
      %or3A_124 = arith.constant 184549376 : i32
      %or3A_125 = vector.broadcast %or3A_124 : i32 to vector<16xi32>
      %or3A_126 = arith.ori %or3A_93, %or3A_125 : vector<16xi32>
      %or3A_127 = arith.constant 201326592 : i32
      %or3A_128 = vector.broadcast %or3A_127 : i32 to vector<16xi32>
      %or3A_129 = arith.ori %or3A_93, %or3A_128 : vector<16xi32>
      %or3A_130 = arith.constant 218103808 : i32
      %or3A_131 = vector.broadcast %or3A_130 : i32 to vector<16xi32>
      %or3A_132 = arith.ori %or3A_93, %or3A_131 : vector<16xi32>
      %or3A_133 = arith.constant 234881024 : i32
      %or3A_134 = vector.broadcast %or3A_133 : i32 to vector<16xi32>
      %or3A_135 = arith.ori %or3A_93, %or3A_134 : vector<16xi32>
      %or3A_136 = arith.constant 251658240 : i32
      %or3A_137 = vector.broadcast %or3A_136 : i32 to vector<16xi32>
      %or3A_138 = arith.ori %or3A_93, %or3A_137 : vector<16xi32>
      %broadcast_in_dim3A_139 = arith.constant 0 : i32
      %broadcast_in_dim3A_140 = vector.broadcast %broadcast_in_dim3A_139 : i32 to vector<16xi32>
      %broadcast_in_dim3A_141 = arith.constant 0 : i32
      %broadcast_in_dim3A_142 = vector.broadcast %broadcast_in_dim3A_141 : i32 to vector<16xi32>
      %broadcast_in_dim3A_143 = arith.constant 0 : i32
      %broadcast_in_dim3A_144 = vector.broadcast %broadcast_in_dim3A_143 : i32 to vector<16xi32>
      %broadcast_in_dim3A_145 = arith.constant 0 : i32
      %broadcast_in_dim3A_146 = vector.broadcast %broadcast_in_dim3A_145 : i32 to vector<16xi32>
      %broadcast_in_dim3A_147 = arith.constant 0 : i32
      %broadcast_in_dim3A_148 = vector.broadcast %broadcast_in_dim3A_147 : i32 to vector<16xi32>
      %broadcast_in_dim3A_149 = arith.constant 0 : i32
      %broadcast_in_dim3A_150 = vector.broadcast %broadcast_in_dim3A_149 : i32 to vector<16xi32>
      %broadcast_in_dim3A_151 = arith.constant 0 : i32
      %broadcast_in_dim3A_152 = vector.broadcast %broadcast_in_dim3A_151 : i32 to vector<16xi32>
      %broadcast_in_dim3A_153 = arith.constant 0 : i32
      %broadcast_in_dim3A_154 = vector.broadcast %broadcast_in_dim3A_153 : i32 to vector<16xi32>
      %broadcast_in_dim3A_155 = arith.constant 0 : i32
      %broadcast_in_dim3A_156 = vector.broadcast %broadcast_in_dim3A_155 : i32 to vector<16xi32>
      %broadcast_in_dim3A_157 = arith.constant 0 : i32
      %broadcast_in_dim3A_158 = vector.broadcast %broadcast_in_dim3A_157 : i32 to vector<16xi32>
      %broadcast_in_dim3A_159 = arith.constant 0 : i32
      %broadcast_in_dim3A_160 = vector.broadcast %broadcast_in_dim3A_159 : i32 to vector<16xi32>
      %broadcast_in_dim3A_161 = arith.constant 0 : i32
      %broadcast_in_dim3A_162 = vector.broadcast %broadcast_in_dim3A_161 : i32 to vector<16xi32>
      %broadcast_in_dim3A_163 = arith.constant 0 : i32
      %broadcast_in_dim3A_164 = vector.broadcast %broadcast_in_dim3A_163 : i32 to vector<16xi32>
      %broadcast_in_dim3A_165 = arith.constant 0 : i32
      %broadcast_in_dim3A_166 = vector.broadcast %broadcast_in_dim3A_165 : i32 to vector<16xi32>
      %broadcast_in_dim3A_167 = arith.constant 0 : i32
      %broadcast_in_dim3A_168 = vector.broadcast %broadcast_in_dim3A_167 : i32 to vector<16xi32>
      %scan3A_169 = arith.constant 0 : i32
      %scan3A_170 = arith.constant 32 : i32
      %scan3A_171 = arith.addi %scan3A_169, %scan3A_170 : i32
      %scan3A_172 = arith.constant 1 : i32
      %scan3A_173:15 = scf.for %scan3A_1874 = %scan3A_169 to %scan3A_171 step %scan3A_172 iter_args(%scan3A_1875 = %broadcast_in_dim3A_140, %scan3A_1876 = %broadcast_in_dim3A_142, %scan3A_1877 = %broadcast_in_dim3A_144, %scan3A_1878 = %broadcast_in_dim3A_146, %scan3A_1879 = %broadcast_in_dim3A_148, %scan3A_1880 = %broadcast_in_dim3A_150, %scan3A_1881 = %broadcast_in_dim3A_152, %scan3A_1882 = %broadcast_in_dim3A_154, %scan3A_1883 = %broadcast_in_dim3A_156, %scan3A_1884 = %broadcast_in_dim3A_158, %scan3A_1885 = %broadcast_in_dim3A_160, %scan3A_1886 = %broadcast_in_dim3A_162, %scan3A_1887 = %broadcast_in_dim3A_164, %scan3A_1888 = %broadcast_in_dim3A_166, %scan3A_1889 = %broadcast_in_dim3A_168) -> (vector<16xi32>, vector<16xi32>, vector<16xi32>, vector<16xi32>, vector<16xi32>, vector<16xi32>, vector<16xi32>, vector<16xi32>, vector<16xi32>, vector<16xi32>, vector<16xi32>, vector<16xi32>, vector<16xi32>, vector<16xi32>, vector<16xi32>)  : i32 {
        %mul3A_1890 = arith.constant 16 : i32
        %mul3A_1891 = arith.muli %scan3A_1874, %mul3A_1890 : i32
        %get3A_1892 = arith.index_cast %mul3A_1891 : i32 to index
        %get3A_1893 = tpu.vector_load %arg4[%get3A_1892] {strides = array<i32>} : memref<512xi32, #tpu.memory_space<vmem>>, vector<16xi32>,
        %ge3A_1894 = arith.cmpi sge, %get3A_1893, %or3A_96 : vector<16xi32>
        %all_reduce_population_count3A_1895 = tpu.all_reduce %ge3A_1894 {dim = 0 : i64, kind = #tpu.reduction_kind<sum>} : vector<16xi1> -> vector<16xi32>
        %add3A_1896 = arith.addi %scan3A_1875, %all_reduce_population_count3A_1895 : vector<16xi32>
        %ge3A_1897 = arith.cmpi sge, %get3A_1893, %or3A_99 : vector<16xi32>
        %all_reduce_population_count3A_1898 = tpu.all_reduce %ge3A_1897 {dim = 0 : i64, kind = #tpu.reduction_kind<sum>} : vector<16xi1> -> vector<16xi32>
        %add3A_1899 = arith.addi %scan3A_1876, %all_reduce_population_count3A_1898 : vector<16xi32>
        %ge3A_1900 = arith.cmpi sge, %get3A_1893, %or3A_102 : vector<16xi32>
        %all_reduce_population_count3A_1901 = tpu.all_reduce %ge3A_1900 {dim = 0 : i64, kind = #tpu.reduction_kind<sum>} : vector<16xi1> -> vector<16xi32>
        %add3A_1902 = arith.addi %scan3A_1877, %all_reduce_population_count3A_1901 : vector<16xi32>
        %ge3A_1903 = arith.cmpi sge, %get3A_1893, %or3A_105 : vector<16xi32>
        %all_reduce_population_count3A_1904 = tpu.all_reduce %ge3A_1903 {dim = 0 : i64, kind = #tpu.reduction_kind<sum>} : vector<16xi1> -> vector<16xi32>
        %add3A_1905 = arith.addi %scan3A_1878, %all_reduce_population_count3A_1904 : vector<16xi32>
        %ge3A_1906 = arith.cmpi sge, %get3A_1893, %or3A_108 : vector<16xi32>
        %all_reduce_population_count3A_1907 = tpu.all_reduce %ge3A_1906 {dim = 0 : i64, kind = #tpu.reduction_kind<sum>} : vector<16xi1> -> vector<16xi32>
        %add3A_1908 = arith.addi %scan3A_1879, %all_reduce_population_count3A_1907 : vector<16xi32>
        %ge3A_1909 = arith.cmpi sge, %get3A_1893, %or3A_111 : vector<16xi32>
        %all_reduce_population_count3A_1910 = tpu.all_reduce %ge3A_1909 {dim = 0 : i64, kind = #tpu.reduction_kind<sum>} : vector<16xi1> -> vector<16xi32>
        %add3A_1911 = arith.addi %scan3A_1880, %all_reduce_population_count3A_1910 : vector<16xi32>
        %ge3A_1912 = arith.cmpi sge, %get3A_1893, %or3A_114 : vector<16xi32>
        %all_reduce_population_count3A_1913 = tpu.all_reduce %ge3A_1912 {dim = 0 : i64, kind = #tpu.reduction_kind<sum>} : vector<16xi1> -> vector<16xi32>
        %add3A_1914 = arith.addi %scan3A_1881, %all_reduce_population_count3A_1913 : vector<16xi32>
        %ge3A_1915 = arith.cmpi sge, %get3A_1893, %or3A_117 : vector<16xi32>
        %all_reduce_population_count3A_1916 = tpu.all_reduce %ge3A_1915 {dim = 0 : i64, kind = #tpu.reduction_kind<sum>} : vector<16xi1> -> vector<16xi32>
        %add3A_1917 = arith.addi %scan3A_1882, %all_reduce_population_count3A_1916 : vector<16xi32>
        %ge3A_1918 = arith.cmpi sge, %get3A_1893, %or3A_120 : vector<16xi32>
        %all_reduce_population_count3A_1919 = tpu.all_reduce %ge3A_1918 {dim = 0 : i64, kind = #tpu.reduction_kind<sum>} : vector<16xi1> -> vector<16xi32>
        %add3A_1920 = arith.addi %scan3A_1883, %all_reduce_population_count3A_1919 : vector<16xi32>
        %ge3A_1921 = arith.cmpi sge, %get3A_1893, %or3A_123 : vector<16xi32>
        %all_reduce_population_count3A_1922 = tpu.all_reduce %ge3A_1921 {dim = 0 : i64, kind = #tpu.reduction_kind<sum>} : vector<16xi1> -> vector<16xi32>
        %add3A_1923 = arith.addi %scan3A_1884, %all_reduce_population_count3A_1922 : vector<16xi32>
        %ge3A_1924 = arith.cmpi sge, %get3A_1893, %or3A_126 : vector<16xi32>
        %all_reduce_population_count3A_1925 = tpu.all_reduce %ge3A_1924 {dim = 0 : i64, kind = #tpu.reduction_kind<sum>} : vector<16xi1> -> vector<16xi32>
        %add3A_1926 = arith.addi %scan3A_1885, %all_reduce_population_count3A_1925 : vector<16xi32>
        %ge3A_1927 = arith.cmpi sge, %get3A_1893, %or3A_129 : vector<16xi32>
        %all_reduce_population_count3A_1928 = tpu.all_reduce %ge3A_1927 {dim = 0 : i64, kind = #tpu.reduction_kind<sum>} : vector<16xi1> -> vector<16xi32>
        %add3A_1929 = arith.addi %scan3A_1886, %all_reduce_population_count3A_1928 : vector<16xi32>
        %ge3A_1930 = arith.cmpi sge, %get3A_1893, %or3A_132 : vector<16xi32>
        %all_reduce_population_count3A_1931 = tpu.all_reduce %ge3A_1930 {dim = 0 : i64, kind = #tpu.reduction_kind<sum>} : vector<16xi1> -> vector<16xi32>
        %add3A_1932 = arith.addi %scan3A_1887, %all_reduce_population_count3A_1931 : vector<16xi32>
        %ge3A_1933 = arith.cmpi sge, %get3A_1893, %or3A_135 : vector<16xi32>
        %all_reduce_population_count3A_1934 = tpu.all_reduce %ge3A_1933 {dim = 0 : i64, kind = #tpu.reduction_kind<sum>} : vector<16xi1> -> vector<16xi32>
        %add3A_1935 = arith.addi %scan3A_1888, %all_reduce_population_count3A_1934 : vector<16xi32>
        %ge3A_1936 = arith.cmpi sge, %get3A_1893, %or3A_138 : vector<16xi32>
        %all_reduce_population_count3A_1937 = tpu.all_reduce %ge3A_1936 {dim = 0 : i64, kind = #tpu.reduction_kind<sum>} : vector<16xi1> -> vector<16xi32>
        %add3A_1938 = arith.addi %scan3A_1889, %all_reduce_population_count3A_1937 : vector<16xi32>
        scf.yield %add3A_1896, %add3A_1899, %add3A_1902, %add3A_1905, %add3A_1908, %add3A_1911, %add3A_1914, %add3A_1917, %add3A_1920, %add3A_1923, %add3A_1926, %add3A_1929, %add3A_1932, %add3A_1935, %add3A_1938 : vector<16xi32>, vector<16xi32>, vector<16xi32>, vector<16xi32>, vector<16xi32>, vector<16xi32>, vector<16xi32>, vector<16xi32>, vector<16xi32>, vector<16xi32>, vector<16xi32>, vector<16xi32>, vector<16xi32>, vector<16xi32>, vector<16xi32>
      }
      %scan3A_174 = arith.constant 32 : i32
      %broadcast_in_dim3A_175 = arith.constant 0 : i32
      %broadcast_in_dim3A_176 = vector.broadcast %broadcast_in_dim3A_175 : i32 to vector<16xi32>
      %eq3A_177 = arith.constant 0 : i32
      %eq3A_178 = vector.broadcast %eq3A_177 : i32 to vector<16xi32>
      %eq3A_179 = arith.cmpi eq, %iota3A, %eq3A_178 : vector<16xi32>
      %select_n3A_180 = arith.select %eq3A_179, %scan3A_173#0, %broadcast_in_dim3A_176 : vector<16xi1>, vector<16xi32>
      %eq3A_181 = arith.constant 1 : i32
      %eq3A_182 = vector.broadcast %eq3A_181 : i32 to vector<16xi32>
      %eq3A_183 = arith.cmpi eq, %iota3A, %eq3A_182 : vector<16xi32>
      %select_n3A_184 = arith.select %eq3A_183, %scan3A_173#1, %select_n3A_180 : vector<16xi1>, vector<16xi32>
      %eq3A_185 = arith.constant 2 : i32
      %eq3A_186 = vector.broadcast %eq3A_185 : i32 to vector<16xi32>
      %eq3A_187 = arith.cmpi eq, %iota3A, %eq3A_186 : vector<16xi32>
      %select_n3A_188 = arith.select %eq3A_187, %scan3A_173#2, %select_n3A_184 : vector<16xi1>, vector<16xi32>
      %eq3A_189 = arith.constant 3 : i32
      %eq3A_190 = vector.broadcast %eq3A_189 : i32 to vector<16xi32>
      %eq3A_191 = arith.cmpi eq, %iota3A, %eq3A_190 : vector<16xi32>
      %select_n3A_192 = arith.select %eq3A_191, %scan3A_173#3, %select_n3A_188 : vector<16xi1>, vector<16xi32>
      %eq3A_193 = arith.constant 4 : i32
      %eq3A_194 = vector.broadcast %eq3A_193 : i32 to vector<16xi32>
      %eq3A_195 = arith.cmpi eq, %iota3A, %eq3A_194 : vector<16xi32>
      %select_n3A_196 = arith.select %eq3A_195, %scan3A_173#4, %select_n3A_192 : vector<16xi1>, vector<16xi32>
      %eq3A_197 = arith.constant 5 : i32
      %eq3A_198 = vector.broadcast %eq3A_197 : i32 to vector<16xi32>
      %eq3A_199 = arith.cmpi eq, %iota3A, %eq3A_198 : vector<16xi32>
      %select_n3A_200 = arith.select %eq3A_199, %scan3A_173#5, %select_n3A_196 : vector<16xi1>, vector<16xi32>
      %eq3A_201 = arith.constant 6 : i32
      %eq3A_202 = vector.broadcast %eq3A_201 : i32 to vector<16xi32>
      %eq3A_203 = arith.cmpi eq, %iota3A, %eq3A_202 : vector<16xi32>
      %select_n3A_204 = arith.select %eq3A_203, %scan3A_173#6, %select_n3A_200 : vector<16xi1>, vector<16xi32>
      %eq3A_205 = arith.constant 7 : i32
      %eq3A_206 = vector.broadcast %eq3A_205 : i32 to vector<16xi32>
      %eq3A_207 = arith.cmpi eq, %iota3A, %eq3A_206 : vector<16xi32>
      %select_n3A_208 = arith.select %eq3A_207, %scan3A_173#7, %select_n3A_204 : vector<16xi1>, vector<16xi32>
      %eq3A_209 = arith.constant 8 : i32
      %eq3A_210 = vector.broadcast %eq3A_209 : i32 to vector<16xi32>
      %eq3A_211 = arith.cmpi eq, %iota3A, %eq3A_210 : vector<16xi32>
      %select_n3A_212 = arith.select %eq3A_211, %scan3A_173#8, %select_n3A_208 : vector<16xi1>, vector<16xi32>
      %eq3A_213 = arith.constant 9 : i32
      %eq3A_214 = vector.broadcast %eq3A_213 : i32 to vector<16xi32>
      %eq3A_215 = arith.cmpi eq, %iota3A, %eq3A_214 : vector<16xi32>
      %select_n3A_216 = arith.select %eq3A_215, %scan3A_173#9, %select_n3A_212 : vector<16xi1>, vector<16xi32>
      %eq3A_217 = arith.constant 10 : i32
      %eq3A_218 = vector.broadcast %eq3A_217 : i32 to vector<16xi32>
      %eq3A_219 = arith.cmpi eq, %iota3A, %eq3A_218 : vector<16xi32>
      %select_n3A_220 = arith.select %eq3A_219, %scan3A_173#10, %select_n3A_216 : vector<16xi1>, vector<16xi32>
      %eq3A_221 = arith.constant 11 : i32
      %eq3A_222 = vector.broadcast %eq3A_221 : i32 to vector<16xi32>
      %eq3A_223 = arith.cmpi eq, %iota3A, %eq3A_222 : vector<16xi32>
      %select_n3A_224 = arith.select %eq3A_223, %scan3A_173#11, %select_n3A_220 : vector<16xi1>, vector<16xi32>
      %eq3A_225 = arith.constant 12 : i32
      %eq3A_226 = vector.broadcast %eq3A_225 : i32 to vector<16xi32>
      %eq3A_227 = arith.cmpi eq, %iota3A, %eq3A_226 : vector<16xi32>
      %select_n3A_228 = arith.select %eq3A_227, %scan3A_173#12, %select_n3A_224 : vector<16xi1>, vector<16xi32>
      %eq3A_229 = arith.constant 13 : i32
      %eq3A_230 = vector.broadcast %eq3A_229 : i32 to vector<16xi32>
      %eq3A_231 = arith.cmpi eq, %iota3A, %eq3A_230 : vector<16xi32>
      %select_n3A_232 = arith.select %eq3A_231, %scan3A_173#13, %select_n3A_228 : vector<16xi1>, vector<16xi32>
      %eq3A_233 = arith.constant 14 : i32
      %eq3A_234 = vector.broadcast %eq3A_233 : i32 to vector<16xi32>
      %eq3A_235 = arith.cmpi eq, %iota3A, %eq3A_234 : vector<16xi32>
      %select_n3A_236 = arith.select %eq3A_235, %scan3A_173#14, %select_n3A_232 : vector<16xi1>, vector<16xi32>
      %swap3A_237 = arith.constant 0 : index
      %swap3A_238 = tpu.vector_load %arg5[%swap3A_237] {strides = array<i32>} : memref<16xi32, #tpu.memory_space<vmem>>, vector<16xi32>,
      tpu.vector_store %arg5[%swap3A_237], %select_n3A_236 {strides = array<i32>} : memref<16xi32, #tpu.memory_space<vmem>>, vector<16xi32>,
      %add3A_239 = arith.constant 16 : i32
      %add3A_240 = vector.broadcast %add3A_239 : i32 to vector<16xi32>
      %add3A_241 = arith.addi %iota3A, %add3A_240 : vector<16xi32>
      "tpu.region"() ({
        %run_scoped3A = tpu.sem_alloc : memref<!tpu.dma_semaphore, #tpu.memory_space<semaphore_mem>>
        %dma_start3A = arith.constant 0 : i32
        %dma_start3A_1874 = tpu.memref_slice %arg8[%dma_start3A] : memref<256xi32, #tpu.memory_space<vmem_shared>> -> memref<256xi32, #tpu.memory_space<vmem_shared>>
        tpu.enqueue_indirect_dma source(%arg5 : memref<16xi32, #tpu.memory_space<vmem>>) target(%dma_start3A_1874 : memref<256xi32, #tpu.memory_space<vmem_shared>>) offsets(%add3A_241 : vector<16xi32>) semaphore(%run_scoped3A : memref<!tpu.dma_semaphore, #tpu.memory_space<semaphore_mem>>) {add = true}
        %dma_wait3A = arith.constant 0 : i32
        %dma_wait3A_1875 = tpu.memref_slice %arg8[%dma_wait3A] : memref<256xi32, #tpu.memory_space<vmem_shared>> -> memref<256xi32, #tpu.memory_space<vmem_shared>>
        tpu.wait_indirect_dma semaphore(%run_scoped3A : memref<!tpu.dma_semaphore, #tpu.memory_space<semaphore_mem>>) src(%arg5 : memref<16xi32, #tpu.memory_space<vmem>>) dst(%dma_wait3A_1875 : memref<256xi32, #tpu.memory_space<vmem_shared>>)
        tpu.yield
      }) : () -> ()
      %barrier3A_242 = arith.constant 0 : index
      tpu.barrier barrier_id(%barrier3A_242)
      "tpu.region"() ({
        %run_scoped3A = tpu.sem_alloc : memref<!tpu.dma_semaphore, #tpu.memory_space<semaphore_mem>>
        %dma_start3A = arith.constant 16 : i32
        %dma_start3A_1874 = tpu.memref_slice %arg8[%dma_start3A] : memref<256xi32, #tpu.memory_space<vmem_shared>> -> memref<16xi32, #tpu.memory_space<vmem_shared>>
        %dma_start3A_1875 = arith.constant 16 : i32
        %dma_start3A_1876 = tpu.memref_slice %arg8[%dma_start3A_1875] : memref<256xi32, #tpu.memory_space<vmem_shared>> -> memref<16xi32, #tpu.memory_space<vmem_shared>>
        tpu.enqueue_dma source(%dma_start3A_1876 : memref<16xi32, #tpu.memory_space<vmem_shared>>) target(%arg5 : memref<16xi32, #tpu.memory_space<vmem>>) target_semaphore(%run_scoped3A : memref<!tpu.dma_semaphore, #tpu.memory_space<semaphore_mem>>)
        %dma_wait3A = arith.constant 16 : i32
        %dma_wait3A_1877 = tpu.memref_slice %arg8[%dma_wait3A] : memref<256xi32, #tpu.memory_space<vmem_shared>> -> memref<16xi32, #tpu.memory_space<vmem_shared>>
        %dma_wait3A_1878 = arith.constant 16 : i32
        %dma_wait3A_1879 = tpu.memref_slice %arg8[%dma_wait3A_1878] : memref<256xi32, #tpu.memory_space<vmem_shared>> -> memref<16xi32, #tpu.memory_space<vmem_shared>>
        tpu.wait_dma2 semaphore(%run_scoped3A : memref<!tpu.dma_semaphore, #tpu.memory_space<semaphore_mem>>) src(%dma_wait3A_1879 : memref<16xi32, #tpu.memory_space<vmem_shared>>) dst(%arg5 : memref<16xi32, #tpu.memory_space<vmem>>)
        tpu.yield
      }) : () -> ()
      %get3A_243 = arith.constant 0 : index
      %get3A_244 = tpu.vector_load %arg5[%get3A_243] {strides = array<i32>} : memref<16xi32, #tpu.memory_space<vmem>>, vector<16xi32>,
      %ge3A_245 = arith.cmpi sge, %get3A_244, %broadcast_in_dim3A_13 : vector<16xi32>
      %all_reduce_population_count3A_246 = tpu.all_reduce %ge3A_245 {dim = 0 : i64, kind = #tpu.reduction_kind<sum>} : vector<16xi1> -> vector<16xi32>
      %shift_left3A_247 = arith.constant 24 : i32
      %shift_left3A_248 = vector.broadcast %shift_left3A_247 : i32 to vector<16xi32>
      %shift_left3A_249 = arith.shli %all_reduce_population_count3A_246, %shift_left3A_248 : vector<16xi32>
      %or3A_250 = arith.ori %or3A_93, %shift_left3A_249 : vector<16xi32>
      %or3A_251 = arith.constant 1048576 : i32
      %or3A_252 = vector.broadcast %or3A_251 : i32 to vector<16xi32>
      %or3A_253 = arith.ori %or3A_250, %or3A_252 : vector<16xi32>
      %or3A_254 = arith.constant 2097152 : i32
      %or3A_255 = vector.broadcast %or3A_254 : i32 to vector<16xi32>
      %or3A_256 = arith.ori %or3A_250, %or3A_255 : vector<16xi32>
      %or3A_257 = arith.constant 3145728 : i32
      %or3A_258 = vector.broadcast %or3A_257 : i32 to vector<16xi32>
      %or3A_259 = arith.ori %or3A_250, %or3A_258 : vector<16xi32>
      %or3A_260 = arith.constant 4194304 : i32
      %or3A_261 = vector.broadcast %or3A_260 : i32 to vector<16xi32>
      %or3A_262 = arith.ori %or3A_250, %or3A_261 : vector<16xi32>
      %or3A_263 = arith.constant 5242880 : i32
      %or3A_264 = vector.broadcast %or3A_263 : i32 to vector<16xi32>
      %or3A_265 = arith.ori %or3A_250, %or3A_264 : vector<16xi32>
      %or3A_266 = arith.constant 6291456 : i32
      %or3A_267 = vector.broadcast %or3A_266 : i32 to vector<16xi32>
      %or3A_268 = arith.ori %or3A_250, %or3A_267 : vector<16xi32>
      %or3A_269 = arith.constant 7340032 : i32
      %or3A_270 = vector.broadcast %or3A_269 : i32 to vector<16xi32>
      %or3A_271 = arith.ori %or3A_250, %or3A_270 : vector<16xi32>
      %or3A_272 = arith.constant 8388608 : i32
      %or3A_273 = vector.broadcast %or3A_272 : i32 to vector<16xi32>
      %or3A_274 = arith.ori %or3A_250, %or3A_273 : vector<16xi32>
      %or3A_275 = arith.constant 9437184 : i32
      %or3A_276 = vector.broadcast %or3A_275 : i32 to vector<16xi32>
      %or3A_277 = arith.ori %or3A_250, %or3A_276 : vector<16xi32>
      %or3A_278 = arith.constant 10485760 : i32
      %or3A_279 = vector.broadcast %or3A_278 : i32 to vector<16xi32>
      %or3A_280 = arith.ori %or3A_250, %or3A_279 : vector<16xi32>
      %or3A_281 = arith.constant 11534336 : i32
      %or3A_282 = vector.broadcast %or3A_281 : i32 to vector<16xi32>
      %or3A_283 = arith.ori %or3A_250, %or3A_282 : vector<16xi32>
      %or3A_284 = arith.constant 12582912 : i32
      %or3A_285 = vector.broadcast %or3A_284 : i32 to vector<16xi32>
      %or3A_286 = arith.ori %or3A_250, %or3A_285 : vector<16xi32>
      %or3A_287 = arith.constant 13631488 : i32
      %or3A_288 = vector.broadcast %or3A_287 : i32 to vector<16xi32>
      %or3A_289 = arith.ori %or3A_250, %or3A_288 : vector<16xi32>
      %or3A_290 = arith.constant 14680064 : i32
      %or3A_291 = vector.broadcast %or3A_290 : i32 to vector<16xi32>
      %or3A_292 = arith.ori %or3A_250, %or3A_291 : vector<16xi32>
      %or3A_293 = arith.constant 15728640 : i32
      %or3A_294 = vector.broadcast %or3A_293 : i32 to vector<16xi32>
      %or3A_295 = arith.ori %or3A_250, %or3A_294 : vector<16xi32>
      %broadcast_in_dim3A_296 = arith.constant 0 : i32
      %broadcast_in_dim3A_297 = vector.broadcast %broadcast_in_dim3A_296 : i32 to vector<16xi32>
      %broadcast_in_dim3A_298 = arith.constant 0 : i32
      %broadcast_in_dim3A_299 = vector.broadcast %broadcast_in_dim3A_298 : i32 to vector<16xi32>
      %broadcast_in_dim3A_300 = arith.constant 0 : i32
      %broadcast_in_dim3A_301 = vector.broadcast %broadcast_in_dim3A_300 : i32 to vector<16xi32>
      %broadcast_in_dim3A_302 = arith.constant 0 : i32
      %broadcast_in_dim3A_303 = vector.broadcast %broadcast_in_dim3A_302 : i32 to vector<16xi32>
      %broadcast_in_dim3A_304 = arith.constant 0 : i32
      %broadcast_in_dim3A_305 = vector.broadcast %broadcast_in_dim3A_304 : i32 to vector<16xi32>
      %broadcast_in_dim3A_306 = arith.constant 0 : i32
      %broadcast_in_dim3A_307 = vector.broadcast %broadcast_in_dim3A_306 : i32 to vector<16xi32>
      %broadcast_in_dim3A_308 = arith.constant 0 : i32
      %broadcast_in_dim3A_309 = vector.broadcast %broadcast_in_dim3A_308 : i32 to vector<16xi32>
      %broadcast_in_dim3A_310 = arith.constant 0 : i32
      %broadcast_in_dim3A_311 = vector.broadcast %broadcast_in_dim3A_310 : i32 to vector<16xi32>
      %broadcast_in_dim3A_312 = arith.constant 0 : i32
      %broadcast_in_dim3A_313 = vector.broadcast %broadcast_in_dim3A_312 : i32 to vector<16xi32>
      %broadcast_in_dim3A_314 = arith.constant 0 : i32
      %broadcast_in_dim3A_315 = vector.broadcast %broadcast_in_dim3A_314 : i32 to vector<16xi32>
      %broadcast_in_dim3A_316 = arith.constant 0 : i32
      %broadcast_in_dim3A_317 = vector.broadcast %broadcast_in_dim3A_316 : i32 to vector<16xi32>
      %broadcast_in_dim3A_318 = arith.constant 0 : i32
      %broadcast_in_dim3A_319 = vector.broadcast %broadcast_in_dim3A_318 : i32 to vector<16xi32>
      %broadcast_in_dim3A_320 = arith.constant 0 : i32
      %broadcast_in_dim3A_321 = vector.broadcast %broadcast_in_dim3A_320 : i32 to vector<16xi32>
      %broadcast_in_dim3A_322 = arith.constant 0 : i32
      %broadcast_in_dim3A_323 = vector.broadcast %broadcast_in_dim3A_322 : i32 to vector<16xi32>
      %broadcast_in_dim3A_324 = arith.constant 0 : i32
      %broadcast_in_dim3A_325 = vector.broadcast %broadcast_in_dim3A_324 : i32 to vector<16xi32>
      %scan3A_326 = arith.constant 0 : i32
      %scan3A_327 = arith.constant 32 : i32
      %scan3A_328 = arith.addi %scan3A_326, %scan3A_327 : i32
      %scan3A_329 = arith.constant 1 : i32
      %scan3A_330:15 = scf.for %scan3A_1874 = %scan3A_326 to %scan3A_328 step %scan3A_329 iter_args(%scan3A_1875 = %broadcast_in_dim3A_297, %scan3A_1876 = %broadcast_in_dim3A_299, %scan3A_1877 = %broadcast_in_dim3A_301, %scan3A_1878 = %broadcast_in_dim3A_303, %scan3A_1879 = %broadcast_in_dim3A_305, %scan3A_1880 = %broadcast_in_dim3A_307, %scan3A_1881 = %broadcast_in_dim3A_309, %scan3A_1882 = %broadcast_in_dim3A_311, %scan3A_1883 = %broadcast_in_dim3A_313, %scan3A_1884 = %broadcast_in_dim3A_315, %scan3A_1885 = %broadcast_in_dim3A_317, %scan3A_1886 = %broadcast_in_dim3A_319, %scan3A_1887 = %broadcast_in_dim3A_321, %scan3A_1888 = %broadcast_in_dim3A_323, %scan3A_1889 = %broadcast_in_dim3A_325) -> (vector<16xi32>, vector<16xi32>, vector<16xi32>, vector<16xi32>, vector<16xi32>, vector<16xi32>, vector<16xi32>, vector<16xi32>, vector<16xi32>, vector<16xi32>, vector<16xi32>, vector<16xi32>, vector<16xi32>, vector<16xi32>, vector<16xi32>)  : i32 {
        %mul3A_1890 = arith.constant 16 : i32
        %mul3A_1891 = arith.muli %scan3A_1874, %mul3A_1890 : i32
        %get3A_1892 = arith.index_cast %mul3A_1891 : i32 to index
        %get3A_1893 = tpu.vector_load %arg4[%get3A_1892] {strides = array<i32>} : memref<512xi32, #tpu.memory_space<vmem>>, vector<16xi32>,
        %ge3A_1894 = arith.cmpi sge, %get3A_1893, %or3A_253 : vector<16xi32>
        %all_reduce_population_count3A_1895 = tpu.all_reduce %ge3A_1894 {dim = 0 : i64, kind = #tpu.reduction_kind<sum>} : vector<16xi1> -> vector<16xi32>
        %add3A_1896 = arith.addi %scan3A_1875, %all_reduce_population_count3A_1895 : vector<16xi32>
        %ge3A_1897 = arith.cmpi sge, %get3A_1893, %or3A_256 : vector<16xi32>
        %all_reduce_population_count3A_1898 = tpu.all_reduce %ge3A_1897 {dim = 0 : i64, kind = #tpu.reduction_kind<sum>} : vector<16xi1> -> vector<16xi32>
        %add3A_1899 = arith.addi %scan3A_1876, %all_reduce_population_count3A_1898 : vector<16xi32>
        %ge3A_1900 = arith.cmpi sge, %get3A_1893, %or3A_259 : vector<16xi32>
        %all_reduce_population_count3A_1901 = tpu.all_reduce %ge3A_1900 {dim = 0 : i64, kind = #tpu.reduction_kind<sum>} : vector<16xi1> -> vector<16xi32>
        %add3A_1902 = arith.addi %scan3A_1877, %all_reduce_population_count3A_1901 : vector<16xi32>
        %ge3A_1903 = arith.cmpi sge, %get3A_1893, %or3A_262 : vector<16xi32>
        %all_reduce_population_count3A_1904 = tpu.all_reduce %ge3A_1903 {dim = 0 : i64, kind = #tpu.reduction_kind<sum>} : vector<16xi1> -> vector<16xi32>
        %add3A_1905 = arith.addi %scan3A_1878, %all_reduce_population_count3A_1904 : vector<16xi32>
        %ge3A_1906 = arith.cmpi sge, %get3A_1893, %or3A_265 : vector<16xi32>
        %all_reduce_population_count3A_1907 = tpu.all_reduce %ge3A_1906 {dim = 0 : i64, kind = #tpu.reduction_kind<sum>} : vector<16xi1> -> vector<16xi32>
        %add3A_1908 = arith.addi %scan3A_1879, %all_reduce_population_count3A_1907 : vector<16xi32>
        %ge3A_1909 = arith.cmpi sge, %get3A_1893, %or3A_268 : vector<16xi32>
        %all_reduce_population_count3A_1910 = tpu.all_reduce %ge3A_1909 {dim = 0 : i64, kind = #tpu.reduction_kind<sum>} : vector<16xi1> -> vector<16xi32>
        %add3A_1911 = arith.addi %scan3A_1880, %all_reduce_population_count3A_1910 : vector<16xi32>
        %ge3A_1912 = arith.cmpi sge, %get3A_1893, %or3A_271 : vector<16xi32>
        %all_reduce_population_count3A_1913 = tpu.all_reduce %ge3A_1912 {dim = 0 : i64, kind = #tpu.reduction_kind<sum>} : vector<16xi1> -> vector<16xi32>
        %add3A_1914 = arith.addi %scan3A_1881, %all_reduce_population_count3A_1913 : vector<16xi32>
        %ge3A_1915 = arith.cmpi sge, %get3A_1893, %or3A_274 : vector<16xi32>
        %all_reduce_population_count3A_1916 = tpu.all_reduce %ge3A_1915 {dim = 0 : i64, kind = #tpu.reduction_kind<sum>} : vector<16xi1> -> vector<16xi32>
        %add3A_1917 = arith.addi %scan3A_1882, %all_reduce_population_count3A_1916 : vector<16xi32>
        %ge3A_1918 = arith.cmpi sge, %get3A_1893, %or3A_277 : vector<16xi32>
        %all_reduce_population_count3A_1919 = tpu.all_reduce %ge3A_1918 {dim = 0 : i64, kind = #tpu.reduction_kind<sum>} : vector<16xi1> -> vector<16xi32>
        %add3A_1920 = arith.addi %scan3A_1883, %all_reduce_population_count3A_1919 : vector<16xi32>
        %ge3A_1921 = arith.cmpi sge, %get3A_1893, %or3A_280 : vector<16xi32>
        %all_reduce_population_count3A_1922 = tpu.all_reduce %ge3A_1921 {dim = 0 : i64, kind = #tpu.reduction_kind<sum>} : vector<16xi1> -> vector<16xi32>
        %add3A_1923 = arith.addi %scan3A_1884, %all_reduce_population_count3A_1922 : vector<16xi32>
        %ge3A_1924 = arith.cmpi sge, %get3A_1893, %or3A_283 : vector<16xi32>
        %all_reduce_population_count3A_1925 = tpu.all_reduce %ge3A_1924 {dim = 0 : i64, kind = #tpu.reduction_kind<sum>} : vector<16xi1> -> vector<16xi32>
        %add3A_1926 = arith.addi %scan3A_1885, %all_reduce_population_count3A_1925 : vector<16xi32>
        %ge3A_1927 = arith.cmpi sge, %get3A_1893, %or3A_286 : vector<16xi32>
        %all_reduce_population_count3A_1928 = tpu.all_reduce %ge3A_1927 {dim = 0 : i64, kind = #tpu.reduction_kind<sum>} : vector<16xi1> -> vector<16xi32>
        %add3A_1929 = arith.addi %scan3A_1886, %all_reduce_population_count3A_1928 : vector<16xi32>
        %ge3A_1930 = arith.cmpi sge, %get3A_1893, %or3A_289 : vector<16xi32>
        %all_reduce_population_count3A_1931 = tpu.all_reduce %ge3A_1930 {dim = 0 : i64, kind = #tpu.reduction_kind<sum>} : vector<16xi1> -> vector<16xi32>
        %add3A_1932 = arith.addi %scan3A_1887, %all_reduce_population_count3A_1931 : vector<16xi32>
        %ge3A_1933 = arith.cmpi sge, %get3A_1893, %or3A_292 : vector<16xi32>
        %all_reduce_population_count3A_1934 = tpu.all_reduce %ge3A_1933 {dim = 0 : i64, kind = #tpu.reduction_kind<sum>} : vector<16xi1> -> vector<16xi32>
        %add3A_1935 = arith.addi %scan3A_1888, %all_reduce_population_count3A_1934 : vector<16xi32>
        %ge3A_1936 = arith.cmpi sge, %get3A_1893, %or3A_295 : vector<16xi32>
        %all_reduce_population_count3A_1937 = tpu.all_reduce %ge3A_1936 {dim = 0 : i64, kind = #tpu.reduction_kind<sum>} : vector<16xi1> -> vector<16xi32>
        %add3A_1938 = arith.addi %scan3A_1889, %all_reduce_population_count3A_1937 : vector<16xi32>
        scf.yield %add3A_1896, %add3A_1899, %add3A_1902, %add3A_1905, %add3A_1908, %add3A_1911, %add3A_1914, %add3A_1917, %add3A_1920, %add3A_1923, %add3A_1926, %add3A_1929, %add3A_1932, %add3A_1935, %add3A_1938 : vector<16xi32>, vector<16xi32>, vector<16xi32>, vector<16xi32>, vector<16xi32>, vector<16xi32>, vector<16xi32>, vector<16xi32>, vector<16xi32>, vector<16xi32>, vector<16xi32>, vector<16xi32>, vector<16xi32>, vector<16xi32>, vector<16xi32>
      }
      %scan3A_331 = arith.constant 32 : i32
      %broadcast_in_dim3A_332 = arith.constant 0 : i32
      %broadcast_in_dim3A_333 = vector.broadcast %broadcast_in_dim3A_332 : i32 to vector<16xi32>
      %eq3A_334 = arith.constant 0 : i32
      %eq3A_335 = vector.broadcast %eq3A_334 : i32 to vector<16xi32>
      %eq3A_336 = arith.cmpi eq, %iota3A, %eq3A_335 : vector<16xi32>
      %select_n3A_337 = arith.select %eq3A_336, %scan3A_330#0, %broadcast_in_dim3A_333 : vector<16xi1>, vector<16xi32>
      %eq3A_338 = arith.constant 1 : i32
      %eq3A_339 = vector.broadcast %eq3A_338 : i32 to vector<16xi32>
      %eq3A_340 = arith.cmpi eq, %iota3A, %eq3A_339 : vector<16xi32>
      %select_n3A_341 = arith.select %eq3A_340, %scan3A_330#1, %select_n3A_337 : vector<16xi1>, vector<16xi32>
      %eq3A_342 = arith.constant 2 : i32
      %eq3A_343 = vector.broadcast %eq3A_342 : i32 to vector<16xi32>
      %eq3A_344 = arith.cmpi eq, %iota3A, %eq3A_343 : vector<16xi32>
      %select_n3A_345 = arith.select %eq3A_344, %scan3A_330#2, %select_n3A_341 : vector<16xi1>, vector<16xi32>
      %eq3A_346 = arith.constant 3 : i32
      %eq3A_347 = vector.broadcast %eq3A_346 : i32 to vector<16xi32>
      %eq3A_348 = arith.cmpi eq, %iota3A, %eq3A_347 : vector<16xi32>
      %select_n3A_349 = arith.select %eq3A_348, %scan3A_330#3, %select_n3A_345 : vector<16xi1>, vector<16xi32>
      %eq3A_350 = arith.constant 4 : i32
      %eq3A_351 = vector.broadcast %eq3A_350 : i32 to vector<16xi32>
      %eq3A_352 = arith.cmpi eq, %iota3A, %eq3A_351 : vector<16xi32>
      %select_n3A_353 = arith.select %eq3A_352, %scan3A_330#4, %select_n3A_349 : vector<16xi1>, vector<16xi32>
      %eq3A_354 = arith.constant 5 : i32
      %eq3A_355 = vector.broadcast %eq3A_354 : i32 to vector<16xi32>
      %eq3A_356 = arith.cmpi eq, %iota3A, %eq3A_355 : vector<16xi32>
      %select_n3A_357 = arith.select %eq3A_356, %scan3A_330#5, %select_n3A_353 : vector<16xi1>, vector<16xi32>
      %eq3A_358 = arith.constant 6 : i32
      %eq3A_359 = vector.broadcast %eq3A_358 : i32 to vector<16xi32>
      %eq3A_360 = arith.cmpi eq, %iota3A, %eq3A_359 : vector<16xi32>
      %select_n3A_361 = arith.select %eq3A_360, %scan3A_330#6, %select_n3A_357 : vector<16xi1>, vector<16xi32>
      %eq3A_362 = arith.constant 7 : i32
      %eq3A_363 = vector.broadcast %eq3A_362 : i32 to vector<16xi32>
      %eq3A_364 = arith.cmpi eq, %iota3A, %eq3A_363 : vector<16xi32>
      %select_n3A_365 = arith.select %eq3A_364, %scan3A_330#7, %select_n3A_361 : vector<16xi1>, vector<16xi32>
      %eq3A_366 = arith.constant 8 : i32
      %eq3A_367 = vector.broadcast %eq3A_366 : i32 to vector<16xi32>
      %eq3A_368 = arith.cmpi eq, %iota3A, %eq3A_367 : vector<16xi32>
      %select_n3A_369 = arith.select %eq3A_368, %scan3A_330#8, %select_n3A_365 : vector<16xi1>, vector<16xi32>
      %eq3A_370 = arith.constant 9 : i32
      %eq3A_371 = vector.broadcast %eq3A_370 : i32 to vector<16xi32>
      %eq3A_372 = arith.cmpi eq, %iota3A, %eq3A_371 : vector<16xi32>
      %select_n3A_373 = arith.select %eq3A_372, %scan3A_330#9, %select_n3A_369 : vector<16xi1>, vector<16xi32>
      %eq3A_374 = arith.constant 10 : i32
      %eq3A_375 = vector.broadcast %eq3A_374 : i32 to vector<16xi32>
      %eq3A_376 = arith.cmpi eq, %iota3A, %eq3A_375 : vector<16xi32>
      %select_n3A_377 = arith.select %eq3A_376, %scan3A_330#10, %select_n3A_373 : vector<16xi1>, vector<16xi32>
      %eq3A_378 = arith.constant 11 : i32
      %eq3A_379 = vector.broadcast %eq3A_378 : i32 to vector<16xi32>
      %eq3A_380 = arith.cmpi eq, %iota3A, %eq3A_379 : vector<16xi32>
      %select_n3A_381 = arith.select %eq3A_380, %scan3A_330#11, %select_n3A_377 : vector<16xi1>, vector<16xi32>
      %eq3A_382 = arith.constant 12 : i32
      %eq3A_383 = vector.broadcast %eq3A_382 : i32 to vector<16xi32>
      %eq3A_384 = arith.cmpi eq, %iota3A, %eq3A_383 : vector<16xi32>
      %select_n3A_385 = arith.select %eq3A_384, %scan3A_330#12, %select_n3A_381 : vector<16xi1>, vector<16xi32>
      %eq3A_386 = arith.constant 13 : i32
      %eq3A_387 = vector.broadcast %eq3A_386 : i32 to vector<16xi32>
      %eq3A_388 = arith.cmpi eq, %iota3A, %eq3A_387 : vector<16xi32>
      %select_n3A_389 = arith.select %eq3A_388, %scan3A_330#13, %select_n3A_385 : vector<16xi1>, vector<16xi32>
      %eq3A_390 = arith.constant 14 : i32
      %eq3A_391 = vector.broadcast %eq3A_390 : i32 to vector<16xi32>
      %eq3A_392 = arith.cmpi eq, %iota3A, %eq3A_391 : vector<16xi32>
      %select_n3A_393 = arith.select %eq3A_392, %scan3A_330#14, %select_n3A_389 : vector<16xi1>, vector<16xi32>
      %swap3A_394 = arith.constant 0 : index
      %swap3A_395 = tpu.vector_load %arg5[%swap3A_394] {strides = array<i32>} : memref<16xi32, #tpu.memory_space<vmem>>, vector<16xi32>,
      tpu.vector_store %arg5[%swap3A_394], %select_n3A_393 {strides = array<i32>} : memref<16xi32, #tpu.memory_space<vmem>>, vector<16xi32>,
      %add3A_396 = arith.constant 32 : i32
      %add3A_397 = vector.broadcast %add3A_396 : i32 to vector<16xi32>
      %add3A_398 = arith.addi %iota3A, %add3A_397 : vector<16xi32>
      "tpu.region"() ({
        %run_scoped3A = tpu.sem_alloc : memref<!tpu.dma_semaphore, #tpu.memory_space<semaphore_mem>>
        %dma_start3A = arith.constant 0 : i32
        %dma_start3A_1874 = tpu.memref_slice %arg8[%dma_start3A] : memref<256xi32, #tpu.memory_space<vmem_shared>> -> memref<256xi32, #tpu.memory_space<vmem_shared>>
        tpu.enqueue_indirect_dma source(%arg5 : memref<16xi32, #tpu.memory_space<vmem>>) target(%dma_start3A_1874 : memref<256xi32, #tpu.memory_space<vmem_shared>>) offsets(%add3A_398 : vector<16xi32>) semaphore(%run_scoped3A : memref<!tpu.dma_semaphore, #tpu.memory_space<semaphore_mem>>) {add = true}
        %dma_wait3A = arith.constant 0 : i32
        %dma_wait3A_1875 = tpu.memref_slice %arg8[%dma_wait3A] : memref<256xi32, #tpu.memory_space<vmem_shared>> -> memref<256xi32, #tpu.memory_space<vmem_shared>>
        tpu.wait_indirect_dma semaphore(%run_scoped3A : memref<!tpu.dma_semaphore, #tpu.memory_space<semaphore_mem>>) src(%arg5 : memref<16xi32, #tpu.memory_space<vmem>>) dst(%dma_wait3A_1875 : memref<256xi32, #tpu.memory_space<vmem_shared>>)
        tpu.yield
      }) : () -> ()
      %barrier3A_399 = arith.constant 0 : index
      tpu.barrier barrier_id(%barrier3A_399)
      "tpu.region"() ({
        %run_scoped3A = tpu.sem_alloc : memref<!tpu.dma_semaphore, #tpu.memory_space<semaphore_mem>>
        %dma_start3A = arith.constant 32 : i32
        %dma_start3A_1874 = tpu.memref_slice %arg8[%dma_start3A] : memref<256xi32, #tpu.memory_space<vmem_shared>> -> memref<16xi32, #tpu.memory_space<vmem_shared>>
        %dma_start3A_1875 = arith.constant 32 : i32
        %dma_start3A_1876 = tpu.memref_slice %arg8[%dma_start3A_1875] : memref<256xi32, #tpu.memory_space<vmem_shared>> -> memref<16xi32, #tpu.memory_space<vmem_shared>>
        tpu.enqueue_dma source(%dma_start3A_1876 : memref<16xi32, #tpu.memory_space<vmem_shared>>) target(%arg5 : memref<16xi32, #tpu.memory_space<vmem>>) target_semaphore(%run_scoped3A : memref<!tpu.dma_semaphore, #tpu.memory_space<semaphore_mem>>)
        %dma_wait3A = arith.constant 32 : i32
        %dma_wait3A_1877 = tpu.memref_slice %arg8[%dma_wait3A] : memref<256xi32, #tpu.memory_space<vmem_shared>> -> memref<16xi32, #tpu.memory_space<vmem_shared>>
        %dma_wait3A_1878 = arith.constant 32 : i32
        %dma_wait3A_1879 = tpu.memref_slice %arg8[%dma_wait3A_1878] : memref<256xi32, #tpu.memory_space<vmem_shared>> -> memref<16xi32, #tpu.memory_space<vmem_shared>>
        tpu.wait_dma2 semaphore(%run_scoped3A : memref<!tpu.dma_semaphore, #tpu.memory_space<semaphore_mem>>) src(%dma_wait3A_1879 : memref<16xi32, #tpu.memory_space<vmem_shared>>) dst(%arg5 : memref<16xi32, #tpu.memory_space<vmem>>)
        tpu.yield
      }) : () -> ()
      %get3A_400 = arith.constant 0 : index
      %get3A_401 = tpu.vector_load %arg5[%get3A_400] {strides = array<i32>} : memref<16xi32, #tpu.memory_space<vmem>>, vector<16xi32>,
      %ge3A_402 = arith.cmpi sge, %get3A_401, %broadcast_in_dim3A_13 : vector<16xi32>
      %all_reduce_population_count3A_403 = tpu.all_reduce %ge3A_402 {dim = 0 : i64, kind = #tpu.reduction_kind<sum>} : vector<16xi1> -> vector<16xi32>
      %shift_left3A_404 = arith.constant 20 : i32
      %shift_left3A_405 = vector.broadcast %shift_left3A_404 : i32 to vector<16xi32>
      %shift_left3A_406 = arith.shli %all_reduce_population_count3A_403, %shift_left3A_405 : vector<16xi32>
      %or3A_407 = arith.ori %or3A_250, %shift_left3A_406 : vector<16xi32>
      %or3A_408 = arith.constant 65536 : i32
      %or3A_409 = vector.broadcast %or3A_408 : i32 to vector<16xi32>
      %or3A_410 = arith.ori %or3A_407, %or3A_409 : vector<16xi32>
      %or3A_411 = arith.constant 131072 : i32
      %or3A_412 = vector.broadcast %or3A_411 : i32 to vector<16xi32>
      %or3A_413 = arith.ori %or3A_407, %or3A_412 : vector<16xi32>
      %or3A_414 = arith.constant 196608 : i32
      %or3A_415 = vector.broadcast %or3A_414 : i32 to vector<16xi32>
      %or3A_416 = arith.ori %or3A_407, %or3A_415 : vector<16xi32>
      %or3A_417 = arith.constant 262144 : i32
      %or3A_418 = vector.broadcast %or3A_417 : i32 to vector<16xi32>
      %or3A_419 = arith.ori %or3A_407, %or3A_418 : vector<16xi32>
      %or3A_420 = arith.constant 327680 : i32
      %or3A_421 = vector.broadcast %or3A_420 : i32 to vector<16xi32>
      %or3A_422 = arith.ori %or3A_407, %or3A_421 : vector<16xi32>
      %or3A_423 = arith.constant 393216 : i32
      %or3A_424 = vector.broadcast %or3A_423 : i32 to vector<16xi32>
      %or3A_425 = arith.ori %or3A_407, %or3A_424 : vector<16xi32>
      %or3A_426 = arith.constant 458752 : i32
      %or3A_427 = vector.broadcast %or3A_426 : i32 to vector<16xi32>
      %or3A_428 = arith.ori %or3A_407, %or3A_427 : vector<16xi32>
      %or3A_429 = arith.constant 524288 : i32
      %or3A_430 = vector.broadcast %or3A_429 : i32 to vector<16xi32>
      %or3A_431 = arith.ori %or3A_407, %or3A_430 : vector<16xi32>
      %or3A_432 = arith.constant 589824 : i32
      %or3A_433 = vector.broadcast %or3A_432 : i32 to vector<16xi32>
      %or3A_434 = arith.ori %or3A_407, %or3A_433 : vector<16xi32>
      %or3A_435 = arith.constant 655360 : i32
      %or3A_436 = vector.broadcast %or3A_435 : i32 to vector<16xi32>
      %or3A_437 = arith.ori %or3A_407, %or3A_436 : vector<16xi32>
      %or3A_438 = arith.constant 720896 : i32
      %or3A_439 = vector.broadcast %or3A_438 : i32 to vector<16xi32>
      %or3A_440 = arith.ori %or3A_407, %or3A_439 : vector<16xi32>
      %or3A_441 = arith.constant 786432 : i32
      %or3A_442 = vector.broadcast %or3A_441 : i32 to vector<16xi32>
      %or3A_443 = arith.ori %or3A_407, %or3A_442 : vector<16xi32>
      %or3A_444 = arith.constant 851968 : i32
      %or3A_445 = vector.broadcast %or3A_444 : i32 to vector<16xi32>
      %or3A_446 = arith.ori %or3A_407, %or3A_445 : vector<16xi32>
      %or3A_447 = arith.constant 917504 : i32
      %or3A_448 = vector.broadcast %or3A_447 : i32 to vector<16xi32>
      %or3A_449 = arith.ori %or3A_407, %or3A_448 : vector<16xi32>
      %or3A_450 = arith.constant 983040 : i32
      %or3A_451 = vector.broadcast %or3A_450 : i32 to vector<16xi32>
      %or3A_452 = arith.ori %or3A_407, %or3A_451 : vector<16xi32>
      %broadcast_in_dim3A_453 = arith.constant 0 : i32
      %broadcast_in_dim3A_454 = vector.broadcast %broadcast_in_dim3A_453 : i32 to vector<16xi32>
      %broadcast_in_dim3A_455 = arith.constant 0 : i32
      %broadcast_in_dim3A_456 = vector.broadcast %broadcast_in_dim3A_455 : i32 to vector<16xi32>
      %broadcast_in_dim3A_457 = arith.constant 0 : i32
      %broadcast_in_dim3A_458 = vector.broadcast %broadcast_in_dim3A_457 : i32 to vector<16xi32>
      %broadcast_in_dim3A_459 = arith.constant 0 : i32
      %broadcast_in_dim3A_460 = vector.broadcast %broadcast_in_dim3A_459 : i32 to vector<16xi32>
      %broadcast_in_dim3A_461 = arith.constant 0 : i32
      %broadcast_in_dim3A_462 = vector.broadcast %broadcast_in_dim3A_461 : i32 to vector<16xi32>
      %broadcast_in_dim3A_463 = arith.constant 0 : i32
      %broadcast_in_dim3A_464 = vector.broadcast %broadcast_in_dim3A_463 : i32 to vector<16xi32>
      %broadcast_in_dim3A_465 = arith.constant 0 : i32
      %broadcast_in_dim3A_466 = vector.broadcast %broadcast_in_dim3A_465 : i32 to vector<16xi32>
      %broadcast_in_dim3A_467 = arith.constant 0 : i32
      %broadcast_in_dim3A_468 = vector.broadcast %broadcast_in_dim3A_467 : i32 to vector<16xi32>
      %broadcast_in_dim3A_469 = arith.constant 0 : i32
      %broadcast_in_dim3A_470 = vector.broadcast %broadcast_in_dim3A_469 : i32 to vector<16xi32>
      %broadcast_in_dim3A_471 = arith.constant 0 : i32
      %broadcast_in_dim3A_472 = vector.broadcast %broadcast_in_dim3A_471 : i32 to vector<16xi32>
      %broadcast_in_dim3A_473 = arith.constant 0 : i32
      %broadcast_in_dim3A_474 = vector.broadcast %broadcast_in_dim3A_473 : i32 to vector<16xi32>
      %broadcast_in_dim3A_475 = arith.constant 0 : i32
      %broadcast_in_dim3A_476 = vector.broadcast %broadcast_in_dim3A_475 : i32 to vector<16xi32>
      %broadcast_in_dim3A_477 = arith.constant 0 : i32
      %broadcast_in_dim3A_478 = vector.broadcast %broadcast_in_dim3A_477 : i32 to vector<16xi32>
      %broadcast_in_dim3A_479 = arith.constant 0 : i32
      %broadcast_in_dim3A_480 = vector.broadcast %broadcast_in_dim3A_479 : i32 to vector<16xi32>
      %broadcast_in_dim3A_481 = arith.constant 0 : i32
      %broadcast_in_dim3A_482 = vector.broadcast %broadcast_in_dim3A_481 : i32 to vector<16xi32>
      %scan3A_483 = arith.constant 0 : i32
      %scan3A_484 = arith.constant 32 : i32
      %scan3A_485 = arith.addi %scan3A_483, %scan3A_484 : i32
      %scan3A_486 = arith.constant 1 : i32
      %scan3A_487:15 = scf.for %scan3A_1874 = %scan3A_483 to %scan3A_485 step %scan3A_486 iter_args(%scan3A_1875 = %broadcast_in_dim3A_454, %scan3A_1876 = %broadcast_in_dim3A_456, %scan3A_1877 = %broadcast_in_dim3A_458, %scan3A_1878 = %broadcast_in_dim3A_460, %scan3A_1879 = %broadcast_in_dim3A_462, %scan3A_1880 = %broadcast_in_dim3A_464, %scan3A_1881 = %broadcast_in_dim3A_466, %scan3A_1882 = %broadcast_in_dim3A_468, %scan3A_1883 = %broadcast_in_dim3A_470, %scan3A_1884 = %broadcast_in_dim3A_472, %scan3A_1885 = %broadcast_in_dim3A_474, %scan3A_1886 = %broadcast_in_dim3A_476, %scan3A_1887 = %broadcast_in_dim3A_478, %scan3A_1888 = %broadcast_in_dim3A_480, %scan3A_1889 = %broadcast_in_dim3A_482) -> (vector<16xi32>, vector<16xi32>, vector<16xi32>, vector<16xi32>, vector<16xi32>, vector<16xi32>, vector<16xi32>, vector<16xi32>, vector<16xi32>, vector<16xi32>, vector<16xi32>, vector<16xi32>, vector<16xi32>, vector<16xi32>, vector<16xi32>)  : i32 {
        %mul3A_1890 = arith.constant 16 : i32
        %mul3A_1891 = arith.muli %scan3A_1874, %mul3A_1890 : i32
        %get3A_1892 = arith.index_cast %mul3A_1891 : i32 to index
        %get3A_1893 = tpu.vector_load %arg4[%get3A_1892] {strides = array<i32>} : memref<512xi32, #tpu.memory_space<vmem>>, vector<16xi32>,
        %ge3A_1894 = arith.cmpi sge, %get3A_1893, %or3A_410 : vector<16xi32>
        %all_reduce_population_count3A_1895 = tpu.all_reduce %ge3A_1894 {dim = 0 : i64, kind = #tpu.reduction_kind<sum>} : vector<16xi1> -> vector<16xi32>
        %add3A_1896 = arith.addi %scan3A_1875, %all_reduce_population_count3A_1895 : vector<16xi32>
        %ge3A_1897 = arith.cmpi sge, %get3A_1893, %or3A_413 : vector<16xi32>
        %all_reduce_population_count3A_1898 = tpu.all_reduce %ge3A_1897 {dim = 0 : i64, kind = #tpu.reduction_kind<sum>} : vector<16xi1> -> vector<16xi32>
        %add3A_1899 = arith.addi %scan3A_1876, %all_reduce_population_count3A_1898 : vector<16xi32>
        %ge3A_1900 = arith.cmpi sge, %get3A_1893, %or3A_416 : vector<16xi32>
        %all_reduce_population_count3A_1901 = tpu.all_reduce %ge3A_1900 {dim = 0 : i64, kind = #tpu.reduction_kind<sum>} : vector<16xi1> -> vector<16xi32>
        %add3A_1902 = arith.addi %scan3A_1877, %all_reduce_population_count3A_1901 : vector<16xi32>
        %ge3A_1903 = arith.cmpi sge, %get3A_1893, %or3A_419 : vector<16xi32>
        %all_reduce_population_count3A_1904 = tpu.all_reduce %ge3A_1903 {dim = 0 : i64, kind = #tpu.reduction_kind<sum>} : vector<16xi1> -> vector<16xi32>
        %add3A_1905 = arith.addi %scan3A_1878, %all_reduce_population_count3A_1904 : vector<16xi32>
        %ge3A_1906 = arith.cmpi sge, %get3A_1893, %or3A_422 : vector<16xi32>
        %all_reduce_population_count3A_1907 = tpu.all_reduce %ge3A_1906 {dim = 0 : i64, kind = #tpu.reduction_kind<sum>} : vector<16xi1> -> vector<16xi32>
        %add3A_1908 = arith.addi %scan3A_1879, %all_reduce_population_count3A_1907 : vector<16xi32>
        %ge3A_1909 = arith.cmpi sge, %get3A_1893, %or3A_425 : vector<16xi32>
        %all_reduce_population_count3A_1910 = tpu.all_reduce %ge3A_1909 {dim = 0 : i64, kind = #tpu.reduction_kind<sum>} : vector<16xi1> -> vector<16xi32>
        %add3A_1911 = arith.addi %scan3A_1880, %all_reduce_population_count3A_1910 : vector<16xi32>
        %ge3A_1912 = arith.cmpi sge, %get3A_1893, %or3A_428 : vector<16xi32>
        %all_reduce_population_count3A_1913 = tpu.all_reduce %ge3A_1912 {dim = 0 : i64, kind = #tpu.reduction_kind<sum>} : vector<16xi1> -> vector<16xi32>
        %add3A_1914 = arith.addi %scan3A_1881, %all_reduce_population_count3A_1913 : vector<16xi32>
        %ge3A_1915 = arith.cmpi sge, %get3A_1893, %or3A_431 : vector<16xi32>
        %all_reduce_population_count3A_1916 = tpu.all_reduce %ge3A_1915 {dim = 0 : i64, kind = #tpu.reduction_kind<sum>} : vector<16xi1> -> vector<16xi32>
        %add3A_1917 = arith.addi %scan3A_1882, %all_reduce_population_count3A_1916 : vector<16xi32>
        %ge3A_1918 = arith.cmpi sge, %get3A_1893, %or3A_434 : vector<16xi32>
        %all_reduce_population_count3A_1919 = tpu.all_reduce %ge3A_1918 {dim = 0 : i64, kind = #tpu.reduction_kind<sum>} : vector<16xi1> -> vector<16xi32>
        %add3A_1920 = arith.addi %scan3A_1883, %all_reduce_population_count3A_1919 : vector<16xi32>
        %ge3A_1921 = arith.cmpi sge, %get3A_1893, %or3A_437 : vector<16xi32>
        %all_reduce_population_count3A_1922 = tpu.all_reduce %ge3A_1921 {dim = 0 : i64, kind = #tpu.reduction_kind<sum>} : vector<16xi1> -> vector<16xi32>
        %add3A_1923 = arith.addi %scan3A_1884, %all_reduce_population_count3A_1922 : vector<16xi32>
        %ge3A_1924 = arith.cmpi sge, %get3A_1893, %or3A_440 : vector<16xi32>
        %all_reduce_population_count3A_1925 = tpu.all_reduce %ge3A_1924 {dim = 0 : i64, kind = #tpu.reduction_kind<sum>} : vector<16xi1> -> vector<16xi32>
        %add3A_1926 = arith.addi %scan3A_1885, %all_reduce_population_count3A_1925 : vector<16xi32>
        %ge3A_1927 = arith.cmpi sge, %get3A_1893, %or3A_443 : vector<16xi32>
        %all_reduce_population_count3A_1928 = tpu.all_reduce %ge3A_1927 {dim = 0 : i64, kind = #tpu.reduction_kind<sum>} : vector<16xi1> -> vector<16xi32>
        %add3A_1929 = arith.addi %scan3A_1886, %all_reduce_population_count3A_1928 : vector<16xi32>
        %ge3A_1930 = arith.cmpi sge, %get3A_1893, %or3A_446 : vector<16xi32>
        %all_reduce_population_count3A_1931 = tpu.all_reduce %ge3A_1930 {dim = 0 : i64, kind = #tpu.reduction_kind<sum>} : vector<16xi1> -> vector<16xi32>
        %add3A_1932 = arith.addi %scan3A_1887, %all_reduce_population_count3A_1931 : vector<16xi32>
        %ge3A_1933 = arith.cmpi sge, %get3A_1893, %or3A_449 : vector<16xi32>
        %all_reduce_population_count3A_1934 = tpu.all_reduce %ge3A_1933 {dim = 0 : i64, kind = #tpu.reduction_kind<sum>} : vector<16xi1> -> vector<16xi32>
        %add3A_1935 = arith.addi %scan3A_1888, %all_reduce_population_count3A_1934 : vector<16xi32>
        %ge3A_1936 = arith.cmpi sge, %get3A_1893, %or3A_452 : vector<16xi32>
        %all_reduce_population_count3A_1937 = tpu.all_reduce %ge3A_1936 {dim = 0 : i64, kind = #tpu.reduction_kind<sum>} : vector<16xi1> -> vector<16xi32>
        %add3A_1938 = arith.addi %scan3A_1889, %all_reduce_population_count3A_1937 : vector<16xi32>
        scf.yield %add3A_1896, %add3A_1899, %add3A_1902, %add3A_1905, %add3A_1908, %add3A_1911, %add3A_1914, %add3A_1917, %add3A_1920, %add3A_1923, %add3A_1926, %add3A_1929, %add3A_1932, %add3A_1935, %add3A_1938 : vector<16xi32>, vector<16xi32>, vector<16xi32>, vector<16xi32>, vector<16xi32>, vector<16xi32>, vector<16xi32>, vector<16xi32>, vector<16xi32>, vector<16xi32>, vector<16xi32>, vector<16xi32>, vector<16xi32>, vector<16xi32>, vector<16xi32>
      }
      %scan3A_488 = arith.constant 32 : i32
      %broadcast_in_dim3A_489 = arith.constant 0 : i32
      %broadcast_in_dim3A_490 = vector.broadcast %broadcast_in_dim3A_489 : i32 to vector<16xi32>
      %eq3A_491 = arith.constant 0 : i32
      %eq3A_492 = vector.broadcast %eq3A_491 : i32 to vector<16xi32>
      %eq3A_493 = arith.cmpi eq, %iota3A, %eq3A_492 : vector<16xi32>
      %select_n3A_494 = arith.select %eq3A_493, %scan3A_487#0, %broadcast_in_dim3A_490 : vector<16xi1>, vector<16xi32>
      %eq3A_495 = arith.constant 1 : i32
      %eq3A_496 = vector.broadcast %eq3A_495 : i32 to vector<16xi32>
      %eq3A_497 = arith.cmpi eq, %iota3A, %eq3A_496 : vector<16xi32>
      %select_n3A_498 = arith.select %eq3A_497, %scan3A_487#1, %select_n3A_494 : vector<16xi1>, vector<16xi32>
      %eq3A_499 = arith.constant 2 : i32
      %eq3A_500 = vector.broadcast %eq3A_499 : i32 to vector<16xi32>
      %eq3A_501 = arith.cmpi eq, %iota3A, %eq3A_500 : vector<16xi32>
      %select_n3A_502 = arith.select %eq3A_501, %scan3A_487#2, %select_n3A_498 : vector<16xi1>, vector<16xi32>
      %eq3A_503 = arith.constant 3 : i32
      %eq3A_504 = vector.broadcast %eq3A_503 : i32 to vector<16xi32>
      %eq3A_505 = arith.cmpi eq, %iota3A, %eq3A_504 : vector<16xi32>
      %select_n3A_506 = arith.select %eq3A_505, %scan3A_487#3, %select_n3A_502 : vector<16xi1>, vector<16xi32>
      %eq3A_507 = arith.constant 4 : i32
      %eq3A_508 = vector.broadcast %eq3A_507 : i32 to vector<16xi32>
      %eq3A_509 = arith.cmpi eq, %iota3A, %eq3A_508 : vector<16xi32>
      %select_n3A_510 = arith.select %eq3A_509, %scan3A_487#4, %select_n3A_506 : vector<16xi1>, vector<16xi32>
      %eq3A_511 = arith.constant 5 : i32
      %eq3A_512 = vector.broadcast %eq3A_511 : i32 to vector<16xi32>
      %eq3A_513 = arith.cmpi eq, %iota3A, %eq3A_512 : vector<16xi32>
      %select_n3A_514 = arith.select %eq3A_513, %scan3A_487#5, %select_n3A_510 : vector<16xi1>, vector<16xi32>
      %eq3A_515 = arith.constant 6 : i32
      %eq3A_516 = vector.broadcast %eq3A_515 : i32 to vector<16xi32>
      %eq3A_517 = arith.cmpi eq, %iota3A, %eq3A_516 : vector<16xi32>
      %select_n3A_518 = arith.select %eq3A_517, %scan3A_487#6, %select_n3A_514 : vector<16xi1>, vector<16xi32>
      %eq3A_519 = arith.constant 7 : i32
      %eq3A_520 = vector.broadcast %eq3A_519 : i32 to vector<16xi32>
      %eq3A_521 = arith.cmpi eq, %iota3A, %eq3A_520 : vector<16xi32>
      %select_n3A_522 = arith.select %eq3A_521, %scan3A_487#7, %select_n3A_518 : vector<16xi1>, vector<16xi32>
      %eq3A_523 = arith.constant 8 : i32
      %eq3A_524 = vector.broadcast %eq3A_523 : i32 to vector<16xi32>
      %eq3A_525 = arith.cmpi eq, %iota3A, %eq3A_524 : vector<16xi32>
      %select_n3A_526 = arith.select %eq3A_525, %scan3A_487#8, %select_n3A_522 : vector<16xi1>, vector<16xi32>
      %eq3A_527 = arith.constant 9 : i32
      %eq3A_528 = vector.broadcast %eq3A_527 : i32 to vector<16xi32>
      %eq3A_529 = arith.cmpi eq, %iota3A, %eq3A_528 : vector<16xi32>
      %select_n3A_530 = arith.select %eq3A_529, %scan3A_487#9, %select_n3A_526 : vector<16xi1>, vector<16xi32>
      %eq3A_531 = arith.constant 10 : i32
      %eq3A_532 = vector.broadcast %eq3A_531 : i32 to vector<16xi32>
      %eq3A_533 = arith.cmpi eq, %iota3A, %eq3A_532 : vector<16xi32>
      %select_n3A_534 = arith.select %eq3A_533, %scan3A_487#10, %select_n3A_530 : vector<16xi1>, vector<16xi32>
      %eq3A_535 = arith.constant 11 : i32
      %eq3A_536 = vector.broadcast %eq3A_535 : i32 to vector<16xi32>
      %eq3A_537 = arith.cmpi eq, %iota3A, %eq3A_536 : vector<16xi32>
      %select_n3A_538 = arith.select %eq3A_537, %scan3A_487#11, %select_n3A_534 : vector<16xi1>, vector<16xi32>
      %eq3A_539 = arith.constant 12 : i32
      %eq3A_540 = vector.broadcast %eq3A_539 : i32 to vector<16xi32>
      %eq3A_541 = arith.cmpi eq, %iota3A, %eq3A_540 : vector<16xi32>
      %select_n3A_542 = arith.select %eq3A_541, %scan3A_487#12, %select_n3A_538 : vector<16xi1>, vector<16xi32>
      %eq3A_543 = arith.constant 13 : i32
      %eq3A_544 = vector.broadcast %eq3A_543 : i32 to vector<16xi32>
      %eq3A_545 = arith.cmpi eq, %iota3A, %eq3A_544 : vector<16xi32>
      %select_n3A_546 = arith.select %eq3A_545, %scan3A_487#13, %select_n3A_542 : vector<16xi1>, vector<16xi32>
      %eq3A_547 = arith.constant 14 : i32
      %eq3A_548 = vector.broadcast %eq3A_547 : i32 to vector<16xi32>
      %eq3A_549 = arith.cmpi eq, %iota3A, %eq3A_548 : vector<16xi32>
      %select_n3A_550 = arith.select %eq3A_549, %scan3A_487#14, %select_n3A_546 : vector<16xi1>, vector<16xi32>
      %swap3A_551 = arith.constant 0 : index
      %swap3A_552 = tpu.vector_load %arg5[%swap3A_551] {strides = array<i32>} : memref<16xi32, #tpu.memory_space<vmem>>, vector<16xi32>,
      tpu.vector_store %arg5[%swap3A_551], %select_n3A_550 {strides = array<i32>} : memref<16xi32, #tpu.memory_space<vmem>>, vector<16xi32>,
      %add3A_553 = arith.constant 48 : i32
      %add3A_554 = vector.broadcast %add3A_553 : i32 to vector<16xi32>
      %add3A_555 = arith.addi %iota3A, %add3A_554 : vector<16xi32>
      "tpu.region"() ({
        %run_scoped3A = tpu.sem_alloc : memref<!tpu.dma_semaphore, #tpu.memory_space<semaphore_mem>>
        %dma_start3A = arith.constant 0 : i32
        %dma_start3A_1874 = tpu.memref_slice %arg8[%dma_start3A] : memref<256xi32, #tpu.memory_space<vmem_shared>> -> memref<256xi32, #tpu.memory_space<vmem_shared>>
        tpu.enqueue_indirect_dma source(%arg5 : memref<16xi32, #tpu.memory_space<vmem>>) target(%dma_start3A_1874 : memref<256xi32, #tpu.memory_space<vmem_shared>>) offsets(%add3A_555 : vector<16xi32>) semaphore(%run_scoped3A : memref<!tpu.dma_semaphore, #tpu.memory_space<semaphore_mem>>) {add = true}
        %dma_wait3A = arith.constant 0 : i32
        %dma_wait3A_1875 = tpu.memref_slice %arg8[%dma_wait3A] : memref<256xi32, #tpu.memory_space<vmem_shared>> -> memref<256xi32, #tpu.memory_space<vmem_shared>>
        tpu.wait_indirect_dma semaphore(%run_scoped3A : memref<!tpu.dma_semaphore, #tpu.memory_space<semaphore_mem>>) src(%arg5 : memref<16xi32, #tpu.memory_space<vmem>>) dst(%dma_wait3A_1875 : memref<256xi32, #tpu.memory_space<vmem_shared>>)
        tpu.yield
      }) : () -> ()
      %barrier3A_556 = arith.constant 0 : index
      tpu.barrier barrier_id(%barrier3A_556)
      "tpu.region"() ({
        %run_scoped3A = tpu.sem_alloc : memref<!tpu.dma_semaphore, #tpu.memory_space<semaphore_mem>>
        %dma_start3A = arith.constant 48 : i32
        %dma_start3A_1874 = tpu.memref_slice %arg8[%dma_start3A] : memref<256xi32, #tpu.memory_space<vmem_shared>> -> memref<16xi32, #tpu.memory_space<vmem_shared>>
        %dma_start3A_1875 = arith.constant 48 : i32
        %dma_start3A_1876 = tpu.memref_slice %arg8[%dma_start3A_1875] : memref<256xi32, #tpu.memory_space<vmem_shared>> -> memref<16xi32, #tpu.memory_space<vmem_shared>>
        tpu.enqueue_dma source(%dma_start3A_1876 : memref<16xi32, #tpu.memory_space<vmem_shared>>) target(%arg5 : memref<16xi32, #tpu.memory_space<vmem>>) target_semaphore(%run_scoped3A : memref<!tpu.dma_semaphore, #tpu.memory_space<semaphore_mem>>)
        %dma_wait3A = arith.constant 48 : i32
        %dma_wait3A_1877 = tpu.memref_slice %arg8[%dma_wait3A] : memref<256xi32, #tpu.memory_space<vmem_shared>> -> memref<16xi32, #tpu.memory_space<vmem_shared>>
        %dma_wait3A_1878 = arith.constant 48 : i32
        %dma_wait3A_1879 = tpu.memref_slice %arg8[%dma_wait3A_1878] : memref<256xi32, #tpu.memory_space<vmem_shared>> -> memref<16xi32, #tpu.memory_space<vmem_shared>>
        tpu.wait_dma2 semaphore(%run_scoped3A : memref<!tpu.dma_semaphore, #tpu.memory_space<semaphore_mem>>) src(%dma_wait3A_1879 : memref<16xi32, #tpu.memory_space<vmem_shared>>) dst(%arg5 : memref<16xi32, #tpu.memory_space<vmem>>)
        tpu.yield
      }) : () -> ()
      %get3A_557 = arith.constant 0 : index
      %get3A_558 = tpu.vector_load %arg5[%get3A_557] {strides = array<i32>} : memref<16xi32, #tpu.memory_space<vmem>>, vector<16xi32>,
      %ge3A_559 = arith.cmpi sge, %get3A_558, %broadcast_in_dim3A_13 : vector<16xi32>
      %all_reduce_population_count3A_560 = tpu.all_reduce %ge3A_559 {dim = 0 : i64, kind = #tpu.reduction_kind<sum>} : vector<16xi1> -> vector<16xi32>
      %shift_left3A_561 = arith.constant 16 : i32
      %shift_left3A_562 = vector.broadcast %shift_left3A_561 : i32 to vector<16xi32>
      %shift_left3A_563 = arith.shli %all_reduce_population_count3A_560, %shift_left3A_562 : vector<16xi32>
      %or3A_564 = arith.ori %or3A_407, %shift_left3A_563 : vector<16xi32>
      %or3A_565 = arith.constant 4096 : i32
      %or3A_566 = vector.broadcast %or3A_565 : i32 to vector<16xi32>
      %or3A_567 = arith.ori %or3A_564, %or3A_566 : vector<16xi32>
      %or3A_568 = arith.constant 8192 : i32
      %or3A_569 = vector.broadcast %or3A_568 : i32 to vector<16xi32>
      %or3A_570 = arith.ori %or3A_564, %or3A_569 : vector<16xi32>
      %or3A_571 = arith.constant 12288 : i32
      %or3A_572 = vector.broadcast %or3A_571 : i32 to vector<16xi32>
      %or3A_573 = arith.ori %or3A_564, %or3A_572 : vector<16xi32>
      %or3A_574 = arith.constant 16384 : i32
      %or3A_575 = vector.broadcast %or3A_574 : i32 to vector<16xi32>
      %or3A_576 = arith.ori %or3A_564, %or3A_575 : vector<16xi32>
      %or3A_577 = arith.constant 20480 : i32
      %or3A_578 = vector.broadcast %or3A_577 : i32 to vector<16xi32>
      %or3A_579 = arith.ori %or3A_564, %or3A_578 : vector<16xi32>
      %or3A_580 = arith.constant 24576 : i32
      %or3A_581 = vector.broadcast %or3A_580 : i32 to vector<16xi32>
      %or3A_582 = arith.ori %or3A_564, %or3A_581 : vector<16xi32>
      %or3A_583 = arith.constant 28672 : i32
      %or3A_584 = vector.broadcast %or3A_583 : i32 to vector<16xi32>
      %or3A_585 = arith.ori %or3A_564, %or3A_584 : vector<16xi32>
      %or3A_586 = arith.constant 32768 : i32
      %or3A_587 = vector.broadcast %or3A_586 : i32 to vector<16xi32>
      %or3A_588 = arith.ori %or3A_564, %or3A_587 : vector<16xi32>
      %or3A_589 = arith.constant 36864 : i32
      %or3A_590 = vector.broadcast %or3A_589 : i32 to vector<16xi32>
      %or3A_591 = arith.ori %or3A_564, %or3A_590 : vector<16xi32>
      %or3A_592 = arith.constant 40960 : i32
      %or3A_593 = vector.broadcast %or3A_592 : i32 to vector<16xi32>
      %or3A_594 = arith.ori %or3A_564, %or3A_593 : vector<16xi32>
      %or3A_595 = arith.constant 45056 : i32
      %or3A_596 = vector.broadcast %or3A_595 : i32 to vector<16xi32>
      %or3A_597 = arith.ori %or3A_564, %or3A_596 : vector<16xi32>
      %or3A_598 = arith.constant 49152 : i32
      %or3A_599 = vector.broadcast %or3A_598 : i32 to vector<16xi32>
      %or3A_600 = arith.ori %or3A_564, %or3A_599 : vector<16xi32>
      %or3A_601 = arith.constant 53248 : i32
      %or3A_602 = vector.broadcast %or3A_601 : i32 to vector<16xi32>
      %or3A_603 = arith.ori %or3A_564, %or3A_602 : vector<16xi32>
      %or3A_604 = arith.constant 57344 : i32
      %or3A_605 = vector.broadcast %or3A_604 : i32 to vector<16xi32>
      %or3A_606 = arith.ori %or3A_564, %or3A_605 : vector<16xi32>
      %or3A_607 = arith.constant 61440 : i32
      %or3A_608 = vector.broadcast %or3A_607 : i32 to vector<16xi32>
      %or3A_609 = arith.ori %or3A_564, %or3A_608 : vector<16xi32>
      %broadcast_in_dim3A_610 = arith.constant 0 : i32
      %broadcast_in_dim3A_611 = vector.broadcast %broadcast_in_dim3A_610 : i32 to vector<16xi32>
      %broadcast_in_dim3A_612 = arith.constant 0 : i32
      %broadcast_in_dim3A_613 = vector.broadcast %broadcast_in_dim3A_612 : i32 to vector<16xi32>
      %broadcast_in_dim3A_614 = arith.constant 0 : i32
      %broadcast_in_dim3A_615 = vector.broadcast %broadcast_in_dim3A_614 : i32 to vector<16xi32>
      %broadcast_in_dim3A_616 = arith.constant 0 : i32
      %broadcast_in_dim3A_617 = vector.broadcast %broadcast_in_dim3A_616 : i32 to vector<16xi32>
      %broadcast_in_dim3A_618 = arith.constant 0 : i32
      %broadcast_in_dim3A_619 = vector.broadcast %broadcast_in_dim3A_618 : i32 to vector<16xi32>
      %broadcast_in_dim3A_620 = arith.constant 0 : i32
      %broadcast_in_dim3A_621 = vector.broadcast %broadcast_in_dim3A_620 : i32 to vector<16xi32>
      %broadcast_in_dim3A_622 = arith.constant 0 : i32
      %broadcast_in_dim3A_623 = vector.broadcast %broadcast_in_dim3A_622 : i32 to vector<16xi32>
      %broadcast_in_dim3A_624 = arith.constant 0 : i32
      %broadcast_in_dim3A_625 = vector.broadcast %broadcast_in_dim3A_624 : i32 to vector<16xi32>
      %broadcast_in_dim3A_626 = arith.constant 0 : i32
      %broadcast_in_dim3A_627 = vector.broadcast %broadcast_in_dim3A_626 : i32 to vector<16xi32>
      %broadcast_in_dim3A_628 = arith.constant 0 : i32
      %broadcast_in_dim3A_629 = vector.broadcast %broadcast_in_dim3A_628 : i32 to vector<16xi32>
      %broadcast_in_dim3A_630 = arith.constant 0 : i32
      %broadcast_in_dim3A_631 = vector.broadcast %broadcast_in_dim3A_630 : i32 to vector<16xi32>
      %broadcast_in_dim3A_632 = arith.constant 0 : i32
      %broadcast_in_dim3A_633 = vector.broadcast %broadcast_in_dim3A_632 : i32 to vector<16xi32>
      %broadcast_in_dim3A_634 = arith.constant 0 : i32
      %broadcast_in_dim3A_635 = vector.broadcast %broadcast_in_dim3A_634 : i32 to vector<16xi32>
      %broadcast_in_dim3A_636 = arith.constant 0 : i32
      %broadcast_in_dim3A_637 = vector.broadcast %broadcast_in_dim3A_636 : i32 to vector<16xi32>
      %broadcast_in_dim3A_638 = arith.constant 0 : i32
      %broadcast_in_dim3A_639 = vector.broadcast %broadcast_in_dim3A_638 : i32 to vector<16xi32>
      %scan3A_640 = arith.constant 0 : i32
      %scan3A_641 = arith.constant 32 : i32
      %scan3A_642 = arith.addi %scan3A_640, %scan3A_641 : i32
      %scan3A_643 = arith.constant 1 : i32
      %scan3A_644:15 = scf.for %scan3A_1874 = %scan3A_640 to %scan3A_642 step %scan3A_643 iter_args(%scan3A_1875 = %broadcast_in_dim3A_611, %scan3A_1876 = %broadcast_in_dim3A_613, %scan3A_1877 = %broadcast_in_dim3A_615, %scan3A_1878 = %broadcast_in_dim3A_617, %scan3A_1879 = %broadcast_in_dim3A_619, %scan3A_1880 = %broadcast_in_dim3A_621, %scan3A_1881 = %broadcast_in_dim3A_623, %scan3A_1882 = %broadcast_in_dim3A_625, %scan3A_1883 = %broadcast_in_dim3A_627, %scan3A_1884 = %broadcast_in_dim3A_629, %scan3A_1885 = %broadcast_in_dim3A_631, %scan3A_1886 = %broadcast_in_dim3A_633, %scan3A_1887 = %broadcast_in_dim3A_635, %scan3A_1888 = %broadcast_in_dim3A_637, %scan3A_1889 = %broadcast_in_dim3A_639) -> (vector<16xi32>, vector<16xi32>, vector<16xi32>, vector<16xi32>, vector<16xi32>, vector<16xi32>, vector<16xi32>, vector<16xi32>, vector<16xi32>, vector<16xi32>, vector<16xi32>, vector<16xi32>, vector<16xi32>, vector<16xi32>, vector<16xi32>)  : i32 {
        %mul3A_1890 = arith.constant 16 : i32
        %mul3A_1891 = arith.muli %scan3A_1874, %mul3A_1890 : i32
        %get3A_1892 = arith.index_cast %mul3A_1891 : i32 to index
        %get3A_1893 = tpu.vector_load %arg4[%get3A_1892] {strides = array<i32>} : memref<512xi32, #tpu.memory_space<vmem>>, vector<16xi32>,
        %ge3A_1894 = arith.cmpi sge, %get3A_1893, %or3A_567 : vector<16xi32>
        %all_reduce_population_count3A_1895 = tpu.all_reduce %ge3A_1894 {dim = 0 : i64, kind = #tpu.reduction_kind<sum>} : vector<16xi1> -> vector<16xi32>
        %add3A_1896 = arith.addi %scan3A_1875, %all_reduce_population_count3A_1895 : vector<16xi32>
        %ge3A_1897 = arith.cmpi sge, %get3A_1893, %or3A_570 : vector<16xi32>
        %all_reduce_population_count3A_1898 = tpu.all_reduce %ge3A_1897 {dim = 0 : i64, kind = #tpu.reduction_kind<sum>} : vector<16xi1> -> vector<16xi32>
        %add3A_1899 = arith.addi %scan3A_1876, %all_reduce_population_count3A_1898 : vector<16xi32>
        %ge3A_1900 = arith.cmpi sge, %get3A_1893, %or3A_573 : vector<16xi32>
        %all_reduce_population_count3A_1901 = tpu.all_reduce %ge3A_1900 {dim = 0 : i64, kind = #tpu.reduction_kind<sum>} : vector<16xi1> -> vector<16xi32>
        %add3A_1902 = arith.addi %scan3A_1877, %all_reduce_population_count3A_1901 : vector<16xi32>
        %ge3A_1903 = arith.cmpi sge, %get3A_1893, %or3A_576 : vector<16xi32>
        %all_reduce_population_count3A_1904 = tpu.all_reduce %ge3A_1903 {dim = 0 : i64, kind = #tpu.reduction_kind<sum>} : vector<16xi1> -> vector<16xi32>
        %add3A_1905 = arith.addi %scan3A_1878, %all_reduce_population_count3A_1904 : vector<16xi32>
        %ge3A_1906 = arith.cmpi sge, %get3A_1893, %or3A_579 : vector<16xi32>
        %all_reduce_population_count3A_1907 = tpu.all_reduce %ge3A_1906 {dim = 0 : i64, kind = #tpu.reduction_kind<sum>} : vector<16xi1> -> vector<16xi32>
        %add3A_1908 = arith.addi %scan3A_1879, %all_reduce_population_count3A_1907 : vector<16xi32>
        %ge3A_1909 = arith.cmpi sge, %get3A_1893, %or3A_582 : vector<16xi32>
        %all_reduce_population_count3A_1910 = tpu.all_reduce %ge3A_1909 {dim = 0 : i64, kind = #tpu.reduction_kind<sum>} : vector<16xi1> -> vector<16xi32>
        %add3A_1911 = arith.addi %scan3A_1880, %all_reduce_population_count3A_1910 : vector<16xi32>
        %ge3A_1912 = arith.cmpi sge, %get3A_1893, %or3A_585 : vector<16xi32>
        %all_reduce_population_count3A_1913 = tpu.all_reduce %ge3A_1912 {dim = 0 : i64, kind = #tpu.reduction_kind<sum>} : vector<16xi1> -> vector<16xi32>
        %add3A_1914 = arith.addi %scan3A_1881, %all_reduce_population_count3A_1913 : vector<16xi32>
        %ge3A_1915 = arith.cmpi sge, %get3A_1893, %or3A_588 : vector<16xi32>
        %all_reduce_population_count3A_1916 = tpu.all_reduce %ge3A_1915 {dim = 0 : i64, kind = #tpu.reduction_kind<sum>} : vector<16xi1> -> vector<16xi32>
        %add3A_1917 = arith.addi %scan3A_1882, %all_reduce_population_count3A_1916 : vector<16xi32>
        %ge3A_1918 = arith.cmpi sge, %get3A_1893, %or3A_591 : vector<16xi32>
        %all_reduce_population_count3A_1919 = tpu.all_reduce %ge3A_1918 {dim = 0 : i64, kind = #tpu.reduction_kind<sum>} : vector<16xi1> -> vector<16xi32>
        %add3A_1920 = arith.addi %scan3A_1883, %all_reduce_population_count3A_1919 : vector<16xi32>
        %ge3A_1921 = arith.cmpi sge, %get3A_1893, %or3A_594 : vector<16xi32>
        %all_reduce_population_count3A_1922 = tpu.all_reduce %ge3A_1921 {dim = 0 : i64, kind = #tpu.reduction_kind<sum>} : vector<16xi1> -> vector<16xi32>
        %add3A_1923 = arith.addi %scan3A_1884, %all_reduce_population_count3A_1922 : vector<16xi32>
        %ge3A_1924 = arith.cmpi sge, %get3A_1893, %or3A_597 : vector<16xi32>
        %all_reduce_population_count3A_1925 = tpu.all_reduce %ge3A_1924 {dim = 0 : i64, kind = #tpu.reduction_kind<sum>} : vector<16xi1> -> vector<16xi32>
        %add3A_1926 = arith.addi %scan3A_1885, %all_reduce_population_count3A_1925 : vector<16xi32>
        %ge3A_1927 = arith.cmpi sge, %get3A_1893, %or3A_600 : vector<16xi32>
        %all_reduce_population_count3A_1928 = tpu.all_reduce %ge3A_1927 {dim = 0 : i64, kind = #tpu.reduction_kind<sum>} : vector<16xi1> -> vector<16xi32>
        %add3A_1929 = arith.addi %scan3A_1886, %all_reduce_population_count3A_1928 : vector<16xi32>
        %ge3A_1930 = arith.cmpi sge, %get3A_1893, %or3A_603 : vector<16xi32>
        %all_reduce_population_count3A_1931 = tpu.all_reduce %ge3A_1930 {dim = 0 : i64, kind = #tpu.reduction_kind<sum>} : vector<16xi1> -> vector<16xi32>
        %add3A_1932 = arith.addi %scan3A_1887, %all_reduce_population_count3A_1931 : vector<16xi32>
        %ge3A_1933 = arith.cmpi sge, %get3A_1893, %or3A_606 : vector<16xi32>
        %all_reduce_population_count3A_1934 = tpu.all_reduce %ge3A_1933 {dim = 0 : i64, kind = #tpu.reduction_kind<sum>} : vector<16xi1> -> vector<16xi32>
        %add3A_1935 = arith.addi %scan3A_1888, %all_reduce_population_count3A_1934 : vector<16xi32>
        %ge3A_1936 = arith.cmpi sge, %get3A_1893, %or3A_609 : vector<16xi32>
        %all_reduce_population_count3A_1937 = tpu.all_reduce %ge3A_1936 {dim = 0 : i64, kind = #tpu.reduction_kind<sum>} : vector<16xi1> -> vector<16xi32>
        %add3A_1938 = arith.addi %scan3A_1889, %all_reduce_population_count3A_1937 : vector<16xi32>
        scf.yield %add3A_1896, %add3A_1899, %add3A_1902, %add3A_1905, %add3A_1908, %add3A_1911, %add3A_1914, %add3A_1917, %add3A_1920, %add3A_1923, %add3A_1926, %add3A_1929, %add3A_1932, %add3A_1935, %add3A_1938 : vector<16xi32>, vector<16xi32>, vector<16xi32>, vector<16xi32>, vector<16xi32>, vector<16xi32>, vector<16xi32>, vector<16xi32>, vector<16xi32>, vector<16xi32>, vector<16xi32>, vector<16xi32>, vector<16xi32>, vector<16xi32>, vector<16xi32>
      }
      %scan3A_645 = arith.constant 32 : i32
      %broadcast_in_dim3A_646 = arith.constant 0 : i32
      %broadcast_in_dim3A_647 = vector.broadcast %broadcast_in_dim3A_646 : i32 to vector<16xi32>
      %eq3A_648 = arith.constant 0 : i32
      %eq3A_649 = vector.broadcast %eq3A_648 : i32 to vector<16xi32>
      %eq3A_650 = arith.cmpi eq, %iota3A, %eq3A_649 : vector<16xi32>
      %select_n3A_651 = arith.select %eq3A_650, %scan3A_644#0, %broadcast_in_dim3A_647 : vector<16xi1>, vector<16xi32>
      %eq3A_652 = arith.constant 1 : i32
      %eq3A_653 = vector.broadcast %eq3A_652 : i32 to vector<16xi32>
      %eq3A_654 = arith.cmpi eq, %iota3A, %eq3A_653 : vector<16xi32>
      %select_n3A_655 = arith.select %eq3A_654, %scan3A_644#1, %select_n3A_651 : vector<16xi1>, vector<16xi32>
      %eq3A_656 = arith.constant 2 : i32
      %eq3A_657 = vector.broadcast %eq3A_656 : i32 to vector<16xi32>
      %eq3A_658 = arith.cmpi eq, %iota3A, %eq3A_657 : vector<16xi32>
      %select_n3A_659 = arith.select %eq3A_658, %scan3A_644#2, %select_n3A_655 : vector<16xi1>, vector<16xi32>
      %eq3A_660 = arith.constant 3 : i32
      %eq3A_661 = vector.broadcast %eq3A_660 : i32 to vector<16xi32>
      %eq3A_662 = arith.cmpi eq, %iota3A, %eq3A_661 : vector<16xi32>
      %select_n3A_663 = arith.select %eq3A_662, %scan3A_644#3, %select_n3A_659 : vector<16xi1>, vector<16xi32>
      %eq3A_664 = arith.constant 4 : i32
      %eq3A_665 = vector.broadcast %eq3A_664 : i32 to vector<16xi32>
      %eq3A_666 = arith.cmpi eq, %iota3A, %eq3A_665 : vector<16xi32>
      %select_n3A_667 = arith.select %eq3A_666, %scan3A_644#4, %select_n3A_663 : vector<16xi1>, vector<16xi32>
      %eq3A_668 = arith.constant 5 : i32
      %eq3A_669 = vector.broadcast %eq3A_668 : i32 to vector<16xi32>
      %eq3A_670 = arith.cmpi eq, %iota3A, %eq3A_669 : vector<16xi32>
      %select_n3A_671 = arith.select %eq3A_670, %scan3A_644#5, %select_n3A_667 : vector<16xi1>, vector<16xi32>
      %eq3A_672 = arith.constant 6 : i32
      %eq3A_673 = vector.broadcast %eq3A_672 : i32 to vector<16xi32>
      %eq3A_674 = arith.cmpi eq, %iota3A, %eq3A_673 : vector<16xi32>
      %select_n3A_675 = arith.select %eq3A_674, %scan3A_644#6, %select_n3A_671 : vector<16xi1>, vector<16xi32>
      %eq3A_676 = arith.constant 7 : i32
      %eq3A_677 = vector.broadcast %eq3A_676 : i32 to vector<16xi32>
      %eq3A_678 = arith.cmpi eq, %iota3A, %eq3A_677 : vector<16xi32>
      %select_n3A_679 = arith.select %eq3A_678, %scan3A_644#7, %select_n3A_675 : vector<16xi1>, vector<16xi32>
      %eq3A_680 = arith.constant 8 : i32
      %eq3A_681 = vector.broadcast %eq3A_680 : i32 to vector<16xi32>
      %eq3A_682 = arith.cmpi eq, %iota3A, %eq3A_681 : vector<16xi32>
      %select_n3A_683 = arith.select %eq3A_682, %scan3A_644#8, %select_n3A_679 : vector<16xi1>, vector<16xi32>
      %eq3A_684 = arith.constant 9 : i32
      %eq3A_685 = vector.broadcast %eq3A_684 : i32 to vector<16xi32>
      %eq3A_686 = arith.cmpi eq, %iota3A, %eq3A_685 : vector<16xi32>
      %select_n3A_687 = arith.select %eq3A_686, %scan3A_644#9, %select_n3A_683 : vector<16xi1>, vector<16xi32>
      %eq3A_688 = arith.constant 10 : i32
      %eq3A_689 = vector.broadcast %eq3A_688 : i32 to vector<16xi32>
      %eq3A_690 = arith.cmpi eq, %iota3A, %eq3A_689 : vector<16xi32>
      %select_n3A_691 = arith.select %eq3A_690, %scan3A_644#10, %select_n3A_687 : vector<16xi1>, vector<16xi32>
      %eq3A_692 = arith.constant 11 : i32
      %eq3A_693 = vector.broadcast %eq3A_692 : i32 to vector<16xi32>
      %eq3A_694 = arith.cmpi eq, %iota3A, %eq3A_693 : vector<16xi32>
      %select_n3A_695 = arith.select %eq3A_694, %scan3A_644#11, %select_n3A_691 : vector<16xi1>, vector<16xi32>
      %eq3A_696 = arith.constant 12 : i32
      %eq3A_697 = vector.broadcast %eq3A_696 : i32 to vector<16xi32>
      %eq3A_698 = arith.cmpi eq, %iota3A, %eq3A_697 : vector<16xi32>
      %select_n3A_699 = arith.select %eq3A_698, %scan3A_644#12, %select_n3A_695 : vector<16xi1>, vector<16xi32>
      %eq3A_700 = arith.constant 13 : i32
      %eq3A_701 = vector.broadcast %eq3A_700 : i32 to vector<16xi32>
      %eq3A_702 = arith.cmpi eq, %iota3A, %eq3A_701 : vector<16xi32>
      %select_n3A_703 = arith.select %eq3A_702, %scan3A_644#13, %select_n3A_699 : vector<16xi1>, vector<16xi32>
      %eq3A_704 = arith.constant 14 : i32
      %eq3A_705 = vector.broadcast %eq3A_704 : i32 to vector<16xi32>
      %eq3A_706 = arith.cmpi eq, %iota3A, %eq3A_705 : vector<16xi32>
      %select_n3A_707 = arith.select %eq3A_706, %scan3A_644#14, %select_n3A_703 : vector<16xi1>, vector<16xi32>
      %swap3A_708 = arith.constant 0 : index
      %swap3A_709 = tpu.vector_load %arg5[%swap3A_708] {strides = array<i32>} : memref<16xi32, #tpu.memory_space<vmem>>, vector<16xi32>,
      tpu.vector_store %arg5[%swap3A_708], %select_n3A_707 {strides = array<i32>} : memref<16xi32, #tpu.memory_space<vmem>>, vector<16xi32>,
      %add3A_710 = arith.constant 64 : i32
      %add3A_711 = vector.broadcast %add3A_710 : i32 to vector<16xi32>
      %add3A_712 = arith.addi %iota3A, %add3A_711 : vector<16xi32>
      "tpu.region"() ({
        %run_scoped3A = tpu.sem_alloc : memref<!tpu.dma_semaphore, #tpu.memory_space<semaphore_mem>>
        %dma_start3A = arith.constant 0 : i32
        %dma_start3A_1874 = tpu.memref_slice %arg8[%dma_start3A] : memref<256xi32, #tpu.memory_space<vmem_shared>> -> memref<256xi32, #tpu.memory_space<vmem_shared>>
        tpu.enqueue_indirect_dma source(%arg5 : memref<16xi32, #tpu.memory_space<vmem>>) target(%dma_start3A_1874 : memref<256xi32, #tpu.memory_space<vmem_shared>>) offsets(%add3A_712 : vector<16xi32>) semaphore(%run_scoped3A : memref<!tpu.dma_semaphore, #tpu.memory_space<semaphore_mem>>) {add = true}
        %dma_wait3A = arith.constant 0 : i32
        %dma_wait3A_1875 = tpu.memref_slice %arg8[%dma_wait3A] : memref<256xi32, #tpu.memory_space<vmem_shared>> -> memref<256xi32, #tpu.memory_space<vmem_shared>>
        tpu.wait_indirect_dma semaphore(%run_scoped3A : memref<!tpu.dma_semaphore, #tpu.memory_space<semaphore_mem>>) src(%arg5 : memref<16xi32, #tpu.memory_space<vmem>>) dst(%dma_wait3A_1875 : memref<256xi32, #tpu.memory_space<vmem_shared>>)
        tpu.yield
      }) : () -> ()
      %barrier3A_713 = arith.constant 0 : index
      tpu.barrier barrier_id(%barrier3A_713)
      "tpu.region"() ({
        %run_scoped3A = tpu.sem_alloc : memref<!tpu.dma_semaphore, #tpu.memory_space<semaphore_mem>>
        %dma_start3A = arith.constant 64 : i32
        %dma_start3A_1874 = tpu.memref_slice %arg8[%dma_start3A] : memref<256xi32, #tpu.memory_space<vmem_shared>> -> memref<16xi32, #tpu.memory_space<vmem_shared>>
        %dma_start3A_1875 = arith.constant 64 : i32
        %dma_start3A_1876 = tpu.memref_slice %arg8[%dma_start3A_1875] : memref<256xi32, #tpu.memory_space<vmem_shared>> -> memref<16xi32, #tpu.memory_space<vmem_shared>>
        tpu.enqueue_dma source(%dma_start3A_1876 : memref<16xi32, #tpu.memory_space<vmem_shared>>) target(%arg5 : memref<16xi32, #tpu.memory_space<vmem>>) target_semaphore(%run_scoped3A : memref<!tpu.dma_semaphore, #tpu.memory_space<semaphore_mem>>)
        %dma_wait3A = arith.constant 64 : i32
        %dma_wait3A_1877 = tpu.memref_slice %arg8[%dma_wait3A] : memref<256xi32, #tpu.memory_space<vmem_shared>> -> memref<16xi32, #tpu.memory_space<vmem_shared>>
        %dma_wait3A_1878 = arith.constant 64 : i32
        %dma_wait3A_1879 = tpu.memref_slice %arg8[%dma_wait3A_1878] : memref<256xi32, #tpu.memory_space<vmem_shared>> -> memref<16xi32, #tpu.memory_space<vmem_shared>>
        tpu.wait_dma2 semaphore(%run_scoped3A : memref<!tpu.dma_semaphore, #tpu.memory_space<semaphore_mem>>) src(%dma_wait3A_1879 : memref<16xi32, #tpu.memory_space<vmem_shared>>) dst(%arg5 : memref<16xi32, #tpu.memory_space<vmem>>)
        tpu.yield
      }) : () -> ()
      %get3A_714 = arith.constant 0 : index
      %get3A_715 = tpu.vector_load %arg5[%get3A_714] {strides = array<i32>} : memref<16xi32, #tpu.memory_space<vmem>>, vector<16xi32>,
      %ge3A_716 = arith.cmpi sge, %get3A_715, %broadcast_in_dim3A_13 : vector<16xi32>
      %all_reduce_population_count3A_717 = tpu.all_reduce %ge3A_716 {dim = 0 : i64, kind = #tpu.reduction_kind<sum>} : vector<16xi1> -> vector<16xi32>
      %shift_left3A_718 = arith.constant 12 : i32
      %shift_left3A_719 = vector.broadcast %shift_left3A_718 : i32 to vector<16xi32>
      %shift_left3A_720 = arith.shli %all_reduce_population_count3A_717, %shift_left3A_719 : vector<16xi32>
      %or3A_721 = arith.ori %or3A_564, %shift_left3A_720 : vector<16xi32>
      %or3A_722 = arith.constant 256 : i32
      %or3A_723 = vector.broadcast %or3A_722 : i32 to vector<16xi32>
      %or3A_724 = arith.ori %or3A_721, %or3A_723 : vector<16xi32>
      %or3A_725 = arith.constant 512 : i32
      %or3A_726 = vector.broadcast %or3A_725 : i32 to vector<16xi32>
      %or3A_727 = arith.ori %or3A_721, %or3A_726 : vector<16xi32>
      %or3A_728 = arith.constant 768 : i32
      %or3A_729 = vector.broadcast %or3A_728 : i32 to vector<16xi32>
      %or3A_730 = arith.ori %or3A_721, %or3A_729 : vector<16xi32>
      %or3A_731 = arith.constant 1024 : i32
      %or3A_732 = vector.broadcast %or3A_731 : i32 to vector<16xi32>
      %or3A_733 = arith.ori %or3A_721, %or3A_732 : vector<16xi32>
      %or3A_734 = arith.constant 1280 : i32
      %or3A_735 = vector.broadcast %or3A_734 : i32 to vector<16xi32>
      %or3A_736 = arith.ori %or3A_721, %or3A_735 : vector<16xi32>
      %or3A_737 = arith.constant 1536 : i32
      %or3A_738 = vector.broadcast %or3A_737 : i32 to vector<16xi32>
      %or3A_739 = arith.ori %or3A_721, %or3A_738 : vector<16xi32>
      %or3A_740 = arith.constant 1792 : i32
      %or3A_741 = vector.broadcast %or3A_740 : i32 to vector<16xi32>
      %or3A_742 = arith.ori %or3A_721, %or3A_741 : vector<16xi32>
      %or3A_743 = arith.constant 2048 : i32
      %or3A_744 = vector.broadcast %or3A_743 : i32 to vector<16xi32>
      %or3A_745 = arith.ori %or3A_721, %or3A_744 : vector<16xi32>
      %or3A_746 = arith.constant 2304 : i32
      %or3A_747 = vector.broadcast %or3A_746 : i32 to vector<16xi32>
      %or3A_748 = arith.ori %or3A_721, %or3A_747 : vector<16xi32>
      %or3A_749 = arith.constant 2560 : i32
      %or3A_750 = vector.broadcast %or3A_749 : i32 to vector<16xi32>
      %or3A_751 = arith.ori %or3A_721, %or3A_750 : vector<16xi32>
      %or3A_752 = arith.constant 2816 : i32
      %or3A_753 = vector.broadcast %or3A_752 : i32 to vector<16xi32>
      %or3A_754 = arith.ori %or3A_721, %or3A_753 : vector<16xi32>
      %or3A_755 = arith.constant 3072 : i32
      %or3A_756 = vector.broadcast %or3A_755 : i32 to vector<16xi32>
      %or3A_757 = arith.ori %or3A_721, %or3A_756 : vector<16xi32>
      %or3A_758 = arith.constant 3328 : i32
      %or3A_759 = vector.broadcast %or3A_758 : i32 to vector<16xi32>
      %or3A_760 = arith.ori %or3A_721, %or3A_759 : vector<16xi32>
      %or3A_761 = arith.constant 3584 : i32
      %or3A_762 = vector.broadcast %or3A_761 : i32 to vector<16xi32>
      %or3A_763 = arith.ori %or3A_721, %or3A_762 : vector<16xi32>
      %or3A_764 = arith.constant 3840 : i32
      %or3A_765 = vector.broadcast %or3A_764 : i32 to vector<16xi32>
      %or3A_766 = arith.ori %or3A_721, %or3A_765 : vector<16xi32>
      %broadcast_in_dim3A_767 = arith.constant 0 : i32
      %broadcast_in_dim3A_768 = vector.broadcast %broadcast_in_dim3A_767 : i32 to vector<16xi32>
      %broadcast_in_dim3A_769 = arith.constant 0 : i32
      %broadcast_in_dim3A_770 = vector.broadcast %broadcast_in_dim3A_769 : i32 to vector<16xi32>
      %broadcast_in_dim3A_771 = arith.constant 0 : i32
      %broadcast_in_dim3A_772 = vector.broadcast %broadcast_in_dim3A_771 : i32 to vector<16xi32>
      %broadcast_in_dim3A_773 = arith.constant 0 : i32
      %broadcast_in_dim3A_774 = vector.broadcast %broadcast_in_dim3A_773 : i32 to vector<16xi32>
      %broadcast_in_dim3A_775 = arith.constant 0 : i32
      %broadcast_in_dim3A_776 = vector.broadcast %broadcast_in_dim3A_775 : i32 to vector<16xi32>
      %broadcast_in_dim3A_777 = arith.constant 0 : i32
      %broadcast_in_dim3A_778 = vector.broadcast %broadcast_in_dim3A_777 : i32 to vector<16xi32>
      %broadcast_in_dim3A_779 = arith.constant 0 : i32
      %broadcast_in_dim3A_780 = vector.broadcast %broadcast_in_dim3A_779 : i32 to vector<16xi32>
      %broadcast_in_dim3A_781 = arith.constant 0 : i32
      %broadcast_in_dim3A_782 = vector.broadcast %broadcast_in_dim3A_781 : i32 to vector<16xi32>
      %broadcast_in_dim3A_783 = arith.constant 0 : i32
      %broadcast_in_dim3A_784 = vector.broadcast %broadcast_in_dim3A_783 : i32 to vector<16xi32>
      %broadcast_in_dim3A_785 = arith.constant 0 : i32
      %broadcast_in_dim3A_786 = vector.broadcast %broadcast_in_dim3A_785 : i32 to vector<16xi32>
      %broadcast_in_dim3A_787 = arith.constant 0 : i32
      %broadcast_in_dim3A_788 = vector.broadcast %broadcast_in_dim3A_787 : i32 to vector<16xi32>
      %broadcast_in_dim3A_789 = arith.constant 0 : i32
      %broadcast_in_dim3A_790 = vector.broadcast %broadcast_in_dim3A_789 : i32 to vector<16xi32>
      %broadcast_in_dim3A_791 = arith.constant 0 : i32
      %broadcast_in_dim3A_792 = vector.broadcast %broadcast_in_dim3A_791 : i32 to vector<16xi32>
      %broadcast_in_dim3A_793 = arith.constant 0 : i32
      %broadcast_in_dim3A_794 = vector.broadcast %broadcast_in_dim3A_793 : i32 to vector<16xi32>
      %broadcast_in_dim3A_795 = arith.constant 0 : i32
      %broadcast_in_dim3A_796 = vector.broadcast %broadcast_in_dim3A_795 : i32 to vector<16xi32>
      %scan3A_797 = arith.constant 0 : i32
      %scan3A_798 = arith.constant 32 : i32
      %scan3A_799 = arith.addi %scan3A_797, %scan3A_798 : i32
      %scan3A_800 = arith.constant 1 : i32
      %scan3A_801:15 = scf.for %scan3A_1874 = %scan3A_797 to %scan3A_799 step %scan3A_800 iter_args(%scan3A_1875 = %broadcast_in_dim3A_768, %scan3A_1876 = %broadcast_in_dim3A_770, %scan3A_1877 = %broadcast_in_dim3A_772, %scan3A_1878 = %broadcast_in_dim3A_774, %scan3A_1879 = %broadcast_in_dim3A_776, %scan3A_1880 = %broadcast_in_dim3A_778, %scan3A_1881 = %broadcast_in_dim3A_780, %scan3A_1882 = %broadcast_in_dim3A_782, %scan3A_1883 = %broadcast_in_dim3A_784, %scan3A_1884 = %broadcast_in_dim3A_786, %scan3A_1885 = %broadcast_in_dim3A_788, %scan3A_1886 = %broadcast_in_dim3A_790, %scan3A_1887 = %broadcast_in_dim3A_792, %scan3A_1888 = %broadcast_in_dim3A_794, %scan3A_1889 = %broadcast_in_dim3A_796) -> (vector<16xi32>, vector<16xi32>, vector<16xi32>, vector<16xi32>, vector<16xi32>, vector<16xi32>, vector<16xi32>, vector<16xi32>, vector<16xi32>, vector<16xi32>, vector<16xi32>, vector<16xi32>, vector<16xi32>, vector<16xi32>, vector<16xi32>)  : i32 {
        %mul3A_1890 = arith.constant 16 : i32
        %mul3A_1891 = arith.muli %scan3A_1874, %mul3A_1890 : i32
        %get3A_1892 = arith.index_cast %mul3A_1891 : i32 to index
        %get3A_1893 = tpu.vector_load %arg4[%get3A_1892] {strides = array<i32>} : memref<512xi32, #tpu.memory_space<vmem>>, vector<16xi32>,
        %ge3A_1894 = arith.cmpi sge, %get3A_1893, %or3A_724 : vector<16xi32>
        %all_reduce_population_count3A_1895 = tpu.all_reduce %ge3A_1894 {dim = 0 : i64, kind = #tpu.reduction_kind<sum>} : vector<16xi1> -> vector<16xi32>
        %add3A_1896 = arith.addi %scan3A_1875, %all_reduce_population_count3A_1895 : vector<16xi32>
        %ge3A_1897 = arith.cmpi sge, %get3A_1893, %or3A_727 : vector<16xi32>
        %all_reduce_population_count3A_1898 = tpu.all_reduce %ge3A_1897 {dim = 0 : i64, kind = #tpu.reduction_kind<sum>} : vector<16xi1> -> vector<16xi32>
        %add3A_1899 = arith.addi %scan3A_1876, %all_reduce_population_count3A_1898 : vector<16xi32>
        %ge3A_1900 = arith.cmpi sge, %get3A_1893, %or3A_730 : vector<16xi32>
        %all_reduce_population_count3A_1901 = tpu.all_reduce %ge3A_1900 {dim = 0 : i64, kind = #tpu.reduction_kind<sum>} : vector<16xi1> -> vector<16xi32>
        %add3A_1902 = arith.addi %scan3A_1877, %all_reduce_population_count3A_1901 : vector<16xi32>
        %ge3A_1903 = arith.cmpi sge, %get3A_1893, %or3A_733 : vector<16xi32>
        %all_reduce_population_count3A_1904 = tpu.all_reduce %ge3A_1903 {dim = 0 : i64, kind = #tpu.reduction_kind<sum>} : vector<16xi1> -> vector<16xi32>
        %add3A_1905 = arith.addi %scan3A_1878, %all_reduce_population_count3A_1904 : vector<16xi32>
        %ge3A_1906 = arith.cmpi sge, %get3A_1893, %or3A_736 : vector<16xi32>
        %all_reduce_population_count3A_1907 = tpu.all_reduce %ge3A_1906 {dim = 0 : i64, kind = #tpu.reduction_kind<sum>} : vector<16xi1> -> vector<16xi32>
        %add3A_1908 = arith.addi %scan3A_1879, %all_reduce_population_count3A_1907 : vector<16xi32>
        %ge3A_1909 = arith.cmpi sge, %get3A_1893, %or3A_739 : vector<16xi32>
        %all_reduce_population_count3A_1910 = tpu.all_reduce %ge3A_1909 {dim = 0 : i64, kind = #tpu.reduction_kind<sum>} : vector<16xi1> -> vector<16xi32>
        %add3A_1911 = arith.addi %scan3A_1880, %all_reduce_population_count3A_1910 : vector<16xi32>
        %ge3A_1912 = arith.cmpi sge, %get3A_1893, %or3A_742 : vector<16xi32>
        %all_reduce_population_count3A_1913 = tpu.all_reduce %ge3A_1912 {dim = 0 : i64, kind = #tpu.reduction_kind<sum>} : vector<16xi1> -> vector<16xi32>
        %add3A_1914 = arith.addi %scan3A_1881, %all_reduce_population_count3A_1913 : vector<16xi32>
        %ge3A_1915 = arith.cmpi sge, %get3A_1893, %or3A_745 : vector<16xi32>
        %all_reduce_population_count3A_1916 = tpu.all_reduce %ge3A_1915 {dim = 0 : i64, kind = #tpu.reduction_kind<sum>} : vector<16xi1> -> vector<16xi32>
        %add3A_1917 = arith.addi %scan3A_1882, %all_reduce_population_count3A_1916 : vector<16xi32>
        %ge3A_1918 = arith.cmpi sge, %get3A_1893, %or3A_748 : vector<16xi32>
        %all_reduce_population_count3A_1919 = tpu.all_reduce %ge3A_1918 {dim = 0 : i64, kind = #tpu.reduction_kind<sum>} : vector<16xi1> -> vector<16xi32>
        %add3A_1920 = arith.addi %scan3A_1883, %all_reduce_population_count3A_1919 : vector<16xi32>
        %ge3A_1921 = arith.cmpi sge, %get3A_1893, %or3A_751 : vector<16xi32>
        %all_reduce_population_count3A_1922 = tpu.all_reduce %ge3A_1921 {dim = 0 : i64, kind = #tpu.reduction_kind<sum>} : vector<16xi1> -> vector<16xi32>
        %add3A_1923 = arith.addi %scan3A_1884, %all_reduce_population_count3A_1922 : vector<16xi32>
        %ge3A_1924 = arith.cmpi sge, %get3A_1893, %or3A_754 : vector<16xi32>
        %all_reduce_population_count3A_1925 = tpu.all_reduce %ge3A_1924 {dim = 0 : i64, kind = #tpu.reduction_kind<sum>} : vector<16xi1> -> vector<16xi32>
        %add3A_1926 = arith.addi %scan3A_1885, %all_reduce_population_count3A_1925 : vector<16xi32>
        %ge3A_1927 = arith.cmpi sge, %get3A_1893, %or3A_757 : vector<16xi32>
        %all_reduce_population_count3A_1928 = tpu.all_reduce %ge3A_1927 {dim = 0 : i64, kind = #tpu.reduction_kind<sum>} : vector<16xi1> -> vector<16xi32>
        %add3A_1929 = arith.addi %scan3A_1886, %all_reduce_population_count3A_1928 : vector<16xi32>
        %ge3A_1930 = arith.cmpi sge, %get3A_1893, %or3A_760 : vector<16xi32>
        %all_reduce_population_count3A_1931 = tpu.all_reduce %ge3A_1930 {dim = 0 : i64, kind = #tpu.reduction_kind<sum>} : vector<16xi1> -> vector<16xi32>
        %add3A_1932 = arith.addi %scan3A_1887, %all_reduce_population_count3A_1931 : vector<16xi32>
        %ge3A_1933 = arith.cmpi sge, %get3A_1893, %or3A_763 : vector<16xi32>
        %all_reduce_population_count3A_1934 = tpu.all_reduce %ge3A_1933 {dim = 0 : i64, kind = #tpu.reduction_kind<sum>} : vector<16xi1> -> vector<16xi32>
        %add3A_1935 = arith.addi %scan3A_1888, %all_reduce_population_count3A_1934 : vector<16xi32>
        %ge3A_1936 = arith.cmpi sge, %get3A_1893, %or3A_766 : vector<16xi32>
        %all_reduce_population_count3A_1937 = tpu.all_reduce %ge3A_1936 {dim = 0 : i64, kind = #tpu.reduction_kind<sum>} : vector<16xi1> -> vector<16xi32>
        %add3A_1938 = arith.addi %scan3A_1889, %all_reduce_population_count3A_1937 : vector<16xi32>
        scf.yield %add3A_1896, %add3A_1899, %add3A_1902, %add3A_1905, %add3A_1908, %add3A_1911, %add3A_1914, %add3A_1917, %add3A_1920, %add3A_1923, %add3A_1926, %add3A_1929, %add3A_1932, %add3A_1935, %add3A_1938 : vector<16xi32>, vector<16xi32>, vector<16xi32>, vector<16xi32>, vector<16xi32>, vector<16xi32>, vector<16xi32>, vector<16xi32>, vector<16xi32>, vector<16xi32>, vector<16xi32>, vector<16xi32>, vector<16xi32>, vector<16xi32>, vector<16xi32>
      }
      %scan3A_802 = arith.constant 32 : i32
      %broadcast_in_dim3A_803 = arith.constant 0 : i32
      %broadcast_in_dim3A_804 = vector.broadcast %broadcast_in_dim3A_803 : i32 to vector<16xi32>
      %eq3A_805 = arith.constant 0 : i32
      %eq3A_806 = vector.broadcast %eq3A_805 : i32 to vector<16xi32>
      %eq3A_807 = arith.cmpi eq, %iota3A, %eq3A_806 : vector<16xi32>
      %select_n3A_808 = arith.select %eq3A_807, %scan3A_801#0, %broadcast_in_dim3A_804 : vector<16xi1>, vector<16xi32>
      %eq3A_809 = arith.constant 1 : i32
      %eq3A_810 = vector.broadcast %eq3A_809 : i32 to vector<16xi32>
      %eq3A_811 = arith.cmpi eq, %iota3A, %eq3A_810 : vector<16xi32>
      %select_n3A_812 = arith.select %eq3A_811, %scan3A_801#1, %select_n3A_808 : vector<16xi1>, vector<16xi32>
      %eq3A_813 = arith.constant 2 : i32
      %eq3A_814 = vector.broadcast %eq3A_813 : i32 to vector<16xi32>
      %eq3A_815 = arith.cmpi eq, %iota3A, %eq3A_814 : vector<16xi32>
      %select_n3A_816 = arith.select %eq3A_815, %scan3A_801#2, %select_n3A_812 : vector<16xi1>, vector<16xi32>
      %eq3A_817 = arith.constant 3 : i32
      %eq3A_818 = vector.broadcast %eq3A_817 : i32 to vector<16xi32>
      %eq3A_819 = arith.cmpi eq, %iota3A, %eq3A_818 : vector<16xi32>
      %select_n3A_820 = arith.select %eq3A_819, %scan3A_801#3, %select_n3A_816 : vector<16xi1>, vector<16xi32>
      %eq3A_821 = arith.constant 4 : i32
      %eq3A_822 = vector.broadcast %eq3A_821 : i32 to vector<16xi32>
      %eq3A_823 = arith.cmpi eq, %iota3A, %eq3A_822 : vector<16xi32>
      %select_n3A_824 = arith.select %eq3A_823, %scan3A_801#4, %select_n3A_820 : vector<16xi1>, vector<16xi32>
      %eq3A_825 = arith.constant 5 : i32
      %eq3A_826 = vector.broadcast %eq3A_825 : i32 to vector<16xi32>
      %eq3A_827 = arith.cmpi eq, %iota3A, %eq3A_826 : vector<16xi32>
      %select_n3A_828 = arith.select %eq3A_827, %scan3A_801#5, %select_n3A_824 : vector<16xi1>, vector<16xi32>
      %eq3A_829 = arith.constant 6 : i32
      %eq3A_830 = vector.broadcast %eq3A_829 : i32 to vector<16xi32>
      %eq3A_831 = arith.cmpi eq, %iota3A, %eq3A_830 : vector<16xi32>
      %select_n3A_832 = arith.select %eq3A_831, %scan3A_801#6, %select_n3A_828 : vector<16xi1>, vector<16xi32>
      %eq3A_833 = arith.constant 7 : i32
      %eq3A_834 = vector.broadcast %eq3A_833 : i32 to vector<16xi32>
      %eq3A_835 = arith.cmpi eq, %iota3A, %eq3A_834 : vector<16xi32>
      %select_n3A_836 = arith.select %eq3A_835, %scan3A_801#7, %select_n3A_832 : vector<16xi1>, vector<16xi32>
      %eq3A_837 = arith.constant 8 : i32
      %eq3A_838 = vector.broadcast %eq3A_837 : i32 to vector<16xi32>
      %eq3A_839 = arith.cmpi eq, %iota3A, %eq3A_838 : vector<16xi32>
      %select_n3A_840 = arith.select %eq3A_839, %scan3A_801#8, %select_n3A_836 : vector<16xi1>, vector<16xi32>
      %eq3A_841 = arith.constant 9 : i32
      %eq3A_842 = vector.broadcast %eq3A_841 : i32 to vector<16xi32>
      %eq3A_843 = arith.cmpi eq, %iota3A, %eq3A_842 : vector<16xi32>
      %select_n3A_844 = arith.select %eq3A_843, %scan3A_801#9, %select_n3A_840 : vector<16xi1>, vector<16xi32>
      %eq3A_845 = arith.constant 10 : i32
      %eq3A_846 = vector.broadcast %eq3A_845 : i32 to vector<16xi32>
      %eq3A_847 = arith.cmpi eq, %iota3A, %eq3A_846 : vector<16xi32>
      %select_n3A_848 = arith.select %eq3A_847, %scan3A_801#10, %select_n3A_844 : vector<16xi1>, vector<16xi32>
      %eq3A_849 = arith.constant 11 : i32
      %eq3A_850 = vector.broadcast %eq3A_849 : i32 to vector<16xi32>
      %eq3A_851 = arith.cmpi eq, %iota3A, %eq3A_850 : vector<16xi32>
      %select_n3A_852 = arith.select %eq3A_851, %scan3A_801#11, %select_n3A_848 : vector<16xi1>, vector<16xi32>
      %eq3A_853 = arith.constant 12 : i32
      %eq3A_854 = vector.broadcast %eq3A_853 : i32 to vector<16xi32>
      %eq3A_855 = arith.cmpi eq, %iota3A, %eq3A_854 : vector<16xi32>
      %select_n3A_856 = arith.select %eq3A_855, %scan3A_801#12, %select_n3A_852 : vector<16xi1>, vector<16xi32>
      %eq3A_857 = arith.constant 13 : i32
      %eq3A_858 = vector.broadcast %eq3A_857 : i32 to vector<16xi32>
      %eq3A_859 = arith.cmpi eq, %iota3A, %eq3A_858 : vector<16xi32>
      %select_n3A_860 = arith.select %eq3A_859, %scan3A_801#13, %select_n3A_856 : vector<16xi1>, vector<16xi32>
      %eq3A_861 = arith.constant 14 : i32
      %eq3A_862 = vector.broadcast %eq3A_861 : i32 to vector<16xi32>
      %eq3A_863 = arith.cmpi eq, %iota3A, %eq3A_862 : vector<16xi32>
      %select_n3A_864 = arith.select %eq3A_863, %scan3A_801#14, %select_n3A_860 : vector<16xi1>, vector<16xi32>
      %swap3A_865 = arith.constant 0 : index
      %swap3A_866 = tpu.vector_load %arg5[%swap3A_865] {strides = array<i32>} : memref<16xi32, #tpu.memory_space<vmem>>, vector<16xi32>,
      tpu.vector_store %arg5[%swap3A_865], %select_n3A_864 {strides = array<i32>} : memref<16xi32, #tpu.memory_space<vmem>>, vector<16xi32>,
      %add3A_867 = arith.constant 80 : i32
      %add3A_868 = vector.broadcast %add3A_867 : i32 to vector<16xi32>
      %add3A_869 = arith.addi %iota3A, %add3A_868 : vector<16xi32>
      "tpu.region"() ({
        %run_scoped3A = tpu.sem_alloc : memref<!tpu.dma_semaphore, #tpu.memory_space<semaphore_mem>>
        %dma_start3A = arith.constant 0 : i32
        %dma_start3A_1874 = tpu.memref_slice %arg8[%dma_start3A] : memref<256xi32, #tpu.memory_space<vmem_shared>> -> memref<256xi32, #tpu.memory_space<vmem_shared>>
        tpu.enqueue_indirect_dma source(%arg5 : memref<16xi32, #tpu.memory_space<vmem>>) target(%dma_start3A_1874 : memref<256xi32, #tpu.memory_space<vmem_shared>>) offsets(%add3A_869 : vector<16xi32>) semaphore(%run_scoped3A : memref<!tpu.dma_semaphore, #tpu.memory_space<semaphore_mem>>) {add = true}
        %dma_wait3A = arith.constant 0 : i32
        %dma_wait3A_1875 = tpu.memref_slice %arg8[%dma_wait3A] : memref<256xi32, #tpu.memory_space<vmem_shared>> -> memref<256xi32, #tpu.memory_space<vmem_shared>>
        tpu.wait_indirect_dma semaphore(%run_scoped3A : memref<!tpu.dma_semaphore, #tpu.memory_space<semaphore_mem>>) src(%arg5 : memref<16xi32, #tpu.memory_space<vmem>>) dst(%dma_wait3A_1875 : memref<256xi32, #tpu.memory_space<vmem_shared>>)
        tpu.yield
      }) : () -> ()
      %barrier3A_870 = arith.constant 0 : index
      tpu.barrier barrier_id(%barrier3A_870)
      "tpu.region"() ({
        %run_scoped3A = tpu.sem_alloc : memref<!tpu.dma_semaphore, #tpu.memory_space<semaphore_mem>>
        %dma_start3A = arith.constant 80 : i32
        %dma_start3A_1874 = tpu.memref_slice %arg8[%dma_start3A] : memref<256xi32, #tpu.memory_space<vmem_shared>> -> memref<16xi32, #tpu.memory_space<vmem_shared>>
        %dma_start3A_1875 = arith.constant 80 : i32
        %dma_start3A_1876 = tpu.memref_slice %arg8[%dma_start3A_1875] : memref<256xi32, #tpu.memory_space<vmem_shared>> -> memref<16xi32, #tpu.memory_space<vmem_shared>>
        tpu.enqueue_dma source(%dma_start3A_1876 : memref<16xi32, #tpu.memory_space<vmem_shared>>) target(%arg5 : memref<16xi32, #tpu.memory_space<vmem>>) target_semaphore(%run_scoped3A : memref<!tpu.dma_semaphore, #tpu.memory_space<semaphore_mem>>)
        %dma_wait3A = arith.constant 80 : i32
        %dma_wait3A_1877 = tpu.memref_slice %arg8[%dma_wait3A] : memref<256xi32, #tpu.memory_space<vmem_shared>> -> memref<16xi32, #tpu.memory_space<vmem_shared>>
        %dma_wait3A_1878 = arith.constant 80 : i32
        %dma_wait3A_1879 = tpu.memref_slice %arg8[%dma_wait3A_1878] : memref<256xi32, #tpu.memory_space<vmem_shared>> -> memref<16xi32, #tpu.memory_space<vmem_shared>>
        tpu.wait_dma2 semaphore(%run_scoped3A : memref<!tpu.dma_semaphore, #tpu.memory_space<semaphore_mem>>) src(%dma_wait3A_1879 : memref<16xi32, #tpu.memory_space<vmem_shared>>) dst(%arg5 : memref<16xi32, #tpu.memory_space<vmem>>)
        tpu.yield
      }) : () -> ()
      %get3A_871 = arith.constant 0 : index
      %get3A_872 = tpu.vector_load %arg5[%get3A_871] {strides = array<i32>} : memref<16xi32, #tpu.memory_space<vmem>>, vector<16xi32>,
      %ge3A_873 = arith.cmpi sge, %get3A_872, %broadcast_in_dim3A_13 : vector<16xi32>
      %all_reduce_population_count3A_874 = tpu.all_reduce %ge3A_873 {dim = 0 : i64, kind = #tpu.reduction_kind<sum>} : vector<16xi1> -> vector<16xi32>
      %shift_left3A_875 = arith.constant 8 : i32
      %shift_left3A_876 = vector.broadcast %shift_left3A_875 : i32 to vector<16xi32>
      %shift_left3A_877 = arith.shli %all_reduce_population_count3A_874, %shift_left3A_876 : vector<16xi32>
      %or3A_878 = arith.ori %or3A_721, %shift_left3A_877 : vector<16xi32>
      %or3A_879 = arith.constant 16 : i32
      %or3A_880 = vector.broadcast %or3A_879 : i32 to vector<16xi32>
      %or3A_881 = arith.ori %or3A_878, %or3A_880 : vector<16xi32>
      %or3A_882 = arith.constant 32 : i32
      %or3A_883 = vector.broadcast %or3A_882 : i32 to vector<16xi32>
      %or3A_884 = arith.ori %or3A_878, %or3A_883 : vector<16xi32>
      %or3A_885 = arith.constant 48 : i32
      %or3A_886 = vector.broadcast %or3A_885 : i32 to vector<16xi32>
      %or3A_887 = arith.ori %or3A_878, %or3A_886 : vector<16xi32>
      %or3A_888 = arith.constant 64 : i32
      %or3A_889 = vector.broadcast %or3A_888 : i32 to vector<16xi32>
      %or3A_890 = arith.ori %or3A_878, %or3A_889 : vector<16xi32>
      %or3A_891 = arith.constant 80 : i32
      %or3A_892 = vector.broadcast %or3A_891 : i32 to vector<16xi32>
      %or3A_893 = arith.ori %or3A_878, %or3A_892 : vector<16xi32>
      %or3A_894 = arith.constant 96 : i32
      %or3A_895 = vector.broadcast %or3A_894 : i32 to vector<16xi32>
      %or3A_896 = arith.ori %or3A_878, %or3A_895 : vector<16xi32>
      %or3A_897 = arith.constant 112 : i32
      %or3A_898 = vector.broadcast %or3A_897 : i32 to vector<16xi32>
      %or3A_899 = arith.ori %or3A_878, %or3A_898 : vector<16xi32>
      %or3A_900 = arith.constant 128 : i32
      %or3A_901 = vector.broadcast %or3A_900 : i32 to vector<16xi32>
      %or3A_902 = arith.ori %or3A_878, %or3A_901 : vector<16xi32>
      %or3A_903 = arith.constant 144 : i32
      %or3A_904 = vector.broadcast %or3A_903 : i32 to vector<16xi32>
      %or3A_905 = arith.ori %or3A_878, %or3A_904 : vector<16xi32>
      %or3A_906 = arith.constant 160 : i32
      %or3A_907 = vector.broadcast %or3A_906 : i32 to vector<16xi32>
      %or3A_908 = arith.ori %or3A_878, %or3A_907 : vector<16xi32>
      %or3A_909 = arith.constant 176 : i32
      %or3A_910 = vector.broadcast %or3A_909 : i32 to vector<16xi32>
      %or3A_911 = arith.ori %or3A_878, %or3A_910 : vector<16xi32>
      %or3A_912 = arith.constant 192 : i32
      %or3A_913 = vector.broadcast %or3A_912 : i32 to vector<16xi32>
      %or3A_914 = arith.ori %or3A_878, %or3A_913 : vector<16xi32>
      %or3A_915 = arith.constant 208 : i32
      %or3A_916 = vector.broadcast %or3A_915 : i32 to vector<16xi32>
      %or3A_917 = arith.ori %or3A_878, %or3A_916 : vector<16xi32>
      %or3A_918 = arith.constant 224 : i32
      %or3A_919 = vector.broadcast %or3A_918 : i32 to vector<16xi32>
      %or3A_920 = arith.ori %or3A_878, %or3A_919 : vector<16xi32>
      %or3A_921 = arith.constant 240 : i32
      %or3A_922 = vector.broadcast %or3A_921 : i32 to vector<16xi32>
      %or3A_923 = arith.ori %or3A_878, %or3A_922 : vector<16xi32>
      %broadcast_in_dim3A_924 = arith.constant 0 : i32
      %broadcast_in_dim3A_925 = vector.broadcast %broadcast_in_dim3A_924 : i32 to vector<16xi32>
      %broadcast_in_dim3A_926 = arith.constant 0 : i32
      %broadcast_in_dim3A_927 = vector.broadcast %broadcast_in_dim3A_926 : i32 to vector<16xi32>
      %broadcast_in_dim3A_928 = arith.constant 0 : i32
      %broadcast_in_dim3A_929 = vector.broadcast %broadcast_in_dim3A_928 : i32 to vector<16xi32>
      %broadcast_in_dim3A_930 = arith.constant 0 : i32
      %broadcast_in_dim3A_931 = vector.broadcast %broadcast_in_dim3A_930 : i32 to vector<16xi32>
      %broadcast_in_dim3A_932 = arith.constant 0 : i32
      %broadcast_in_dim3A_933 = vector.broadcast %broadcast_in_dim3A_932 : i32 to vector<16xi32>
      %broadcast_in_dim3A_934 = arith.constant 0 : i32
      %broadcast_in_dim3A_935 = vector.broadcast %broadcast_in_dim3A_934 : i32 to vector<16xi32>
      %broadcast_in_dim3A_936 = arith.constant 0 : i32
      %broadcast_in_dim3A_937 = vector.broadcast %broadcast_in_dim3A_936 : i32 to vector<16xi32>
      %broadcast_in_dim3A_938 = arith.constant 0 : i32
      %broadcast_in_dim3A_939 = vector.broadcast %broadcast_in_dim3A_938 : i32 to vector<16xi32>
      %broadcast_in_dim3A_940 = arith.constant 0 : i32
      %broadcast_in_dim3A_941 = vector.broadcast %broadcast_in_dim3A_940 : i32 to vector<16xi32>
      %broadcast_in_dim3A_942 = arith.constant 0 : i32
      %broadcast_in_dim3A_943 = vector.broadcast %broadcast_in_dim3A_942 : i32 to vector<16xi32>
      %broadcast_in_dim3A_944 = arith.constant 0 : i32
      %broadcast_in_dim3A_945 = vector.broadcast %broadcast_in_dim3A_944 : i32 to vector<16xi32>
      %broadcast_in_dim3A_946 = arith.constant 0 : i32
      %broadcast_in_dim3A_947 = vector.broadcast %broadcast_in_dim3A_946 : i32 to vector<16xi32>
      %broadcast_in_dim3A_948 = arith.constant 0 : i32
      %broadcast_in_dim3A_949 = vector.broadcast %broadcast_in_dim3A_948 : i32 to vector<16xi32>
      %broadcast_in_dim3A_950 = arith.constant 0 : i32
      %broadcast_in_dim3A_951 = vector.broadcast %broadcast_in_dim3A_950 : i32 to vector<16xi32>
      %broadcast_in_dim3A_952 = arith.constant 0 : i32
      %broadcast_in_dim3A_953 = vector.broadcast %broadcast_in_dim3A_952 : i32 to vector<16xi32>
      %scan3A_954 = arith.constant 0 : i32
      %scan3A_955 = arith.constant 32 : i32
      %scan3A_956 = arith.addi %scan3A_954, %scan3A_955 : i32
      %scan3A_957 = arith.constant 1 : i32
      %scan3A_958:15 = scf.for %scan3A_1874 = %scan3A_954 to %scan3A_956 step %scan3A_957 iter_args(%scan3A_1875 = %broadcast_in_dim3A_925, %scan3A_1876 = %broadcast_in_dim3A_927, %scan3A_1877 = %broadcast_in_dim3A_929, %scan3A_1878 = %broadcast_in_dim3A_931, %scan3A_1879 = %broadcast_in_dim3A_933, %scan3A_1880 = %broadcast_in_dim3A_935, %scan3A_1881 = %broadcast_in_dim3A_937, %scan3A_1882 = %broadcast_in_dim3A_939, %scan3A_1883 = %broadcast_in_dim3A_941, %scan3A_1884 = %broadcast_in_dim3A_943, %scan3A_1885 = %broadcast_in_dim3A_945, %scan3A_1886 = %broadcast_in_dim3A_947, %scan3A_1887 = %broadcast_in_dim3A_949, %scan3A_1888 = %broadcast_in_dim3A_951, %scan3A_1889 = %broadcast_in_dim3A_953) -> (vector<16xi32>, vector<16xi32>, vector<16xi32>, vector<16xi32>, vector<16xi32>, vector<16xi32>, vector<16xi32>, vector<16xi32>, vector<16xi32>, vector<16xi32>, vector<16xi32>, vector<16xi32>, vector<16xi32>, vector<16xi32>, vector<16xi32>)  : i32 {
        %mul3A_1890 = arith.constant 16 : i32
        %mul3A_1891 = arith.muli %scan3A_1874, %mul3A_1890 : i32
        %get3A_1892 = arith.index_cast %mul3A_1891 : i32 to index
        %get3A_1893 = tpu.vector_load %arg4[%get3A_1892] {strides = array<i32>} : memref<512xi32, #tpu.memory_space<vmem>>, vector<16xi32>,
        %ge3A_1894 = arith.cmpi sge, %get3A_1893, %or3A_881 : vector<16xi32>
        %all_reduce_population_count3A_1895 = tpu.all_reduce %ge3A_1894 {dim = 0 : i64, kind = #tpu.reduction_kind<sum>} : vector<16xi1> -> vector<16xi32>
        %add3A_1896 = arith.addi %scan3A_1875, %all_reduce_population_count3A_1895 : vector<16xi32>
        %ge3A_1897 = arith.cmpi sge, %get3A_1893, %or3A_884 : vector<16xi32>
        %all_reduce_population_count3A_1898 = tpu.all_reduce %ge3A_1897 {dim = 0 : i64, kind = #tpu.reduction_kind<sum>} : vector<16xi1> -> vector<16xi32>
        %add3A_1899 = arith.addi %scan3A_1876, %all_reduce_population_count3A_1898 : vector<16xi32>
        %ge3A_1900 = arith.cmpi sge, %get3A_1893, %or3A_887 : vector<16xi32>
        %all_reduce_population_count3A_1901 = tpu.all_reduce %ge3A_1900 {dim = 0 : i64, kind = #tpu.reduction_kind<sum>} : vector<16xi1> -> vector<16xi32>
        %add3A_1902 = arith.addi %scan3A_1877, %all_reduce_population_count3A_1901 : vector<16xi32>
        %ge3A_1903 = arith.cmpi sge, %get3A_1893, %or3A_890 : vector<16xi32>
        %all_reduce_population_count3A_1904 = tpu.all_reduce %ge3A_1903 {dim = 0 : i64, kind = #tpu.reduction_kind<sum>} : vector<16xi1> -> vector<16xi32>
        %add3A_1905 = arith.addi %scan3A_1878, %all_reduce_population_count3A_1904 : vector<16xi32>
        %ge3A_1906 = arith.cmpi sge, %get3A_1893, %or3A_893 : vector<16xi32>
        %all_reduce_population_count3A_1907 = tpu.all_reduce %ge3A_1906 {dim = 0 : i64, kind = #tpu.reduction_kind<sum>} : vector<16xi1> -> vector<16xi32>
        %add3A_1908 = arith.addi %scan3A_1879, %all_reduce_population_count3A_1907 : vector<16xi32>
        %ge3A_1909 = arith.cmpi sge, %get3A_1893, %or3A_896 : vector<16xi32>
        %all_reduce_population_count3A_1910 = tpu.all_reduce %ge3A_1909 {dim = 0 : i64, kind = #tpu.reduction_kind<sum>} : vector<16xi1> -> vector<16xi32>
        %add3A_1911 = arith.addi %scan3A_1880, %all_reduce_population_count3A_1910 : vector<16xi32>
        %ge3A_1912 = arith.cmpi sge, %get3A_1893, %or3A_899 : vector<16xi32>
        %all_reduce_population_count3A_1913 = tpu.all_reduce %ge3A_1912 {dim = 0 : i64, kind = #tpu.reduction_kind<sum>} : vector<16xi1> -> vector<16xi32>
        %add3A_1914 = arith.addi %scan3A_1881, %all_reduce_population_count3A_1913 : vector<16xi32>
        %ge3A_1915 = arith.cmpi sge, %get3A_1893, %or3A_902 : vector<16xi32>
        %all_reduce_population_count3A_1916 = tpu.all_reduce %ge3A_1915 {dim = 0 : i64, kind = #tpu.reduction_kind<sum>} : vector<16xi1> -> vector<16xi32>
        %add3A_1917 = arith.addi %scan3A_1882, %all_reduce_population_count3A_1916 : vector<16xi32>
        %ge3A_1918 = arith.cmpi sge, %get3A_1893, %or3A_905 : vector<16xi32>
        %all_reduce_population_count3A_1919 = tpu.all_reduce %ge3A_1918 {dim = 0 : i64, kind = #tpu.reduction_kind<sum>} : vector<16xi1> -> vector<16xi32>
        %add3A_1920 = arith.addi %scan3A_1883, %all_reduce_population_count3A_1919 : vector<16xi32>
        %ge3A_1921 = arith.cmpi sge, %get3A_1893, %or3A_908 : vector<16xi32>
        %all_reduce_population_count3A_1922 = tpu.all_reduce %ge3A_1921 {dim = 0 : i64, kind = #tpu.reduction_kind<sum>} : vector<16xi1> -> vector<16xi32>
        %add3A_1923 = arith.addi %scan3A_1884, %all_reduce_population_count3A_1922 : vector<16xi32>
        %ge3A_1924 = arith.cmpi sge, %get3A_1893, %or3A_911 : vector<16xi32>
        %all_reduce_population_count3A_1925 = tpu.all_reduce %ge3A_1924 {dim = 0 : i64, kind = #tpu.reduction_kind<sum>} : vector<16xi1> -> vector<16xi32>
        %add3A_1926 = arith.addi %scan3A_1885, %all_reduce_population_count3A_1925 : vector<16xi32>
        %ge3A_1927 = arith.cmpi sge, %get3A_1893, %or3A_914 : vector<16xi32>
        %all_reduce_population_count3A_1928 = tpu.all_reduce %ge3A_1927 {dim = 0 : i64, kind = #tpu.reduction_kind<sum>} : vector<16xi1> -> vector<16xi32>
        %add3A_1929 = arith.addi %scan3A_1886, %all_reduce_population_count3A_1928 : vector<16xi32>
        %ge3A_1930 = arith.cmpi sge, %get3A_1893, %or3A_917 : vector<16xi32>
        %all_reduce_population_count3A_1931 = tpu.all_reduce %ge3A_1930 {dim = 0 : i64, kind = #tpu.reduction_kind<sum>} : vector<16xi1> -> vector<16xi32>
        %add3A_1932 = arith.addi %scan3A_1887, %all_reduce_population_count3A_1931 : vector<16xi32>
        %ge3A_1933 = arith.cmpi sge, %get3A_1893, %or3A_920 : vector<16xi32>
        %all_reduce_population_count3A_1934 = tpu.all_reduce %ge3A_1933 {dim = 0 : i64, kind = #tpu.reduction_kind<sum>} : vector<16xi1> -> vector<16xi32>
        %add3A_1935 = arith.addi %scan3A_1888, %all_reduce_population_count3A_1934 : vector<16xi32>
        %ge3A_1936 = arith.cmpi sge, %get3A_1893, %or3A_923 : vector<16xi32>
        %all_reduce_population_count3A_1937 = tpu.all_reduce %ge3A_1936 {dim = 0 : i64, kind = #tpu.reduction_kind<sum>} : vector<16xi1> -> vector<16xi32>
        %add3A_1938 = arith.addi %scan3A_1889, %all_reduce_population_count3A_1937 : vector<16xi32>
        scf.yield %add3A_1896, %add3A_1899, %add3A_1902, %add3A_1905, %add3A_1908, %add3A_1911, %add3A_1914, %add3A_1917, %add3A_1920, %add3A_1923, %add3A_1926, %add3A_1929, %add3A_1932, %add3A_1935, %add3A_1938 : vector<16xi32>, vector<16xi32>, vector<16xi32>, vector<16xi32>, vector<16xi32>, vector<16xi32>, vector<16xi32>, vector<16xi32>, vector<16xi32>, vector<16xi32>, vector<16xi32>, vector<16xi32>, vector<16xi32>, vector<16xi32>, vector<16xi32>
      }
      %scan3A_959 = arith.constant 32 : i32
      %broadcast_in_dim3A_960 = arith.constant 0 : i32
      %broadcast_in_dim3A_961 = vector.broadcast %broadcast_in_dim3A_960 : i32 to vector<16xi32>
      %eq3A_962 = arith.constant 0 : i32
      %eq3A_963 = vector.broadcast %eq3A_962 : i32 to vector<16xi32>
      %eq3A_964 = arith.cmpi eq, %iota3A, %eq3A_963 : vector<16xi32>
      %select_n3A_965 = arith.select %eq3A_964, %scan3A_958#0, %broadcast_in_dim3A_961 : vector<16xi1>, vector<16xi32>
      %eq3A_966 = arith.constant 1 : i32
      %eq3A_967 = vector.broadcast %eq3A_966 : i32 to vector<16xi32>
      %eq3A_968 = arith.cmpi eq, %iota3A, %eq3A_967 : vector<16xi32>
      %select_n3A_969 = arith.select %eq3A_968, %scan3A_958#1, %select_n3A_965 : vector<16xi1>, vector<16xi32>
      %eq3A_970 = arith.constant 2 : i32
      %eq3A_971 = vector.broadcast %eq3A_970 : i32 to vector<16xi32>
      %eq3A_972 = arith.cmpi eq, %iota3A, %eq3A_971 : vector<16xi32>
      %select_n3A_973 = arith.select %eq3A_972, %scan3A_958#2, %select_n3A_969 : vector<16xi1>, vector<16xi32>
      %eq3A_974 = arith.constant 3 : i32
      %eq3A_975 = vector.broadcast %eq3A_974 : i32 to vector<16xi32>
      %eq3A_976 = arith.cmpi eq, %iota3A, %eq3A_975 : vector<16xi32>
      %select_n3A_977 = arith.select %eq3A_976, %scan3A_958#3, %select_n3A_973 : vector<16xi1>, vector<16xi32>
      %eq3A_978 = arith.constant 4 : i32
      %eq3A_979 = vector.broadcast %eq3A_978 : i32 to vector<16xi32>
      %eq3A_980 = arith.cmpi eq, %iota3A, %eq3A_979 : vector<16xi32>
      %select_n3A_981 = arith.select %eq3A_980, %scan3A_958#4, %select_n3A_977 : vector<16xi1>, vector<16xi32>
      %eq3A_982 = arith.constant 5 : i32
      %eq3A_983 = vector.broadcast %eq3A_982 : i32 to vector<16xi32>
      %eq3A_984 = arith.cmpi eq, %iota3A, %eq3A_983 : vector<16xi32>
      %select_n3A_985 = arith.select %eq3A_984, %scan3A_958#5, %select_n3A_981 : vector<16xi1>, vector<16xi32>
      %eq3A_986 = arith.constant 6 : i32
      %eq3A_987 = vector.broadcast %eq3A_986 : i32 to vector<16xi32>
      %eq3A_988 = arith.cmpi eq, %iota3A, %eq3A_987 : vector<16xi32>
      %select_n3A_989 = arith.select %eq3A_988, %scan3A_958#6, %select_n3A_985 : vector<16xi1>, vector<16xi32>
      %eq3A_990 = arith.constant 7 : i32
      %eq3A_991 = vector.broadcast %eq3A_990 : i32 to vector<16xi32>
      %eq3A_992 = arith.cmpi eq, %iota3A, %eq3A_991 : vector<16xi32>
      %select_n3A_993 = arith.select %eq3A_992, %scan3A_958#7, %select_n3A_989 : vector<16xi1>, vector<16xi32>
      %eq3A_994 = arith.constant 8 : i32
      %eq3A_995 = vector.broadcast %eq3A_994 : i32 to vector<16xi32>
      %eq3A_996 = arith.cmpi eq, %iota3A, %eq3A_995 : vector<16xi32>
      %select_n3A_997 = arith.select %eq3A_996, %scan3A_958#8, %select_n3A_993 : vector<16xi1>, vector<16xi32>
      %eq3A_998 = arith.constant 9 : i32
      %eq3A_999 = vector.broadcast %eq3A_998 : i32 to vector<16xi32>
      %eq3A_1000 = arith.cmpi eq, %iota3A, %eq3A_999 : vector<16xi32>
      %select_n3A_1001 = arith.select %eq3A_1000, %scan3A_958#9, %select_n3A_997 : vector<16xi1>, vector<16xi32>
      %eq3A_1002 = arith.constant 10 : i32
      %eq3A_1003 = vector.broadcast %eq3A_1002 : i32 to vector<16xi32>
      %eq3A_1004 = arith.cmpi eq, %iota3A, %eq3A_1003 : vector<16xi32>
      %select_n3A_1005 = arith.select %eq3A_1004, %scan3A_958#10, %select_n3A_1001 : vector<16xi1>, vector<16xi32>
      %eq3A_1006 = arith.constant 11 : i32
      %eq3A_1007 = vector.broadcast %eq3A_1006 : i32 to vector<16xi32>
      %eq3A_1008 = arith.cmpi eq, %iota3A, %eq3A_1007 : vector<16xi32>
      %select_n3A_1009 = arith.select %eq3A_1008, %scan3A_958#11, %select_n3A_1005 : vector<16xi1>, vector<16xi32>
      %eq3A_1010 = arith.constant 12 : i32
      %eq3A_1011 = vector.broadcast %eq3A_1010 : i32 to vector<16xi32>
      %eq3A_1012 = arith.cmpi eq, %iota3A, %eq3A_1011 : vector<16xi32>
      %select_n3A_1013 = arith.select %eq3A_1012, %scan3A_958#12, %select_n3A_1009 : vector<16xi1>, vector<16xi32>
      %eq3A_1014 = arith.constant 13 : i32
      %eq3A_1015 = vector.broadcast %eq3A_1014 : i32 to vector<16xi32>
      %eq3A_1016 = arith.cmpi eq, %iota3A, %eq3A_1015 : vector<16xi32>
      %select_n3A_1017 = arith.select %eq3A_1016, %scan3A_958#13, %select_n3A_1013 : vector<16xi1>, vector<16xi32>
      %eq3A_1018 = arith.constant 14 : i32
      %eq3A_1019 = vector.broadcast %eq3A_1018 : i32 to vector<16xi32>
      %eq3A_1020 = arith.cmpi eq, %iota3A, %eq3A_1019 : vector<16xi32>
      %select_n3A_1021 = arith.select %eq3A_1020, %scan3A_958#14, %select_n3A_1017 : vector<16xi1>, vector<16xi32>
      %swap3A_1022 = arith.constant 0 : index
      %swap3A_1023 = tpu.vector_load %arg5[%swap3A_1022] {strides = array<i32>} : memref<16xi32, #tpu.memory_space<vmem>>, vector<16xi32>,
      tpu.vector_store %arg5[%swap3A_1022], %select_n3A_1021 {strides = array<i32>} : memref<16xi32, #tpu.memory_space<vmem>>, vector<16xi32>,
      %add3A_1024 = arith.constant 96 : i32
      %add3A_1025 = vector.broadcast %add3A_1024 : i32 to vector<16xi32>
      %add3A_1026 = arith.addi %iota3A, %add3A_1025 : vector<16xi32>
      "tpu.region"() ({
        %run_scoped3A = tpu.sem_alloc : memref<!tpu.dma_semaphore, #tpu.memory_space<semaphore_mem>>
        %dma_start3A = arith.constant 0 : i32
        %dma_start3A_1874 = tpu.memref_slice %arg8[%dma_start3A] : memref<256xi32, #tpu.memory_space<vmem_shared>> -> memref<256xi32, #tpu.memory_space<vmem_shared>>
        tpu.enqueue_indirect_dma source(%arg5 : memref<16xi32, #tpu.memory_space<vmem>>) target(%dma_start3A_1874 : memref<256xi32, #tpu.memory_space<vmem_shared>>) offsets(%add3A_1026 : vector<16xi32>) semaphore(%run_scoped3A : memref<!tpu.dma_semaphore, #tpu.memory_space<semaphore_mem>>) {add = true}
        %dma_wait3A = arith.constant 0 : i32
        %dma_wait3A_1875 = tpu.memref_slice %arg8[%dma_wait3A] : memref<256xi32, #tpu.memory_space<vmem_shared>> -> memref<256xi32, #tpu.memory_space<vmem_shared>>
        tpu.wait_indirect_dma semaphore(%run_scoped3A : memref<!tpu.dma_semaphore, #tpu.memory_space<semaphore_mem>>) src(%arg5 : memref<16xi32, #tpu.memory_space<vmem>>) dst(%dma_wait3A_1875 : memref<256xi32, #tpu.memory_space<vmem_shared>>)
        tpu.yield
      }) : () -> ()
      %barrier3A_1027 = arith.constant 0 : index
      tpu.barrier barrier_id(%barrier3A_1027)
      "tpu.region"() ({
        %run_scoped3A = tpu.sem_alloc : memref<!tpu.dma_semaphore, #tpu.memory_space<semaphore_mem>>
        %dma_start3A = arith.constant 96 : i32
        %dma_start3A_1874 = tpu.memref_slice %arg8[%dma_start3A] : memref<256xi32, #tpu.memory_space<vmem_shared>> -> memref<16xi32, #tpu.memory_space<vmem_shared>>
        %dma_start3A_1875 = arith.constant 96 : i32
        %dma_start3A_1876 = tpu.memref_slice %arg8[%dma_start3A_1875] : memref<256xi32, #tpu.memory_space<vmem_shared>> -> memref<16xi32, #tpu.memory_space<vmem_shared>>
        tpu.enqueue_dma source(%dma_start3A_1876 : memref<16xi32, #tpu.memory_space<vmem_shared>>) target(%arg5 : memref<16xi32, #tpu.memory_space<vmem>>) target_semaphore(%run_scoped3A : memref<!tpu.dma_semaphore, #tpu.memory_space<semaphore_mem>>)
        %dma_wait3A = arith.constant 96 : i32
        %dma_wait3A_1877 = tpu.memref_slice %arg8[%dma_wait3A] : memref<256xi32, #tpu.memory_space<vmem_shared>> -> memref<16xi32, #tpu.memory_space<vmem_shared>>
        %dma_wait3A_1878 = arith.constant 96 : i32
        %dma_wait3A_1879 = tpu.memref_slice %arg8[%dma_wait3A_1878] : memref<256xi32, #tpu.memory_space<vmem_shared>> -> memref<16xi32, #tpu.memory_space<vmem_shared>>
        tpu.wait_dma2 semaphore(%run_scoped3A : memref<!tpu.dma_semaphore, #tpu.memory_space<semaphore_mem>>) src(%dma_wait3A_1879 : memref<16xi32, #tpu.memory_space<vmem_shared>>) dst(%arg5 : memref<16xi32, #tpu.memory_space<vmem>>)
        tpu.yield
      }) : () -> ()
      %get3A_1028 = arith.constant 0 : index
      %get3A_1029 = tpu.vector_load %arg5[%get3A_1028] {strides = array<i32>} : memref<16xi32, #tpu.memory_space<vmem>>, vector<16xi32>,
      %ge3A_1030 = arith.cmpi sge, %get3A_1029, %broadcast_in_dim3A_13 : vector<16xi32>
      %all_reduce_population_count3A_1031 = tpu.all_reduce %ge3A_1030 {dim = 0 : i64, kind = #tpu.reduction_kind<sum>} : vector<16xi1> -> vector<16xi32>
      %shift_left3A_1032 = arith.constant 4 : i32
      %shift_left3A_1033 = vector.broadcast %shift_left3A_1032 : i32 to vector<16xi32>
      %shift_left3A_1034 = arith.shli %all_reduce_population_count3A_1031, %shift_left3A_1033 : vector<16xi32>
      %or3A_1035 = arith.ori %or3A_878, %shift_left3A_1034 : vector<16xi32>
      %or3A_1036 = arith.constant 1 : i32
      %or3A_1037 = vector.broadcast %or3A_1036 : i32 to vector<16xi32>
      %or3A_1038 = arith.ori %or3A_1035, %or3A_1037 : vector<16xi32>
      %or3A_1039 = arith.constant 2 : i32
      %or3A_1040 = vector.broadcast %or3A_1039 : i32 to vector<16xi32>
      %or3A_1041 = arith.ori %or3A_1035, %or3A_1040 : vector<16xi32>
      %or3A_1042 = arith.constant 3 : i32
      %or3A_1043 = vector.broadcast %or3A_1042 : i32 to vector<16xi32>
      %or3A_1044 = arith.ori %or3A_1035, %or3A_1043 : vector<16xi32>
      %or3A_1045 = arith.constant 4 : i32
      %or3A_1046 = vector.broadcast %or3A_1045 : i32 to vector<16xi32>
      %or3A_1047 = arith.ori %or3A_1035, %or3A_1046 : vector<16xi32>
      %or3A_1048 = arith.constant 5 : i32
      %or3A_1049 = vector.broadcast %or3A_1048 : i32 to vector<16xi32>
      %or3A_1050 = arith.ori %or3A_1035, %or3A_1049 : vector<16xi32>
      %or3A_1051 = arith.constant 6 : i32
      %or3A_1052 = vector.broadcast %or3A_1051 : i32 to vector<16xi32>
      %or3A_1053 = arith.ori %or3A_1035, %or3A_1052 : vector<16xi32>
      %or3A_1054 = arith.constant 7 : i32
      %or3A_1055 = vector.broadcast %or3A_1054 : i32 to vector<16xi32>
      %or3A_1056 = arith.ori %or3A_1035, %or3A_1055 : vector<16xi32>
      %or3A_1057 = arith.constant 8 : i32
      %or3A_1058 = vector.broadcast %or3A_1057 : i32 to vector<16xi32>
      %or3A_1059 = arith.ori %or3A_1035, %or3A_1058 : vector<16xi32>
      %or3A_1060 = arith.constant 9 : i32
      %or3A_1061 = vector.broadcast %or3A_1060 : i32 to vector<16xi32>
      %or3A_1062 = arith.ori %or3A_1035, %or3A_1061 : vector<16xi32>
      %or3A_1063 = arith.constant 10 : i32
      %or3A_1064 = vector.broadcast %or3A_1063 : i32 to vector<16xi32>
      %or3A_1065 = arith.ori %or3A_1035, %or3A_1064 : vector<16xi32>
      %or3A_1066 = arith.constant 11 : i32
      %or3A_1067 = vector.broadcast %or3A_1066 : i32 to vector<16xi32>
      %or3A_1068 = arith.ori %or3A_1035, %or3A_1067 : vector<16xi32>
      %or3A_1069 = arith.constant 12 : i32
      %or3A_1070 = vector.broadcast %or3A_1069 : i32 to vector<16xi32>
      %or3A_1071 = arith.ori %or3A_1035, %or3A_1070 : vector<16xi32>
      %or3A_1072 = arith.constant 13 : i32
      %or3A_1073 = vector.broadcast %or3A_1072 : i32 to vector<16xi32>
      %or3A_1074 = arith.ori %or3A_1035, %or3A_1073 : vector<16xi32>
      %or3A_1075 = arith.constant 14 : i32
      %or3A_1076 = vector.broadcast %or3A_1075 : i32 to vector<16xi32>
      %or3A_1077 = arith.ori %or3A_1035, %or3A_1076 : vector<16xi32>
      %or3A_1078 = arith.constant 15 : i32
      %or3A_1079 = vector.broadcast %or3A_1078 : i32 to vector<16xi32>
      %or3A_1080 = arith.ori %or3A_1035, %or3A_1079 : vector<16xi32>
      %broadcast_in_dim3A_1081 = arith.constant 0 : i32
      %broadcast_in_dim3A_1082 = vector.broadcast %broadcast_in_dim3A_1081 : i32 to vector<16xi32>
      %broadcast_in_dim3A_1083 = arith.constant 0 : i32
      %broadcast_in_dim3A_1084 = vector.broadcast %broadcast_in_dim3A_1083 : i32 to vector<16xi32>
      %broadcast_in_dim3A_1085 = arith.constant 0 : i32
      %broadcast_in_dim3A_1086 = vector.broadcast %broadcast_in_dim3A_1085 : i32 to vector<16xi32>
      %broadcast_in_dim3A_1087 = arith.constant 0 : i32
      %broadcast_in_dim3A_1088 = vector.broadcast %broadcast_in_dim3A_1087 : i32 to vector<16xi32>
      %broadcast_in_dim3A_1089 = arith.constant 0 : i32
      %broadcast_in_dim3A_1090 = vector.broadcast %broadcast_in_dim3A_1089 : i32 to vector<16xi32>
      %broadcast_in_dim3A_1091 = arith.constant 0 : i32
      %broadcast_in_dim3A_1092 = vector.broadcast %broadcast_in_dim3A_1091 : i32 to vector<16xi32>
      %broadcast_in_dim3A_1093 = arith.constant 0 : i32
      %broadcast_in_dim3A_1094 = vector.broadcast %broadcast_in_dim3A_1093 : i32 to vector<16xi32>
      %broadcast_in_dim3A_1095 = arith.constant 0 : i32
      %broadcast_in_dim3A_1096 = vector.broadcast %broadcast_in_dim3A_1095 : i32 to vector<16xi32>
      %broadcast_in_dim3A_1097 = arith.constant 0 : i32
      %broadcast_in_dim3A_1098 = vector.broadcast %broadcast_in_dim3A_1097 : i32 to vector<16xi32>
      %broadcast_in_dim3A_1099 = arith.constant 0 : i32
      %broadcast_in_dim3A_1100 = vector.broadcast %broadcast_in_dim3A_1099 : i32 to vector<16xi32>
      %broadcast_in_dim3A_1101 = arith.constant 0 : i32
      %broadcast_in_dim3A_1102 = vector.broadcast %broadcast_in_dim3A_1101 : i32 to vector<16xi32>
      %broadcast_in_dim3A_1103 = arith.constant 0 : i32
      %broadcast_in_dim3A_1104 = vector.broadcast %broadcast_in_dim3A_1103 : i32 to vector<16xi32>
      %broadcast_in_dim3A_1105 = arith.constant 0 : i32
      %broadcast_in_dim3A_1106 = vector.broadcast %broadcast_in_dim3A_1105 : i32 to vector<16xi32>
      %broadcast_in_dim3A_1107 = arith.constant 0 : i32
      %broadcast_in_dim3A_1108 = vector.broadcast %broadcast_in_dim3A_1107 : i32 to vector<16xi32>
      %broadcast_in_dim3A_1109 = arith.constant 0 : i32
      %broadcast_in_dim3A_1110 = vector.broadcast %broadcast_in_dim3A_1109 : i32 to vector<16xi32>
      %scan3A_1111 = arith.constant 0 : i32
      %scan3A_1112 = arith.constant 32 : i32
      %scan3A_1113 = arith.addi %scan3A_1111, %scan3A_1112 : i32
      %scan3A_1114 = arith.constant 1 : i32
      %scan3A_1115:15 = scf.for %scan3A_1874 = %scan3A_1111 to %scan3A_1113 step %scan3A_1114 iter_args(%scan3A_1875 = %broadcast_in_dim3A_1082, %scan3A_1876 = %broadcast_in_dim3A_1084, %scan3A_1877 = %broadcast_in_dim3A_1086, %scan3A_1878 = %broadcast_in_dim3A_1088, %scan3A_1879 = %broadcast_in_dim3A_1090, %scan3A_1880 = %broadcast_in_dim3A_1092, %scan3A_1881 = %broadcast_in_dim3A_1094, %scan3A_1882 = %broadcast_in_dim3A_1096, %scan3A_1883 = %broadcast_in_dim3A_1098, %scan3A_1884 = %broadcast_in_dim3A_1100, %scan3A_1885 = %broadcast_in_dim3A_1102, %scan3A_1886 = %broadcast_in_dim3A_1104, %scan3A_1887 = %broadcast_in_dim3A_1106, %scan3A_1888 = %broadcast_in_dim3A_1108, %scan3A_1889 = %broadcast_in_dim3A_1110) -> (vector<16xi32>, vector<16xi32>, vector<16xi32>, vector<16xi32>, vector<16xi32>, vector<16xi32>, vector<16xi32>, vector<16xi32>, vector<16xi32>, vector<16xi32>, vector<16xi32>, vector<16xi32>, vector<16xi32>, vector<16xi32>, vector<16xi32>)  : i32 {
        %mul3A_1890 = arith.constant 16 : i32
        %mul3A_1891 = arith.muli %scan3A_1874, %mul3A_1890 : i32
        %get3A_1892 = arith.index_cast %mul3A_1891 : i32 to index
        %get3A_1893 = tpu.vector_load %arg4[%get3A_1892] {strides = array<i32>} : memref<512xi32, #tpu.memory_space<vmem>>, vector<16xi32>,
        %ge3A_1894 = arith.cmpi sge, %get3A_1893, %or3A_1038 : vector<16xi32>
        %all_reduce_population_count3A_1895 = tpu.all_reduce %ge3A_1894 {dim = 0 : i64, kind = #tpu.reduction_kind<sum>} : vector<16xi1> -> vector<16xi32>
        %add3A_1896 = arith.addi %scan3A_1875, %all_reduce_population_count3A_1895 : vector<16xi32>
        %ge3A_1897 = arith.cmpi sge, %get3A_1893, %or3A_1041 : vector<16xi32>
        %all_reduce_population_count3A_1898 = tpu.all_reduce %ge3A_1897 {dim = 0 : i64, kind = #tpu.reduction_kind<sum>} : vector<16xi1> -> vector<16xi32>
        %add3A_1899 = arith.addi %scan3A_1876, %all_reduce_population_count3A_1898 : vector<16xi32>
        %ge3A_1900 = arith.cmpi sge, %get3A_1893, %or3A_1044 : vector<16xi32>
        %all_reduce_population_count3A_1901 = tpu.all_reduce %ge3A_1900 {dim = 0 : i64, kind = #tpu.reduction_kind<sum>} : vector<16xi1> -> vector<16xi32>
        %add3A_1902 = arith.addi %scan3A_1877, %all_reduce_population_count3A_1901 : vector<16xi32>
        %ge3A_1903 = arith.cmpi sge, %get3A_1893, %or3A_1047 : vector<16xi32>
        %all_reduce_population_count3A_1904 = tpu.all_reduce %ge3A_1903 {dim = 0 : i64, kind = #tpu.reduction_kind<sum>} : vector<16xi1> -> vector<16xi32>
        %add3A_1905 = arith.addi %scan3A_1878, %all_reduce_population_count3A_1904 : vector<16xi32>
        %ge3A_1906 = arith.cmpi sge, %get3A_1893, %or3A_1050 : vector<16xi32>
        %all_reduce_population_count3A_1907 = tpu.all_reduce %ge3A_1906 {dim = 0 : i64, kind = #tpu.reduction_kind<sum>} : vector<16xi1> -> vector<16xi32>
        %add3A_1908 = arith.addi %scan3A_1879, %all_reduce_population_count3A_1907 : vector<16xi32>
        %ge3A_1909 = arith.cmpi sge, %get3A_1893, %or3A_1053 : vector<16xi32>
        %all_reduce_population_count3A_1910 = tpu.all_reduce %ge3A_1909 {dim = 0 : i64, kind = #tpu.reduction_kind<sum>} : vector<16xi1> -> vector<16xi32>
        %add3A_1911 = arith.addi %scan3A_1880, %all_reduce_population_count3A_1910 : vector<16xi32>
        %ge3A_1912 = arith.cmpi sge, %get3A_1893, %or3A_1056 : vector<16xi32>
        %all_reduce_population_count3A_1913 = tpu.all_reduce %ge3A_1912 {dim = 0 : i64, kind = #tpu.reduction_kind<sum>} : vector<16xi1> -> vector<16xi32>
        %add3A_1914 = arith.addi %scan3A_1881, %all_reduce_population_count3A_1913 : vector<16xi32>
        %ge3A_1915 = arith.cmpi sge, %get3A_1893, %or3A_1059 : vector<16xi32>
        %all_reduce_population_count3A_1916 = tpu.all_reduce %ge3A_1915 {dim = 0 : i64, kind = #tpu.reduction_kind<sum>} : vector<16xi1> -> vector<16xi32>
        %add3A_1917 = arith.addi %scan3A_1882, %all_reduce_population_count3A_1916 : vector<16xi32>
        %ge3A_1918 = arith.cmpi sge, %get3A_1893, %or3A_1062 : vector<16xi32>
        %all_reduce_population_count3A_1919 = tpu.all_reduce %ge3A_1918 {dim = 0 : i64, kind = #tpu.reduction_kind<sum>} : vector<16xi1> -> vector<16xi32>
        %add3A_1920 = arith.addi %scan3A_1883, %all_reduce_population_count3A_1919 : vector<16xi32>
        %ge3A_1921 = arith.cmpi sge, %get3A_1893, %or3A_1065 : vector<16xi32>
        %all_reduce_population_count3A_1922 = tpu.all_reduce %ge3A_1921 {dim = 0 : i64, kind = #tpu.reduction_kind<sum>} : vector<16xi1> -> vector<16xi32>
        %add3A_1923 = arith.addi %scan3A_1884, %all_reduce_population_count3A_1922 : vector<16xi32>
        %ge3A_1924 = arith.cmpi sge, %get3A_1893, %or3A_1068 : vector<16xi32>
        %all_reduce_population_count3A_1925 = tpu.all_reduce %ge3A_1924 {dim = 0 : i64, kind = #tpu.reduction_kind<sum>} : vector<16xi1> -> vector<16xi32>
        %add3A_1926 = arith.addi %scan3A_1885, %all_reduce_population_count3A_1925 : vector<16xi32>
        %ge3A_1927 = arith.cmpi sge, %get3A_1893, %or3A_1071 : vector<16xi32>
        %all_reduce_population_count3A_1928 = tpu.all_reduce %ge3A_1927 {dim = 0 : i64, kind = #tpu.reduction_kind<sum>} : vector<16xi1> -> vector<16xi32>
        %add3A_1929 = arith.addi %scan3A_1886, %all_reduce_population_count3A_1928 : vector<16xi32>
        %ge3A_1930 = arith.cmpi sge, %get3A_1893, %or3A_1074 : vector<16xi32>
        %all_reduce_population_count3A_1931 = tpu.all_reduce %ge3A_1930 {dim = 0 : i64, kind = #tpu.reduction_kind<sum>} : vector<16xi1> -> vector<16xi32>
        %add3A_1932 = arith.addi %scan3A_1887, %all_reduce_population_count3A_1931 : vector<16xi32>
        %ge3A_1933 = arith.cmpi sge, %get3A_1893, %or3A_1077 : vector<16xi32>
        %all_reduce_population_count3A_1934 = tpu.all_reduce %ge3A_1933 {dim = 0 : i64, kind = #tpu.reduction_kind<sum>} : vector<16xi1> -> vector<16xi32>
        %add3A_1935 = arith.addi %scan3A_1888, %all_reduce_population_count3A_1934 : vector<16xi32>
        %ge3A_1936 = arith.cmpi sge, %get3A_1893, %or3A_1080 : vector<16xi32>
        %all_reduce_population_count3A_1937 = tpu.all_reduce %ge3A_1936 {dim = 0 : i64, kind = #tpu.reduction_kind<sum>} : vector<16xi1> -> vector<16xi32>
        %add3A_1938 = arith.addi %scan3A_1889, %all_reduce_population_count3A_1937 : vector<16xi32>
        scf.yield %add3A_1896, %add3A_1899, %add3A_1902, %add3A_1905, %add3A_1908, %add3A_1911, %add3A_1914, %add3A_1917, %add3A_1920, %add3A_1923, %add3A_1926, %add3A_1929, %add3A_1932, %add3A_1935, %add3A_1938 : vector<16xi32>, vector<16xi32>, vector<16xi32>, vector<16xi32>, vector<16xi32>, vector<16xi32>, vector<16xi32>, vector<16xi32>, vector<16xi32>, vector<16xi32>, vector<16xi32>, vector<16xi32>, vector<16xi32>, vector<16xi32>, vector<16xi32>
      }
      %scan3A_1116 = arith.constant 32 : i32
      %broadcast_in_dim3A_1117 = arith.constant 0 : i32
      %broadcast_in_dim3A_1118 = vector.broadcast %broadcast_in_dim3A_1117 : i32 to vector<16xi32>
      %eq3A_1119 = arith.constant 0 : i32
      %eq3A_1120 = vector.broadcast %eq3A_1119 : i32 to vector<16xi32>
      %eq3A_1121 = arith.cmpi eq, %iota3A, %eq3A_1120 : vector<16xi32>
      %select_n3A_1122 = arith.select %eq3A_1121, %scan3A_1115#0, %broadcast_in_dim3A_1118 : vector<16xi1>, vector<16xi32>
      %eq3A_1123 = arith.constant 1 : i32
      %eq3A_1124 = vector.broadcast %eq3A_1123 : i32 to vector<16xi32>
      %eq3A_1125 = arith.cmpi eq, %iota3A, %eq3A_1124 : vector<16xi32>
      %select_n3A_1126 = arith.select %eq3A_1125, %scan3A_1115#1, %select_n3A_1122 : vector<16xi1>, vector<16xi32>
      %eq3A_1127 = arith.constant 2 : i32
      %eq3A_1128 = vector.broadcast %eq3A_1127 : i32 to vector<16xi32>
      %eq3A_1129 = arith.cmpi eq, %iota3A, %eq3A_1128 : vector<16xi32>
      %select_n3A_1130 = arith.select %eq3A_1129, %scan3A_1115#2, %select_n3A_1126 : vector<16xi1>, vector<16xi32>
      %eq3A_1131 = arith.constant 3 : i32
      %eq3A_1132 = vector.broadcast %eq3A_1131 : i32 to vector<16xi32>
      %eq3A_1133 = arith.cmpi eq, %iota3A, %eq3A_1132 : vector<16xi32>
      %select_n3A_1134 = arith.select %eq3A_1133, %scan3A_1115#3, %select_n3A_1130 : vector<16xi1>, vector<16xi32>
      %eq3A_1135 = arith.constant 4 : i32
      %eq3A_1136 = vector.broadcast %eq3A_1135 : i32 to vector<16xi32>
      %eq3A_1137 = arith.cmpi eq, %iota3A, %eq3A_1136 : vector<16xi32>
      %select_n3A_1138 = arith.select %eq3A_1137, %scan3A_1115#4, %select_n3A_1134 : vector<16xi1>, vector<16xi32>
      %eq3A_1139 = arith.constant 5 : i32
      %eq3A_1140 = vector.broadcast %eq3A_1139 : i32 to vector<16xi32>
      %eq3A_1141 = arith.cmpi eq, %iota3A, %eq3A_1140 : vector<16xi32>
      %select_n3A_1142 = arith.select %eq3A_1141, %scan3A_1115#5, %select_n3A_1138 : vector<16xi1>, vector<16xi32>
      %eq3A_1143 = arith.constant 6 : i32
      %eq3A_1144 = vector.broadcast %eq3A_1143 : i32 to vector<16xi32>
      %eq3A_1145 = arith.cmpi eq, %iota3A, %eq3A_1144 : vector<16xi32>
      %select_n3A_1146 = arith.select %eq3A_1145, %scan3A_1115#6, %select_n3A_1142 : vector<16xi1>, vector<16xi32>
      %eq3A_1147 = arith.constant 7 : i32
      %eq3A_1148 = vector.broadcast %eq3A_1147 : i32 to vector<16xi32>
      %eq3A_1149 = arith.cmpi eq, %iota3A, %eq3A_1148 : vector<16xi32>
      %select_n3A_1150 = arith.select %eq3A_1149, %scan3A_1115#7, %select_n3A_1146 : vector<16xi1>, vector<16xi32>
      %eq3A_1151 = arith.constant 8 : i32
      %eq3A_1152 = vector.broadcast %eq3A_1151 : i32 to vector<16xi32>
      %eq3A_1153 = arith.cmpi eq, %iota3A, %eq3A_1152 : vector<16xi32>
      %select_n3A_1154 = arith.select %eq3A_1153, %scan3A_1115#8, %select_n3A_1150 : vector<16xi1>, vector<16xi32>
      %eq3A_1155 = arith.constant 9 : i32
      %eq3A_1156 = vector.broadcast %eq3A_1155 : i32 to vector<16xi32>
      %eq3A_1157 = arith.cmpi eq, %iota3A, %eq3A_1156 : vector<16xi32>
      %select_n3A_1158 = arith.select %eq3A_1157, %scan3A_1115#9, %select_n3A_1154 : vector<16xi1>, vector<16xi32>
      %eq3A_1159 = arith.constant 10 : i32
      %eq3A_1160 = vector.broadcast %eq3A_1159 : i32 to vector<16xi32>
      %eq3A_1161 = arith.cmpi eq, %iota3A, %eq3A_1160 : vector<16xi32>
      %select_n3A_1162 = arith.select %eq3A_1161, %scan3A_1115#10, %select_n3A_1158 : vector<16xi1>, vector<16xi32>
      %eq3A_1163 = arith.constant 11 : i32
      %eq3A_1164 = vector.broadcast %eq3A_1163 : i32 to vector<16xi32>
      %eq3A_1165 = arith.cmpi eq, %iota3A, %eq3A_1164 : vector<16xi32>
      %select_n3A_1166 = arith.select %eq3A_1165, %scan3A_1115#11, %select_n3A_1162 : vector<16xi1>, vector<16xi32>
      %eq3A_1167 = arith.constant 12 : i32
      %eq3A_1168 = vector.broadcast %eq3A_1167 : i32 to vector<16xi32>
      %eq3A_1169 = arith.cmpi eq, %iota3A, %eq3A_1168 : vector<16xi32>
      %select_n3A_1170 = arith.select %eq3A_1169, %scan3A_1115#12, %select_n3A_1166 : vector<16xi1>, vector<16xi32>
      %eq3A_1171 = arith.constant 13 : i32
      %eq3A_1172 = vector.broadcast %eq3A_1171 : i32 to vector<16xi32>
      %eq3A_1173 = arith.cmpi eq, %iota3A, %eq3A_1172 : vector<16xi32>
      %select_n3A_1174 = arith.select %eq3A_1173, %scan3A_1115#13, %select_n3A_1170 : vector<16xi1>, vector<16xi32>
      %eq3A_1175 = arith.constant 14 : i32
      %eq3A_1176 = vector.broadcast %eq3A_1175 : i32 to vector<16xi32>
      %eq3A_1177 = arith.cmpi eq, %iota3A, %eq3A_1176 : vector<16xi32>
      %select_n3A_1178 = arith.select %eq3A_1177, %scan3A_1115#14, %select_n3A_1174 : vector<16xi1>, vector<16xi32>
      %swap3A_1179 = arith.constant 0 : index
      %swap3A_1180 = tpu.vector_load %arg5[%swap3A_1179] {strides = array<i32>} : memref<16xi32, #tpu.memory_space<vmem>>, vector<16xi32>,
      tpu.vector_store %arg5[%swap3A_1179], %select_n3A_1178 {strides = array<i32>} : memref<16xi32, #tpu.memory_space<vmem>>, vector<16xi32>,
      %add3A_1181 = arith.constant 112 : i32
      %add3A_1182 = vector.broadcast %add3A_1181 : i32 to vector<16xi32>
      %add3A_1183 = arith.addi %iota3A, %add3A_1182 : vector<16xi32>
      "tpu.region"() ({
        %run_scoped3A = tpu.sem_alloc : memref<!tpu.dma_semaphore, #tpu.memory_space<semaphore_mem>>
        %dma_start3A = arith.constant 0 : i32
        %dma_start3A_1874 = tpu.memref_slice %arg8[%dma_start3A] : memref<256xi32, #tpu.memory_space<vmem_shared>> -> memref<256xi32, #tpu.memory_space<vmem_shared>>
        tpu.enqueue_indirect_dma source(%arg5 : memref<16xi32, #tpu.memory_space<vmem>>) target(%dma_start3A_1874 : memref<256xi32, #tpu.memory_space<vmem_shared>>) offsets(%add3A_1183 : vector<16xi32>) semaphore(%run_scoped3A : memref<!tpu.dma_semaphore, #tpu.memory_space<semaphore_mem>>) {add = true}
        %dma_wait3A = arith.constant 0 : i32
        %dma_wait3A_1875 = tpu.memref_slice %arg8[%dma_wait3A] : memref<256xi32, #tpu.memory_space<vmem_shared>> -> memref<256xi32, #tpu.memory_space<vmem_shared>>
        tpu.wait_indirect_dma semaphore(%run_scoped3A : memref<!tpu.dma_semaphore, #tpu.memory_space<semaphore_mem>>) src(%arg5 : memref<16xi32, #tpu.memory_space<vmem>>) dst(%dma_wait3A_1875 : memref<256xi32, #tpu.memory_space<vmem_shared>>)
        tpu.yield
      }) : () -> ()
      %barrier3A_1184 = arith.constant 0 : index
      tpu.barrier barrier_id(%barrier3A_1184)
      "tpu.region"() ({
        %run_scoped3A = tpu.sem_alloc : memref<!tpu.dma_semaphore, #tpu.memory_space<semaphore_mem>>
        %dma_start3A = arith.constant 112 : i32
        %dma_start3A_1874 = tpu.memref_slice %arg8[%dma_start3A] : memref<256xi32, #tpu.memory_space<vmem_shared>> -> memref<16xi32, #tpu.memory_space<vmem_shared>>
        %dma_start3A_1875 = arith.constant 112 : i32
        %dma_start3A_1876 = tpu.memref_slice %arg8[%dma_start3A_1875] : memref<256xi32, #tpu.memory_space<vmem_shared>> -> memref<16xi32, #tpu.memory_space<vmem_shared>>
        tpu.enqueue_dma source(%dma_start3A_1876 : memref<16xi32, #tpu.memory_space<vmem_shared>>) target(%arg5 : memref<16xi32, #tpu.memory_space<vmem>>) target_semaphore(%run_scoped3A : memref<!tpu.dma_semaphore, #tpu.memory_space<semaphore_mem>>)
        %dma_wait3A = arith.constant 112 : i32
        %dma_wait3A_1877 = tpu.memref_slice %arg8[%dma_wait3A] : memref<256xi32, #tpu.memory_space<vmem_shared>> -> memref<16xi32, #tpu.memory_space<vmem_shared>>
        %dma_wait3A_1878 = arith.constant 112 : i32
        %dma_wait3A_1879 = tpu.memref_slice %arg8[%dma_wait3A_1878] : memref<256xi32, #tpu.memory_space<vmem_shared>> -> memref<16xi32, #tpu.memory_space<vmem_shared>>
        tpu.wait_dma2 semaphore(%run_scoped3A : memref<!tpu.dma_semaphore, #tpu.memory_space<semaphore_mem>>) src(%dma_wait3A_1879 : memref<16xi32, #tpu.memory_space<vmem_shared>>) dst(%arg5 : memref<16xi32, #tpu.memory_space<vmem>>)
        tpu.yield
      }) : () -> ()
      %get3A_1185 = arith.constant 0 : index
      %get3A_1186 = tpu.vector_load %arg5[%get3A_1185] {strides = array<i32>} : memref<16xi32, #tpu.memory_space<vmem>>, vector<16xi32>,
      %ge3A_1187 = arith.cmpi sge, %get3A_1186, %broadcast_in_dim3A_13 : vector<16xi32>
      %all_reduce_population_count3A_1188 = tpu.all_reduce %ge3A_1187 {dim = 0 : i64, kind = #tpu.reduction_kind<sum>} : vector<16xi1> -> vector<16xi32>
      %shift_left3A_1189 = arith.constant 0 : i32
      %shift_left3A_1190 = vector.broadcast %shift_left3A_1189 : i32 to vector<16xi32>
      %shift_left3A_1191 = arith.shli %all_reduce_population_count3A_1188, %shift_left3A_1190 : vector<16xi32>
      %or3A_1192 = arith.ori %or3A_1035, %shift_left3A_1191 : vector<16xi32>
      %broadcast_in_dim3A_1193 = arith.constant 0 : i32
      %broadcast_in_dim3A_1194 = vector.broadcast %broadcast_in_dim3A_1193 : i32 to vector<16xi32>
      %scan3A_1195 = arith.constant 0 : i32
      %scan3A_1196 = arith.constant 32 : i32
      %scan3A_1197 = arith.addi %scan3A_1195, %scan3A_1196 : i32
      %scan3A_1198 = arith.constant 1 : i32
      %scan3A_1199 = scf.for %scan3A_1874 = %scan3A_1195 to %scan3A_1197 step %scan3A_1198 iter_args(%scan3A_1875 = %broadcast_in_dim3A_1194) -> (vector<16xi32>)  : i32 {
        %mul3A_1876 = arith.constant 16 : i32
        %mul3A_1877 = arith.muli %scan3A_1874, %mul3A_1876 : i32
        %get3A_1878 = arith.index_cast %mul3A_1877 : i32 to index
        %get3A_1879 = tpu.vector_load %arg4[%get3A_1878] {strides = array<i32>} : memref<512xi32, #tpu.memory_space<vmem>>, vector<16xi32>,
        %gt3A = arith.cmpi sgt, %get3A_1879, %or3A_1192 : vector<16xi32>
        %all_reduce_population_count3A_1880 = tpu.all_reduce %gt3A {dim = 0 : i64, kind = #tpu.reduction_kind<sum>} : vector<16xi1> -> vector<16xi32>
        %add3A_1881 = arith.addi %scan3A_1875, %all_reduce_population_count3A_1880 : vector<16xi32>
        scf.yield %add3A_1881 : vector<16xi32>
      }
      %scan3A_1200 = arith.constant 32 : i32
      %swap3A_1201 = arith.constant 0 : index
      %swap3A_1202 = tpu.vector_load %arg5[%swap3A_1201] {strides = array<i32>} : memref<16xi32, #tpu.memory_space<vmem>>, vector<16xi32>,
      tpu.vector_store %arg5[%swap3A_1201], %scan3A_1199 {strides = array<i32>} : memref<16xi32, #tpu.memory_space<vmem>>, vector<16xi32>,
      %add3A_1203 = arith.constant 128 : i32
      %add3A_1204 = vector.broadcast %add3A_1203 : i32 to vector<16xi32>
      %add3A_1205 = arith.addi %iota3A, %add3A_1204 : vector<16xi32>
      "tpu.region"() ({
        %run_scoped3A = tpu.sem_alloc : memref<!tpu.dma_semaphore, #tpu.memory_space<semaphore_mem>>
        %dma_start3A = arith.constant 0 : i32
        %dma_start3A_1874 = tpu.memref_slice %arg8[%dma_start3A] : memref<256xi32, #tpu.memory_space<vmem_shared>> -> memref<256xi32, #tpu.memory_space<vmem_shared>>
        tpu.enqueue_indirect_dma source(%arg5 : memref<16xi32, #tpu.memory_space<vmem>>) target(%dma_start3A_1874 : memref<256xi32, #tpu.memory_space<vmem_shared>>) offsets(%add3A_1205 : vector<16xi32>) semaphore(%run_scoped3A : memref<!tpu.dma_semaphore, #tpu.memory_space<semaphore_mem>>) {add = true}
        %dma_wait3A = arith.constant 0 : i32
        %dma_wait3A_1875 = tpu.memref_slice %arg8[%dma_wait3A] : memref<256xi32, #tpu.memory_space<vmem_shared>> -> memref<256xi32, #tpu.memory_space<vmem_shared>>
        tpu.wait_indirect_dma semaphore(%run_scoped3A : memref<!tpu.dma_semaphore, #tpu.memory_space<semaphore_mem>>) src(%arg5 : memref<16xi32, #tpu.memory_space<vmem>>) dst(%dma_wait3A_1875 : memref<256xi32, #tpu.memory_space<vmem_shared>>)
        tpu.yield
      }) : () -> ()
      %barrier3A_1206 = arith.constant 0 : index
      tpu.barrier barrier_id(%barrier3A_1206)
      "tpu.region"() ({
        %run_scoped3A = tpu.sem_alloc : memref<!tpu.dma_semaphore, #tpu.memory_space<semaphore_mem>>
        %dma_start3A = arith.constant 128 : i32
        %dma_start3A_1874 = tpu.memref_slice %arg8[%dma_start3A] : memref<256xi32, #tpu.memory_space<vmem_shared>> -> memref<16xi32, #tpu.memory_space<vmem_shared>>
        %dma_start3A_1875 = arith.constant 128 : i32
        %dma_start3A_1876 = tpu.memref_slice %arg8[%dma_start3A_1875] : memref<256xi32, #tpu.memory_space<vmem_shared>> -> memref<16xi32, #tpu.memory_space<vmem_shared>>
        tpu.enqueue_dma source(%dma_start3A_1876 : memref<16xi32, #tpu.memory_space<vmem_shared>>) target(%arg5 : memref<16xi32, #tpu.memory_space<vmem>>) target_semaphore(%run_scoped3A : memref<!tpu.dma_semaphore, #tpu.memory_space<semaphore_mem>>)
        %dma_wait3A = arith.constant 128 : i32
        %dma_wait3A_1877 = tpu.memref_slice %arg8[%dma_wait3A] : memref<256xi32, #tpu.memory_space<vmem_shared>> -> memref<16xi32, #tpu.memory_space<vmem_shared>>
        %dma_wait3A_1878 = arith.constant 128 : i32
        %dma_wait3A_1879 = tpu.memref_slice %arg8[%dma_wait3A_1878] : memref<256xi32, #tpu.memory_space<vmem_shared>> -> memref<16xi32, #tpu.memory_space<vmem_shared>>
        tpu.wait_dma2 semaphore(%run_scoped3A : memref<!tpu.dma_semaphore, #tpu.memory_space<semaphore_mem>>) src(%dma_wait3A_1879 : memref<16xi32, #tpu.memory_space<vmem_shared>>) dst(%arg5 : memref<16xi32, #tpu.memory_space<vmem>>)
        tpu.yield
      }) : () -> ()
      %broadcast_in_dim3A_1207 = arith.constant 4095 : i32
      %broadcast_in_dim3A_1208 = vector.broadcast %broadcast_in_dim3A_1207 : i32 to vector<16xi32>
      %get3A_1209 = arith.constant 0 : index
      %get3A_1210 = tpu.vector_load %arg5[%get3A_1209] {strides = array<i32>} : memref<16xi32, #tpu.memory_space<vmem>>, vector<16xi32>,
      %sub3A = arith.subi %broadcast_in_dim3A_1208, %get3A_1210 : vector<16xi32>
      %add3A_1211 = vector.broadcast %mul3A_2 : i32 to vector<16xi32>
      %add3A_1212 = arith.addi %add3A_1211, %iota3A : vector<16xi32>
      %broadcast_in_dim3A_1213 = arith.constant 0 : i32
      %broadcast_in_dim3A_1214 = vector.broadcast %broadcast_in_dim3A_1213 : i32 to vector<16xi32>
      %or3A_1215 = arith.constant 4096 : i32
      %or3A_1216 = vector.broadcast %or3A_1215 : i32 to vector<16xi32>
      %or3A_1217 = arith.ori %broadcast_in_dim3A_1214, %or3A_1216 : vector<16xi32>
      %or3A_1218 = arith.constant 8192 : i32
      %or3A_1219 = vector.broadcast %or3A_1218 : i32 to vector<16xi32>
      %or3A_1220 = arith.ori %broadcast_in_dim3A_1214, %or3A_1219 : vector<16xi32>
      %or3A_1221 = arith.constant 12288 : i32
      %or3A_1222 = vector.broadcast %or3A_1221 : i32 to vector<16xi32>
      %or3A_1223 = arith.ori %broadcast_in_dim3A_1214, %or3A_1222 : vector<16xi32>
      %or3A_1224 = arith.constant 16384 : i32
      %or3A_1225 = vector.broadcast %or3A_1224 : i32 to vector<16xi32>
      %or3A_1226 = arith.ori %broadcast_in_dim3A_1214, %or3A_1225 : vector<16xi32>
      %or3A_1227 = arith.constant 20480 : i32
      %or3A_1228 = vector.broadcast %or3A_1227 : i32 to vector<16xi32>
      %or3A_1229 = arith.ori %broadcast_in_dim3A_1214, %or3A_1228 : vector<16xi32>
      %or3A_1230 = arith.constant 24576 : i32
      %or3A_1231 = vector.broadcast %or3A_1230 : i32 to vector<16xi32>
      %or3A_1232 = arith.ori %broadcast_in_dim3A_1214, %or3A_1231 : vector<16xi32>
      %or3A_1233 = arith.constant 28672 : i32
      %or3A_1234 = vector.broadcast %or3A_1233 : i32 to vector<16xi32>
      %or3A_1235 = arith.ori %broadcast_in_dim3A_1214, %or3A_1234 : vector<16xi32>
      %or3A_1236 = arith.constant 32768 : i32
      %or3A_1237 = vector.broadcast %or3A_1236 : i32 to vector<16xi32>
      %or3A_1238 = arith.ori %broadcast_in_dim3A_1214, %or3A_1237 : vector<16xi32>
      %or3A_1239 = arith.constant 36864 : i32
      %or3A_1240 = vector.broadcast %or3A_1239 : i32 to vector<16xi32>
      %or3A_1241 = arith.ori %broadcast_in_dim3A_1214, %or3A_1240 : vector<16xi32>
      %or3A_1242 = arith.constant 40960 : i32
      %or3A_1243 = vector.broadcast %or3A_1242 : i32 to vector<16xi32>
      %or3A_1244 = arith.ori %broadcast_in_dim3A_1214, %or3A_1243 : vector<16xi32>
      %or3A_1245 = arith.constant 45056 : i32
      %or3A_1246 = vector.broadcast %or3A_1245 : i32 to vector<16xi32>
      %or3A_1247 = arith.ori %broadcast_in_dim3A_1214, %or3A_1246 : vector<16xi32>
      %or3A_1248 = arith.constant 49152 : i32
      %or3A_1249 = vector.broadcast %or3A_1248 : i32 to vector<16xi32>
      %or3A_1250 = arith.ori %broadcast_in_dim3A_1214, %or3A_1249 : vector<16xi32>
      %or3A_1251 = arith.constant 53248 : i32
      %or3A_1252 = vector.broadcast %or3A_1251 : i32 to vector<16xi32>
      %or3A_1253 = arith.ori %broadcast_in_dim3A_1214, %or3A_1252 : vector<16xi32>
      %or3A_1254 = arith.constant 57344 : i32
      %or3A_1255 = vector.broadcast %or3A_1254 : i32 to vector<16xi32>
      %or3A_1256 = arith.ori %broadcast_in_dim3A_1214, %or3A_1255 : vector<16xi32>
      %or3A_1257 = arith.constant 61440 : i32
      %or3A_1258 = vector.broadcast %or3A_1257 : i32 to vector<16xi32>
      %or3A_1259 = arith.ori %broadcast_in_dim3A_1214, %or3A_1258 : vector<16xi32>
      %broadcast_in_dim3A_1260 = arith.constant 0 : i32
      %broadcast_in_dim3A_1261 = vector.broadcast %broadcast_in_dim3A_1260 : i32 to vector<16xi32>
      %broadcast_in_dim3A_1262 = arith.constant 0 : i32
      %broadcast_in_dim3A_1263 = vector.broadcast %broadcast_in_dim3A_1262 : i32 to vector<16xi32>
      %broadcast_in_dim3A_1264 = arith.constant 0 : i32
      %broadcast_in_dim3A_1265 = vector.broadcast %broadcast_in_dim3A_1264 : i32 to vector<16xi32>
      %broadcast_in_dim3A_1266 = arith.constant 0 : i32
      %broadcast_in_dim3A_1267 = vector.broadcast %broadcast_in_dim3A_1266 : i32 to vector<16xi32>
      %broadcast_in_dim3A_1268 = arith.constant 0 : i32
      %broadcast_in_dim3A_1269 = vector.broadcast %broadcast_in_dim3A_1268 : i32 to vector<16xi32>
      %broadcast_in_dim3A_1270 = arith.constant 0 : i32
      %broadcast_in_dim3A_1271 = vector.broadcast %broadcast_in_dim3A_1270 : i32 to vector<16xi32>
      %broadcast_in_dim3A_1272 = arith.constant 0 : i32
      %broadcast_in_dim3A_1273 = vector.broadcast %broadcast_in_dim3A_1272 : i32 to vector<16xi32>
      %broadcast_in_dim3A_1274 = arith.constant 0 : i32
      %broadcast_in_dim3A_1275 = vector.broadcast %broadcast_in_dim3A_1274 : i32 to vector<16xi32>
      %broadcast_in_dim3A_1276 = arith.constant 0 : i32
      %broadcast_in_dim3A_1277 = vector.broadcast %broadcast_in_dim3A_1276 : i32 to vector<16xi32>
      %broadcast_in_dim3A_1278 = arith.constant 0 : i32
      %broadcast_in_dim3A_1279 = vector.broadcast %broadcast_in_dim3A_1278 : i32 to vector<16xi32>
      %broadcast_in_dim3A_1280 = arith.constant 0 : i32
      %broadcast_in_dim3A_1281 = vector.broadcast %broadcast_in_dim3A_1280 : i32 to vector<16xi32>
      %broadcast_in_dim3A_1282 = arith.constant 0 : i32
      %broadcast_in_dim3A_1283 = vector.broadcast %broadcast_in_dim3A_1282 : i32 to vector<16xi32>
      %broadcast_in_dim3A_1284 = arith.constant 0 : i32
      %broadcast_in_dim3A_1285 = vector.broadcast %broadcast_in_dim3A_1284 : i32 to vector<16xi32>
      %broadcast_in_dim3A_1286 = arith.constant 0 : i32
      %broadcast_in_dim3A_1287 = vector.broadcast %broadcast_in_dim3A_1286 : i32 to vector<16xi32>
      %broadcast_in_dim3A_1288 = arith.constant 0 : i32
      %broadcast_in_dim3A_1289 = vector.broadcast %broadcast_in_dim3A_1288 : i32 to vector<16xi32>
      %scan3A_1290 = arith.constant 0 : i32
      %scan3A_1291 = arith.constant 32 : i32
      %scan3A_1292 = arith.addi %scan3A_1290, %scan3A_1291 : i32
      %scan3A_1293 = arith.constant 1 : i32
      %scan3A_1294:15 = scf.for %scan3A_1874 = %scan3A_1290 to %scan3A_1292 step %scan3A_1293 iter_args(%scan3A_1875 = %broadcast_in_dim3A_1261, %scan3A_1876 = %broadcast_in_dim3A_1263, %scan3A_1877 = %broadcast_in_dim3A_1265, %scan3A_1878 = %broadcast_in_dim3A_1267, %scan3A_1879 = %broadcast_in_dim3A_1269, %scan3A_1880 = %broadcast_in_dim3A_1271, %scan3A_1881 = %broadcast_in_dim3A_1273, %scan3A_1882 = %broadcast_in_dim3A_1275, %scan3A_1883 = %broadcast_in_dim3A_1277, %scan3A_1884 = %broadcast_in_dim3A_1279, %scan3A_1885 = %broadcast_in_dim3A_1281, %scan3A_1886 = %broadcast_in_dim3A_1283, %scan3A_1887 = %broadcast_in_dim3A_1285, %scan3A_1888 = %broadcast_in_dim3A_1287, %scan3A_1889 = %broadcast_in_dim3A_1289) -> (vector<16xi32>, vector<16xi32>, vector<16xi32>, vector<16xi32>, vector<16xi32>, vector<16xi32>, vector<16xi32>, vector<16xi32>, vector<16xi32>, vector<16xi32>, vector<16xi32>, vector<16xi32>, vector<16xi32>, vector<16xi32>, vector<16xi32>)  : i32 {
        %mul3A_1890 = arith.constant 16 : i32
        %mul3A_1891 = arith.muli %scan3A_1874, %mul3A_1890 : i32
        %get3A_1892 = arith.index_cast %mul3A_1891 : i32 to index
        %get3A_1893 = tpu.vector_load %arg4[%get3A_1892] {strides = array<i32>} : memref<512xi32, #tpu.memory_space<vmem>>, vector<16xi32>,
        %eq3A_1894 = arith.cmpi eq, %get3A_1893, %or3A_1192 : vector<16xi32>
        %mul3A_1895 = arith.constant 16 : i32
        %mul3A_1896 = arith.muli %scan3A_1874, %mul3A_1895 : i32
        %add3A_1897 = vector.broadcast %mul3A_1896 : i32 to vector<16xi32>
        %add3A_1898 = arith.addi %add3A_1212, %add3A_1897 : vector<16xi32>
        %lt3A_1899 = arith.cmpi slt, %add3A_1898, %or3A_1217 : vector<16xi32>
        %and3A_1900 = arith.andi %eq3A_1894, %lt3A_1899 : vector<16xi1>
        %all_reduce_population_count3A_1901 = tpu.all_reduce %and3A_1900 {dim = 0 : i64, kind = #tpu.reduction_kind<sum>} : vector<16xi1> -> vector<16xi32>
        %add3A_1902 = arith.addi %scan3A_1875, %all_reduce_population_count3A_1901 : vector<16xi32>
        %lt3A_1903 = arith.cmpi slt, %add3A_1898, %or3A_1220 : vector<16xi32>
        %and3A_1904 = arith.andi %eq3A_1894, %lt3A_1903 : vector<16xi1>
        %all_reduce_population_count3A_1905 = tpu.all_reduce %and3A_1904 {dim = 0 : i64, kind = #tpu.reduction_kind<sum>} : vector<16xi1> -> vector<16xi32>
        %add3A_1906 = arith.addi %scan3A_1876, %all_reduce_population_count3A_1905 : vector<16xi32>
        %lt3A_1907 = arith.cmpi slt, %add3A_1898, %or3A_1223 : vector<16xi32>
        %and3A_1908 = arith.andi %eq3A_1894, %lt3A_1907 : vector<16xi1>
        %all_reduce_population_count3A_1909 = tpu.all_reduce %and3A_1908 {dim = 0 : i64, kind = #tpu.reduction_kind<sum>} : vector<16xi1> -> vector<16xi32>
        %add3A_1910 = arith.addi %scan3A_1877, %all_reduce_population_count3A_1909 : vector<16xi32>
        %lt3A_1911 = arith.cmpi slt, %add3A_1898, %or3A_1226 : vector<16xi32>
        %and3A_1912 = arith.andi %eq3A_1894, %lt3A_1911 : vector<16xi1>
        %all_reduce_population_count3A_1913 = tpu.all_reduce %and3A_1912 {dim = 0 : i64, kind = #tpu.reduction_kind<sum>} : vector<16xi1> -> vector<16xi32>
        %add3A_1914 = arith.addi %scan3A_1878, %all_reduce_population_count3A_1913 : vector<16xi32>
        %lt3A_1915 = arith.cmpi slt, %add3A_1898, %or3A_1229 : vector<16xi32>
        %and3A_1916 = arith.andi %eq3A_1894, %lt3A_1915 : vector<16xi1>
        %all_reduce_population_count3A_1917 = tpu.all_reduce %and3A_1916 {dim = 0 : i64, kind = #tpu.reduction_kind<sum>} : vector<16xi1> -> vector<16xi32>
        %add3A_1918 = arith.addi %scan3A_1879, %all_reduce_population_count3A_1917 : vector<16xi32>
        %lt3A_1919 = arith.cmpi slt, %add3A_1898, %or3A_1232 : vector<16xi32>
        %and3A_1920 = arith.andi %eq3A_1894, %lt3A_1919 : vector<16xi1>
        %all_reduce_population_count3A_1921 = tpu.all_reduce %and3A_1920 {dim = 0 : i64, kind = #tpu.reduction_kind<sum>} : vector<16xi1> -> vector<16xi32>
        %add3A_1922 = arith.addi %scan3A_1880, %all_reduce_population_count3A_1921 : vector<16xi32>
        %lt3A_1923 = arith.cmpi slt, %add3A_1898, %or3A_1235 : vector<16xi32>
        %and3A_1924 = arith.andi %eq3A_1894, %lt3A_1923 : vector<16xi1>
        %all_reduce_population_count3A_1925 = tpu.all_reduce %and3A_1924 {dim = 0 : i64, kind = #tpu.reduction_kind<sum>} : vector<16xi1> -> vector<16xi32>
        %add3A_1926 = arith.addi %scan3A_1881, %all_reduce_population_count3A_1925 : vector<16xi32>
        %lt3A_1927 = arith.cmpi slt, %add3A_1898, %or3A_1238 : vector<16xi32>
        %and3A_1928 = arith.andi %eq3A_1894, %lt3A_1927 : vector<16xi1>
        %all_reduce_population_count3A_1929 = tpu.all_reduce %and3A_1928 {dim = 0 : i64, kind = #tpu.reduction_kind<sum>} : vector<16xi1> -> vector<16xi32>
        %add3A_1930 = arith.addi %scan3A_1882, %all_reduce_population_count3A_1929 : vector<16xi32>
        %lt3A_1931 = arith.cmpi slt, %add3A_1898, %or3A_1241 : vector<16xi32>
        %and3A_1932 = arith.andi %eq3A_1894, %lt3A_1931 : vector<16xi1>
        %all_reduce_population_count3A_1933 = tpu.all_reduce %and3A_1932 {dim = 0 : i64, kind = #tpu.reduction_kind<sum>} : vector<16xi1> -> vector<16xi32>
        %add3A_1934 = arith.addi %scan3A_1883, %all_reduce_population_count3A_1933 : vector<16xi32>
        %lt3A_1935 = arith.cmpi slt, %add3A_1898, %or3A_1244 : vector<16xi32>
        %and3A_1936 = arith.andi %eq3A_1894, %lt3A_1935 : vector<16xi1>
        %all_reduce_population_count3A_1937 = tpu.all_reduce %and3A_1936 {dim = 0 : i64, kind = #tpu.reduction_kind<sum>} : vector<16xi1> -> vector<16xi32>
        %add3A_1938 = arith.addi %scan3A_1884, %all_reduce_population_count3A_1937 : vector<16xi32>
        %lt3A_1939 = arith.cmpi slt, %add3A_1898, %or3A_1247 : vector<16xi32>
        %and3A_1940 = arith.andi %eq3A_1894, %lt3A_1939 : vector<16xi1>
        %all_reduce_population_count3A_1941 = tpu.all_reduce %and3A_1940 {dim = 0 : i64, kind = #tpu.reduction_kind<sum>} : vector<16xi1> -> vector<16xi32>
        %add3A_1942 = arith.addi %scan3A_1885, %all_reduce_population_count3A_1941 : vector<16xi32>
        %lt3A_1943 = arith.cmpi slt, %add3A_1898, %or3A_1250 : vector<16xi32>
        %and3A_1944 = arith.andi %eq3A_1894, %lt3A_1943 : vector<16xi1>
        %all_reduce_population_count3A_1945 = tpu.all_reduce %and3A_1944 {dim = 0 : i64, kind = #tpu.reduction_kind<sum>} : vector<16xi1> -> vector<16xi32>
        %add3A_1946 = arith.addi %scan3A_1886, %all_reduce_population_count3A_1945 : vector<16xi32>
        %lt3A_1947 = arith.cmpi slt, %add3A_1898, %or3A_1253 : vector<16xi32>
        %and3A_1948 = arith.andi %eq3A_1894, %lt3A_1947 : vector<16xi1>
        %all_reduce_population_count3A_1949 = tpu.all_reduce %and3A_1948 {dim = 0 : i64, kind = #tpu.reduction_kind<sum>} : vector<16xi1> -> vector<16xi32>
        %add3A_1950 = arith.addi %scan3A_1887, %all_reduce_population_count3A_1949 : vector<16xi32>
        %lt3A_1951 = arith.cmpi slt, %add3A_1898, %or3A_1256 : vector<16xi32>
        %and3A_1952 = arith.andi %eq3A_1894, %lt3A_1951 : vector<16xi1>
        %all_reduce_population_count3A_1953 = tpu.all_reduce %and3A_1952 {dim = 0 : i64, kind = #tpu.reduction_kind<sum>} : vector<16xi1> -> vector<16xi32>
        %add3A_1954 = arith.addi %scan3A_1888, %all_reduce_population_count3A_1953 : vector<16xi32>
        %lt3A_1955 = arith.cmpi slt, %add3A_1898, %or3A_1259 : vector<16xi32>
        %and3A_1956 = arith.andi %eq3A_1894, %lt3A_1955 : vector<16xi1>
        %all_reduce_population_count3A_1957 = tpu.all_reduce %and3A_1956 {dim = 0 : i64, kind = #tpu.reduction_kind<sum>} : vector<16xi1> -> vector<16xi32>
        %add3A_1958 = arith.addi %scan3A_1889, %all_reduce_population_count3A_1957 : vector<16xi32>
        scf.yield %add3A_1902, %add3A_1906, %add3A_1910, %add3A_1914, %add3A_1918, %add3A_1922, %add3A_1926, %add3A_1930, %add3A_1934, %add3A_1938, %add3A_1942, %add3A_1946, %add3A_1950, %add3A_1954, %add3A_1958 : vector<16xi32>, vector<16xi32>, vector<16xi32>, vector<16xi32>, vector<16xi32>, vector<16xi32>, vector<16xi32>, vector<16xi32>, vector<16xi32>, vector<16xi32>, vector<16xi32>, vector<16xi32>, vector<16xi32>, vector<16xi32>, vector<16xi32>
      }
      %scan3A_1295 = arith.constant 32 : i32
      %broadcast_in_dim3A_1296 = arith.constant 0 : i32
      %broadcast_in_dim3A_1297 = vector.broadcast %broadcast_in_dim3A_1296 : i32 to vector<16xi32>
      %eq3A_1298 = arith.constant 0 : i32
      %eq3A_1299 = vector.broadcast %eq3A_1298 : i32 to vector<16xi32>
      %eq3A_1300 = arith.cmpi eq, %iota3A, %eq3A_1299 : vector<16xi32>
      %select_n3A_1301 = arith.select %eq3A_1300, %scan3A_1294#0, %broadcast_in_dim3A_1297 : vector<16xi1>, vector<16xi32>
      %eq3A_1302 = arith.constant 1 : i32
      %eq3A_1303 = vector.broadcast %eq3A_1302 : i32 to vector<16xi32>
      %eq3A_1304 = arith.cmpi eq, %iota3A, %eq3A_1303 : vector<16xi32>
      %select_n3A_1305 = arith.select %eq3A_1304, %scan3A_1294#1, %select_n3A_1301 : vector<16xi1>, vector<16xi32>
      %eq3A_1306 = arith.constant 2 : i32
      %eq3A_1307 = vector.broadcast %eq3A_1306 : i32 to vector<16xi32>
      %eq3A_1308 = arith.cmpi eq, %iota3A, %eq3A_1307 : vector<16xi32>
      %select_n3A_1309 = arith.select %eq3A_1308, %scan3A_1294#2, %select_n3A_1305 : vector<16xi1>, vector<16xi32>
      %eq3A_1310 = arith.constant 3 : i32
      %eq3A_1311 = vector.broadcast %eq3A_1310 : i32 to vector<16xi32>
      %eq3A_1312 = arith.cmpi eq, %iota3A, %eq3A_1311 : vector<16xi32>
      %select_n3A_1313 = arith.select %eq3A_1312, %scan3A_1294#3, %select_n3A_1309 : vector<16xi1>, vector<16xi32>
      %eq3A_1314 = arith.constant 4 : i32
      %eq3A_1315 = vector.broadcast %eq3A_1314 : i32 to vector<16xi32>
      %eq3A_1316 = arith.cmpi eq, %iota3A, %eq3A_1315 : vector<16xi32>
      %select_n3A_1317 = arith.select %eq3A_1316, %scan3A_1294#4, %select_n3A_1313 : vector<16xi1>, vector<16xi32>
      %eq3A_1318 = arith.constant 5 : i32
      %eq3A_1319 = vector.broadcast %eq3A_1318 : i32 to vector<16xi32>
      %eq3A_1320 = arith.cmpi eq, %iota3A, %eq3A_1319 : vector<16xi32>
      %select_n3A_1321 = arith.select %eq3A_1320, %scan3A_1294#5, %select_n3A_1317 : vector<16xi1>, vector<16xi32>
      %eq3A_1322 = arith.constant 6 : i32
      %eq3A_1323 = vector.broadcast %eq3A_1322 : i32 to vector<16xi32>
      %eq3A_1324 = arith.cmpi eq, %iota3A, %eq3A_1323 : vector<16xi32>
      %select_n3A_1325 = arith.select %eq3A_1324, %scan3A_1294#6, %select_n3A_1321 : vector<16xi1>, vector<16xi32>
      %eq3A_1326 = arith.constant 7 : i32
      %eq3A_1327 = vector.broadcast %eq3A_1326 : i32 to vector<16xi32>
      %eq3A_1328 = arith.cmpi eq, %iota3A, %eq3A_1327 : vector<16xi32>
      %select_n3A_1329 = arith.select %eq3A_1328, %scan3A_1294#7, %select_n3A_1325 : vector<16xi1>, vector<16xi32>
      %eq3A_1330 = arith.constant 8 : i32
      %eq3A_1331 = vector.broadcast %eq3A_1330 : i32 to vector<16xi32>
      %eq3A_1332 = arith.cmpi eq, %iota3A, %eq3A_1331 : vector<16xi32>
      %select_n3A_1333 = arith.select %eq3A_1332, %scan3A_1294#8, %select_n3A_1329 : vector<16xi1>, vector<16xi32>
      %eq3A_1334 = arith.constant 9 : i32
      %eq3A_1335 = vector.broadcast %eq3A_1334 : i32 to vector<16xi32>
      %eq3A_1336 = arith.cmpi eq, %iota3A, %eq3A_1335 : vector<16xi32>
      %select_n3A_1337 = arith.select %eq3A_1336, %scan3A_1294#9, %select_n3A_1333 : vector<16xi1>, vector<16xi32>
      %eq3A_1338 = arith.constant 10 : i32
      %eq3A_1339 = vector.broadcast %eq3A_1338 : i32 to vector<16xi32>
      %eq3A_1340 = arith.cmpi eq, %iota3A, %eq3A_1339 : vector<16xi32>
      %select_n3A_1341 = arith.select %eq3A_1340, %scan3A_1294#10, %select_n3A_1337 : vector<16xi1>, vector<16xi32>
      %eq3A_1342 = arith.constant 11 : i32
      %eq3A_1343 = vector.broadcast %eq3A_1342 : i32 to vector<16xi32>
      %eq3A_1344 = arith.cmpi eq, %iota3A, %eq3A_1343 : vector<16xi32>
      %select_n3A_1345 = arith.select %eq3A_1344, %scan3A_1294#11, %select_n3A_1341 : vector<16xi1>, vector<16xi32>
      %eq3A_1346 = arith.constant 12 : i32
      %eq3A_1347 = vector.broadcast %eq3A_1346 : i32 to vector<16xi32>
      %eq3A_1348 = arith.cmpi eq, %iota3A, %eq3A_1347 : vector<16xi32>
      %select_n3A_1349 = arith.select %eq3A_1348, %scan3A_1294#12, %select_n3A_1345 : vector<16xi1>, vector<16xi32>
      %eq3A_1350 = arith.constant 13 : i32
      %eq3A_1351 = vector.broadcast %eq3A_1350 : i32 to vector<16xi32>
      %eq3A_1352 = arith.cmpi eq, %iota3A, %eq3A_1351 : vector<16xi32>
      %select_n3A_1353 = arith.select %eq3A_1352, %scan3A_1294#13, %select_n3A_1349 : vector<16xi1>, vector<16xi32>
      %eq3A_1354 = arith.constant 14 : i32
      %eq3A_1355 = vector.broadcast %eq3A_1354 : i32 to vector<16xi32>
      %eq3A_1356 = arith.cmpi eq, %iota3A, %eq3A_1355 : vector<16xi32>
      %select_n3A_1357 = arith.select %eq3A_1356, %scan3A_1294#14, %select_n3A_1353 : vector<16xi1>, vector<16xi32>
      %swap3A_1358 = arith.constant 0 : index
      %swap3A_1359 = tpu.vector_load %arg5[%swap3A_1358] {strides = array<i32>} : memref<16xi32, #tpu.memory_space<vmem>>, vector<16xi32>,
      tpu.vector_store %arg5[%swap3A_1358], %select_n3A_1357 {strides = array<i32>} : memref<16xi32, #tpu.memory_space<vmem>>, vector<16xi32>,
      %add3A_1360 = arith.constant 144 : i32
      %add3A_1361 = vector.broadcast %add3A_1360 : i32 to vector<16xi32>
      %add3A_1362 = arith.addi %iota3A, %add3A_1361 : vector<16xi32>
      %add3A_1363 = arith.constant 0 : i32
      %add3A_1364 = vector.broadcast %add3A_1363 : i32 to vector<16xi32>
      %add3A_1365 = arith.addi %add3A_1362, %add3A_1364 : vector<16xi32>
      "tpu.region"() ({
        %run_scoped3A = tpu.sem_alloc : memref<!tpu.dma_semaphore, #tpu.memory_space<semaphore_mem>>
        %dma_start3A = arith.constant 0 : i32
        %dma_start3A_1874 = tpu.memref_slice %arg8[%dma_start3A] : memref<256xi32, #tpu.memory_space<vmem_shared>> -> memref<256xi32, #tpu.memory_space<vmem_shared>>
        tpu.enqueue_indirect_dma source(%arg5 : memref<16xi32, #tpu.memory_space<vmem>>) target(%dma_start3A_1874 : memref<256xi32, #tpu.memory_space<vmem_shared>>) offsets(%add3A_1365 : vector<16xi32>) semaphore(%run_scoped3A : memref<!tpu.dma_semaphore, #tpu.memory_space<semaphore_mem>>) {add = true}
        %dma_wait3A = arith.constant 0 : i32
        %dma_wait3A_1875 = tpu.memref_slice %arg8[%dma_wait3A] : memref<256xi32, #tpu.memory_space<vmem_shared>> -> memref<256xi32, #tpu.memory_space<vmem_shared>>
        tpu.wait_indirect_dma semaphore(%run_scoped3A : memref<!tpu.dma_semaphore, #tpu.memory_space<semaphore_mem>>) src(%arg5 : memref<16xi32, #tpu.memory_space<vmem>>) dst(%dma_wait3A_1875 : memref<256xi32, #tpu.memory_space<vmem_shared>>)
        tpu.yield
      }) : () -> ()
      %barrier3A_1366 = arith.constant 0 : index
      tpu.barrier barrier_id(%barrier3A_1366)
      "tpu.region"() ({
        %run_scoped3A = tpu.sem_alloc : memref<!tpu.dma_semaphore, #tpu.memory_space<semaphore_mem>>
        %dma_start3A = arith.constant 144 : i32
        %dma_start3A_1874 = tpu.memref_slice %arg8[%dma_start3A] : memref<256xi32, #tpu.memory_space<vmem_shared>> -> memref<16xi32, #tpu.memory_space<vmem_shared>>
        %dma_start3A_1875 = arith.constant 144 : i32
        %dma_start3A_1876 = tpu.memref_slice %arg8[%dma_start3A_1875] : memref<256xi32, #tpu.memory_space<vmem_shared>> -> memref<16xi32, #tpu.memory_space<vmem_shared>>
        tpu.enqueue_dma source(%dma_start3A_1876 : memref<16xi32, #tpu.memory_space<vmem_shared>>) target(%arg5 : memref<16xi32, #tpu.memory_space<vmem>>) target_semaphore(%run_scoped3A : memref<!tpu.dma_semaphore, #tpu.memory_space<semaphore_mem>>)
        %dma_wait3A = arith.constant 144 : i32
        %dma_wait3A_1877 = tpu.memref_slice %arg8[%dma_wait3A] : memref<256xi32, #tpu.memory_space<vmem_shared>> -> memref<16xi32, #tpu.memory_space<vmem_shared>>
        %dma_wait3A_1878 = arith.constant 144 : i32
        %dma_wait3A_1879 = tpu.memref_slice %arg8[%dma_wait3A_1878] : memref<256xi32, #tpu.memory_space<vmem_shared>> -> memref<16xi32, #tpu.memory_space<vmem_shared>>
        tpu.wait_dma2 semaphore(%run_scoped3A : memref<!tpu.dma_semaphore, #tpu.memory_space<semaphore_mem>>) src(%dma_wait3A_1879 : memref<16xi32, #tpu.memory_space<vmem_shared>>) dst(%arg5 : memref<16xi32, #tpu.memory_space<vmem>>)
        tpu.yield
      }) : () -> ()
      %get3A_1367 = arith.constant 0 : index
      %get3A_1368 = tpu.vector_load %arg5[%get3A_1367] {strides = array<i32>} : memref<16xi32, #tpu.memory_space<vmem>>, vector<16xi32>,
      %le3A = arith.cmpi sle, %get3A_1368, %sub3A : vector<16xi32>
      %lt3A = arith.constant 15 : i32
      %lt3A_1369 = vector.broadcast %lt3A : i32 to vector<16xi32>
      %lt3A_1370 = arith.cmpi slt, %iota3A, %lt3A_1369 : vector<16xi32>
      %and3A = arith.andi %le3A, %lt3A_1370 : vector<16xi1>
      %all_reduce_population_count3A_1371 = tpu.all_reduce %and3A {dim = 0 : i64, kind = #tpu.reduction_kind<sum>} : vector<16xi1> -> vector<16xi32>
      %shift_left3A_1372 = arith.constant 12 : i32
      %shift_left3A_1373 = vector.broadcast %shift_left3A_1372 : i32 to vector<16xi32>
      %shift_left3A_1374 = arith.shli %all_reduce_population_count3A_1371, %shift_left3A_1373 : vector<16xi32>
      %or3A_1375 = arith.ori %broadcast_in_dim3A_1214, %shift_left3A_1374 : vector<16xi32>
      %or3A_1376 = arith.constant 256 : i32
      %or3A_1377 = vector.broadcast %or3A_1376 : i32 to vector<16xi32>
      %or3A_1378 = arith.ori %or3A_1375, %or3A_1377 : vector<16xi32>
      %or3A_1379 = arith.constant 512 : i32
      %or3A_1380 = vector.broadcast %or3A_1379 : i32 to vector<16xi32>
      %or3A_1381 = arith.ori %or3A_1375, %or3A_1380 : vector<16xi32>
      %or3A_1382 = arith.constant 768 : i32
      %or3A_1383 = vector.broadcast %or3A_1382 : i32 to vector<16xi32>
      %or3A_1384 = arith.ori %or3A_1375, %or3A_1383 : vector<16xi32>
      %or3A_1385 = arith.constant 1024 : i32
      %or3A_1386 = vector.broadcast %or3A_1385 : i32 to vector<16xi32>
      %or3A_1387 = arith.ori %or3A_1375, %or3A_1386 : vector<16xi32>
      %or3A_1388 = arith.constant 1280 : i32
      %or3A_1389 = vector.broadcast %or3A_1388 : i32 to vector<16xi32>
      %or3A_1390 = arith.ori %or3A_1375, %or3A_1389 : vector<16xi32>
      %or3A_1391 = arith.constant 1536 : i32
      %or3A_1392 = vector.broadcast %or3A_1391 : i32 to vector<16xi32>
      %or3A_1393 = arith.ori %or3A_1375, %or3A_1392 : vector<16xi32>
      %or3A_1394 = arith.constant 1792 : i32
      %or3A_1395 = vector.broadcast %or3A_1394 : i32 to vector<16xi32>
      %or3A_1396 = arith.ori %or3A_1375, %or3A_1395 : vector<16xi32>
      %or3A_1397 = arith.constant 2048 : i32
      %or3A_1398 = vector.broadcast %or3A_1397 : i32 to vector<16xi32>
      %or3A_1399 = arith.ori %or3A_1375, %or3A_1398 : vector<16xi32>
      %or3A_1400 = arith.constant 2304 : i32
      %or3A_1401 = vector.broadcast %or3A_1400 : i32 to vector<16xi32>
      %or3A_1402 = arith.ori %or3A_1375, %or3A_1401 : vector<16xi32>
      %or3A_1403 = arith.constant 2560 : i32
      %or3A_1404 = vector.broadcast %or3A_1403 : i32 to vector<16xi32>
      %or3A_1405 = arith.ori %or3A_1375, %or3A_1404 : vector<16xi32>
      %or3A_1406 = arith.constant 2816 : i32
      %or3A_1407 = vector.broadcast %or3A_1406 : i32 to vector<16xi32>
      %or3A_1408 = arith.ori %or3A_1375, %or3A_1407 : vector<16xi32>
      %or3A_1409 = arith.constant 3072 : i32
      %or3A_1410 = vector.broadcast %or3A_1409 : i32 to vector<16xi32>
      %or3A_1411 = arith.ori %or3A_1375, %or3A_1410 : vector<16xi32>
      %or3A_1412 = arith.constant 3328 : i32
      %or3A_1413 = vector.broadcast %or3A_1412 : i32 to vector<16xi32>
      %or3A_1414 = arith.ori %or3A_1375, %or3A_1413 : vector<16xi32>
      %or3A_1415 = arith.constant 3584 : i32
      %or3A_1416 = vector.broadcast %or3A_1415 : i32 to vector<16xi32>
      %or3A_1417 = arith.ori %or3A_1375, %or3A_1416 : vector<16xi32>
      %or3A_1418 = arith.constant 3840 : i32
      %or3A_1419 = vector.broadcast %or3A_1418 : i32 to vector<16xi32>
      %or3A_1420 = arith.ori %or3A_1375, %or3A_1419 : vector<16xi32>
      %broadcast_in_dim3A_1421 = arith.constant 0 : i32
      %broadcast_in_dim3A_1422 = vector.broadcast %broadcast_in_dim3A_1421 : i32 to vector<16xi32>
      %broadcast_in_dim3A_1423 = arith.constant 0 : i32
      %broadcast_in_dim3A_1424 = vector.broadcast %broadcast_in_dim3A_1423 : i32 to vector<16xi32>
      %broadcast_in_dim3A_1425 = arith.constant 0 : i32
      %broadcast_in_dim3A_1426 = vector.broadcast %broadcast_in_dim3A_1425 : i32 to vector<16xi32>
      %broadcast_in_dim3A_1427 = arith.constant 0 : i32
      %broadcast_in_dim3A_1428 = vector.broadcast %broadcast_in_dim3A_1427 : i32 to vector<16xi32>
      %broadcast_in_dim3A_1429 = arith.constant 0 : i32
      %broadcast_in_dim3A_1430 = vector.broadcast %broadcast_in_dim3A_1429 : i32 to vector<16xi32>
      %broadcast_in_dim3A_1431 = arith.constant 0 : i32
      %broadcast_in_dim3A_1432 = vector.broadcast %broadcast_in_dim3A_1431 : i32 to vector<16xi32>
      %broadcast_in_dim3A_1433 = arith.constant 0 : i32
      %broadcast_in_dim3A_1434 = vector.broadcast %broadcast_in_dim3A_1433 : i32 to vector<16xi32>
      %broadcast_in_dim3A_1435 = arith.constant 0 : i32
      %broadcast_in_dim3A_1436 = vector.broadcast %broadcast_in_dim3A_1435 : i32 to vector<16xi32>
      %broadcast_in_dim3A_1437 = arith.constant 0 : i32
      %broadcast_in_dim3A_1438 = vector.broadcast %broadcast_in_dim3A_1437 : i32 to vector<16xi32>
      %broadcast_in_dim3A_1439 = arith.constant 0 : i32
      %broadcast_in_dim3A_1440 = vector.broadcast %broadcast_in_dim3A_1439 : i32 to vector<16xi32>
      %broadcast_in_dim3A_1441 = arith.constant 0 : i32
      %broadcast_in_dim3A_1442 = vector.broadcast %broadcast_in_dim3A_1441 : i32 to vector<16xi32>
      %broadcast_in_dim3A_1443 = arith.constant 0 : i32
      %broadcast_in_dim3A_1444 = vector.broadcast %broadcast_in_dim3A_1443 : i32 to vector<16xi32>
      %broadcast_in_dim3A_1445 = arith.constant 0 : i32
      %broadcast_in_dim3A_1446 = vector.broadcast %broadcast_in_dim3A_1445 : i32 to vector<16xi32>
      %broadcast_in_dim3A_1447 = arith.constant 0 : i32
      %broadcast_in_dim3A_1448 = vector.broadcast %broadcast_in_dim3A_1447 : i32 to vector<16xi32>
      %broadcast_in_dim3A_1449 = arith.constant 0 : i32
      %broadcast_in_dim3A_1450 = vector.broadcast %broadcast_in_dim3A_1449 : i32 to vector<16xi32>
      %scan3A_1451 = arith.constant 0 : i32
      %scan3A_1452 = arith.constant 32 : i32
      %scan3A_1453 = arith.addi %scan3A_1451, %scan3A_1452 : i32
      %scan3A_1454 = arith.constant 1 : i32
      %scan3A_1455:15 = scf.for %scan3A_1874 = %scan3A_1451 to %scan3A_1453 step %scan3A_1454 iter_args(%scan3A_1875 = %broadcast_in_dim3A_1422, %scan3A_1876 = %broadcast_in_dim3A_1424, %scan3A_1877 = %broadcast_in_dim3A_1426, %scan3A_1878 = %broadcast_in_dim3A_1428, %scan3A_1879 = %broadcast_in_dim3A_1430, %scan3A_1880 = %broadcast_in_dim3A_1432, %scan3A_1881 = %broadcast_in_dim3A_1434, %scan3A_1882 = %broadcast_in_dim3A_1436, %scan3A_1883 = %broadcast_in_dim3A_1438, %scan3A_1884 = %broadcast_in_dim3A_1440, %scan3A_1885 = %broadcast_in_dim3A_1442, %scan3A_1886 = %broadcast_in_dim3A_1444, %scan3A_1887 = %broadcast_in_dim3A_1446, %scan3A_1888 = %broadcast_in_dim3A_1448, %scan3A_1889 = %broadcast_in_dim3A_1450) -> (vector<16xi32>, vector<16xi32>, vector<16xi32>, vector<16xi32>, vector<16xi32>, vector<16xi32>, vector<16xi32>, vector<16xi32>, vector<16xi32>, vector<16xi32>, vector<16xi32>, vector<16xi32>, vector<16xi32>, vector<16xi32>, vector<16xi32>)  : i32 {
        %mul3A_1890 = arith.constant 16 : i32
        %mul3A_1891 = arith.muli %scan3A_1874, %mul3A_1890 : i32
        %get3A_1892 = arith.index_cast %mul3A_1891 : i32 to index
        %get3A_1893 = tpu.vector_load %arg4[%get3A_1892] {strides = array<i32>} : memref<512xi32, #tpu.memory_space<vmem>>, vector<16xi32>,
        %eq3A_1894 = arith.cmpi eq, %get3A_1893, %or3A_1192 : vector<16xi32>
        %mul3A_1895 = arith.constant 16 : i32
        %mul3A_1896 = arith.muli %scan3A_1874, %mul3A_1895 : i32
        %add3A_1897 = vector.broadcast %mul3A_1896 : i32 to vector<16xi32>
        %add3A_1898 = arith.addi %add3A_1212, %add3A_1897 : vector<16xi32>
        %lt3A_1899 = arith.cmpi slt, %add3A_1898, %or3A_1378 : vector<16xi32>
        %and3A_1900 = arith.andi %eq3A_1894, %lt3A_1899 : vector<16xi1>
        %all_reduce_population_count3A_1901 = tpu.all_reduce %and3A_1900 {dim = 0 : i64, kind = #tpu.reduction_kind<sum>} : vector<16xi1> -> vector<16xi32>
        %add3A_1902 = arith.addi %scan3A_1875, %all_reduce_population_count3A_1901 : vector<16xi32>
        %lt3A_1903 = arith.cmpi slt, %add3A_1898, %or3A_1381 : vector<16xi32>
        %and3A_1904 = arith.andi %eq3A_1894, %lt3A_1903 : vector<16xi1>
        %all_reduce_population_count3A_1905 = tpu.all_reduce %and3A_1904 {dim = 0 : i64, kind = #tpu.reduction_kind<sum>} : vector<16xi1> -> vector<16xi32>
        %add3A_1906 = arith.addi %scan3A_1876, %all_reduce_population_count3A_1905 : vector<16xi32>
        %lt3A_1907 = arith.cmpi slt, %add3A_1898, %or3A_1384 : vector<16xi32>
        %and3A_1908 = arith.andi %eq3A_1894, %lt3A_1907 : vector<16xi1>
        %all_reduce_population_count3A_1909 = tpu.all_reduce %and3A_1908 {dim = 0 : i64, kind = #tpu.reduction_kind<sum>} : vector<16xi1> -> vector<16xi32>
        %add3A_1910 = arith.addi %scan3A_1877, %all_reduce_population_count3A_1909 : vector<16xi32>
        %lt3A_1911 = arith.cmpi slt, %add3A_1898, %or3A_1387 : vector<16xi32>
        %and3A_1912 = arith.andi %eq3A_1894, %lt3A_1911 : vector<16xi1>
        %all_reduce_population_count3A_1913 = tpu.all_reduce %and3A_1912 {dim = 0 : i64, kind = #tpu.reduction_kind<sum>} : vector<16xi1> -> vector<16xi32>
        %add3A_1914 = arith.addi %scan3A_1878, %all_reduce_population_count3A_1913 : vector<16xi32>
        %lt3A_1915 = arith.cmpi slt, %add3A_1898, %or3A_1390 : vector<16xi32>
        %and3A_1916 = arith.andi %eq3A_1894, %lt3A_1915 : vector<16xi1>
        %all_reduce_population_count3A_1917 = tpu.all_reduce %and3A_1916 {dim = 0 : i64, kind = #tpu.reduction_kind<sum>} : vector<16xi1> -> vector<16xi32>
        %add3A_1918 = arith.addi %scan3A_1879, %all_reduce_population_count3A_1917 : vector<16xi32>
        %lt3A_1919 = arith.cmpi slt, %add3A_1898, %or3A_1393 : vector<16xi32>
        %and3A_1920 = arith.andi %eq3A_1894, %lt3A_1919 : vector<16xi1>
        %all_reduce_population_count3A_1921 = tpu.all_reduce %and3A_1920 {dim = 0 : i64, kind = #tpu.reduction_kind<sum>} : vector<16xi1> -> vector<16xi32>
        %add3A_1922 = arith.addi %scan3A_1880, %all_reduce_population_count3A_1921 : vector<16xi32>
        %lt3A_1923 = arith.cmpi slt, %add3A_1898, %or3A_1396 : vector<16xi32>
        %and3A_1924 = arith.andi %eq3A_1894, %lt3A_1923 : vector<16xi1>
        %all_reduce_population_count3A_1925 = tpu.all_reduce %and3A_1924 {dim = 0 : i64, kind = #tpu.reduction_kind<sum>} : vector<16xi1> -> vector<16xi32>
        %add3A_1926 = arith.addi %scan3A_1881, %all_reduce_population_count3A_1925 : vector<16xi32>
        %lt3A_1927 = arith.cmpi slt, %add3A_1898, %or3A_1399 : vector<16xi32>
        %and3A_1928 = arith.andi %eq3A_1894, %lt3A_1927 : vector<16xi1>
        %all_reduce_population_count3A_1929 = tpu.all_reduce %and3A_1928 {dim = 0 : i64, kind = #tpu.reduction_kind<sum>} : vector<16xi1> -> vector<16xi32>
        %add3A_1930 = arith.addi %scan3A_1882, %all_reduce_population_count3A_1929 : vector<16xi32>
        %lt3A_1931 = arith.cmpi slt, %add3A_1898, %or3A_1402 : vector<16xi32>
        %and3A_1932 = arith.andi %eq3A_1894, %lt3A_1931 : vector<16xi1>
        %all_reduce_population_count3A_1933 = tpu.all_reduce %and3A_1932 {dim = 0 : i64, kind = #tpu.reduction_kind<sum>} : vector<16xi1> -> vector<16xi32>
        %add3A_1934 = arith.addi %scan3A_1883, %all_reduce_population_count3A_1933 : vector<16xi32>
        %lt3A_1935 = arith.cmpi slt, %add3A_1898, %or3A_1405 : vector<16xi32>
        %and3A_1936 = arith.andi %eq3A_1894, %lt3A_1935 : vector<16xi1>
        %all_reduce_population_count3A_1937 = tpu.all_reduce %and3A_1936 {dim = 0 : i64, kind = #tpu.reduction_kind<sum>} : vector<16xi1> -> vector<16xi32>
        %add3A_1938 = arith.addi %scan3A_1884, %all_reduce_population_count3A_1937 : vector<16xi32>
        %lt3A_1939 = arith.cmpi slt, %add3A_1898, %or3A_1408 : vector<16xi32>
        %and3A_1940 = arith.andi %eq3A_1894, %lt3A_1939 : vector<16xi1>
        %all_reduce_population_count3A_1941 = tpu.all_reduce %and3A_1940 {dim = 0 : i64, kind = #tpu.reduction_kind<sum>} : vector<16xi1> -> vector<16xi32>
        %add3A_1942 = arith.addi %scan3A_1885, %all_reduce_population_count3A_1941 : vector<16xi32>
        %lt3A_1943 = arith.cmpi slt, %add3A_1898, %or3A_1411 : vector<16xi32>
        %and3A_1944 = arith.andi %eq3A_1894, %lt3A_1943 : vector<16xi1>
        %all_reduce_population_count3A_1945 = tpu.all_reduce %and3A_1944 {dim = 0 : i64, kind = #tpu.reduction_kind<sum>} : vector<16xi1> -> vector<16xi32>
        %add3A_1946 = arith.addi %scan3A_1886, %all_reduce_population_count3A_1945 : vector<16xi32>
        %lt3A_1947 = arith.cmpi slt, %add3A_1898, %or3A_1414 : vector<16xi32>
        %and3A_1948 = arith.andi %eq3A_1894, %lt3A_1947 : vector<16xi1>
        %all_reduce_population_count3A_1949 = tpu.all_reduce %and3A_1948 {dim = 0 : i64, kind = #tpu.reduction_kind<sum>} : vector<16xi1> -> vector<16xi32>
        %add3A_1950 = arith.addi %scan3A_1887, %all_reduce_population_count3A_1949 : vector<16xi32>
        %lt3A_1951 = arith.cmpi slt, %add3A_1898, %or3A_1417 : vector<16xi32>
        %and3A_1952 = arith.andi %eq3A_1894, %lt3A_1951 : vector<16xi1>
        %all_reduce_population_count3A_1953 = tpu.all_reduce %and3A_1952 {dim = 0 : i64, kind = #tpu.reduction_kind<sum>} : vector<16xi1> -> vector<16xi32>
        %add3A_1954 = arith.addi %scan3A_1888, %all_reduce_population_count3A_1953 : vector<16xi32>
        %lt3A_1955 = arith.cmpi slt, %add3A_1898, %or3A_1420 : vector<16xi32>
        %and3A_1956 = arith.andi %eq3A_1894, %lt3A_1955 : vector<16xi1>
        %all_reduce_population_count3A_1957 = tpu.all_reduce %and3A_1956 {dim = 0 : i64, kind = #tpu.reduction_kind<sum>} : vector<16xi1> -> vector<16xi32>
        %add3A_1958 = arith.addi %scan3A_1889, %all_reduce_population_count3A_1957 : vector<16xi32>
        scf.yield %add3A_1902, %add3A_1906, %add3A_1910, %add3A_1914, %add3A_1918, %add3A_1922, %add3A_1926, %add3A_1930, %add3A_1934, %add3A_1938, %add3A_1942, %add3A_1946, %add3A_1950, %add3A_1954, %add3A_1958 : vector<16xi32>, vector<16xi32>, vector<16xi32>, vector<16xi32>, vector<16xi32>, vector<16xi32>, vector<16xi32>, vector<16xi32>, vector<16xi32>, vector<16xi32>, vector<16xi32>, vector<16xi32>, vector<16xi32>, vector<16xi32>, vector<16xi32>
      }
      %scan3A_1456 = arith.constant 32 : i32
      %broadcast_in_dim3A_1457 = arith.constant 0 : i32
      %broadcast_in_dim3A_1458 = vector.broadcast %broadcast_in_dim3A_1457 : i32 to vector<16xi32>
      %eq3A_1459 = arith.constant 0 : i32
      %eq3A_1460 = vector.broadcast %eq3A_1459 : i32 to vector<16xi32>
      %eq3A_1461 = arith.cmpi eq, %iota3A, %eq3A_1460 : vector<16xi32>
      %select_n3A_1462 = arith.select %eq3A_1461, %scan3A_1455#0, %broadcast_in_dim3A_1458 : vector<16xi1>, vector<16xi32>
      %eq3A_1463 = arith.constant 1 : i32
      %eq3A_1464 = vector.broadcast %eq3A_1463 : i32 to vector<16xi32>
      %eq3A_1465 = arith.cmpi eq, %iota3A, %eq3A_1464 : vector<16xi32>
      %select_n3A_1466 = arith.select %eq3A_1465, %scan3A_1455#1, %select_n3A_1462 : vector<16xi1>, vector<16xi32>
      %eq3A_1467 = arith.constant 2 : i32
      %eq3A_1468 = vector.broadcast %eq3A_1467 : i32 to vector<16xi32>
      %eq3A_1469 = arith.cmpi eq, %iota3A, %eq3A_1468 : vector<16xi32>
      %select_n3A_1470 = arith.select %eq3A_1469, %scan3A_1455#2, %select_n3A_1466 : vector<16xi1>, vector<16xi32>
      %eq3A_1471 = arith.constant 3 : i32
      %eq3A_1472 = vector.broadcast %eq3A_1471 : i32 to vector<16xi32>
      %eq3A_1473 = arith.cmpi eq, %iota3A, %eq3A_1472 : vector<16xi32>
      %select_n3A_1474 = arith.select %eq3A_1473, %scan3A_1455#3, %select_n3A_1470 : vector<16xi1>, vector<16xi32>
      %eq3A_1475 = arith.constant 4 : i32
      %eq3A_1476 = vector.broadcast %eq3A_1475 : i32 to vector<16xi32>
      %eq3A_1477 = arith.cmpi eq, %iota3A, %eq3A_1476 : vector<16xi32>
      %select_n3A_1478 = arith.select %eq3A_1477, %scan3A_1455#4, %select_n3A_1474 : vector<16xi1>, vector<16xi32>
      %eq3A_1479 = arith.constant 5 : i32
      %eq3A_1480 = vector.broadcast %eq3A_1479 : i32 to vector<16xi32>
      %eq3A_1481 = arith.cmpi eq, %iota3A, %eq3A_1480 : vector<16xi32>
      %select_n3A_1482 = arith.select %eq3A_1481, %scan3A_1455#5, %select_n3A_1478 : vector<16xi1>, vector<16xi32>
      %eq3A_1483 = arith.constant 6 : i32
      %eq3A_1484 = vector.broadcast %eq3A_1483 : i32 to vector<16xi32>
      %eq3A_1485 = arith.cmpi eq, %iota3A, %eq3A_1484 : vector<16xi32>
      %select_n3A_1486 = arith.select %eq3A_1485, %scan3A_1455#6, %select_n3A_1482 : vector<16xi1>, vector<16xi32>
      %eq3A_1487 = arith.constant 7 : i32
      %eq3A_1488 = vector.broadcast %eq3A_1487 : i32 to vector<16xi32>
      %eq3A_1489 = arith.cmpi eq, %iota3A, %eq3A_1488 : vector<16xi32>
      %select_n3A_1490 = arith.select %eq3A_1489, %scan3A_1455#7, %select_n3A_1486 : vector<16xi1>, vector<16xi32>
      %eq3A_1491 = arith.constant 8 : i32
      %eq3A_1492 = vector.broadcast %eq3A_1491 : i32 to vector<16xi32>
      %eq3A_1493 = arith.cmpi eq, %iota3A, %eq3A_1492 : vector<16xi32>
      %select_n3A_1494 = arith.select %eq3A_1493, %scan3A_1455#8, %select_n3A_1490 : vector<16xi1>, vector<16xi32>
      %eq3A_1495 = arith.constant 9 : i32
      %eq3A_1496 = vector.broadcast %eq3A_1495 : i32 to vector<16xi32>
      %eq3A_1497 = arith.cmpi eq, %iota3A, %eq3A_1496 : vector<16xi32>
      %select_n3A_1498 = arith.select %eq3A_1497, %scan3A_1455#9, %select_n3A_1494 : vector<16xi1>, vector<16xi32>
      %eq3A_1499 = arith.constant 10 : i32
      %eq3A_1500 = vector.broadcast %eq3A_1499 : i32 to vector<16xi32>
      %eq3A_1501 = arith.cmpi eq, %iota3A, %eq3A_1500 : vector<16xi32>
      %select_n3A_1502 = arith.select %eq3A_1501, %scan3A_1455#10, %select_n3A_1498 : vector<16xi1>, vector<16xi32>
      %eq3A_1503 = arith.constant 11 : i32
      %eq3A_1504 = vector.broadcast %eq3A_1503 : i32 to vector<16xi32>
      %eq3A_1505 = arith.cmpi eq, %iota3A, %eq3A_1504 : vector<16xi32>
      %select_n3A_1506 = arith.select %eq3A_1505, %scan3A_1455#11, %select_n3A_1502 : vector<16xi1>, vector<16xi32>
      %eq3A_1507 = arith.constant 12 : i32
      %eq3A_1508 = vector.broadcast %eq3A_1507 : i32 to vector<16xi32>
      %eq3A_1509 = arith.cmpi eq, %iota3A, %eq3A_1508 : vector<16xi32>
      %select_n3A_1510 = arith.select %eq3A_1509, %scan3A_1455#12, %select_n3A_1506 : vector<16xi1>, vector<16xi32>
      %eq3A_1511 = arith.constant 13 : i32
      %eq3A_1512 = vector.broadcast %eq3A_1511 : i32 to vector<16xi32>
      %eq3A_1513 = arith.cmpi eq, %iota3A, %eq3A_1512 : vector<16xi32>
      %select_n3A_1514 = arith.select %eq3A_1513, %scan3A_1455#13, %select_n3A_1510 : vector<16xi1>, vector<16xi32>
      %eq3A_1515 = arith.constant 14 : i32
      %eq3A_1516 = vector.broadcast %eq3A_1515 : i32 to vector<16xi32>
      %eq3A_1517 = arith.cmpi eq, %iota3A, %eq3A_1516 : vector<16xi32>
      %select_n3A_1518 = arith.select %eq3A_1517, %scan3A_1455#14, %select_n3A_1514 : vector<16xi1>, vector<16xi32>
      %swap3A_1519 = arith.constant 0 : index
      %swap3A_1520 = tpu.vector_load %arg5[%swap3A_1519] {strides = array<i32>} : memref<16xi32, #tpu.memory_space<vmem>>, vector<16xi32>,
      tpu.vector_store %arg5[%swap3A_1519], %select_n3A_1518 {strides = array<i32>} : memref<16xi32, #tpu.memory_space<vmem>>, vector<16xi32>,
      %add3A_1521 = arith.constant 144 : i32
      %add3A_1522 = vector.broadcast %add3A_1521 : i32 to vector<16xi32>
      %add3A_1523 = arith.addi %iota3A, %add3A_1522 : vector<16xi32>
      %add3A_1524 = arith.constant 16 : i32
      %add3A_1525 = vector.broadcast %add3A_1524 : i32 to vector<16xi32>
      %add3A_1526 = arith.addi %add3A_1523, %add3A_1525 : vector<16xi32>
      "tpu.region"() ({
        %run_scoped3A = tpu.sem_alloc : memref<!tpu.dma_semaphore, #tpu.memory_space<semaphore_mem>>
        %dma_start3A = arith.constant 0 : i32
        %dma_start3A_1874 = tpu.memref_slice %arg8[%dma_start3A] : memref<256xi32, #tpu.memory_space<vmem_shared>> -> memref<256xi32, #tpu.memory_space<vmem_shared>>
        tpu.enqueue_indirect_dma source(%arg5 : memref<16xi32, #tpu.memory_space<vmem>>) target(%dma_start3A_1874 : memref<256xi32, #tpu.memory_space<vmem_shared>>) offsets(%add3A_1526 : vector<16xi32>) semaphore(%run_scoped3A : memref<!tpu.dma_semaphore, #tpu.memory_space<semaphore_mem>>) {add = true}
        %dma_wait3A = arith.constant 0 : i32
        %dma_wait3A_1875 = tpu.memref_slice %arg8[%dma_wait3A] : memref<256xi32, #tpu.memory_space<vmem_shared>> -> memref<256xi32, #tpu.memory_space<vmem_shared>>
        tpu.wait_indirect_dma semaphore(%run_scoped3A : memref<!tpu.dma_semaphore, #tpu.memory_space<semaphore_mem>>) src(%arg5 : memref<16xi32, #tpu.memory_space<vmem>>) dst(%dma_wait3A_1875 : memref<256xi32, #tpu.memory_space<vmem_shared>>)
        tpu.yield
      }) : () -> ()
      %barrier3A_1527 = arith.constant 0 : index
      tpu.barrier barrier_id(%barrier3A_1527)
      "tpu.region"() ({
        %run_scoped3A = tpu.sem_alloc : memref<!tpu.dma_semaphore, #tpu.memory_space<semaphore_mem>>
        %dma_start3A = arith.constant 160 : i32
        %dma_start3A_1874 = tpu.memref_slice %arg8[%dma_start3A] : memref<256xi32, #tpu.memory_space<vmem_shared>> -> memref<16xi32, #tpu.memory_space<vmem_shared>>
        %dma_start3A_1875 = arith.constant 160 : i32
        %dma_start3A_1876 = tpu.memref_slice %arg8[%dma_start3A_1875] : memref<256xi32, #tpu.memory_space<vmem_shared>> -> memref<16xi32, #tpu.memory_space<vmem_shared>>
        tpu.enqueue_dma source(%dma_start3A_1876 : memref<16xi32, #tpu.memory_space<vmem_shared>>) target(%arg5 : memref<16xi32, #tpu.memory_space<vmem>>) target_semaphore(%run_scoped3A : memref<!tpu.dma_semaphore, #tpu.memory_space<semaphore_mem>>)
        %dma_wait3A = arith.constant 160 : i32
        %dma_wait3A_1877 = tpu.memref_slice %arg8[%dma_wait3A] : memref<256xi32, #tpu.memory_space<vmem_shared>> -> memref<16xi32, #tpu.memory_space<vmem_shared>>
        %dma_wait3A_1878 = arith.constant 160 : i32
        %dma_wait3A_1879 = tpu.memref_slice %arg8[%dma_wait3A_1878] : memref<256xi32, #tpu.memory_space<vmem_shared>> -> memref<16xi32, #tpu.memory_space<vmem_shared>>
        tpu.wait_dma2 semaphore(%run_scoped3A : memref<!tpu.dma_semaphore, #tpu.memory_space<semaphore_mem>>) src(%dma_wait3A_1879 : memref<16xi32, #tpu.memory_space<vmem_shared>>) dst(%arg5 : memref<16xi32, #tpu.memory_space<vmem>>)
        tpu.yield
      }) : () -> ()
      %get3A_1528 = arith.constant 0 : index
      %get3A_1529 = tpu.vector_load %arg5[%get3A_1528] {strides = array<i32>} : memref<16xi32, #tpu.memory_space<vmem>>, vector<16xi32>,
      %le3A_1530 = arith.cmpi sle, %get3A_1529, %sub3A : vector<16xi32>
      %lt3A_1531 = arith.constant 15 : i32
      %lt3A_1532 = vector.broadcast %lt3A_1531 : i32 to vector<16xi32>
      %lt3A_1533 = arith.cmpi slt, %iota3A, %lt3A_1532 : vector<16xi32>
      %and3A_1534 = arith.andi %le3A_1530, %lt3A_1533 : vector<16xi1>
      %all_reduce_population_count3A_1535 = tpu.all_reduce %and3A_1534 {dim = 0 : i64, kind = #tpu.reduction_kind<sum>} : vector<16xi1> -> vector<16xi32>
      %shift_left3A_1536 = arith.constant 8 : i32
      %shift_left3A_1537 = vector.broadcast %shift_left3A_1536 : i32 to vector<16xi32>
      %shift_left3A_1538 = arith.shli %all_reduce_population_count3A_1535, %shift_left3A_1537 : vector<16xi32>
      %or3A_1539 = arith.ori %or3A_1375, %shift_left3A_1538 : vector<16xi32>
      %or3A_1540 = arith.constant 16 : i32
      %or3A_1541 = vector.broadcast %or3A_1540 : i32 to vector<16xi32>
      %or3A_1542 = arith.ori %or3A_1539, %or3A_1541 : vector<16xi32>
      %or3A_1543 = arith.constant 32 : i32
      %or3A_1544 = vector.broadcast %or3A_1543 : i32 to vector<16xi32>
      %or3A_1545 = arith.ori %or3A_1539, %or3A_1544 : vector<16xi32>
      %or3A_1546 = arith.constant 48 : i32
      %or3A_1547 = vector.broadcast %or3A_1546 : i32 to vector<16xi32>
      %or3A_1548 = arith.ori %or3A_1539, %or3A_1547 : vector<16xi32>
      %or3A_1549 = arith.constant 64 : i32
      %or3A_1550 = vector.broadcast %or3A_1549 : i32 to vector<16xi32>
      %or3A_1551 = arith.ori %or3A_1539, %or3A_1550 : vector<16xi32>
      %or3A_1552 = arith.constant 80 : i32
      %or3A_1553 = vector.broadcast %or3A_1552 : i32 to vector<16xi32>
      %or3A_1554 = arith.ori %or3A_1539, %or3A_1553 : vector<16xi32>
      %or3A_1555 = arith.constant 96 : i32
      %or3A_1556 = vector.broadcast %or3A_1555 : i32 to vector<16xi32>
      %or3A_1557 = arith.ori %or3A_1539, %or3A_1556 : vector<16xi32>
      %or3A_1558 = arith.constant 112 : i32
      %or3A_1559 = vector.broadcast %or3A_1558 : i32 to vector<16xi32>
      %or3A_1560 = arith.ori %or3A_1539, %or3A_1559 : vector<16xi32>
      %or3A_1561 = arith.constant 128 : i32
      %or3A_1562 = vector.broadcast %or3A_1561 : i32 to vector<16xi32>
      %or3A_1563 = arith.ori %or3A_1539, %or3A_1562 : vector<16xi32>
      %or3A_1564 = arith.constant 144 : i32
      %or3A_1565 = vector.broadcast %or3A_1564 : i32 to vector<16xi32>
      %or3A_1566 = arith.ori %or3A_1539, %or3A_1565 : vector<16xi32>
      %or3A_1567 = arith.constant 160 : i32
      %or3A_1568 = vector.broadcast %or3A_1567 : i32 to vector<16xi32>
      %or3A_1569 = arith.ori %or3A_1539, %or3A_1568 : vector<16xi32>
      %or3A_1570 = arith.constant 176 : i32
      %or3A_1571 = vector.broadcast %or3A_1570 : i32 to vector<16xi32>
      %or3A_1572 = arith.ori %or3A_1539, %or3A_1571 : vector<16xi32>
      %or3A_1573 = arith.constant 192 : i32
      %or3A_1574 = vector.broadcast %or3A_1573 : i32 to vector<16xi32>
      %or3A_1575 = arith.ori %or3A_1539, %or3A_1574 : vector<16xi32>
      %or3A_1576 = arith.constant 208 : i32
      %or3A_1577 = vector.broadcast %or3A_1576 : i32 to vector<16xi32>
      %or3A_1578 = arith.ori %or3A_1539, %or3A_1577 : vector<16xi32>
      %or3A_1579 = arith.constant 224 : i32
      %or3A_1580 = vector.broadcast %or3A_1579 : i32 to vector<16xi32>
      %or3A_1581 = arith.ori %or3A_1539, %or3A_1580 : vector<16xi32>
      %or3A_1582 = arith.constant 240 : i32
      %or3A_1583 = vector.broadcast %or3A_1582 : i32 to vector<16xi32>
      %or3A_1584 = arith.ori %or3A_1539, %or3A_1583 : vector<16xi32>
      %broadcast_in_dim3A_1585 = arith.constant 0 : i32
      %broadcast_in_dim3A_1586 = vector.broadcast %broadcast_in_dim3A_1585 : i32 to vector<16xi32>
      %broadcast_in_dim3A_1587 = arith.constant 0 : i32
      %broadcast_in_dim3A_1588 = vector.broadcast %broadcast_in_dim3A_1587 : i32 to vector<16xi32>
      %broadcast_in_dim3A_1589 = arith.constant 0 : i32
      %broadcast_in_dim3A_1590 = vector.broadcast %broadcast_in_dim3A_1589 : i32 to vector<16xi32>
      %broadcast_in_dim3A_1591 = arith.constant 0 : i32
      %broadcast_in_dim3A_1592 = vector.broadcast %broadcast_in_dim3A_1591 : i32 to vector<16xi32>
      %broadcast_in_dim3A_1593 = arith.constant 0 : i32
      %broadcast_in_dim3A_1594 = vector.broadcast %broadcast_in_dim3A_1593 : i32 to vector<16xi32>
      %broadcast_in_dim3A_1595 = arith.constant 0 : i32
      %broadcast_in_dim3A_1596 = vector.broadcast %broadcast_in_dim3A_1595 : i32 to vector<16xi32>
      %broadcast_in_dim3A_1597 = arith.constant 0 : i32
      %broadcast_in_dim3A_1598 = vector.broadcast %broadcast_in_dim3A_1597 : i32 to vector<16xi32>
      %broadcast_in_dim3A_1599 = arith.constant 0 : i32
      %broadcast_in_dim3A_1600 = vector.broadcast %broadcast_in_dim3A_1599 : i32 to vector<16xi32>
      %broadcast_in_dim3A_1601 = arith.constant 0 : i32
      %broadcast_in_dim3A_1602 = vector.broadcast %broadcast_in_dim3A_1601 : i32 to vector<16xi32>
      %broadcast_in_dim3A_1603 = arith.constant 0 : i32
      %broadcast_in_dim3A_1604 = vector.broadcast %broadcast_in_dim3A_1603 : i32 to vector<16xi32>
      %broadcast_in_dim3A_1605 = arith.constant 0 : i32
      %broadcast_in_dim3A_1606 = vector.broadcast %broadcast_in_dim3A_1605 : i32 to vector<16xi32>
      %broadcast_in_dim3A_1607 = arith.constant 0 : i32
      %broadcast_in_dim3A_1608 = vector.broadcast %broadcast_in_dim3A_1607 : i32 to vector<16xi32>
      %broadcast_in_dim3A_1609 = arith.constant 0 : i32
      %broadcast_in_dim3A_1610 = vector.broadcast %broadcast_in_dim3A_1609 : i32 to vector<16xi32>
      %broadcast_in_dim3A_1611 = arith.constant 0 : i32
      %broadcast_in_dim3A_1612 = vector.broadcast %broadcast_in_dim3A_1611 : i32 to vector<16xi32>
      %broadcast_in_dim3A_1613 = arith.constant 0 : i32
      %broadcast_in_dim3A_1614 = vector.broadcast %broadcast_in_dim3A_1613 : i32 to vector<16xi32>
      %scan3A_1615 = arith.constant 0 : i32
      %scan3A_1616 = arith.constant 32 : i32
      %scan3A_1617 = arith.addi %scan3A_1615, %scan3A_1616 : i32
      %scan3A_1618 = arith.constant 1 : i32
      %scan3A_1619:15 = scf.for %scan3A_1874 = %scan3A_1615 to %scan3A_1617 step %scan3A_1618 iter_args(%scan3A_1875 = %broadcast_in_dim3A_1586, %scan3A_1876 = %broadcast_in_dim3A_1588, %scan3A_1877 = %broadcast_in_dim3A_1590, %scan3A_1878 = %broadcast_in_dim3A_1592, %scan3A_1879 = %broadcast_in_dim3A_1594, %scan3A_1880 = %broadcast_in_dim3A_1596, %scan3A_1881 = %broadcast_in_dim3A_1598, %scan3A_1882 = %broadcast_in_dim3A_1600, %scan3A_1883 = %broadcast_in_dim3A_1602, %scan3A_1884 = %broadcast_in_dim3A_1604, %scan3A_1885 = %broadcast_in_dim3A_1606, %scan3A_1886 = %broadcast_in_dim3A_1608, %scan3A_1887 = %broadcast_in_dim3A_1610, %scan3A_1888 = %broadcast_in_dim3A_1612, %scan3A_1889 = %broadcast_in_dim3A_1614) -> (vector<16xi32>, vector<16xi32>, vector<16xi32>, vector<16xi32>, vector<16xi32>, vector<16xi32>, vector<16xi32>, vector<16xi32>, vector<16xi32>, vector<16xi32>, vector<16xi32>, vector<16xi32>, vector<16xi32>, vector<16xi32>, vector<16xi32>)  : i32 {
        %mul3A_1890 = arith.constant 16 : i32
        %mul3A_1891 = arith.muli %scan3A_1874, %mul3A_1890 : i32
        %get3A_1892 = arith.index_cast %mul3A_1891 : i32 to index
        %get3A_1893 = tpu.vector_load %arg4[%get3A_1892] {strides = array<i32>} : memref<512xi32, #tpu.memory_space<vmem>>, vector<16xi32>,
        %eq3A_1894 = arith.cmpi eq, %get3A_1893, %or3A_1192 : vector<16xi32>
        %mul3A_1895 = arith.constant 16 : i32
        %mul3A_1896 = arith.muli %scan3A_1874, %mul3A_1895 : i32
        %add3A_1897 = vector.broadcast %mul3A_1896 : i32 to vector<16xi32>
        %add3A_1898 = arith.addi %add3A_1212, %add3A_1897 : vector<16xi32>
        %lt3A_1899 = arith.cmpi slt, %add3A_1898, %or3A_1542 : vector<16xi32>
        %and3A_1900 = arith.andi %eq3A_1894, %lt3A_1899 : vector<16xi1>
        %all_reduce_population_count3A_1901 = tpu.all_reduce %and3A_1900 {dim = 0 : i64, kind = #tpu.reduction_kind<sum>} : vector<16xi1> -> vector<16xi32>
        %add3A_1902 = arith.addi %scan3A_1875, %all_reduce_population_count3A_1901 : vector<16xi32>
        %lt3A_1903 = arith.cmpi slt, %add3A_1898, %or3A_1545 : vector<16xi32>
        %and3A_1904 = arith.andi %eq3A_1894, %lt3A_1903 : vector<16xi1>
        %all_reduce_population_count3A_1905 = tpu.all_reduce %and3A_1904 {dim = 0 : i64, kind = #tpu.reduction_kind<sum>} : vector<16xi1> -> vector<16xi32>
        %add3A_1906 = arith.addi %scan3A_1876, %all_reduce_population_count3A_1905 : vector<16xi32>
        %lt3A_1907 = arith.cmpi slt, %add3A_1898, %or3A_1548 : vector<16xi32>
        %and3A_1908 = arith.andi %eq3A_1894, %lt3A_1907 : vector<16xi1>
        %all_reduce_population_count3A_1909 = tpu.all_reduce %and3A_1908 {dim = 0 : i64, kind = #tpu.reduction_kind<sum>} : vector<16xi1> -> vector<16xi32>
        %add3A_1910 = arith.addi %scan3A_1877, %all_reduce_population_count3A_1909 : vector<16xi32>
        %lt3A_1911 = arith.cmpi slt, %add3A_1898, %or3A_1551 : vector<16xi32>
        %and3A_1912 = arith.andi %eq3A_1894, %lt3A_1911 : vector<16xi1>
        %all_reduce_population_count3A_1913 = tpu.all_reduce %and3A_1912 {dim = 0 : i64, kind = #tpu.reduction_kind<sum>} : vector<16xi1> -> vector<16xi32>
        %add3A_1914 = arith.addi %scan3A_1878, %all_reduce_population_count3A_1913 : vector<16xi32>
        %lt3A_1915 = arith.cmpi slt, %add3A_1898, %or3A_1554 : vector<16xi32>
        %and3A_1916 = arith.andi %eq3A_1894, %lt3A_1915 : vector<16xi1>
        %all_reduce_population_count3A_1917 = tpu.all_reduce %and3A_1916 {dim = 0 : i64, kind = #tpu.reduction_kind<sum>} : vector<16xi1> -> vector<16xi32>
        %add3A_1918 = arith.addi %scan3A_1879, %all_reduce_population_count3A_1917 : vector<16xi32>
        %lt3A_1919 = arith.cmpi slt, %add3A_1898, %or3A_1557 : vector<16xi32>
        %and3A_1920 = arith.andi %eq3A_1894, %lt3A_1919 : vector<16xi1>
        %all_reduce_population_count3A_1921 = tpu.all_reduce %and3A_1920 {dim = 0 : i64, kind = #tpu.reduction_kind<sum>} : vector<16xi1> -> vector<16xi32>
        %add3A_1922 = arith.addi %scan3A_1880, %all_reduce_population_count3A_1921 : vector<16xi32>
        %lt3A_1923 = arith.cmpi slt, %add3A_1898, %or3A_1560 : vector<16xi32>
        %and3A_1924 = arith.andi %eq3A_1894, %lt3A_1923 : vector<16xi1>
        %all_reduce_population_count3A_1925 = tpu.all_reduce %and3A_1924 {dim = 0 : i64, kind = #tpu.reduction_kind<sum>} : vector<16xi1> -> vector<16xi32>
        %add3A_1926 = arith.addi %scan3A_1881, %all_reduce_population_count3A_1925 : vector<16xi32>
        %lt3A_1927 = arith.cmpi slt, %add3A_1898, %or3A_1563 : vector<16xi32>
        %and3A_1928 = arith.andi %eq3A_1894, %lt3A_1927 : vector<16xi1>
        %all_reduce_population_count3A_1929 = tpu.all_reduce %and3A_1928 {dim = 0 : i64, kind = #tpu.reduction_kind<sum>} : vector<16xi1> -> vector<16xi32>
        %add3A_1930 = arith.addi %scan3A_1882, %all_reduce_population_count3A_1929 : vector<16xi32>
        %lt3A_1931 = arith.cmpi slt, %add3A_1898, %or3A_1566 : vector<16xi32>
        %and3A_1932 = arith.andi %eq3A_1894, %lt3A_1931 : vector<16xi1>
        %all_reduce_population_count3A_1933 = tpu.all_reduce %and3A_1932 {dim = 0 : i64, kind = #tpu.reduction_kind<sum>} : vector<16xi1> -> vector<16xi32>
        %add3A_1934 = arith.addi %scan3A_1883, %all_reduce_population_count3A_1933 : vector<16xi32>
        %lt3A_1935 = arith.cmpi slt, %add3A_1898, %or3A_1569 : vector<16xi32>
        %and3A_1936 = arith.andi %eq3A_1894, %lt3A_1935 : vector<16xi1>
        %all_reduce_population_count3A_1937 = tpu.all_reduce %and3A_1936 {dim = 0 : i64, kind = #tpu.reduction_kind<sum>} : vector<16xi1> -> vector<16xi32>
        %add3A_1938 = arith.addi %scan3A_1884, %all_reduce_population_count3A_1937 : vector<16xi32>
        %lt3A_1939 = arith.cmpi slt, %add3A_1898, %or3A_1572 : vector<16xi32>
        %and3A_1940 = arith.andi %eq3A_1894, %lt3A_1939 : vector<16xi1>
        %all_reduce_population_count3A_1941 = tpu.all_reduce %and3A_1940 {dim = 0 : i64, kind = #tpu.reduction_kind<sum>} : vector<16xi1> -> vector<16xi32>
        %add3A_1942 = arith.addi %scan3A_1885, %all_reduce_population_count3A_1941 : vector<16xi32>
        %lt3A_1943 = arith.cmpi slt, %add3A_1898, %or3A_1575 : vector<16xi32>
        %and3A_1944 = arith.andi %eq3A_1894, %lt3A_1943 : vector<16xi1>
        %all_reduce_population_count3A_1945 = tpu.all_reduce %and3A_1944 {dim = 0 : i64, kind = #tpu.reduction_kind<sum>} : vector<16xi1> -> vector<16xi32>
        %add3A_1946 = arith.addi %scan3A_1886, %all_reduce_population_count3A_1945 : vector<16xi32>
        %lt3A_1947 = arith.cmpi slt, %add3A_1898, %or3A_1578 : vector<16xi32>
        %and3A_1948 = arith.andi %eq3A_1894, %lt3A_1947 : vector<16xi1>
        %all_reduce_population_count3A_1949 = tpu.all_reduce %and3A_1948 {dim = 0 : i64, kind = #tpu.reduction_kind<sum>} : vector<16xi1> -> vector<16xi32>
        %add3A_1950 = arith.addi %scan3A_1887, %all_reduce_population_count3A_1949 : vector<16xi32>
        %lt3A_1951 = arith.cmpi slt, %add3A_1898, %or3A_1581 : vector<16xi32>
        %and3A_1952 = arith.andi %eq3A_1894, %lt3A_1951 : vector<16xi1>
        %all_reduce_population_count3A_1953 = tpu.all_reduce %and3A_1952 {dim = 0 : i64, kind = #tpu.reduction_kind<sum>} : vector<16xi1> -> vector<16xi32>
        %add3A_1954 = arith.addi %scan3A_1888, %all_reduce_population_count3A_1953 : vector<16xi32>
        %lt3A_1955 = arith.cmpi slt, %add3A_1898, %or3A_1584 : vector<16xi32>
        %and3A_1956 = arith.andi %eq3A_1894, %lt3A_1955 : vector<16xi1>
        %all_reduce_population_count3A_1957 = tpu.all_reduce %and3A_1956 {dim = 0 : i64, kind = #tpu.reduction_kind<sum>} : vector<16xi1> -> vector<16xi32>
        %add3A_1958 = arith.addi %scan3A_1889, %all_reduce_population_count3A_1957 : vector<16xi32>
        scf.yield %add3A_1902, %add3A_1906, %add3A_1910, %add3A_1914, %add3A_1918, %add3A_1922, %add3A_1926, %add3A_1930, %add3A_1934, %add3A_1938, %add3A_1942, %add3A_1946, %add3A_1950, %add3A_1954, %add3A_1958 : vector<16xi32>, vector<16xi32>, vector<16xi32>, vector<16xi32>, vector<16xi32>, vector<16xi32>, vector<16xi32>, vector<16xi32>, vector<16xi32>, vector<16xi32>, vector<16xi32>, vector<16xi32>, vector<16xi32>, vector<16xi32>, vector<16xi32>
      }
      %scan3A_1620 = arith.constant 32 : i32
      %broadcast_in_dim3A_1621 = arith.constant 0 : i32
      %broadcast_in_dim3A_1622 = vector.broadcast %broadcast_in_dim3A_1621 : i32 to vector<16xi32>
      %eq3A_1623 = arith.constant 0 : i32
      %eq3A_1624 = vector.broadcast %eq3A_1623 : i32 to vector<16xi32>
      %eq3A_1625 = arith.cmpi eq, %iota3A, %eq3A_1624 : vector<16xi32>
      %select_n3A_1626 = arith.select %eq3A_1625, %scan3A_1619#0, %broadcast_in_dim3A_1622 : vector<16xi1>, vector<16xi32>
      %eq3A_1627 = arith.constant 1 : i32
      %eq3A_1628 = vector.broadcast %eq3A_1627 : i32 to vector<16xi32>
      %eq3A_1629 = arith.cmpi eq, %iota3A, %eq3A_1628 : vector<16xi32>
      %select_n3A_1630 = arith.select %eq3A_1629, %scan3A_1619#1, %select_n3A_1626 : vector<16xi1>, vector<16xi32>
      %eq3A_1631 = arith.constant 2 : i32
      %eq3A_1632 = vector.broadcast %eq3A_1631 : i32 to vector<16xi32>
      %eq3A_1633 = arith.cmpi eq, %iota3A, %eq3A_1632 : vector<16xi32>
      %select_n3A_1634 = arith.select %eq3A_1633, %scan3A_1619#2, %select_n3A_1630 : vector<16xi1>, vector<16xi32>
      %eq3A_1635 = arith.constant 3 : i32
      %eq3A_1636 = vector.broadcast %eq3A_1635 : i32 to vector<16xi32>
      %eq3A_1637 = arith.cmpi eq, %iota3A, %eq3A_1636 : vector<16xi32>
      %select_n3A_1638 = arith.select %eq3A_1637, %scan3A_1619#3, %select_n3A_1634 : vector<16xi1>, vector<16xi32>
      %eq3A_1639 = arith.constant 4 : i32
      %eq3A_1640 = vector.broadcast %eq3A_1639 : i32 to vector<16xi32>
      %eq3A_1641 = arith.cmpi eq, %iota3A, %eq3A_1640 : vector<16xi32>
      %select_n3A_1642 = arith.select %eq3A_1641, %scan3A_1619#4, %select_n3A_1638 : vector<16xi1>, vector<16xi32>
      %eq3A_1643 = arith.constant 5 : i32
      %eq3A_1644 = vector.broadcast %eq3A_1643 : i32 to vector<16xi32>
      %eq3A_1645 = arith.cmpi eq, %iota3A, %eq3A_1644 : vector<16xi32>
      %select_n3A_1646 = arith.select %eq3A_1645, %scan3A_1619#5, %select_n3A_1642 : vector<16xi1>, vector<16xi32>
      %eq3A_1647 = arith.constant 6 : i32
      %eq3A_1648 = vector.broadcast %eq3A_1647 : i32 to vector<16xi32>
      %eq3A_1649 = arith.cmpi eq, %iota3A, %eq3A_1648 : vector<16xi32>
      %select_n3A_1650 = arith.select %eq3A_1649, %scan3A_1619#6, %select_n3A_1646 : vector<16xi1>, vector<16xi32>
      %eq3A_1651 = arith.constant 7 : i32
      %eq3A_1652 = vector.broadcast %eq3A_1651 : i32 to vector<16xi32>
      %eq3A_1653 = arith.cmpi eq, %iota3A, %eq3A_1652 : vector<16xi32>
      %select_n3A_1654 = arith.select %eq3A_1653, %scan3A_1619#7, %select_n3A_1650 : vector<16xi1>, vector<16xi32>
      %eq3A_1655 = arith.constant 8 : i32
      %eq3A_1656 = vector.broadcast %eq3A_1655 : i32 to vector<16xi32>
      %eq3A_1657 = arith.cmpi eq, %iota3A, %eq3A_1656 : vector<16xi32>
      %select_n3A_1658 = arith.select %eq3A_1657, %scan3A_1619#8, %select_n3A_1654 : vector<16xi1>, vector<16xi32>
      %eq3A_1659 = arith.constant 9 : i32
      %eq3A_1660 = vector.broadcast %eq3A_1659 : i32 to vector<16xi32>
      %eq3A_1661 = arith.cmpi eq, %iota3A, %eq3A_1660 : vector<16xi32>
      %select_n3A_1662 = arith.select %eq3A_1661, %scan3A_1619#9, %select_n3A_1658 : vector<16xi1>, vector<16xi32>
      %eq3A_1663 = arith.constant 10 : i32
      %eq3A_1664 = vector.broadcast %eq3A_1663 : i32 to vector<16xi32>
      %eq3A_1665 = arith.cmpi eq, %iota3A, %eq3A_1664 : vector<16xi32>
      %select_n3A_1666 = arith.select %eq3A_1665, %scan3A_1619#10, %select_n3A_1662 : vector<16xi1>, vector<16xi32>
      %eq3A_1667 = arith.constant 11 : i32
      %eq3A_1668 = vector.broadcast %eq3A_1667 : i32 to vector<16xi32>
      %eq3A_1669 = arith.cmpi eq, %iota3A, %eq3A_1668 : vector<16xi32>
      %select_n3A_1670 = arith.select %eq3A_1669, %scan3A_1619#11, %select_n3A_1666 : vector<16xi1>, vector<16xi32>
      %eq3A_1671 = arith.constant 12 : i32
      %eq3A_1672 = vector.broadcast %eq3A_1671 : i32 to vector<16xi32>
      %eq3A_1673 = arith.cmpi eq, %iota3A, %eq3A_1672 : vector<16xi32>
      %select_n3A_1674 = arith.select %eq3A_1673, %scan3A_1619#12, %select_n3A_1670 : vector<16xi1>, vector<16xi32>
      %eq3A_1675 = arith.constant 13 : i32
      %eq3A_1676 = vector.broadcast %eq3A_1675 : i32 to vector<16xi32>
      %eq3A_1677 = arith.cmpi eq, %iota3A, %eq3A_1676 : vector<16xi32>
      %select_n3A_1678 = arith.select %eq3A_1677, %scan3A_1619#13, %select_n3A_1674 : vector<16xi1>, vector<16xi32>
      %eq3A_1679 = arith.constant 14 : i32
      %eq3A_1680 = vector.broadcast %eq3A_1679 : i32 to vector<16xi32>
      %eq3A_1681 = arith.cmpi eq, %iota3A, %eq3A_1680 : vector<16xi32>
      %select_n3A_1682 = arith.select %eq3A_1681, %scan3A_1619#14, %select_n3A_1678 : vector<16xi1>, vector<16xi32>
      %swap3A_1683 = arith.constant 0 : index
      %swap3A_1684 = tpu.vector_load %arg5[%swap3A_1683] {strides = array<i32>} : memref<16xi32, #tpu.memory_space<vmem>>, vector<16xi32>,
      tpu.vector_store %arg5[%swap3A_1683], %select_n3A_1682 {strides = array<i32>} : memref<16xi32, #tpu.memory_space<vmem>>, vector<16xi32>,
      %add3A_1685 = arith.constant 144 : i32
      %add3A_1686 = vector.broadcast %add3A_1685 : i32 to vector<16xi32>
      %add3A_1687 = arith.addi %iota3A, %add3A_1686 : vector<16xi32>
      %add3A_1688 = arith.constant 32 : i32
      %add3A_1689 = vector.broadcast %add3A_1688 : i32 to vector<16xi32>
      %add3A_1690 = arith.addi %add3A_1687, %add3A_1689 : vector<16xi32>
      "tpu.region"() ({
        %run_scoped3A = tpu.sem_alloc : memref<!tpu.dma_semaphore, #tpu.memory_space<semaphore_mem>>
        %dma_start3A = arith.constant 0 : i32
        %dma_start3A_1874 = tpu.memref_slice %arg8[%dma_start3A] : memref<256xi32, #tpu.memory_space<vmem_shared>> -> memref<256xi32, #tpu.memory_space<vmem_shared>>
        tpu.enqueue_indirect_dma source(%arg5 : memref<16xi32, #tpu.memory_space<vmem>>) target(%dma_start3A_1874 : memref<256xi32, #tpu.memory_space<vmem_shared>>) offsets(%add3A_1690 : vector<16xi32>) semaphore(%run_scoped3A : memref<!tpu.dma_semaphore, #tpu.memory_space<semaphore_mem>>) {add = true}
        %dma_wait3A = arith.constant 0 : i32
        %dma_wait3A_1875 = tpu.memref_slice %arg8[%dma_wait3A] : memref<256xi32, #tpu.memory_space<vmem_shared>> -> memref<256xi32, #tpu.memory_space<vmem_shared>>
        tpu.wait_indirect_dma semaphore(%run_scoped3A : memref<!tpu.dma_semaphore, #tpu.memory_space<semaphore_mem>>) src(%arg5 : memref<16xi32, #tpu.memory_space<vmem>>) dst(%dma_wait3A_1875 : memref<256xi32, #tpu.memory_space<vmem_shared>>)
        tpu.yield
      }) : () -> ()
      %barrier3A_1691 = arith.constant 0 : index
      tpu.barrier barrier_id(%barrier3A_1691)
      "tpu.region"() ({
        %run_scoped3A = tpu.sem_alloc : memref<!tpu.dma_semaphore, #tpu.memory_space<semaphore_mem>>
        %dma_start3A = arith.constant 176 : i32
        %dma_start3A_1874 = tpu.memref_slice %arg8[%dma_start3A] : memref<256xi32, #tpu.memory_space<vmem_shared>> -> memref<16xi32, #tpu.memory_space<vmem_shared>>
        %dma_start3A_1875 = arith.constant 176 : i32
        %dma_start3A_1876 = tpu.memref_slice %arg8[%dma_start3A_1875] : memref<256xi32, #tpu.memory_space<vmem_shared>> -> memref<16xi32, #tpu.memory_space<vmem_shared>>
        tpu.enqueue_dma source(%dma_start3A_1876 : memref<16xi32, #tpu.memory_space<vmem_shared>>) target(%arg5 : memref<16xi32, #tpu.memory_space<vmem>>) target_semaphore(%run_scoped3A : memref<!tpu.dma_semaphore, #tpu.memory_space<semaphore_mem>>)
        %dma_wait3A = arith.constant 176 : i32
        %dma_wait3A_1877 = tpu.memref_slice %arg8[%dma_wait3A] : memref<256xi32, #tpu.memory_space<vmem_shared>> -> memref<16xi32, #tpu.memory_space<vmem_shared>>
        %dma_wait3A_1878 = arith.constant 176 : i32
        %dma_wait3A_1879 = tpu.memref_slice %arg8[%dma_wait3A_1878] : memref<256xi32, #tpu.memory_space<vmem_shared>> -> memref<16xi32, #tpu.memory_space<vmem_shared>>
        tpu.wait_dma2 semaphore(%run_scoped3A : memref<!tpu.dma_semaphore, #tpu.memory_space<semaphore_mem>>) src(%dma_wait3A_1879 : memref<16xi32, #tpu.memory_space<vmem_shared>>) dst(%arg5 : memref<16xi32, #tpu.memory_space<vmem>>)
        tpu.yield
      }) : () -> ()
      %get3A_1692 = arith.constant 0 : index
      %get3A_1693 = tpu.vector_load %arg5[%get3A_1692] {strides = array<i32>} : memref<16xi32, #tpu.memory_space<vmem>>, vector<16xi32>,
      %le3A_1694 = arith.cmpi sle, %get3A_1693, %sub3A : vector<16xi32>
      %lt3A_1695 = arith.constant 15 : i32
      %lt3A_1696 = vector.broadcast %lt3A_1695 : i32 to vector<16xi32>
      %lt3A_1697 = arith.cmpi slt, %iota3A, %lt3A_1696 : vector<16xi32>
      %and3A_1698 = arith.andi %le3A_1694, %lt3A_1697 : vector<16xi1>
      %all_reduce_population_count3A_1699 = tpu.all_reduce %and3A_1698 {dim = 0 : i64, kind = #tpu.reduction_kind<sum>} : vector<16xi1> -> vector<16xi32>
      %shift_left3A_1700 = arith.constant 4 : i32
      %shift_left3A_1701 = vector.broadcast %shift_left3A_1700 : i32 to vector<16xi32>
      %shift_left3A_1702 = arith.shli %all_reduce_population_count3A_1699, %shift_left3A_1701 : vector<16xi32>
      %or3A_1703 = arith.ori %or3A_1539, %shift_left3A_1702 : vector<16xi32>
      %or3A_1704 = arith.constant 1 : i32
      %or3A_1705 = vector.broadcast %or3A_1704 : i32 to vector<16xi32>
      %or3A_1706 = arith.ori %or3A_1703, %or3A_1705 : vector<16xi32>
      %or3A_1707 = arith.constant 2 : i32
      %or3A_1708 = vector.broadcast %or3A_1707 : i32 to vector<16xi32>
      %or3A_1709 = arith.ori %or3A_1703, %or3A_1708 : vector<16xi32>
      %or3A_1710 = arith.constant 3 : i32
      %or3A_1711 = vector.broadcast %or3A_1710 : i32 to vector<16xi32>
      %or3A_1712 = arith.ori %or3A_1703, %or3A_1711 : vector<16xi32>
      %or3A_1713 = arith.constant 4 : i32
      %or3A_1714 = vector.broadcast %or3A_1713 : i32 to vector<16xi32>
      %or3A_1715 = arith.ori %or3A_1703, %or3A_1714 : vector<16xi32>
      %or3A_1716 = arith.constant 5 : i32
      %or3A_1717 = vector.broadcast %or3A_1716 : i32 to vector<16xi32>
      %or3A_1718 = arith.ori %or3A_1703, %or3A_1717 : vector<16xi32>
      %or3A_1719 = arith.constant 6 : i32
      %or3A_1720 = vector.broadcast %or3A_1719 : i32 to vector<16xi32>
      %or3A_1721 = arith.ori %or3A_1703, %or3A_1720 : vector<16xi32>
      %or3A_1722 = arith.constant 7 : i32
      %or3A_1723 = vector.broadcast %or3A_1722 : i32 to vector<16xi32>
      %or3A_1724 = arith.ori %or3A_1703, %or3A_1723 : vector<16xi32>
      %or3A_1725 = arith.constant 8 : i32
      %or3A_1726 = vector.broadcast %or3A_1725 : i32 to vector<16xi32>
      %or3A_1727 = arith.ori %or3A_1703, %or3A_1726 : vector<16xi32>
      %or3A_1728 = arith.constant 9 : i32
      %or3A_1729 = vector.broadcast %or3A_1728 : i32 to vector<16xi32>
      %or3A_1730 = arith.ori %or3A_1703, %or3A_1729 : vector<16xi32>
      %or3A_1731 = arith.constant 10 : i32
      %or3A_1732 = vector.broadcast %or3A_1731 : i32 to vector<16xi32>
      %or3A_1733 = arith.ori %or3A_1703, %or3A_1732 : vector<16xi32>
      %or3A_1734 = arith.constant 11 : i32
      %or3A_1735 = vector.broadcast %or3A_1734 : i32 to vector<16xi32>
      %or3A_1736 = arith.ori %or3A_1703, %or3A_1735 : vector<16xi32>
      %or3A_1737 = arith.constant 12 : i32
      %or3A_1738 = vector.broadcast %or3A_1737 : i32 to vector<16xi32>
      %or3A_1739 = arith.ori %or3A_1703, %or3A_1738 : vector<16xi32>
      %or3A_1740 = arith.constant 13 : i32
      %or3A_1741 = vector.broadcast %or3A_1740 : i32 to vector<16xi32>
      %or3A_1742 = arith.ori %or3A_1703, %or3A_1741 : vector<16xi32>
      %or3A_1743 = arith.constant 14 : i32
      %or3A_1744 = vector.broadcast %or3A_1743 : i32 to vector<16xi32>
      %or3A_1745 = arith.ori %or3A_1703, %or3A_1744 : vector<16xi32>
      %or3A_1746 = arith.constant 15 : i32
      %or3A_1747 = vector.broadcast %or3A_1746 : i32 to vector<16xi32>
      %or3A_1748 = arith.ori %or3A_1703, %or3A_1747 : vector<16xi32>
      %broadcast_in_dim3A_1749 = arith.constant 0 : i32
      %broadcast_in_dim3A_1750 = vector.broadcast %broadcast_in_dim3A_1749 : i32 to vector<16xi32>
      %broadcast_in_dim3A_1751 = arith.constant 0 : i32
      %broadcast_in_dim3A_1752 = vector.broadcast %broadcast_in_dim3A_1751 : i32 to vector<16xi32>
      %broadcast_in_dim3A_1753 = arith.constant 0 : i32
      %broadcast_in_dim3A_1754 = vector.broadcast %broadcast_in_dim3A_1753 : i32 to vector<16xi32>
      %broadcast_in_dim3A_1755 = arith.constant 0 : i32
      %broadcast_in_dim3A_1756 = vector.broadcast %broadcast_in_dim3A_1755 : i32 to vector<16xi32>
      %broadcast_in_dim3A_1757 = arith.constant 0 : i32
      %broadcast_in_dim3A_1758 = vector.broadcast %broadcast_in_dim3A_1757 : i32 to vector<16xi32>
      %broadcast_in_dim3A_1759 = arith.constant 0 : i32
      %broadcast_in_dim3A_1760 = vector.broadcast %broadcast_in_dim3A_1759 : i32 to vector<16xi32>
      %broadcast_in_dim3A_1761 = arith.constant 0 : i32
      %broadcast_in_dim3A_1762 = vector.broadcast %broadcast_in_dim3A_1761 : i32 to vector<16xi32>
      %broadcast_in_dim3A_1763 = arith.constant 0 : i32
      %broadcast_in_dim3A_1764 = vector.broadcast %broadcast_in_dim3A_1763 : i32 to vector<16xi32>
      %broadcast_in_dim3A_1765 = arith.constant 0 : i32
      %broadcast_in_dim3A_1766 = vector.broadcast %broadcast_in_dim3A_1765 : i32 to vector<16xi32>
      %broadcast_in_dim3A_1767 = arith.constant 0 : i32
      %broadcast_in_dim3A_1768 = vector.broadcast %broadcast_in_dim3A_1767 : i32 to vector<16xi32>
      %broadcast_in_dim3A_1769 = arith.constant 0 : i32
      %broadcast_in_dim3A_1770 = vector.broadcast %broadcast_in_dim3A_1769 : i32 to vector<16xi32>
      %broadcast_in_dim3A_1771 = arith.constant 0 : i32
      %broadcast_in_dim3A_1772 = vector.broadcast %broadcast_in_dim3A_1771 : i32 to vector<16xi32>
      %broadcast_in_dim3A_1773 = arith.constant 0 : i32
      %broadcast_in_dim3A_1774 = vector.broadcast %broadcast_in_dim3A_1773 : i32 to vector<16xi32>
      %broadcast_in_dim3A_1775 = arith.constant 0 : i32
      %broadcast_in_dim3A_1776 = vector.broadcast %broadcast_in_dim3A_1775 : i32 to vector<16xi32>
      %broadcast_in_dim3A_1777 = arith.constant 0 : i32
      %broadcast_in_dim3A_1778 = vector.broadcast %broadcast_in_dim3A_1777 : i32 to vector<16xi32>
      %scan3A_1779 = arith.constant 0 : i32
      %scan3A_1780 = arith.constant 32 : i32
      %scan3A_1781 = arith.addi %scan3A_1779, %scan3A_1780 : i32
      %scan3A_1782 = arith.constant 1 : i32
      %scan3A_1783:15 = scf.for %scan3A_1874 = %scan3A_1779 to %scan3A_1781 step %scan3A_1782 iter_args(%scan3A_1875 = %broadcast_in_dim3A_1750, %scan3A_1876 = %broadcast_in_dim3A_1752, %scan3A_1877 = %broadcast_in_dim3A_1754, %scan3A_1878 = %broadcast_in_dim3A_1756, %scan3A_1879 = %broadcast_in_dim3A_1758, %scan3A_1880 = %broadcast_in_dim3A_1760, %scan3A_1881 = %broadcast_in_dim3A_1762, %scan3A_1882 = %broadcast_in_dim3A_1764, %scan3A_1883 = %broadcast_in_dim3A_1766, %scan3A_1884 = %broadcast_in_dim3A_1768, %scan3A_1885 = %broadcast_in_dim3A_1770, %scan3A_1886 = %broadcast_in_dim3A_1772, %scan3A_1887 = %broadcast_in_dim3A_1774, %scan3A_1888 = %broadcast_in_dim3A_1776, %scan3A_1889 = %broadcast_in_dim3A_1778) -> (vector<16xi32>, vector<16xi32>, vector<16xi32>, vector<16xi32>, vector<16xi32>, vector<16xi32>, vector<16xi32>, vector<16xi32>, vector<16xi32>, vector<16xi32>, vector<16xi32>, vector<16xi32>, vector<16xi32>, vector<16xi32>, vector<16xi32>)  : i32 {
        %mul3A_1890 = arith.constant 16 : i32
        %mul3A_1891 = arith.muli %scan3A_1874, %mul3A_1890 : i32
        %get3A_1892 = arith.index_cast %mul3A_1891 : i32 to index
        %get3A_1893 = tpu.vector_load %arg4[%get3A_1892] {strides = array<i32>} : memref<512xi32, #tpu.memory_space<vmem>>, vector<16xi32>,
        %eq3A_1894 = arith.cmpi eq, %get3A_1893, %or3A_1192 : vector<16xi32>
        %mul3A_1895 = arith.constant 16 : i32
        %mul3A_1896 = arith.muli %scan3A_1874, %mul3A_1895 : i32
        %add3A_1897 = vector.broadcast %mul3A_1896 : i32 to vector<16xi32>
        %add3A_1898 = arith.addi %add3A_1212, %add3A_1897 : vector<16xi32>
        %lt3A_1899 = arith.cmpi slt, %add3A_1898, %or3A_1706 : vector<16xi32>
        %and3A_1900 = arith.andi %eq3A_1894, %lt3A_1899 : vector<16xi1>
        %all_reduce_population_count3A_1901 = tpu.all_reduce %and3A_1900 {dim = 0 : i64, kind = #tpu.reduction_kind<sum>} : vector<16xi1> -> vector<16xi32>
        %add3A_1902 = arith.addi %scan3A_1875, %all_reduce_population_count3A_1901 : vector<16xi32>
        %lt3A_1903 = arith.cmpi slt, %add3A_1898, %or3A_1709 : vector<16xi32>
        %and3A_1904 = arith.andi %eq3A_1894, %lt3A_1903 : vector<16xi1>
        %all_reduce_population_count3A_1905 = tpu.all_reduce %and3A_1904 {dim = 0 : i64, kind = #tpu.reduction_kind<sum>} : vector<16xi1> -> vector<16xi32>
        %add3A_1906 = arith.addi %scan3A_1876, %all_reduce_population_count3A_1905 : vector<16xi32>
        %lt3A_1907 = arith.cmpi slt, %add3A_1898, %or3A_1712 : vector<16xi32>
        %and3A_1908 = arith.andi %eq3A_1894, %lt3A_1907 : vector<16xi1>
        %all_reduce_population_count3A_1909 = tpu.all_reduce %and3A_1908 {dim = 0 : i64, kind = #tpu.reduction_kind<sum>} : vector<16xi1> -> vector<16xi32>
        %add3A_1910 = arith.addi %scan3A_1877, %all_reduce_population_count3A_1909 : vector<16xi32>
        %lt3A_1911 = arith.cmpi slt, %add3A_1898, %or3A_1715 : vector<16xi32>
        %and3A_1912 = arith.andi %eq3A_1894, %lt3A_1911 : vector<16xi1>
        %all_reduce_population_count3A_1913 = tpu.all_reduce %and3A_1912 {dim = 0 : i64, kind = #tpu.reduction_kind<sum>} : vector<16xi1> -> vector<16xi32>
        %add3A_1914 = arith.addi %scan3A_1878, %all_reduce_population_count3A_1913 : vector<16xi32>
        %lt3A_1915 = arith.cmpi slt, %add3A_1898, %or3A_1718 : vector<16xi32>
        %and3A_1916 = arith.andi %eq3A_1894, %lt3A_1915 : vector<16xi1>
        %all_reduce_population_count3A_1917 = tpu.all_reduce %and3A_1916 {dim = 0 : i64, kind = #tpu.reduction_kind<sum>} : vector<16xi1> -> vector<16xi32>
        %add3A_1918 = arith.addi %scan3A_1879, %all_reduce_population_count3A_1917 : vector<16xi32>
        %lt3A_1919 = arith.cmpi slt, %add3A_1898, %or3A_1721 : vector<16xi32>
        %and3A_1920 = arith.andi %eq3A_1894, %lt3A_1919 : vector<16xi1>
        %all_reduce_population_count3A_1921 = tpu.all_reduce %and3A_1920 {dim = 0 : i64, kind = #tpu.reduction_kind<sum>} : vector<16xi1> -> vector<16xi32>
        %add3A_1922 = arith.addi %scan3A_1880, %all_reduce_population_count3A_1921 : vector<16xi32>
        %lt3A_1923 = arith.cmpi slt, %add3A_1898, %or3A_1724 : vector<16xi32>
        %and3A_1924 = arith.andi %eq3A_1894, %lt3A_1923 : vector<16xi1>
        %all_reduce_population_count3A_1925 = tpu.all_reduce %and3A_1924 {dim = 0 : i64, kind = #tpu.reduction_kind<sum>} : vector<16xi1> -> vector<16xi32>
        %add3A_1926 = arith.addi %scan3A_1881, %all_reduce_population_count3A_1925 : vector<16xi32>
        %lt3A_1927 = arith.cmpi slt, %add3A_1898, %or3A_1727 : vector<16xi32>
        %and3A_1928 = arith.andi %eq3A_1894, %lt3A_1927 : vector<16xi1>
        %all_reduce_population_count3A_1929 = tpu.all_reduce %and3A_1928 {dim = 0 : i64, kind = #tpu.reduction_kind<sum>} : vector<16xi1> -> vector<16xi32>
        %add3A_1930 = arith.addi %scan3A_1882, %all_reduce_population_count3A_1929 : vector<16xi32>
        %lt3A_1931 = arith.cmpi slt, %add3A_1898, %or3A_1730 : vector<16xi32>
        %and3A_1932 = arith.andi %eq3A_1894, %lt3A_1931 : vector<16xi1>
        %all_reduce_population_count3A_1933 = tpu.all_reduce %and3A_1932 {dim = 0 : i64, kind = #tpu.reduction_kind<sum>} : vector<16xi1> -> vector<16xi32>
        %add3A_1934 = arith.addi %scan3A_1883, %all_reduce_population_count3A_1933 : vector<16xi32>
        %lt3A_1935 = arith.cmpi slt, %add3A_1898, %or3A_1733 : vector<16xi32>
        %and3A_1936 = arith.andi %eq3A_1894, %lt3A_1935 : vector<16xi1>
        %all_reduce_population_count3A_1937 = tpu.all_reduce %and3A_1936 {dim = 0 : i64, kind = #tpu.reduction_kind<sum>} : vector<16xi1> -> vector<16xi32>
        %add3A_1938 = arith.addi %scan3A_1884, %all_reduce_population_count3A_1937 : vector<16xi32>
        %lt3A_1939 = arith.cmpi slt, %add3A_1898, %or3A_1736 : vector<16xi32>
        %and3A_1940 = arith.andi %eq3A_1894, %lt3A_1939 : vector<16xi1>
        %all_reduce_population_count3A_1941 = tpu.all_reduce %and3A_1940 {dim = 0 : i64, kind = #tpu.reduction_kind<sum>} : vector<16xi1> -> vector<16xi32>
        %add3A_1942 = arith.addi %scan3A_1885, %all_reduce_population_count3A_1941 : vector<16xi32>
        %lt3A_1943 = arith.cmpi slt, %add3A_1898, %or3A_1739 : vector<16xi32>
        %and3A_1944 = arith.andi %eq3A_1894, %lt3A_1943 : vector<16xi1>
        %all_reduce_population_count3A_1945 = tpu.all_reduce %and3A_1944 {dim = 0 : i64, kind = #tpu.reduction_kind<sum>} : vector<16xi1> -> vector<16xi32>
        %add3A_1946 = arith.addi %scan3A_1886, %all_reduce_population_count3A_1945 : vector<16xi32>
        %lt3A_1947 = arith.cmpi slt, %add3A_1898, %or3A_1742 : vector<16xi32>
        %and3A_1948 = arith.andi %eq3A_1894, %lt3A_1947 : vector<16xi1>
        %all_reduce_population_count3A_1949 = tpu.all_reduce %and3A_1948 {dim = 0 : i64, kind = #tpu.reduction_kind<sum>} : vector<16xi1> -> vector<16xi32>
        %add3A_1950 = arith.addi %scan3A_1887, %all_reduce_population_count3A_1949 : vector<16xi32>
        %lt3A_1951 = arith.cmpi slt, %add3A_1898, %or3A_1745 : vector<16xi32>
        %and3A_1952 = arith.andi %eq3A_1894, %lt3A_1951 : vector<16xi1>
        %all_reduce_population_count3A_1953 = tpu.all_reduce %and3A_1952 {dim = 0 : i64, kind = #tpu.reduction_kind<sum>} : vector<16xi1> -> vector<16xi32>
        %add3A_1954 = arith.addi %scan3A_1888, %all_reduce_population_count3A_1953 : vector<16xi32>
        %lt3A_1955 = arith.cmpi slt, %add3A_1898, %or3A_1748 : vector<16xi32>
        %and3A_1956 = arith.andi %eq3A_1894, %lt3A_1955 : vector<16xi1>
        %all_reduce_population_count3A_1957 = tpu.all_reduce %and3A_1956 {dim = 0 : i64, kind = #tpu.reduction_kind<sum>} : vector<16xi1> -> vector<16xi32>
        %add3A_1958 = arith.addi %scan3A_1889, %all_reduce_population_count3A_1957 : vector<16xi32>
        scf.yield %add3A_1902, %add3A_1906, %add3A_1910, %add3A_1914, %add3A_1918, %add3A_1922, %add3A_1926, %add3A_1930, %add3A_1934, %add3A_1938, %add3A_1942, %add3A_1946, %add3A_1950, %add3A_1954, %add3A_1958 : vector<16xi32>, vector<16xi32>, vector<16xi32>, vector<16xi32>, vector<16xi32>, vector<16xi32>, vector<16xi32>, vector<16xi32>, vector<16xi32>, vector<16xi32>, vector<16xi32>, vector<16xi32>, vector<16xi32>, vector<16xi32>, vector<16xi32>
      }
      %scan3A_1784 = arith.constant 32 : i32
      %broadcast_in_dim3A_1785 = arith.constant 0 : i32
      %broadcast_in_dim3A_1786 = vector.broadcast %broadcast_in_dim3A_1785 : i32 to vector<16xi32>
      %eq3A_1787 = arith.constant 0 : i32
      %eq3A_1788 = vector.broadcast %eq3A_1787 : i32 to vector<16xi32>
      %eq3A_1789 = arith.cmpi eq, %iota3A, %eq3A_1788 : vector<16xi32>
      %select_n3A_1790 = arith.select %eq3A_1789, %scan3A_1783#0, %broadcast_in_dim3A_1786 : vector<16xi1>, vector<16xi32>
      %eq3A_1791 = arith.constant 1 : i32
      %eq3A_1792 = vector.broadcast %eq3A_1791 : i32 to vector<16xi32>
      %eq3A_1793 = arith.cmpi eq, %iota3A, %eq3A_1792 : vector<16xi32>
      %select_n3A_1794 = arith.select %eq3A_1793, %scan3A_1783#1, %select_n3A_1790 : vector<16xi1>, vector<16xi32>
      %eq3A_1795 = arith.constant 2 : i32
      %eq3A_1796 = vector.broadcast %eq3A_1795 : i32 to vector<16xi32>
      %eq3A_1797 = arith.cmpi eq, %iota3A, %eq3A_1796 : vector<16xi32>
      %select_n3A_1798 = arith.select %eq3A_1797, %scan3A_1783#2, %select_n3A_1794 : vector<16xi1>, vector<16xi32>
      %eq3A_1799 = arith.constant 3 : i32
      %eq3A_1800 = vector.broadcast %eq3A_1799 : i32 to vector<16xi32>
      %eq3A_1801 = arith.cmpi eq, %iota3A, %eq3A_1800 : vector<16xi32>
      %select_n3A_1802 = arith.select %eq3A_1801, %scan3A_1783#3, %select_n3A_1798 : vector<16xi1>, vector<16xi32>
      %eq3A_1803 = arith.constant 4 : i32
      %eq3A_1804 = vector.broadcast %eq3A_1803 : i32 to vector<16xi32>
      %eq3A_1805 = arith.cmpi eq, %iota3A, %eq3A_1804 : vector<16xi32>
      %select_n3A_1806 = arith.select %eq3A_1805, %scan3A_1783#4, %select_n3A_1802 : vector<16xi1>, vector<16xi32>
      %eq3A_1807 = arith.constant 5 : i32
      %eq3A_1808 = vector.broadcast %eq3A_1807 : i32 to vector<16xi32>
      %eq3A_1809 = arith.cmpi eq, %iota3A, %eq3A_1808 : vector<16xi32>
      %select_n3A_1810 = arith.select %eq3A_1809, %scan3A_1783#5, %select_n3A_1806 : vector<16xi1>, vector<16xi32>
      %eq3A_1811 = arith.constant 6 : i32
      %eq3A_1812 = vector.broadcast %eq3A_1811 : i32 to vector<16xi32>
      %eq3A_1813 = arith.cmpi eq, %iota3A, %eq3A_1812 : vector<16xi32>
      %select_n3A_1814 = arith.select %eq3A_1813, %scan3A_1783#6, %select_n3A_1810 : vector<16xi1>, vector<16xi32>
      %eq3A_1815 = arith.constant 7 : i32
      %eq3A_1816 = vector.broadcast %eq3A_1815 : i32 to vector<16xi32>
      %eq3A_1817 = arith.cmpi eq, %iota3A, %eq3A_1816 : vector<16xi32>
      %select_n3A_1818 = arith.select %eq3A_1817, %scan3A_1783#7, %select_n3A_1814 : vector<16xi1>, vector<16xi32>
      %eq3A_1819 = arith.constant 8 : i32
      %eq3A_1820 = vector.broadcast %eq3A_1819 : i32 to vector<16xi32>
      %eq3A_1821 = arith.cmpi eq, %iota3A, %eq3A_1820 : vector<16xi32>
      %select_n3A_1822 = arith.select %eq3A_1821, %scan3A_1783#8, %select_n3A_1818 : vector<16xi1>, vector<16xi32>
      %eq3A_1823 = arith.constant 9 : i32
      %eq3A_1824 = vector.broadcast %eq3A_1823 : i32 to vector<16xi32>
      %eq3A_1825 = arith.cmpi eq, %iota3A, %eq3A_1824 : vector<16xi32>
      %select_n3A_1826 = arith.select %eq3A_1825, %scan3A_1783#9, %select_n3A_1822 : vector<16xi1>, vector<16xi32>
      %eq3A_1827 = arith.constant 10 : i32
      %eq3A_1828 = vector.broadcast %eq3A_1827 : i32 to vector<16xi32>
      %eq3A_1829 = arith.cmpi eq, %iota3A, %eq3A_1828 : vector<16xi32>
      %select_n3A_1830 = arith.select %eq3A_1829, %scan3A_1783#10, %select_n3A_1826 : vector<16xi1>, vector<16xi32>
      %eq3A_1831 = arith.constant 11 : i32
      %eq3A_1832 = vector.broadcast %eq3A_1831 : i32 to vector<16xi32>
      %eq3A_1833 = arith.cmpi eq, %iota3A, %eq3A_1832 : vector<16xi32>
      %select_n3A_1834 = arith.select %eq3A_1833, %scan3A_1783#11, %select_n3A_1830 : vector<16xi1>, vector<16xi32>
      %eq3A_1835 = arith.constant 12 : i32
      %eq3A_1836 = vector.broadcast %eq3A_1835 : i32 to vector<16xi32>
      %eq3A_1837 = arith.cmpi eq, %iota3A, %eq3A_1836 : vector<16xi32>
      %select_n3A_1838 = arith.select %eq3A_1837, %scan3A_1783#12, %select_n3A_1834 : vector<16xi1>, vector<16xi32>
      %eq3A_1839 = arith.constant 13 : i32
      %eq3A_1840 = vector.broadcast %eq3A_1839 : i32 to vector<16xi32>
      %eq3A_1841 = arith.cmpi eq, %iota3A, %eq3A_1840 : vector<16xi32>
      %select_n3A_1842 = arith.select %eq3A_1841, %scan3A_1783#13, %select_n3A_1838 : vector<16xi1>, vector<16xi32>
      %eq3A_1843 = arith.constant 14 : i32
      %eq3A_1844 = vector.broadcast %eq3A_1843 : i32 to vector<16xi32>
      %eq3A_1845 = arith.cmpi eq, %iota3A, %eq3A_1844 : vector<16xi32>
      %select_n3A_1846 = arith.select %eq3A_1845, %scan3A_1783#14, %select_n3A_1842 : vector<16xi1>, vector<16xi32>
      %swap3A_1847 = arith.constant 0 : index
      %swap3A_1848 = tpu.vector_load %arg5[%swap3A_1847] {strides = array<i32>} : memref<16xi32, #tpu.memory_space<vmem>>, vector<16xi32>,
      tpu.vector_store %arg5[%swap3A_1847], %select_n3A_1846 {strides = array<i32>} : memref<16xi32, #tpu.memory_space<vmem>>, vector<16xi32>,
      %add3A_1849 = arith.constant 144 : i32
      %add3A_1850 = vector.broadcast %add3A_1849 : i32 to vector<16xi32>
      %add3A_1851 = arith.addi %iota3A, %add3A_1850 : vector<16xi32>
      %add3A_1852 = arith.constant 48 : i32
      %add3A_1853 = vector.broadcast %add3A_1852 : i32 to vector<16xi32>
      %add3A_1854 = arith.addi %add3A_1851, %add3A_1853 : vector<16xi32>
      "tpu.region"() ({
        %run_scoped3A = tpu.sem_alloc : memref<!tpu.dma_semaphore, #tpu.memory_space<semaphore_mem>>
        %dma_start3A = arith.constant 0 : i32
        %dma_start3A_1874 = tpu.memref_slice %arg8[%dma_start3A] : memref<256xi32, #tpu.memory_space<vmem_shared>> -> memref<256xi32, #tpu.memory_space<vmem_shared>>
        tpu.enqueue_indirect_dma source(%arg5 : memref<16xi32, #tpu.memory_space<vmem>>) target(%dma_start3A_1874 : memref<256xi32, #tpu.memory_space<vmem_shared>>) offsets(%add3A_1854 : vector<16xi32>) semaphore(%run_scoped3A : memref<!tpu.dma_semaphore, #tpu.memory_space<semaphore_mem>>) {add = true}
        %dma_wait3A = arith.constant 0 : i32
        %dma_wait3A_1875 = tpu.memref_slice %arg8[%dma_wait3A] : memref<256xi32, #tpu.memory_space<vmem_shared>> -> memref<256xi32, #tpu.memory_space<vmem_shared>>
        tpu.wait_indirect_dma semaphore(%run_scoped3A : memref<!tpu.dma_semaphore, #tpu.memory_space<semaphore_mem>>) src(%arg5 : memref<16xi32, #tpu.memory_space<vmem>>) dst(%dma_wait3A_1875 : memref<256xi32, #tpu.memory_space<vmem_shared>>)
        tpu.yield
      }) : () -> ()
      %barrier3A_1855 = arith.constant 0 : index
      tpu.barrier barrier_id(%barrier3A_1855)
      "tpu.region"() ({
        %run_scoped3A = tpu.sem_alloc : memref<!tpu.dma_semaphore, #tpu.memory_space<semaphore_mem>>
        %dma_start3A = arith.constant 192 : i32
        %dma_start3A_1874 = tpu.memref_slice %arg8[%dma_start3A] : memref<256xi32, #tpu.memory_space<vmem_shared>> -> memref<16xi32, #tpu.memory_space<vmem_shared>>
        %dma_start3A_1875 = arith.constant 192 : i32
        %dma_start3A_1876 = tpu.memref_slice %arg8[%dma_start3A_1875] : memref<256xi32, #tpu.memory_space<vmem_shared>> -> memref<16xi32, #tpu.memory_space<vmem_shared>>
        tpu.enqueue_dma source(%dma_start3A_1876 : memref<16xi32, #tpu.memory_space<vmem_shared>>) target(%arg5 : memref<16xi32, #tpu.memory_space<vmem>>) target_semaphore(%run_scoped3A : memref<!tpu.dma_semaphore, #tpu.memory_space<semaphore_mem>>)
        %dma_wait3A = arith.constant 192 : i32
        %dma_wait3A_1877 = tpu.memref_slice %arg8[%dma_wait3A] : memref<256xi32, #tpu.memory_space<vmem_shared>> -> memref<16xi32, #tpu.memory_space<vmem_shared>>
        %dma_wait3A_1878 = arith.constant 192 : i32
        %dma_wait3A_1879 = tpu.memref_slice %arg8[%dma_wait3A_1878] : memref<256xi32, #tpu.memory_space<vmem_shared>> -> memref<16xi32, #tpu.memory_space<vmem_shared>>
        tpu.wait_dma2 semaphore(%run_scoped3A : memref<!tpu.dma_semaphore, #tpu.memory_space<semaphore_mem>>) src(%dma_wait3A_1879 : memref<16xi32, #tpu.memory_space<vmem_shared>>) dst(%arg5 : memref<16xi32, #tpu.memory_space<vmem>>)
        tpu.yield
      }) : () -> ()
      %get3A_1856 = arith.constant 0 : index
      %get3A_1857 = tpu.vector_load %arg5[%get3A_1856] {strides = array<i32>} : memref<16xi32, #tpu.memory_space<vmem>>, vector<16xi32>,
      %le3A_1858 = arith.cmpi sle, %get3A_1857, %sub3A : vector<16xi32>
      %lt3A_1859 = arith.constant 15 : i32
      %lt3A_1860 = vector.broadcast %lt3A_1859 : i32 to vector<16xi32>
      %lt3A_1861 = arith.cmpi slt, %iota3A, %lt3A_1860 : vector<16xi32>
      %and3A_1862 = arith.andi %le3A_1858, %lt3A_1861 : vector<16xi1>
      %all_reduce_population_count3A_1863 = tpu.all_reduce %and3A_1862 {dim = 0 : i64, kind = #tpu.reduction_kind<sum>} : vector<16xi1> -> vector<16xi32>
      %shift_left3A_1864 = arith.constant 0 : i32
      %shift_left3A_1865 = vector.broadcast %shift_left3A_1864 : i32 to vector<16xi32>
      %shift_left3A_1866 = arith.shli %all_reduce_population_count3A_1863, %shift_left3A_1865 : vector<16xi32>
      %or3A_1867 = arith.ori %or3A_1703, %shift_left3A_1866 : vector<16xi32>
      %scan3A_1868 = arith.constant 0 : i32
      %scan3A_1869 = arith.constant 0 : i32
      %scan3A_1870 = arith.constant 32 : i32
      %scan3A_1871 = arith.addi %scan3A_1869, %scan3A_1870 : i32
      %scan3A_1872 = arith.constant 1 : i32
      scf.for %scan3A_1874 = %scan3A_1869 to %scan3A_1871 step %scan3A_1872  : i32 {
        %mul3A_1875 = arith.constant 16 : i32
        %mul3A_1876 = arith.muli %scan3A_1874, %mul3A_1875 : i32
        %get3A_1877 = arith.index_cast %mul3A_1876 : i32 to index
        %get3A_1878 = tpu.vector_load %arg4[%get3A_1877] {strides = array<i32>} : memref<512xi32, #tpu.memory_space<vmem>>, vector<16xi32>,
        %mul3A_1879 = arith.constant 16 : i32
        %mul3A_1880 = arith.muli %scan3A_1874, %mul3A_1879 : i32
        %add3A_1881 = vector.broadcast %mul3A_1880 : i32 to vector<16xi32>
        %add3A_1882 = arith.addi %add3A_1212, %add3A_1881 : vector<16xi32>
        %gt3A = arith.cmpi sgt, %get3A_1878, %or3A_1192 : vector<16xi32>
        %eq3A_1883 = arith.cmpi eq, %get3A_1878, %or3A_1192 : vector<16xi32>
        %le3A_1884 = arith.cmpi sle, %add3A_1882, %or3A_1867 : vector<16xi32>
        %and3A_1885 = arith.andi %eq3A_1883, %le3A_1884 : vector<16xi1>
        %or3A_1886 = arith.ori %gt3A, %and3A_1885 : vector<16xi1>
        %jit3A = arith.constant 1.000000e+00 : f32
        %jit3A_1887 = arith.constant 0.000000e+00 : f32
        %broadcast_in_dim3A_1888 = vector.broadcast %jit3A : f32 to vector<16xf32>
        %broadcast_in_dim3A_1889 = vector.broadcast %jit3A_1887 : f32 to vector<16xf32>
        %select_n3A_1890 = arith.select %or3A_1886, %broadcast_in_dim3A_1888, %broadcast_in_dim3A_1889 : vector<16xi1>, vector<16xf32>
        %mul3A_1891 = arith.constant 16 : i32
        %mul3A_1892 = arith.muli %scan3A_1874, %mul3A_1891 : i32
        %swap3A_1893 = arith.index_cast %mul3A_1892 : i32 to index
        %swap3A_1894 = tpu.vector_load %arg7[%swap3A_1893] {strides = array<i32>} : memref<512xf32, #tpu.memory_space<vmem>>, vector<16xf32>,
        tpu.vector_store %arg7[%swap3A_1893], %select_n3A_1890 {strides = array<i32>} : memref<512xf32, #tpu.memory_space<vmem>>, vector<16xf32>,
      }
      %scan3A_1873 = arith.constant 32 : i32
      "tpu.region"() ({
        %run_scoped3A = tpu.sem_alloc : memref<!tpu.dma_semaphore, #tpu.memory_space<semaphore_mem>>
        %dma_start3A = tpu.memref_slice %arg3[%mul3A_2] : memref<8192xf32, #tpu.memory_space<hbm>> -> memref<512xf32, #tpu.memory_space<hbm>>
        %dma_start3A_1874 = tpu.memref_slice %arg3[%mul3A_2] : memref<8192xf32, #tpu.memory_space<hbm>> -> memref<512xf32, #tpu.memory_space<hbm>>
        tpu.enqueue_dma source(%arg7 : memref<512xf32, #tpu.memory_space<vmem>>) target(%dma_start3A_1874 : memref<512xf32, #tpu.memory_space<hbm>>) target_semaphore(%run_scoped3A : memref<!tpu.dma_semaphore, #tpu.memory_space<semaphore_mem>>)
        %dma_wait3A = tpu.memref_slice %arg3[%mul3A_2] : memref<8192xf32, #tpu.memory_space<hbm>> -> memref<512xf32, #tpu.memory_space<hbm>>
        %dma_wait3A_1875 = tpu.memref_slice %arg3[%mul3A_2] : memref<8192xf32, #tpu.memory_space<hbm>> -> memref<512xf32, #tpu.memory_space<hbm>>
        tpu.wait_dma2 semaphore(%run_scoped3A : memref<!tpu.dma_semaphore, #tpu.memory_space<semaphore_mem>>) src(%arg7 : memref<512xf32, #tpu.memory_space<vmem>>) dst(%dma_wait3A_1875 : memref<512xf32, #tpu.memory_space<hbm>>)
        tpu.yield
      }) : () -> ()
    } else {
    }
    return
  }
}

module attributes {stable_mosaic.version = 14 : i64} {
  func.func @_mul_body(%arg0: i32, %arg1: memref<64x8192xf32, #tpu.memory_space<vmem>>, %arg2: memref<1x8192xf32, #tpu.memory_space<vmem>>, %arg3: memref<64x8192xf32, #tpu.memory_space<vmem>>) attributes {dimension_semantics = [#tpu.dimension_semantics<arbitrary>], iteration_bounds = array<i64: 2>, scalar_prefetch = 0 : i64, scratch_operands = 0 : i64, tpu.core_type = #tpu.core_type<tc>, window_params = [{transform_indices = @transform_0, window_bounds = array<i64: 64, 8192>}, {pipeline_mode = #tpu.pipeline_mode<synchronous>, transform_indices = @transform_1, window_bounds = array<i64: 1, 8192>}, {transform_indices = @transform_2, window_bounds = array<i64: 64, 8192>}]} {
    %get3A = arith.constant 0 : index
    %get3A_0 = arith.constant 0 : index
    %get3A_1 = vector.load %arg1[%get3A, %get3A_0] : memref<64x8192xf32, #tpu.memory_space<vmem>>, vector<64x8192xf32>
    %get3A_2 = arith.constant 0 : index
    %get3A_3 = arith.constant 0 : index
    %get3A_4 = vector.load %arg2[%get3A_2, %get3A_3] : memref<1x8192xf32, #tpu.memory_space<vmem>>, vector<1x8192xf32>
    %mul3A = vector.broadcast %get3A_4 : vector<1x8192xf32> to vector<64x8192xf32>
    %mul3A_5 = arith.mulf %get3A_1, %mul3A : vector<64x8192xf32>
    %swap3A = arith.constant 0 : index
    %swap3A_6 = arith.constant 0 : index
    %swap3A_7 = vector.load %arg3[%swap3A, %swap3A_6] : memref<64x8192xf32, #tpu.memory_space<vmem>>, vector<64x8192xf32>
    tpu.vector_store %arg3[%swap3A, %swap3A_6], %mul3A_5 {strides = array<i32>} : memref<64x8192xf32, #tpu.memory_space<vmem>>, vector<64x8192xf32>,
    return
  }
  func.func @transform_0(%arg0: i32) -> (i32, i32) {
    %c0_i32 = arith.constant 0 : i32
    %c0_i32_0 = arith.constant 0 : i32
    return %arg0, %c0_i32 : i32, i32
  }
  func.func @transform_1(%arg0: i32) -> (i32, i32) {
    %c0_i32 = arith.constant 0 : i32
    %c0_i32_0 = arith.constant 0 : i32
    %c0_i32_1 = arith.constant 0 : i32
    return %c0_i32, %c0_i32_0 : i32, i32
  }
  func.func @transform_2(%arg0: i32) -> (i32, i32) {
    %c0_i32 = arith.constant 0 : i32
    %c0_i32_0 = arith.constant 0 : i32
    return %arg0, %c0_i32 : i32, i32
  }
}

</mosaic_0001>

<sc_bundles>
// kernel: kernel.4.cloned.1.call-start
scs
__scs_entry_jumppad:
0x0: {  	(pc) =	sbr.rel $0x88, $3  }
0x1: {  	(tag) =	ssettag $0x0;
	lr =	simm.s32 $0x1  }
0x2: {  	[smem:$0x3F9F] =	sst lr;
	_ =	strace $0xD0000000  }
0x3: {  	_ = 	snop  }
0x4: {  	_ = 	snop  }
0x5: {  	_ = 	snop  }
0x6: {  	_ = 	snop  }
0x7: {  	_ = 	snop  }
__scs_overlays_trampoline_lowered:
0x8: {  	[smem:$0x3FAE] =	sst s0  }
0x9: {  	[smem:$0x3FAF] =	sst s1  }
0xa: {  	[smem:$0x3FB0] =	sst s2  }
0xb: {  	[smem:$0x3FB1] =	sst s3  }
0xc: {  	[smem:$0x3FB2] =	sst s4  }
0xd: {  	[smem:$0x3FB3] =	sst s5  }
0xe: {  	[smem:$0x3FB4] =	sst s6  }
0xf: {  	[smem:$0x3FB5] =	sst s7  }
0x10: {  	[smem:$0x3FB6] =	sst s8  }
0x11: {  	[smem:$0x3FB7] =	sst s9;
	s0 =	simm.s32 @!p0 $0x0  }
0x12: {  	s1 =	sld [smem:$0x3F9D];
	s0 =	simm.s32 @p0 $0x1  }
0x13: {  	[smem:$0x3FB8] =	sst s0;
	s0 =	simm.s32 @!p1 $0x0  }
0x14: {  	s2 =	sld [smem:$0x3F9C];
	s0 =	simm.s32 @p1 $0x1  }
0x15: {  	[smem:$0x3FB9] =	sst s0;
	s0 =	simm.s32 @!p2 $0x0  }
0x16: {  	s3 =	sld [smem:$0x3FDB];
	s0 =	simm.s32 @p2 $0x1  }
0x17: {  	s4 =	simm.s32 $0x1BF5;
	[smem:$0x3FBB] =	sst s0  }
0x18: {  	s0 =	sld [smem:$0x3F9E];
	_ =	swait.ge [sflag:s4], $0x0  }
0x19: {  	s7 =	sld [smem:$0x3F9F]  }
0x1a: {  	s8 =	sadd.s32 $0xFFFFE003, lr  }
0x1b: {  	s9 =	sadd.s32 $0xFFFFFEF7, lr;
	s5 =	simm.s32 $0xFFFFFFFF;
	p2 =	slt.u32 s8, $0xFFFFF086  }
0x1c: {  	p1 =	slt.u32 s9, $0xF7A;
	s5 =	simm.s32 @!p2 $0x0  }
0x1d: {  	s5 =	simm.s32 @p1 $0x1;
	p0 =	seq.s32 s7, s2  }
0x1e: {  	s7 =	smul.u32 @!p0 $0xF7A, s2;
	p2 =	seq.s32 @!p0 s5, $0x0  }
0x1f: {  	s9 =	smul.u32 $0xF7A, s1;
	s8 =	simm.s32 @!p0 $0x1BF5;
	p2 =	por !p2, p0  }
0x20: {  	[sflag:s8] =	ssyncset.s32 @!p0 $0xFFFFF086;
	s6 =	sadd.s32 @!p0 s3, s7;
	s7 =	simm.s32 @!p0 $0x108  }
0x21: {  	s3 =	sadd.s32 s3, s9;
	s6 =	sadd.s32 @!p0 $0x88, s6;
	s7 =	simm.s32 @p2 $0x1082  }
0x22: {  	[simem:s7], [sflag:s8] =	dma.local @!p0 [hbm:s6], $0xF7A  }
0x23: {  	s9 =	sor.u32 $0xD0000000, s2;
	s6 =	simm.s32 $0x108;
	_ =	swait.ge @!p0 [sflag:s8], $0x0  }
0x24: {  	s3 =	sadd.s32 $0x88, s3;
	s6 =	simm.s32 @!p1 $0x1082;
	[sflag:s4] =	ssyncset.s32 $0xFFFFF086  }
0x25: {  	[simem:s6], [sflag:s4] =	dma.local [hbm:s3], $0xF7A  }
0x26: {  	[smem:$0x3F9F] =	sst s1;
	(tag) =	ssettag s2;
	_ =	strace s9  }
0x27: {  	s1 =	sld [smem:$0x3FAF]  }
0x28: {  	s2 =	sld [smem:$0x3FB0]  }
0x29: {  	s4 =	sld [smem:$0x3FB2]  }
0x2a: {  	p0 =	seq.s32 s5, $0x0;
	s5 =	sld [smem:$0x3FB3]  }
0x2b: {  	s6 =	sld [smem:$0x3FB4]  }
0x2c: {  	s7 =	sld [smem:$0x3FB5]  }
0x2d: {  	s3 =	simm.s32 $0x108;
	s8 =	sld [smem:$0x3FB6]  }
0x2e: {  	s3 =	simm.s32 @!p0 $0x1082;
	s9 =	sld [smem:$0x3FB7]  }
0x2f: {  	lr =	sadd.s32 s0, s3;
	s0 =	sld [smem:$0x3FAE]  }
0x30: {  	s3 =	sld [smem:$0x3FB1]  }
0x31: {  	[smem:$0x3FBA] =	sst s10  }
0x32: {  	s10 =	sld [smem:$0x3FB8];
	_ =	sdelay $0x3  }
0x33: {  	p0 =	seq.s32 s10, $0x1;
	s10 =	sld [smem:$0x3FBA];
	_ =	sdelay $0x3  }
0x34: {  	[smem:$0x3FBA] =	sst s10  }
0x35: {  	s10 =	sld [smem:$0x3FB9];
	_ =	sdelay $0x3  }
0x36: {  	p1 =	seq.s32 s10, $0x1;
	s10 =	sld [smem:$0x3FBA];
	_ =	sdelay $0x3  }
0x37: {  	[smem:$0x3FBA] =	sst s10  }
0x38: {  	s10 =	sld [smem:$0x3FBB]  }
0x39: {  	_ = 	snop;
	(pc) =	sbr.ind lr, $3  }
0x3a: {  	_ = 	snop  }
0x3b: {  	_ = 	snop  }
0x3c: {  	p2 =	seq.s32 s10, $0x1;
	s10 =	sld [smem:$0x3FBA]  }
0x3d: {  	_ =	shalt  }
0x3e: {  	_ =	shalt  }
0x3f: {  	_ =	shalt  }
0x40: {  	_ =	shalt  }
0x41: {  	_ =	shalt  }
0x42: {  	_ =	shalt  }
0x43: {  	_ =	shalt  }
0x44: {  	_ =	shalt  }
0x45: {  	_ =	shalt  }
0x46: {  	_ =	shalt  }
0x47: {  	_ =	shalt  }
0x48: {  	_ =	shalt  }
0x49: {  	_ =	shalt  }
0x4a: {  	_ =	shalt  }
0x4b: {  	_ =	shalt  }
0x4c: {  	_ =	shalt  }
0x4d: {  	_ =	shalt  }
0x4e: {  	_ =	shalt  }
0x4f: {  	_ =	shalt  }
0x50: {  	_ =	shalt  }
0x51: {  	_ =	shalt  }
0x52: {  	_ =	shalt  }
0x53: {  	_ =	shalt  }
0x54: {  	_ =	shalt  }
0x55: {  	_ =	shalt  }
0x56: {  	_ =	shalt  }
0x57: {  	_ =	shalt  }
0x58: {  	_ =	shalt  }
0x59: {  	_ =	shalt  }
0x5a: {  	_ =	shalt  }
0x5b: {  	_ =	shalt  }
0x5c: {  	_ =	shalt  }
0x5d: {  	_ =	shalt  }
0x5e: {  	_ =	shalt  }
0x5f: {  	_ =	shalt  }
0x60: {  	_ =	shalt  }
0x61: {  	_ =	shalt  }
0x62: {  	_ =	shalt  }
0x63: {  	_ =	shalt  }
0x64: {  	_ =	shalt  }
0x65: {  	_ =	shalt  }
0x66: {  	_ =	shalt  }
0x67: {  	_ =	shalt  }
0x68: {  	_ =	shalt  }
0x69: {  	_ =	shalt  }
0x6a: {  	_ =	shalt  }
0x6b: {  	_ =	shalt  }
0x6c: {  	_ =	shalt  }
0x6d: {  	_ =	shalt  }
0x6e: {  	_ =	shalt  }
0x6f: {  	_ =	shalt  }
0x70: {  	_ =	shalt  }
0x71: {  	_ =	shalt  }
0x72: {  	_ =	shalt  }
0x73: {  	_ =	shalt  }
0x74: {  	_ =	shalt  }
0x75: {  	_ =	shalt  }
0x76: {  	_ =	shalt  }
0x77: {  	_ =	shalt  }
0x78: {  	_ =	shalt  }
0x79: {  	_ =	shalt  }
0x7a: {  	_ =	shalt  }
0x7b: {  	_ =	shalt  }
0x7c: {  	_ =	shalt  }
0x7d: {  	_ =	shalt  }
0x7e: {  	_ =	shalt  }
0x7f: {  	_ =	shalt  }
0x80: {  	_ =	shalt  }
0x81: {  	_ =	shalt  }
0x82: {  	_ =	shalt  }
0x83: {  	_ =	shalt  }
0x84: {  	_ =	shalt  }
0x85: {  	_ =	shalt  }
0x86: {  	_ =	shalt  }
0x87: {  	_ =	shalt  }
.Lfunc_end0:
.L_simem_size_0:
called_computation_lowered:
.L_overlay_start_0:
0x88: {  	s2 =	sld [smem:$0x3FD9]  }
0x89: {  	s3 =	sld [smem:$0x3FFE];
	_ =	sdelay $0x1  }
0x8a: {  	s1 =	srdreg.scid  }
0x8b: {  	s0 =	sand.u32 $0x1, s1  }
0x8c: {  	s15 =	sshll.u32 s0, $0xA;
	s2 =	sadd.s32 s3, s2  }
0x8d: {  	s2 =	sadd.s32 s2, s15  }
0x8e: {  	[smem:$0x3FC6] =	sst s2  }
0x8f: {  	_ = 	snop  }
0x90: {  	s2 =	sld [smem:$0x3FD0];
	_ =	sdelay $0x2  }
0x91: {  	s16 =	simm.s32 $0xA;
	s4 =	simm.s32 $0x10  }
0x92: {  	[smem:s4], [sflag:s16] =	dma.local [hbm:s2], $0x1  }
0x93: {  	_ =	swait.eq [sflag:s16], $0x1  }
0x94: {  	[sflag:s16] =	ssyncset.done $0x0  }
0x95: {  	s17 =	sld [smem:$0x10];
	[sflag:s16] =	ssyncadd.s32 $0xFFFFFFFF  }
0x96: {  	s18 =	sld [smem:$0x11];
	(tm) =	ssettm $0x1  }
0x97: {  	s19 =	sld [smem:$0x3FFB];
	_ =	sdelay $0x3  }
0x98: {  	_ =	strace s19  }
0x99: {  	s4 =	sld [smem:$0x3FFC];
	_ =	sdelay $0x3  }
0x9a: {  	_ =	strace s4  }
0x9b: {  	s4 =	sld [smem:$0x3FFD];
	_ =	sdelay $0x3  }
0x9c: {  	_ =	strace s4  }
0x9d: {  	_ =	strace $0x8FFFFFFF  }
0x9e: {  	s20 =	sld [smem:$0x3FDB];
	_ =	sdelay $0x1  }
0x9f: {  	s5 =	simm.s32 $_scs_section_size  }
0xa0: {  	s6 =	simm.s32 $_size__tile_overlayer_lowered;
	s7 =	simm.s32 $_tile_overlayer_lowered  }
0xa1: {  	s23 =	simm.s32 $0x1BFF;
	s22 =	sshll.u32 s7, $0x1;
	s4 =	sadd.s32 s5, s20  }
0xa2: {  	s8 =	simm.s32 $0x0;
	s21 =	sshll.u32 s6, $0x1;
	s6 =	sadd.s32 s22, s4  }
0xa3: {  	[timem:s8], [sflag:s23] =	dma.local [hbm:s6], s21  }
0xa4: {  	_ =	swait.ge [sflag:s23], s21  }
0xa5: {  	s5 =	ssub.s32 $0x0, s21;
	[sflag:s23] =	ssyncset.done $0x0  }
0xa6: {  	[sflag:s23] =	ssyncadd.s32 s5;
	_ =	sdelay $0x1  }
0xa7: {  	s24 =	simm.s32 $0x1B8B  }
0xa8: {  	_ =	swait.ge [sflag:s24], $0x1  }
0xa9: {  	[sflag:s24] =	ssyncset.done $0x0  }
0xaa: {  	s25 =	simm.s32 $0x1B8E;
	[sflag:s24] =	ssyncadd.s32 $0xFFFFFFFF  }
0xab: {  	s26 =	simm.s32 $execute0_lowered;
	[smem:$0x3FD2] =	sst s25  }
0xac: {  	s5 =	sshll.u32 s26, $0x1;
	_ =	strace $0x80000046;
	[dreg:$0x1] =	wrdreg $0xFFFFFFFF  }
0xad: {  	s28 =	simm.s32 $_size_execute0_lowered;
	s4 =	sadd.s32 s4, s5;
	[dreg:$0x0] =	wrdreg $0x0  }
0xae: {  	s5 =	sshll.u32 s28, $0x1;
	[dreg:$0x2] =	wrdreg s4  }
0xaf: {  	[dreg:$0x3] =	wrdreg s5  }
0xb0: {  	[dreg:$0x4] =	wrdreg $0xC0  }
0xb1: {  	_ =	task [dreg:s8], $0x5FFFF  }
0xb2: {  	[dreg:$0x1] =	wrdreg $0xFFFFFFFF  }
0xb3: {  	[dreg:$0x0] =	wrdreg $0x60  }
0xb4: {  	[dreg:$0x2] =	wrdreg s17  }
0xb5: {  	[dreg:$0x3] =	wrdreg s18  }
0xb6: {  	[dreg:$0x4] =	wrdreg $0x5000  }
0xb7: {  	[dreg:$0x5] =	wrdreg $0x9  }
0xb8: {  	_ =	task.clear_ibuf [dreg:s8], $0x6FFFF;
	_ =	strace $0x90000046  }
0xb9: {  	s29 =	simm.s32 $0x9;
	_ =	strace $0x80000048  }
0xba: {  	_ =	swait.ge [sflag:s29], $0x1  }
0xbb: {  	[sflag:s29] =	ssyncadd.s32 $0xFFFFFFFF  }
0xbc: {  	_ =	strace $0x90000048  }
0xbd: {  	_ =	sfence  }
0xbe: {  	s30 =	sld [smem:$0x0];
	_ =	sdelay $0x2  }
0xbf: {  	s31 =	sshll.u32 s1, $0xD;
	s1 =	sshrl.u32 s1, $0x2  }
0xc0: {  	s3 =	sand.u32 $0x4000, s31;
	s1 =	sadd.s32 s1, s30  }
0xc1: {  	s0 =	sor.u32 s3, s0;
	s1 =	sshll.u32 s1, $0x11  }
0xc2: {  	s0 =	sor.u32 s1, s0  }
0xc3: {  	s0 =	sadd.s32 $0x8F2B, s0  }
0xc4: {  	[sflag:s0] =	ssyncadd.remote.s32 $0x1  }
0xc5: {  	_ =	sfence.sel $0xFFFF  }
0xc6: {  	[dreg:$0x0] =	wrdreg $0xFFFFFFFF;
	(pc) =	sbr.abs _section_cstart, $3  }
0xc7: {  	[dreg:$0x1] =	wrdreg $0xFFFFFFFF  }
0xc8: {  	_ =	task.clear_ibuf [dreg:s8], $0x2FFFF;
	_ =	strace $0x9FFFFFFF  }
0xc9: {  	(tm) =	ssettm $0x7FFFFFFF  }
tec
execute0_lowered:
.L_overlay_start_1:
0x0: {  	(tag) =	ssettag $0x1  }
0x1: {  	s1 =	srdreg.scid  }
0x2: {  	s1 =	sand.u32 $0x1, s1  }
0x3: {  	p0 =	seq.s32 s1, $0x1  }
.Ltmp0:
0x4: {  	s4 =	rddreg [dreg:$0x0];
	(pc) =	sbr.rel @p0 .LBB2_32-.Ltmp0, $4  }
0x5: {  	s2 =	rddreg [dreg:$0x1]  }
0x6: {  	s3 =	rddreg [dreg:$0x2];
	s5 =	simm.s32 $0x0  }
0x7: {  	[smem:$0x7FF] =	sst s5  }
0x8: {  	s0 =	rddreg [dreg:$0x3];
	_ =	strace $0x80000047;
	s1 =	stileid.u32  }
0x9: {  	s16 =	sshll.u32 s1, $0x6  }
0xa: {  	s17 =	sshll.u32 s1, $0x9;
	s15 =	sadd.s32 $0x10, s3;
	s14 =	sadd.s32 $0x20, s3  }
0xb: {  	s13 =	sadd.s32 $0x30, s3;
	s18 =	simm.s32 $0x1;
	s4 =	sadd.s32 s4, s16  }
0xc: {  	[tilespmem:s5], [sflag:$0x1] =	stream.linear.gather [hbm4b:s4+s5], $0x200, $0x38;
	[tilespmem:$0x510] =	vst v63  }
0xd: {  	s12 =	sadd.s32 $0x40, s3;
	s11 =	sadd.s32 $0x50, s3;
	_ =	swait.ge [sflag:s18], $0x200  }
0xe: {  	s10 =	sadd.s32 $0x60, s3;
	s9 =	sadd.s32 $0x70, s3;
	[sflag:s18] =	ssyncset.done $0x0  }
0xf: {  	s8 =	sadd.s32 $0x80, s3;
	v0 =	vimm.s32 $0x0;
	s30 =	sshrl.u32 s16, $0x2;
	[sflag:s18] =	ssyncadd.s32 $0xFFFFFE00  }
0x10: {  	s7 =	sadd.s32 $0x90, s3;
	s31 =	simm.s32 $0x280;
	s4 =	sadd.s32 s30, s3;
	[tilespmem:$0x280] =	vst v0  }
0x11: {  	[spmem:s4] =	stream.linear.scatter [tilespmem:s31], [sflag:$0x1], $0x10, $0x38;
	[tilespmem:$0x510] =	vst v63  }
0x12: {  	s6 =	sadd.s32 $0xA0, s3;
	s2 =	sadd.s32 s2, s16;
	_ =	swait.ge [sflag:s18], $0x10  }
0x13: {  	s16 =	simm.s32 $0x0;
	s5 =	sadd.s32 $0xB0, s3;
	v0 =	vlaneseq.u32;
	[sflag:s18] =	ssyncset.done $0x0  }
0x14: {  	s4 =	sadd.s32 $0xC0, s3;
	v0 =	vor.u32 s17, v0;
	s17 =	simm.s32 $0x40;
	[sflag:s18] =	ssyncadd.s32 $0xFFFFFFF0  }
.LBB2_2:
0x15: {  	p0 =	sne.s32 s17, $0x7C0;
	v1 =	vld [tilespmem:s16+$0x0];
	_ =	sdelay $0x1  }
.Ltmp1:
0x16: {  	(pc) =	sbr.rel @p0 .LBB2_2-.Ltmp1, $3  }
0x17: {  	_ =	sdelay $0x1  }
0x18: {  	v1 =	vand.u32 $0x7FFFFFFF, v1  }
0x19: {  	[tilespmem:s16+$0x0] =	vst v1;
	s16 =	sshra.s32 s17, $0x2;
	s17 =	sadd.s32 $0x40, s17  }
0x1a: {  	v1 =	vld [tilespmem:s16+$0x0];
	_ =	sdelay $0x4  }
0x1b: {  	v1 =	vand.u32 $0x7FFFFFFF, v1  }
0x1c: {  	[tilespmem:s16+$0x0] =	vst v1  }
0x1d: {  	s30 =	simm.s32 $0x0;
	[bflag:$0x0] =	sbarrier.arrive $0xFFFF  }
0x1e: {  	v3 =	vld [tilespmem:s30+$0x0];
	_ =	sdelay $0x2  }
0x1f: {  	s31 =	simm.s32 $0x10  }
0x20: {  	v2 =	vld [tilespmem:s31+$0x0]  }
0x21: {  	v1 =	vimm.s32 $0x0;
	vm0 =	vgt.s32 v3, $0xFFFFFFF;
	vm1 =	vgt.s32 v3, $0x1FFFFFFF  }
0x22: {  	vm2 =	vgt.s32 v3, $0x6FFFFFFF;
	vm3 =	vgt.s32 v3, $0x2FFFFFFF;
	vm4 =	vgt.s32 v3, $0x3FFFFFFF  }
0x23: {  	v4 =	vmpcnt.ones.xlane vm2;
	v5 =	vmpcnt.ones.xlane vm0;
	vm0 =	vgt.s32 v3, $0x4FFFFFFF  }
0x24: {  	vm2 =	vgt.s32 v3, $0x5FFFFFFF;
	v6 =	vmpcnt.ones.xlane vm1;
	v7 =	vmpcnt.ones.xlane vm3  }
0x25: {  	v10 =	vmpcnt.ones.xlane vm4;
	vm4 =	vgt.s32 v2, $0x6FFFFFFF;
	vm3 =	vgt.s32 v2, $0x2FFFFFFF  }
0x26: {  	vm1 =	vgt.s32 v2, $0x3FFFFFFF;
	v11 =	vmpcnt.ones.xlane vm0;
	v8 =	vmpcnt.ones.xlane vm2  }
0x27: {  	vm2 =	vgt.s32 v2, $0xFFFFFFF;
	vm0 =	vgt.s32 v2, $0x1FFFFFFF;
	v3 =	vadd.s32 v1, v4  }
0x28: {  	v9 =	vadd.s32 v1, v5;
	v4 =	vadd.s32 v1, v6;
	v5 =	vadd.s32 v1, v7  }
0x29: {  	s17 =	simm.s32 $0x20;
	s16 =	simm.s32 $0xC0;
	v6 =	vadd.s32 v1, v10;
	v10 =	vmpcnt.ones.xlane vm4;
	v7 =	vadd.s32 v1, v11  }
.LBB2_4:
0x2a: {  	p0 =	sne.s32 s16, $0x7C0;
	v11 =	vmpcnt.ones.xlane vm2;
	vm2 =	vgt.s32 v2, $0x4FFFFFFF;
	vm4 =	vgt.s32 v2, $0x5FFFFFFF;
	v2 =	vld [tilespmem:s17+$0x0]  }
0x2b: {  	v12 =	vmpcnt.ones.xlane vm0;
	v13 =	vmpcnt.ones.xlane vm3;
	v3 =	vadd.s32 v3, v10  }
.Ltmp2:
0x2c: {  	v10 =	vmpcnt.ones.xlane vm1;
	v9 =	vadd.s32 v9, v11;
	v11 =	vmpcnt.ones.xlane vm2;
	(pc) =	sbr.rel @p0 .LBB2_4-.Ltmp2, $4  }
0x2d: {  	v4 =	vadd.s32 v4, v12;
	v5 =	vadd.s32 v5, v13;
	v12 =	vmpcnt.ones.xlane vm4  }
0x2e: {  	v1 =	vadd.s32 v1, v8;
	v6 =	vadd.s32 v6, v10;
	v7 =	vadd.s32 v7, v11  }
0x2f: {  	v8 =	vmovc v12;
	vm2 =	vgt.s32 v2, $0xFFFFFFF;
	vm0 =	vgt.s32 v2, $0x1FFFFFFF;
	vm4 =	vgt.s32 v2, $0x6FFFFFFF  }
0x30: {  	s17 =	sshra.s32 s16, $0x2;
	s16 =	sadd.s32 $0x40, s16;
	vm3 =	vgt.s32 v2, $0x2FFFFFFF;
	vm1 =	vgt.s32 v2, $0x3FFFFFFF;
	v10 =	vmpcnt.ones.xlane vm4  }
0x31: {  	v11 =	vld [tilespmem:s17+$0x0];
	v12 =	vmpcnt.ones.xlane vm2;
	vm2 =	vgt.s32 v2, $0x4FFFFFFF;
	vm4 =	vgt.s32 v2, $0x5FFFFFFF  }
0x32: {  	v2 =	vmpcnt.ones.xlane vm0;
	v13 =	vmpcnt.ones.xlane vm3;
	v3 =	vadd.s32 v3, v10  }
0x33: {  	v10 =	vmpcnt.ones.xlane vm1;
	v9 =	vadd.s32 v9, v12;
	v12 =	vmpcnt.ones.xlane vm2  }
0x34: {  	v2 =	vadd.s32 v4, v2;
	v4 =	vadd.s32 v5, v13;
	v5 =	vmpcnt.ones.xlane vm4  }
0x35: {  	v1 =	vadd.s32 v1, v8;
	v6 =	vadd.s32 v6, v10;
	v7 =	vadd.s32 v7, v12  }
0x36: {  	v1 =	vadd.s32 v1, v5;
	vm0 =	vgt.s32 v11, $0xFFFFFFF;
	vm1 =	vgt.s32 v11, $0x1FFFFFFF  }
0x37: {  	vm2 =	vgt.s32 v11, $0x6FFFFFFF;
	vm3 =	vgt.s32 v11, $0x2FFFFFFF;
	vm4 =	vgt.s32 v11, $0x3FFFFFFF  }
0x38: {  	v8 =	vmpcnt.ones.xlane vm0;
	v10 =	vmpcnt.ones.xlane vm2;
	vm0 =	vgt.s32 v11, $0x4FFFFFFF  }
0x39: {  	v12 =	vmpcnt.ones.xlane vm1;
	vm1 =	vgt.s32 v11, $0x5FFFFFFF;
	v11 =	vmpcnt.ones.xlane vm3  }
0x3a: {  	v13 =	vmpcnt.ones.xlane vm0;
	vm0 =	vmmov $0x1;
	v8 =	vadd.s32 v9, v8  }
0x3b: {  	v9 =	vmpcnt.ones.xlane vm4;
	v2 =	vadd.s32 v2, v12;
	v4 =	vadd.s32 v4, v11  }
0x3c: {  	v11 =	vmpcnt.ones.xlane vm1;
	v8 =	vnsel vm0, $0x0, v8;
	vm0 =	vcmask $0x31C  }
0x3d: {  	v7 =	vadd.s32 v7, v13;
	v2 =	vsel vm0, v8, v2;
	vm0 =	vcmask $0x71C  }
0x3e: {  	v6 =	vadd.s32 v6, v9;
	v2 =	vsel vm0, v2, v4;
	vm0 =	vcmask $0xB1C  }
0x3f: {  	v4 =	vlaneseq.u32;
	v2 =	vsel vm0, v2, v6;
	vm0 =	vcmask $0xF1C  }
0x40: {  	v1 =	vadd.s32 v1, v11;
	v2 =	vsel vm0, v2, v7;
	vm0 =	vcmask $0x131C  }
0x41: {  	v3 =	vadd.s32 v3, v10;
	v1 =	vsel vm0, v2, v1;
	vm0 =	vcmask $0x171C  }
0x42: {  	v1 =	vsel vm0, v1, v3  }
0x43: {  	s16 =	simm.s32 $0x200;
	s30 =	simm.s32 $0x1;
	vm0 =	vmmov $0xffff;
	[tilespmem:$0x200] =	vst v1  }
0x44: {  	[spmem:s3] =	stream.indirect_vreg.scatter.add.s32 [tilespmem:s16], [sflag:$0x1], $0x1, v4, vm0, $0xb8;
	[tilespmem:$0x510] =	vst v63  }
0x45: {  	_ =	swait.ge [sflag:s30], $0x10  }
0x46: {  	[sflag:s30] =	ssyncset.done $0x0  }
0x47: {  	[sflag:s30] =	ssyncadd.s32 $0xFFFFFFF0  }
0x48: {  	[bflag:$0x0] =	sbarrier.arrive $0xFFFF  }
0x49: {  	[tilespmem:s16], [sflag:$0x1] =	stream.linear.gather [spmem:s3], $0x10, $0x38;
	[tilespmem:$0x510] =	vst v63  }
0x4a: {  	_ =	swait.ge [sflag:s30], $0x10  }
0x4b: {  	[sflag:s30] =	ssyncset.done $0x0  }
0x4c: {  	[sflag:s30] =	ssyncadd.s32 $0xFFFFFFF0  }
0x4d: {  	v1 =	vld [tilespmem:$0x200];
	_ =	sdelay $0x3  }
0x4e: {  	v21 =	vimm.s32 $0x0  }
0x4f: {  	v31 =	vimm.s32 $0x0;
	v27 =	vimm.s32 $0x0;
	vm1 =	vgt.s32 v1, $0xFFF  }
0x50: {  	v28 =	vimm.s32 $0x0;
	v23 =	vimm.s32 $0x0;
	v1 =	vmpcnt.ones.xlane vm1  }
0x51: {  	v24 =	vimm.s32 $0x0;
	v25 =	vimm.s32 $0x0;
	v26 =	vimm.s32 $0x0  }
0x52: {  	s31 =	simm.s32 $0x0;
	v29 =	vimm.s32 $0x0;
	v30 =	vimm.s32 $0x0;
	v1 =	vshll.u32 v1, $0x1C  }
0x53: {  	v18 =	vld [tilespmem:s31+$0x0];
	v5 =	vor.u32 $0x1000000, v1;
	v16 =	vor.u32 $0x2000000, v1;
	v6 =	vor.u32 $0x3000000, v1  }
0x54: {  	v7 =	vor.u32 $0x4000000, v1;
	v8 =	vor.u32 $0x5000000, v1;
	v9 =	vor.u32 $0x6000000, v1  }
0x55: {  	v10 =	vor.u32 $0x7000000, v1;
	v11 =	vor.u32 $0x8000000, v1;
	v12 =	vor.u32 $0x9000000, v1  }
0x56: {  	v13 =	vor.u32 $0xA000000, v1;
	v14 =	vor.u32 $0xB000000, v1;
	v15 =	vor.u32 $0xC000000, v1  }
0x57: {  	v3 =	vor.u32 $0xD000000, v1;
	v4 =	vor.u32 $0xE000000, v1;
	v17 =	vor.u32 $0xF000000, v1  }
0x58: {  	vm1 =	vge.s32 v18, v5;
	vm6 =	vge.s32 v18, v16;
	vm2 =	vge.s32 v18, v17  }
0x59: {  	vm7 =	vge.s32 v18, v6;
	vm8 =	vge.s32 v18, v7;
	vm9 =	vge.s32 v18, v8  }
0x5a: {  	vm10 =	vge.s32 v18, v9;
	vm11 =	vge.s32 v18, v10;
	vm12 =	vge.s32 v18, v11  }
0x5b: {  	vm13 =	vge.s32 v18, v12;
	vm3 =	vge.s32 v18, v13;
	v2 =	vmpcnt.ones.xlane vm2  }
0x5c: {  	vm4 =	vge.s32 v18, v14;
	v19 =	vmpcnt.ones.xlane vm1;
	v20 =	vmpcnt.ones.xlane vm6  }
0x5d: {  	vm5 =	vge.s32 v18, v3;
	v22 =	vmpcnt.ones.xlane vm7;
	v37 =	vmpcnt.ones.xlane vm8  }
0x5e: {  	vm2 =	vge.s32 v18, v15;
	v34 =	vmpcnt.ones.xlane vm9;
	v32 =	vmpcnt.ones.xlane vm10  }
0x5f: {  	vm1 =	vge.s32 v18, v4;
	v33 =	vmpcnt.ones.xlane vm11;
	v35 =	vmpcnt.ones.xlane vm12  }
0x60: {  	v36 =	vmpcnt.ones.xlane vm13;
	v2 =	vadd.s32 v21, v2;
	v18 =	vadd.s32 v21, v19  }
0x61: {  	s17 =	simm.s32 $0x10;
	s16 =	simm.s32 $0x80;
	v19 =	vadd.s32 v21, v20;
	v20 =	vadd.s32 v21, v22;
	v22 =	vimm.s32 $0x0  }
.LBB2_6:
0x62: {  	p0 =	sne.s32 s16, $0x7C0;
	v38 =	vld [tilespmem:s17+$0x0];
	v21 =	vadd.s32 v21, v37;
	v37 =	vmpcnt.ones.xlane vm3;
	v39 =	vmpcnt.ones.xlane vm4  }
0x63: {  	v31 =	vadd.s32 v31, v34;
	v34 =	vmpcnt.ones.xlane vm2;
	v40 =	vmpcnt.ones.xlane vm5  }
0x64: {  	v27 =	vadd.s32 v27, v32;
	v28 =	vadd.s32 v28, v33;
	v32 =	vmpcnt.ones.xlane vm1  }
0x65: {  	v23 =	vadd.s32 v23, v35;
	v24 =	vadd.s32 v24, v36;
	v25 =	vadd.s32 v25, v37  }
0x66: {  	v26 =	vadd.s32 v26, v39;
	v29 =	vadd.s32 v29, v34;
	v30 =	vadd.s32 v30, v40  }
0x67: {  	vm1 =	vge.s32 v38, v5;
	vm6 =	vge.s32 v38, v16;
	vm2 =	vge.s32 v38, v17  }
0x68: {  	vm7 =	vge.s32 v38, v6;
	vm8 =	vge.s32 v38, v7;
	v33 =	vmpcnt.ones.xlane vm2  }
0x69: {  	vm9 =	vge.s32 v38, v8;
	vm10 =	vge.s32 v38, v9;
	vm11 =	vge.s32 v38, v10  }
0x6a: {  	vm12 =	vge.s32 v38, v11;
	vm13 =	vge.s32 v38, v12;
	v2 =	vadd.s32 v2, v33  }
0x6b: {  	vm3 =	vge.s32 v38, v13;
	vm4 =	vge.s32 v38, v14;
	vm2 =	vge.s32 v38, v15  }
.Ltmp3:
0x6c: {  	vm5 =	vge.s32 v38, v3;
	v33 =	vmpcnt.ones.xlane vm1;
	vm1 =	vge.s32 v38, v4;
	(pc) =	sbr.rel @p0 .LBB2_6-.Ltmp3, $4  }
0x6d: {  	v22 =	vadd.s32 v22, v32;
	v35 =	vmpcnt.ones.xlane vm6;
	v36 =	vmpcnt.ones.xlane vm7  }
0x6e: {  	v37 =	vmpcnt.ones.xlane vm8;
	v34 =	vmpcnt.ones.xlane vm9;
	v18 =	vadd.s32 v18, v33  }
0x6f: {  	v32 =	vmpcnt.ones.xlane vm10;
	v19 =	vadd.s32 v19, v35;
	v33 =	vmpcnt.ones.xlane vm11  }
0x70: {  	s17 =	sshra.s32 s16, $0x2;
	s16 =	sadd.s32 $0x40, s16;
	v20 =	vadd.s32 v20, v36;
	v35 =	vmpcnt.ones.xlane vm12;
	v36 =	vmpcnt.ones.xlane vm13  }
0x71: {  	v38 =	vld [tilespmem:s17+$0x0];
	v21 =	vadd.s32 v21, v37;
	v60 =	vmpcnt.ones.xlane vm3  }
0x72: {  	v39 =	vmpcnt.ones.xlane vm4;
	v31 =	vadd.s32 v31, v34;
	v61 =	vmpcnt.ones.xlane vm2  }
0x73: {  	v40 =	vmpcnt.ones.xlane vm5;
	v27 =	vadd.s32 v27, v32;
	v28 =	vadd.s32 v28, v33  }
0x74: {  	v62 =	vmpcnt.ones.xlane vm1;
	v23 =	vadd.s32 v23, v35;
	v24 =	vadd.s32 v24, v36  }
0x75: {  	v25 =	vadd.s32 v25, v60;
	v26 =	vadd.s32 v26, v39;
	v29 =	vadd.s32 v29, v61  }
0x76: {  	v30 =	vadd.s32 v30, v40;
	vm1 =	vge.s32 v38, v5;
	vm2 =	vge.s32 v38, v16  }
0x77: {  	vm3 =	vge.s32 v38, v17;
	vm4 =	vge.s32 v38, v6;
	vm5 =	vge.s32 v38, v7  }
0x78: {  	vm6 =	vge.s32 v38, v9;
	vm7 =	vge.s32 v38, v10;
	vm8 =	vge.s32 v38, v11  }
0x79: {  	vm9 =	vge.s32 v38, v12;
	vm10 =	vge.s32 v38, v13;
	vm11 =	vge.s32 v38, v14  }
0x7a: {  	vm12 =	vge.s32 v38, v15;
	vm13 =	vge.s32 v38, v4;
	v5 =	vmpcnt.ones.xlane vm3  }
0x7b: {  	v6 =	vmpcnt.ones.xlane vm1;
	vm1 =	vge.s32 v38, v3;
	v3 =	vmpcnt.ones.xlane vm2  }
0x7c: {  	vm3 =	vge.s32 v38, v8;
	v4 =	vmpcnt.ones.xlane vm4;
	v8 =	vmpcnt.ones.xlane vm5  }
0x7d: {  	v7 =	vadd.s32 v22, v62;
	v10 =	vmpcnt.ones.xlane vm6;
	v11 =	vmpcnt.ones.xlane vm7  }
0x7e: {  	v14 =	vlaneseq.u32;
	v12 =	vmpcnt.ones.xlane vm8;
	v13 =	vmpcnt.ones.xlane vm9  }
0x7f: {  	v15 =	vmpcnt.ones.xlane vm10;
	v16 =	vmpcnt.ones.xlane vm11;
	vm2 =	veq.s32 v14, $0xF  }
0x80: {  	v17 =	vmpcnt.ones.xlane vm12;
	v9 =	vmpcnt.ones.xlane vm3;
	v6 =	vadd.s32 v18, v6  }
0x81: {  	v3 =	vadd.s32 v19, v3;
	v4 =	vadd.s32 v20, v4;
	v8 =	vadd.s32 v21, v8  }
0x82: {  	v18 =	vmpcnt.ones.xlane vm1;
	v6 =	vsel vm2, $0x0, v6;
	vm2 =	vcmask $0x33C  }
0x83: {  	vm1 =	vcmask $0x73C;
	v9 =	vadd.s32 v31, v9;
	v3 =	vsel vm2, v6, v3  }
0x84: {  	v6 =	vadd.s32 v27, v10;
	v3 =	vsel vm1, v3, v4;
	vm1 =	vcmask $0xB3C  }
0x85: {  	v4 =	vadd.s32 v28, v11;
	v3 =	vsel vm1, v3, v8;
	vm1 =	vcmask $0xF3C  }
0x86: {  	v8 =	vmpcnt.ones.xlane vm13;
	v3 =	vsel vm1, v3, v9;
	vm1 =	vcmask $0x133C  }
0x87: {  	vm13 =	vcmask $0x2F3C;
	v3 =	vsel vm1, v3, v6;
	vm1 =	vcmask $0x173C  }
0x88: {  	v9 =	vadd.s32 v23, v12;
	v3 =	vsel vm1, v3, v4;
	vm1 =	vcmask $0x1B3C  }
0x89: {  	v6 =	vadd.s32 v24, v13;
	v3 =	vsel vm1, v3, v9;
	vm1 =	vcmask $0x1F3C  }
0x8a: {  	v4 =	vadd.s32 v25, v15;
	v3 =	vsel vm1, v3, v6;
	vm1 =	vcmask $0x233C  }
0x8b: {  	v9 =	vadd.s32 v26, v16;
	v3 =	vsel vm1, v3, v4;
	vm1 =	vcmask $0x273C  }
0x8c: {  	v6 =	vadd.s32 v29, v17;
	v3 =	vsel vm1, v3, v9;
	vm1 =	vcmask $0x2B3C  }
0x8d: {  	v4 =	vadd.s32 v30, v18;
	v3 =	vsel vm1, v3, v6;
	v6 =	vor.u32 $0x10, v14  }
0x8e: {  	vm14 =	vcmask $0x333C;
	v7 =	vadd.s32 v7, v8;
	v3 =	vsel vm13, v3, v4  }
0x8f: {  	v2 =	vadd.s32 v2, v5;
	vm1 =	vcmask $0x373C;
	v3 =	vsel vm14, v3, v7  }
0x90: {  	v2 =	vsel vm1, v3, v2  }
0x91: {  	s16 =	simm.s32 $0x200;
	s30 =	simm.s32 $0x1;
	[tilespmem:$0x200] =	vst v2  }
0x92: {  	[spmem:s3] =	stream.indirect_vreg.scatter.add.s32 [tilespmem:s16], [sflag:$0x1], $0x1, v6, vm0, $0xb8;
	[tilespmem:$0x510] =	vst v63  }
0x93: {  	_ =	swait.ge [sflag:s30], $0x10  }
0x94: {  	[sflag:s30] =	ssyncset.done $0x0  }
0x95: {  	[sflag:s30] =	ssyncadd.s32 $0xFFFFFFF0  }
0x96: {  	[bflag:$0x0] =	sbarrier.arrive $0xFFFF  }
0x97: {  	[tilespmem:s16], [sflag:$0x1] =	stream.linear.gather [spmem:s15], $0x10, $0x38;
	[tilespmem:$0x510] =	vst v63  }
0x98: {  	_ =	swait.ge [sflag:s30], $0x10  }
0x99: {  	[sflag:s30] =	ssyncset.done $0x0  }
0x9a: {  	[sflag:s30] =	ssyncadd.s32 $0xFFFFFFF0  }
0x9b: {  	v2 =	vld [tilespmem:$0x200];
	_ =	sdelay $0x4  }
0x9c: {  	v22 =	vimm.s32 $0x0;
	vm1 =	vgt.s32 v2, $0xFFF  }
0x9d: {  	v31 =	vimm.s32 $0x0;
	v27 =	vimm.s32 $0x0;
	v2 =	vmpcnt.ones.xlane vm1  }
0x9e: {  	v28 =	vimm.s32 $0x0;
	v23 =	vimm.s32 $0x0;
	v24 =	vimm.s32 $0x0  }
0x9f: {  	v25 =	vimm.s32 $0x0;
	v26 =	vimm.s32 $0x0;
	v2 =	vshll.u32 v2, $0x18  }
0xa0: {  	s31 =	simm.s32 $0x0;
	v29 =	vimm.s32 $0x0;
	v30 =	vimm.s32 $0x0;
	v1 =	vor.u32 v1, v2  }
0xa1: {  	v63 =	vld [tilespmem:s31+$0x0];
	v13 =	vor.u32 $0x100000, v1;
	v16 =	vor.u32 $0x200000, v1;
	v14 =	vor.u32 $0x300000, v1  }
0xa2: {  	v15 =	vor.u32 $0x400000, v1;
	v12 =	vor.u32 $0x500000, v1;
	v11 =	vor.u32 $0x600000, v1  }
0xa3: {  	v10 =	vor.u32 $0x700000, v1;
	v9 =	vor.u32 $0x800000, v1;
	v8 =	vor.u32 $0x900000, v1  }
0xa4: {  	v7 =	vor.u32 $0xA00000, v1;
	v6 =	vor.u32 $0xB00000, v1;
	v5 =	vor.u32 $0xC00000, v1  }
0xa5: {  	v17 =	vor.u32 $0xF00000, v1;
	v4 =	vor.u32 $0xD00000, v1;
	v3 =	vor.u32 $0xE00000, v1  }
0xa6: {  	vm1 =	vge.s32 v63, v17;
	vm2 =	vge.s32 v63, v13;
	vm4 =	vge.s32 v63, v5  }
0xa7: {  	vm15 =	vge.s32 v63, v4;
	vm3 =	vge.s32 v63, v3;
	v2 =	vmpcnt.ones.xlane vm1  }
0xa8: {  	vm1 =	vge.s32 v63, v16;
	v18 =	vmpcnt.ones.xlane vm2;
	vm2 =	vge.s32 v63, v14  }
0xa9: {  	v19 =	vmpcnt.ones.xlane vm1;
	vm1 =	vge.s32 v63, v15;
	v20 =	vmpcnt.ones.xlane vm2  }
0xaa: {  	vm2 =	vge.s32 v63, v12;
	v37 =	vmpcnt.ones.xlane vm1;
	vm1 =	vge.s32 v63, v11  }
0xab: {  	v34 =	vmpcnt.ones.xlane vm2;
	vm2 =	vge.s32 v63, v10;
	v2 =	vadd.s32 v22, v2  }
0xac: {  	v21 =	vadd.s32 v22, v18;
	v18 =	vimm.s32 $0x0;
	v32 =	vmpcnt.ones.xlane vm1  }
0xad: {  	vm1 =	vge.s32 v63, v9;
	v33 =	vmpcnt.ones.xlane vm2;
	vm2 =	vge.s32 v63, v8  }
0xae: {  	v19 =	vadd.s32 v22, v19;
	v20 =	vadd.s32 v22, v20;
	v35 =	vmpcnt.ones.xlane vm1  }
0xaf: {  	s16 =	simm.s32 $0x10;
	s15 =	simm.s32 $0x80;
	vm1 =	vge.s32 v63, v7;
	v36 =	vmpcnt.ones.xlane vm2;
	vm2 =	vge.s32 v63, v6  }
.LBB2_8:
0xb0: {  	p0 =	sne.s32 s15, $0x7C0;
	v38 =	vld [tilespmem:s16+$0x0];
	v22 =	vadd.s32 v22, v37;
	v37 =	vmpcnt.ones.xlane vm1;
	v39 =	vmpcnt.ones.xlane vm2  }
0xb1: {  	v31 =	vadd.s32 v31, v34;
	v34 =	vmpcnt.ones.xlane vm4;
	v40 =	vmpcnt.ones.xlane vm15  }
0xb2: {  	v29 =	vadd.s32 v29, v32;
	v30 =	vadd.s32 v30, v33;
	v32 =	vmpcnt.ones.xlane vm3  }
0xb3: {  	v23 =	vadd.s32 v23, v35;
	v24 =	vadd.s32 v24, v36;
	v25 =	vadd.s32 v25, v37  }
0xb4: {  	v26 =	vadd.s32 v26, v39;
	v27 =	vadd.s32 v27, v34;
	v28 =	vadd.s32 v28, v40  }
0xb5: {  	vm3 =	vge.s32 v38, v13;
	vm5 =	vge.s32 v38, v16;
	vm1 =	vge.s32 v38, v17  }
0xb6: {  	vm6 =	vge.s32 v38, v14;
	vm7 =	vge.s32 v38, v15;
	v33 =	vmpcnt.ones.xlane vm1  }
0xb7: {  	vm8 =	vge.s32 v38, v12;
	vm9 =	vge.s32 v38, v11;
	vm10 =	vge.s32 v38, v10  }
0xb8: {  	vm11 =	vge.s32 v38, v9;
	vm12 =	vge.s32 v38, v8;
	v2 =	vadd.s32 v2, v33  }
0xb9: {  	vm2 =	vge.s32 v38, v6;
	vm4 =	vge.s32 v38, v5;
	vm1 =	vge.s32 v38, v7  }
.Ltmp4:
0xba: {  	vm15 =	vge.s32 v38, v4;
	v33 =	vmpcnt.ones.xlane vm3;
	vm3 =	vge.s32 v38, v3;
	(pc) =	sbr.rel @p0 .LBB2_8-.Ltmp4, $4  }
0xbb: {  	v18 =	vadd.s32 v18, v32;
	v35 =	vmpcnt.ones.xlane vm5;
	v36 =	vmpcnt.ones.xlane vm6  }
0xbc: {  	v37 =	vmpcnt.ones.xlane vm7;
	v34 =	vmpcnt.ones.xlane vm8;
	v21 =	vadd.s32 v21, v33  }
0xbd: {  	v32 =	vmpcnt.ones.xlane vm9;
	v19 =	vadd.s32 v19, v35;
	v33 =	vmpcnt.ones.xlane vm10  }
0xbe: {  	s16 =	sshra.s32 s15, $0x2;
	s15 =	sadd.s32 $0x40, s15;
	v20 =	vadd.s32 v20, v36;
	v35 =	vmpcnt.ones.xlane vm11;
	v36 =	vmpcnt.ones.xlane vm12  }
0xbf: {  	v22 =	vadd.s32 v22, v37  }
0xc0: {  	v38 =	vld [tilespmem:s16+$0x0];
	v61 =	vmpcnt.ones.xlane vm1;
	v39 =	vmpcnt.ones.xlane vm2;
	v31 =	vadd.s32 v31, v34  }
0xc1: {  	v62 =	vmpcnt.ones.xlane vm4;
	v40 =	vmpcnt.ones.xlane vm15;
	v29 =	vadd.s32 v29, v32  }
0xc2: {  	v30 =	vadd.s32 v30, v33;
	v63 =	vmpcnt.ones.xlane vm3;
	vm6 =	vcmask $0x73C  }
0xc3: {  	v23 =	vadd.s32 v23, v35;
	v24 =	vadd.s32 v24, v36;
	v25 =	vadd.s32 v25, v61  }
0xc4: {  	v26 =	vadd.s32 v26, v39;
	v27 =	vadd.s32 v27, v62;
	v28 =	vadd.s32 v28, v40  }
0xc5: {  	vm1 =	vge.s32 v38, v13;
	vm2 =	vge.s32 v38, v16;
	vm3 =	vge.s32 v38, v17  }
0xc6: {  	vm4 =	vge.s32 v38, v14;
	vm5 =	vge.s32 v38, v15;
	v14 =	vlaneseq.u32  }
0xc7: {  	v13 =	vmpcnt.ones.xlane vm3;
	vm3 =	vge.s32 v38, v12;
	v12 =	vmpcnt.ones.xlane vm1  }
0xc8: {  	vm1 =	vge.s32 v38, v11;
	v11 =	vmpcnt.ones.xlane vm2;
	vm2 =	vge.s32 v38, v10  }
0xc9: {  	v10 =	vmpcnt.ones.xlane vm4;
	vm4 =	vge.s32 v38, v9;
	v9 =	vmpcnt.ones.xlane vm5  }
0xca: {  	vm5 =	vge.s32 v38, v8;
	v8 =	vmpcnt.ones.xlane vm3;
	vm3 =	vge.s32 v38, v7  }
0xcb: {  	v7 =	vmpcnt.ones.xlane vm1;
	vm1 =	vge.s32 v38, v6;
	v6 =	vadd.s32 v21, v12  }
0xcc: {  	v12 =	vmpcnt.ones.xlane vm2;
	vm2 =	veq.s32 v14, $0xF;
	v10 =	vadd.s32 v20, v10  }
0xcd: {  	v6 =	vsel vm2, $0x0, v6;
	vm2 =	vge.s32 v38, v5;
	v5 =	vadd.s32 v19, v11  }
0xce: {  	v11 =	vmpcnt.ones.xlane vm4;
	vm4 =	vcmask $0x33C;
	v8 =	vadd.s32 v31, v8  }
0xcf: {  	v5 =	vsel vm4, v6, v5;
	vm4 =	vge.s32 v38, v4;
	v4 =	vadd.s32 v22, v9  }
0xd0: {  	v6 =	vmpcnt.ones.xlane vm5;
	vm5 =	vcmask $0xB3C;
	v5 =	vsel vm6, v5, v10  }
0xd1: {  	vm6 =	vcmask $0xF3C;
	v4 =	vsel vm5, v5, v4;
	vm5 =	vge.s32 v38, v3  }
0xd2: {  	v3 =	vadd.s32 v29, v7;
	v5 =	vadd.s32 v18, v63;
	v7 =	vadd.s32 v30, v12  }
0xd3: {  	v4 =	vsel vm6, v4, v8;
	vm6 =	vcmask $0x133C;
	v8 =	vadd.s32 v23, v11  }
0xd4: {  	v3 =	vsel vm6, v4, v3;
	v4 =	vmpcnt.ones.xlane vm3;
	vm3 =	vcmask $0x173C  }
0xd5: {  	v3 =	vsel vm3, v3, v7;
	v7 =	vmpcnt.ones.xlane vm1;
	vm1 =	vcmask $0x1B3C  }
0xd6: {  	v6 =	vadd.s32 v24, v6;
	v3 =	vsel vm1, v3, v8;
	vm1 =	vcmask $0x1F3C  }
0xd7: {  	v8 =	vmpcnt.ones.xlane vm2;
	v4 =	vadd.s32 v25, v4;
	v3 =	vsel vm1, v3, v6  }
0xd8: {  	v6 =	vmpcnt.ones.xlane vm4;
	v7 =	vadd.s32 v26, v7;
	vm1 =	vcmask $0x233C  }
0xd9: {  	v3 =	vsel vm1, v3, v4;
	v4 =	vmpcnt.ones.xlane vm5;
	vm1 =	vcmask $0x273C  }
0xda: {  	v8 =	vadd.s32 v27, v8;
	v3 =	vsel vm1, v3, v7;
	vm1 =	vcmask $0x2B3C  }
0xdb: {  	v6 =	vadd.s32 v28, v6;
	v7 =	vor.u32 $0x20, v14;
	v3 =	vsel vm1, v3, v8  }
0xdc: {  	v4 =	vadd.s32 v5, v4;
	v3 =	vsel vm13, v3, v6  }
0xdd: {  	v2 =	vadd.s32 v2, v13;
	vm1 =	vcmask $0x373C;
	v3 =	vsel vm14, v3, v4  }
0xde: {  	v2 =	vsel vm1, v3, v2  }
0xdf: {  	s15 =	simm.s32 $0x200;
	s30 =	simm.s32 $0x1;
	[tilespmem:$0x200] =	vst v2  }
0xe0: {  	[spmem:s3] =	stream.indirect_vreg.scatter.add.s32 [tilespmem:s15], [sflag:$0x1], $0x1, v7, vm0, $0xb8;
	[tilespmem:$0x510] =	vst v63  }
0xe1: {  	_ =	swait.ge [sflag:s30], $0x10  }
0xe2: {  	[sflag:s30] =	ssyncset.done $0x0  }
0xe3: {  	[sflag:s30] =	ssyncadd.s32 $0xFFFFFFF0  }
0xe4: {  	[bflag:$0x0] =	sbarrier.arrive $0xFFFF  }
0xe5: {  	[tilespmem:s15], [sflag:$0x1] =	stream.linear.gather [spmem:s14], $0x10, $0x38;
	[tilespmem:$0x510] =	vst v63  }
0xe6: {  	_ =	swait.ge [sflag:s30], $0x10  }
0xe7: {  	[sflag:s30] =	ssyncset.done $0x0  }
0xe8: {  	[sflag:s30] =	ssyncadd.s32 $0xFFFFFFF0  }
0xe9: {  	v2 =	vld [tilespmem:$0x200];
	_ =	sdelay $0x4  }
0xea: {  	vm1 =	vgt.s32 v2, $0xFFF  }
0xeb: {  	v2 =	vmpcnt.ones.xlane vm1  }
0xec: {  	v31 =	vimm.s32 $0x0;
	v22 =	vimm.s32 $0x0;
	v24 =	vimm.s32 $0x0  }
0xed: {  	v29 =	vimm.s32 $0x0;
	v30 =	vimm.s32 $0x0;
	v2 =	vshll.u32 v2, $0x14  }
0xee: {  	s31 =	simm.s32 $0x0;
	v25 =	vimm.s32 $0x0;
	v26 =	vimm.s32 $0x0;
	v1 =	vor.u32 v1, v2  }
0xef: {  	v27 =	vimm.s32 $0x0;
	v28 =	vimm.s32 $0x0;
	v18 =	vld [tilespmem:s31+$0x0];
	v12 =	vor.u32 $0x10000, v1  }
0xf0: {  	v16 =	vor.u32 $0x20000, v1;
	v13 =	vor.u32 $0x30000, v1;
	v14 =	vor.u32 $0x40000, v1  }
0xf1: {  	v15 =	vor.u32 $0x50000, v1;
	v11 =	vor.u32 $0x60000, v1;
	v10 =	vor.u32 $0x70000, v1  }
0xf2: {  	v9 =	vor.u32 $0x80000, v1;
	v8 =	vor.u32 $0x90000, v1;
	v7 =	vor.u32 $0xA0000, v1  }
0xf3: {  	v6 =	vor.u32 $0xB0000, v1;
	v5 =	vor.u32 $0xC0000, v1;
	v4 =	vor.u32 $0xD0000, v1  }
0xf4: {  	v3 =	vor.u32 $0xE0000, v1;
	v17 =	vor.u32 $0xF0000, v1;
	vm1 =	vge.s32 v18, v12  }
0xf5: {  	vm2 =	vge.s32 v18, v16;
	vm3 =	vge.s32 v18, v17;
	vm4 =	vge.s32 v18, v13  }
0xf6: {  	vm5 =	vge.s32 v18, v14;
	vm15 =	vge.s32 v18, v7;
	v2 =	vmpcnt.ones.xlane vm3  }
0xf7: {  	vm3 =	vge.s32 v18, v15;
	v19 =	vmpcnt.ones.xlane vm1;
	vm1 =	vge.s32 v18, v11  }
0xf8: {  	v20 =	vmpcnt.ones.xlane vm2;
	vm2 =	vge.s32 v18, v10;
	v23 =	vmpcnt.ones.xlane vm4  }
0xf9: {  	vm4 =	vge.s32 v18, v9;
	v37 =	vmpcnt.ones.xlane vm5;
	vm5 =	vge.s32 v18, v8  }
0xfa: {  	v34 =	vmpcnt.ones.xlane vm3;
	v32 =	vmpcnt.ones.xlane vm1;
	vm3 =	vge.s32 v18, v6  }
0xfb: {  	v33 =	vmpcnt.ones.xlane vm2;
	vm2 =	vge.s32 v18, v5;
	v35 =	vmpcnt.ones.xlane vm4  }
0xfc: {  	vm4 =	vge.s32 v18, v4;
	v36 =	vmpcnt.ones.xlane vm5;
	vm1 =	vge.s32 v18, v3  }
0xfd: {  	v18 =	vimm.s32 $0x0;
	v2 =	vadd.s32 v22, v2;
	v21 =	vadd.s32 v22, v19  }
0xfe: {  	s15 =	simm.s32 $0x10;
	s14 =	simm.s32 $0x80;
	v19 =	vadd.s32 v22, v20;
	v20 =	vadd.s32 v22, v23;
	v23 =	vimm.s32 $0x0  }
.LBB2_10:
0xff: {  	p0 =	sne.s32 s14, $0x7C0;
	v38 =	vld [tilespmem:s15+$0x0];
	v22 =	vadd.s32 v22, v37;
	v37 =	vmpcnt.ones.xlane vm15;
	v39 =	vmpcnt.ones.xlane vm3  }
0x100: {  	v31 =	vadd.s32 v31, v34;
	v34 =	vmpcnt.ones.xlane vm2;
	v40 =	vmpcnt.ones.xlane vm4  }
0x101: {  	v27 =	vadd.s32 v27, v32;
	v28 =	vadd.s32 v28, v33;
	v32 =	vmpcnt.ones.xlane vm1  }
0x102: {  	v23 =	vadd.s32 v23, v35;
	v24 =	vadd.s32 v24, v36;
	v25 =	vadd.s32 v25, v37  }
0x103: {  	v26 =	vadd.s32 v26, v39;
	v29 =	vadd.s32 v29, v34;
	v30 =	vadd.s32 v30, v40  }
0x104: {  	vm1 =	vge.s32 v38, v12;
	vm5 =	vge.s32 v38, v16;
	vm2 =	vge.s32 v38, v17  }
0x105: {  	vm6 =	vge.s32 v38, v13;
	vm7 =	vge.s32 v38, v14;
	v33 =	vmpcnt.ones.xlane vm2  }
0x106: {  	vm8 =	vge.s32 v38, v15;
	vm9 =	vge.s32 v38, v11;
	vm10 =	vge.s32 v38, v10  }
0x107: {  	vm11 =	vge.s32 v38, v9;
	vm12 =	vge.s32 v38, v8;
	v2 =	vadd.s32 v2, v33  }
0x108: {  	vm15 =	vge.s32 v38, v7;
	vm3 =	vge.s32 v38, v6;
	vm2 =	vge.s32 v38, v5  }
.Ltmp5:
0x109: {  	vm4 =	vge.s32 v38, v4;
	v33 =	vmpcnt.ones.xlane vm1;
	vm1 =	vge.s32 v38, v3;
	(pc) =	sbr.rel @p0 .LBB2_10-.Ltmp5, $4  }
0x10a: {  	v18 =	vadd.s32 v18, v32;
	v35 =	vmpcnt.ones.xlane vm5;
	v36 =	vmpcnt.ones.xlane vm6  }
0x10b: {  	v37 =	vmpcnt.ones.xlane vm7;
	v34 =	vmpcnt.ones.xlane vm8;
	v21 =	vadd.s32 v21, v33  }
0x10c: {  	v32 =	vmpcnt.ones.xlane vm9;
	v19 =	vadd.s32 v19, v35;
	v33 =	vmpcnt.ones.xlane vm10  }
0x10d: {  	s15 =	sshra.s32 s14, $0x2;
	s14 =	sadd.s32 $0x40, s14;
	v20 =	vadd.s32 v20, v36;
	v35 =	vmpcnt.ones.xlane vm11;
	v36 =	vmpcnt.ones.xlane vm12  }
0x10e: {  	v22 =	vadd.s32 v22, v37  }
0x10f: {  	v38 =	vld [tilespmem:s15+$0x0];
	v61 =	vmpcnt.ones.xlane vm15;
	v39 =	vmpcnt.ones.xlane vm3;
	v31 =	vadd.s32 v31, v34  }
0x110: {  	v62 =	vmpcnt.ones.xlane vm2;
	v40 =	vmpcnt.ones.xlane vm4;
	v27 =	vadd.s32 v27, v32  }
0x111: {  	v28 =	vadd.s32 v28, v33;
	v63 =	vmpcnt.ones.xlane vm1;
	vm6 =	vcmask $0x73C  }
0x112: {  	v23 =	vadd.s32 v23, v35;
	v24 =	vadd.s32 v24, v36;
	v25 =	vadd.s32 v25, v61  }
0x113: {  	v26 =	vadd.s32 v26, v39;
	v29 =	vadd.s32 v29, v62;
	v30 =	vadd.s32 v30, v40  }
0x114: {  	vm1 =	vge.s32 v38, v12;
	vm2 =	vge.s32 v38, v16;
	vm3 =	vge.s32 v38, v17  }
0x115: {  	vm4 =	vge.s32 v38, v13;
	vm5 =	vge.s32 v38, v14;
	v14 =	vlaneseq.u32  }
0x116: {  	v12 =	vmpcnt.ones.xlane vm3;
	vm3 =	vge.s32 v38, v15;
	v13 =	vmpcnt.ones.xlane vm1  }
0x117: {  	vm1 =	vge.s32 v38, v11;
	v11 =	vmpcnt.ones.xlane vm2;
	vm2 =	vge.s32 v38, v10  }
0x118: {  	v10 =	vmpcnt.ones.xlane vm4;
	vm4 =	vge.s32 v38, v9;
	v9 =	vmpcnt.ones.xlane vm5  }
0x119: {  	vm5 =	vge.s32 v38, v8;
	v8 =	vmpcnt.ones.xlane vm3;
	vm3 =	vge.s32 v38, v7  }
0x11a: {  	v7 =	vmpcnt.ones.xlane vm1;
	vm1 =	vge.s32 v38, v6;
	v6 =	vadd.s32 v21, v13  }
0x11b: {  	v13 =	vmpcnt.ones.xlane vm2;
	vm2 =	veq.s32 v14, $0xF;
	v10 =	vadd.s32 v20, v10  }
0x11c: {  	v6 =	vsel vm2, $0x0, v6;
	vm2 =	vge.s32 v38, v5;
	v5 =	vadd.s32 v19, v11  }
0x11d: {  	v11 =	vmpcnt.ones.xlane vm4;
	vm4 =	vcmask $0x33C;
	v8 =	vadd.s32 v31, v8  }
0x11e: {  	v5 =	vsel vm4, v6, v5;
	vm4 =	vge.s32 v38, v4;
	v4 =	vadd.s32 v22, v9  }
0x11f: {  	v6 =	vmpcnt.ones.xlane vm5;
	vm5 =	vcmask $0xB3C;
	v5 =	vsel vm6, v5, v10  }
0x120: {  	vm6 =	vcmask $0xF3C;
	v4 =	vsel vm5, v5, v4;
	vm5 =	vge.s32 v38, v3  }
0x121: {  	v3 =	vadd.s32 v27, v7;
	v5 =	vadd.s32 v18, v63;
	v7 =	vadd.s32 v28, v13  }
0x122: {  	v4 =	vsel vm6, v4, v8;
	vm6 =	vcmask $0x133C;
	v8 =	vadd.s32 v23, v11  }
0x123: {  	v3 =	vsel vm6, v4, v3;
	v4 =	vmpcnt.ones.xlane vm3;
	vm3 =	vcmask $0x173C  }
0x124: {  	v3 =	vsel vm3, v3, v7;
	v7 =	vmpcnt.ones.xlane vm1;
	vm1 =	vcmask $0x1B3C  }
0x125: {  	v6 =	vadd.s32 v24, v6;
	v3 =	vsel vm1, v3, v8;
	vm1 =	vcmask $0x1F3C  }
0x126: {  	v8 =	vmpcnt.ones.xlane vm2;
	v4 =	vadd.s32 v25, v4;
	v3 =	vsel vm1, v3, v6  }
0x127: {  	v6 =	vmpcnt.ones.xlane vm4;
	v7 =	vadd.s32 v26, v7;
	vm1 =	vcmask $0x233C  }
0x128: {  	v3 =	vsel vm1, v3, v4;
	v4 =	vmpcnt.ones.xlane vm5;
	vm1 =	vcmask $0x273C  }
0x129: {  	v8 =	vadd.s32 v29, v8;
	v3 =	vsel vm1, v3, v7;
	vm1 =	vcmask $0x2B3C  }
0x12a: {  	v6 =	vadd.s32 v30, v6;
	v7 =	vor.u32 $0x30, v14;
	v3 =	vsel vm1, v3, v8  }
0x12b: {  	v4 =	vadd.s32 v5, v4;
	v3 =	vsel vm13, v3, v6  }
0x12c: {  	v2 =	vadd.s32 v2, v12;
	vm1 =	vcmask $0x373C;
	v3 =	vsel vm14, v3, v4  }
0x12d: {  	v2 =	vsel vm1, v3, v2  }
0x12e: {  	s14 =	simm.s32 $0x200;
	s30 =	simm.s32 $0x1;
	[tilespmem:$0x200] =	vst v2  }
0x12f: {  	[spmem:s3] =	stream.indirect_vreg.scatter.add.s32 [tilespmem:s14], [sflag:$0x1], $0x1, v7, vm0, $0xb8;
	[tilespmem:$0x510] =	vst v63  }
0x130: {  	_ =	swait.ge [sflag:s30], $0x10  }
0x131: {  	[sflag:s30] =	ssyncset.done $0x0  }
0x132: {  	[sflag:s30] =	ssyncadd.s32 $0xFFFFFFF0  }
0x133: {  	[bflag:$0x0] =	sbarrier.arrive $0xFFFF  }
0x134: {  	[tilespmem:s14], [sflag:$0x1] =	stream.linear.gather [spmem:s13], $0x10, $0x38;
	[tilespmem:$0x510] =	vst v63  }
0x135: {  	_ =	swait.ge [sflag:s30], $0x10  }
0x136: {  	[sflag:s30] =	ssyncset.done $0x0  }
0x137: {  	[sflag:s30] =	ssyncadd.s32 $0xFFFFFFF0  }
0x138: {  	v2 =	vld [tilespmem:$0x200];
	_ =	sdelay $0x4  }
0x139: {  	vm1 =	vgt.s32 v2, $0xFFF  }
0x13a: {  	v2 =	vmpcnt.ones.xlane vm1  }
0x13b: {  	v31 =	vimm.s32 $0x0;
	v22 =	vimm.s32 $0x0;
	v27 =	vimm.s32 $0x0  }
0x13c: {  	v28 =	vimm.s32 $0x0;
	v24 =	vimm.s32 $0x0;
	v2 =	vshll.u32 v2, $0x10  }
0x13d: {  	s31 =	simm.s32 $0x0;
	v25 =	vimm.s32 $0x0;
	v26 =	vimm.s32 $0x0;
	v1 =	vor.u32 v1, v2  }
0x13e: {  	v29 =	vimm.s32 $0x0;
	v30 =	vimm.s32 $0x0;
	v18 =	vld [tilespmem:s31+$0x0];
	v12 =	vor.u32 $0x1000, v1  }
0x13f: {  	v16 =	vor.u32 $0x2000, v1;
	v13 =	vor.u32 $0x3000, v1;
	v14 =	vor.u32 $0x4000, v1  }
0x140: {  	v15 =	vor.u32 $0x5000, v1;
	v11 =	vor.u32 $0x6000, v1;
	v10 =	vor.u32 $0x7000, v1  }
0x141: {  	v9 =	vor.u32 $0x8000, v1;
	v8 =	vor.u32 $0x9000, v1;
	v7 =	vor.u32 $0xA000, v1  }
0x142: {  	v6 =	vor.u32 $0xB000, v1;
	v5 =	vor.u32 $0xC000, v1;
	v4 =	vor.u32 $0xD000, v1  }
0x143: {  	v3 =	vor.u32 $0xE000, v1;
	v17 =	vor.u32 $0xF000, v1;
	vm1 =	vge.s32 v18, v12  }
0x144: {  	vm2 =	vge.s32 v18, v16;
	vm3 =	vge.s32 v18, v17;
	vm4 =	vge.s32 v18, v13  }
0x145: {  	vm5 =	vge.s32 v18, v14;
	vm15 =	vge.s32 v18, v7;
	v2 =	vmpcnt.ones.xlane vm3  }
0x146: {  	vm3 =	vge.s32 v18, v15;
	v19 =	vmpcnt.ones.xlane vm1;
	vm1 =	vge.s32 v18, v11  }
0x147: {  	v20 =	vmpcnt.ones.xlane vm2;
	vm2 =	vge.s32 v18, v10;
	v23 =	vmpcnt.ones.xlane vm4  }
0x148: {  	vm4 =	vge.s32 v18, v9;
	v37 =	vmpcnt.ones.xlane vm5;
	vm5 =	vge.s32 v18, v8  }
0x149: {  	v34 =	vmpcnt.ones.xlane vm3;
	v32 =	vmpcnt.ones.xlane vm1;
	vm3 =	vge.s32 v18, v6  }
0x14a: {  	v33 =	vmpcnt.ones.xlane vm2;
	vm2 =	vge.s32 v18, v5;
	v35 =	vmpcnt.ones.xlane vm4  }
0x14b: {  	vm4 =	vge.s32 v18, v4;
	v36 =	vmpcnt.ones.xlane vm5;
	vm1 =	vge.s32 v18, v3  }
0x14c: {  	v18 =	vimm.s32 $0x0;
	v2 =	vadd.s32 v22, v2;
	v21 =	vadd.s32 v22, v19  }
0x14d: {  	s14 =	simm.s32 $0x10;
	s13 =	simm.s32 $0x80;
	v19 =	vadd.s32 v22, v20;
	v20 =	vadd.s32 v22, v23;
	v23 =	vimm.s32 $0x0  }
.LBB2_12:
0x14e: {  	p0 =	sne.s32 s13, $0x7C0;
	v38 =	vld [tilespmem:s14+$0x0];
	v22 =	vadd.s32 v22, v37;
	v37 =	vmpcnt.ones.xlane vm15;
	v39 =	vmpcnt.ones.xlane vm3  }
0x14f: {  	v31 =	vadd.s32 v31, v34;
	v34 =	vmpcnt.ones.xlane vm2;
	v40 =	vmpcnt.ones.xlane vm4  }
0x150: {  	v27 =	vadd.s32 v27, v32;
	v28 =	vadd.s32 v28, v33;
	v32 =	vmpcnt.ones.xlane vm1  }
0x151: {  	v23 =	vadd.s32 v23, v35;
	v24 =	vadd.s32 v24, v36;
	v25 =	vadd.s32 v25, v37  }
0x152: {  	v26 =	vadd.s32 v26, v39;
	v29 =	vadd.s32 v29, v34;
	v30 =	vadd.s32 v30, v40  }
0x153: {  	vm1 =	vge.s32 v38, v12;
	vm5 =	vge.s32 v38, v16;
	vm2 =	vge.s32 v38, v17  }
0x154: {  	vm6 =	vge.s32 v38, v13;
	vm7 =	vge.s32 v38, v14;
	v33 =	vmpcnt.ones.xlane vm2  }
0x155: {  	vm8 =	vge.s32 v38, v15;
	vm9 =	vge.s32 v38, v11;
	vm10 =	vge.s32 v38, v10  }
0x156: {  	vm11 =	vge.s32 v38, v9;
	vm12 =	vge.s32 v38, v8;
	v2 =	vadd.s32 v2, v33  }
0x157: {  	vm15 =	vge.s32 v38, v7;
	vm3 =	vge.s32 v38, v6;
	vm2 =	vge.s32 v38, v5  }
.Ltmp6:
0x158: {  	vm4 =	vge.s32 v38, v4;
	v33 =	vmpcnt.ones.xlane vm1;
	vm1 =	vge.s32 v38, v3;
	(pc) =	sbr.rel @p0 .LBB2_12-.Ltmp6, $4  }
0x159: {  	v18 =	vadd.s32 v18, v32;
	v35 =	vmpcnt.ones.xlane vm5;
	v36 =	vmpcnt.ones.xlane vm6  }
0x15a: {  	v37 =	vmpcnt.ones.xlane vm7;
	v34 =	vmpcnt.ones.xlane vm8;
	v21 =	vadd.s32 v21, v33  }
0x15b: {  	v32 =	vmpcnt.ones.xlane vm9;
	v19 =	vadd.s32 v19, v35;
	v33 =	vmpcnt.ones.xlane vm10  }
0x15c: {  	s14 =	sshra.s32 s13, $0x2;
	s13 =	sadd.s32 $0x40, s13;
	v20 =	vadd.s32 v20, v36;
	v35 =	vmpcnt.ones.xlane vm11;
	v36 =	vmpcnt.ones.xlane vm12  }
0x15d: {  	v22 =	vadd.s32 v22, v37  }
0x15e: {  	v38 =	vld [tilespmem:s14+$0x0];
	v61 =	vmpcnt.ones.xlane vm15;
	v39 =	vmpcnt.ones.xlane vm3;
	v31 =	vadd.s32 v31, v34  }
0x15f: {  	v62 =	vmpcnt.ones.xlane vm2;
	v40 =	vmpcnt.ones.xlane vm4;
	v27 =	vadd.s32 v27, v32  }
0x160: {  	v28 =	vadd.s32 v28, v33;
	v63 =	vmpcnt.ones.xlane vm1;
	vm6 =	vcmask $0x73C  }
0x161: {  	v23 =	vadd.s32 v23, v35;
	v24 =	vadd.s32 v24, v36;
	v25 =	vadd.s32 v25, v61  }
0x162: {  	v26 =	vadd.s32 v26, v39;
	v29 =	vadd.s32 v29, v62;
	v30 =	vadd.s32 v30, v40  }
0x163: {  	vm1 =	vge.s32 v38, v12;
	vm2 =	vge.s32 v38, v16;
	vm3 =	vge.s32 v38, v17  }
0x164: {  	vm4 =	vge.s32 v38, v13;
	vm5 =	vge.s32 v38, v14;
	v14 =	vlaneseq.u32  }
0x165: {  	v12 =	vmpcnt.ones.xlane vm3;
	vm3 =	vge.s32 v38, v15;
	v13 =	vmpcnt.ones.xlane vm1  }
0x166: {  	vm1 =	vge.s32 v38, v11;
	v11 =	vmpcnt.ones.xlane vm2;
	vm2 =	vge.s32 v38, v10  }
0x167: {  	v10 =	vmpcnt.ones.xlane vm4;
	vm4 =	vge.s32 v38, v9;
	v9 =	vmpcnt.ones.xlane vm5  }
0x168: {  	vm5 =	vge.s32 v38, v8;
	v8 =	vmpcnt.ones.xlane vm3;
	vm3 =	vge.s32 v38, v7  }
0x169: {  	v7 =	vmpcnt.ones.xlane vm1;
	vm1 =	vge.s32 v38, v6;
	v6 =	vadd.s32 v21, v13  }
0x16a: {  	v13 =	vmpcnt.ones.xlane vm2;
	vm2 =	veq.s32 v14, $0xF;
	v10 =	vadd.s32 v20, v10  }
0x16b: {  	v6 =	vsel vm2, $0x0, v6;
	vm2 =	vge.s32 v38, v5;
	v5 =	vadd.s32 v19, v11  }
0x16c: {  	v11 =	vmpcnt.ones.xlane vm4;
	vm4 =	vcmask $0x33C;
	v8 =	vadd.s32 v31, v8  }
0x16d: {  	v5 =	vsel vm4, v6, v5;
	vm4 =	vge.s32 v38, v4;
	v4 =	vadd.s32 v22, v9  }
0x16e: {  	v6 =	vmpcnt.ones.xlane vm5;
	vm5 =	vcmask $0xB3C;
	v5 =	vsel vm6, v5, v10  }
0x16f: {  	vm6 =	vcmask $0xF3C;
	v4 =	vsel vm5, v5, v4;
	vm5 =	vge.s32 v38, v3  }
0x170: {  	v3 =	vadd.s32 v27, v7;
	v5 =	vadd.s32 v18, v63;
	v7 =	vadd.s32 v28, v13  }
0x171: {  	v4 =	vsel vm6, v4, v8;
	vm6 =	vcmask $0x133C;
	v8 =	vadd.s32 v23, v11  }
0x172: {  	v3 =	vsel vm6, v4, v3;
	v4 =	vmpcnt.ones.xlane vm3;
	vm3 =	vcmask $0x173C  }
0x173: {  	v3 =	vsel vm3, v3, v7;
	v7 =	vmpcnt.ones.xlane vm1;
	vm1 =	vcmask $0x1B3C  }
0x174: {  	v6 =	vadd.s32 v24, v6;
	v3 =	vsel vm1, v3, v8;
	vm1 =	vcmask $0x1F3C  }
0x175: {  	v8 =	vmpcnt.ones.xlane vm2;
	v4 =	vadd.s32 v25, v4;
	v3 =	vsel vm1, v3, v6  }
0x176: {  	v6 =	vmpcnt.ones.xlane vm4;
	v7 =	vadd.s32 v26, v7;
	vm1 =	vcmask $0x233C  }
0x177: {  	v3 =	vsel vm1, v3, v4;
	v4 =	vmpcnt.ones.xlane vm5;
	vm1 =	vcmask $0x273C  }
0x178: {  	v8 =	vadd.s32 v29, v8;
	v3 =	vsel vm1, v3, v7;
	vm1 =	vcmask $0x2B3C  }
0x179: {  	v6 =	vadd.s32 v30, v6;
	v7 =	vor.u32 $0x40, v14;
	v3 =	vsel vm1, v3, v8  }
0x17a: {  	v4 =	vadd.s32 v5, v4;
	v3 =	vsel vm13, v3, v6  }
0x17b: {  	v2 =	vadd.s32 v2, v12;
	vm1 =	vcmask $0x373C;
	v3 =	vsel vm14, v3, v4  }
0x17c: {  	v2 =	vsel vm1, v3, v2  }
0x17d: {  	s13 =	simm.s32 $0x200;
	s30 =	simm.s32 $0x1;
	[tilespmem:$0x200] =	vst v2  }
0x17e: {  	[spmem:s3] =	stream.indirect_vreg.scatter.add.s32 [tilespmem:s13], [sflag:$0x1], $0x1, v7, vm0, $0xb8;
	[tilespmem:$0x510] =	vst v63  }
0x17f: {  	_ =	swait.ge [sflag:s30], $0x10  }
0x180: {  	[sflag:s30] =	ssyncset.done $0x0  }
0x181: {  	[sflag:s30] =	ssyncadd.s32 $0xFFFFFFF0  }
0x182: {  	[bflag:$0x0] =	sbarrier.arrive $0xFFFF  }
0x183: {  	[tilespmem:s13], [sflag:$0x1] =	stream.linear.gather [spmem:s12], $0x10, $0x38;
	[tilespmem:$0x510] =	vst v63  }
0x184: {  	_ =	swait.ge [sflag:s30], $0x10  }
0x185: {  	[sflag:s30] =	ssyncset.done $0x0  }
0x186: {  	[sflag:s30] =	ssyncadd.s32 $0xFFFFFFF0  }
0x187: {  	v2 =	vld [tilespmem:$0x200];
	_ =	sdelay $0x4  }
0x188: {  	vm1 =	vgt.s32 v2, $0xFFF  }
0x189: {  	v2 =	vmpcnt.ones.xlane vm1  }
0x18a: {  	v31 =	vimm.s32 $0x0;
	v22 =	vimm.s32 $0x0;
	v27 =	vimm.s32 $0x0  }
0x18b: {  	v28 =	vimm.s32 $0x0;
	v24 =	vimm.s32 $0x0;
	v2 =	vshll.u32 v2, $0xC  }
0x18c: {  	s31 =	simm.s32 $0x0;
	v25 =	vimm.s32 $0x0;
	v26 =	vimm.s32 $0x0;
	v1 =	vor.u32 v1, v2  }
0x18d: {  	v29 =	vimm.s32 $0x0;
	v30 =	vimm.s32 $0x0;
	v18 =	vld [tilespmem:s31+$0x0];
	v12 =	vor.u32 $0x100, v1  }
0x18e: {  	v16 =	vor.u32 $0x200, v1;
	v13 =	vor.u32 $0x300, v1;
	v14 =	vor.u32 $0x400, v1  }
0x18f: {  	v15 =	vor.u32 $0x500, v1;
	v11 =	vor.u32 $0x600, v1;
	v10 =	vor.u32 $0x700, v1  }
0x190: {  	v9 =	vor.u32 $0x800, v1;
	v8 =	vor.u32 $0x900, v1;
	v7 =	vor.u32 $0xA00, v1  }
0x191: {  	v6 =	vor.u32 $0xB00, v1;
	v5 =	vor.u32 $0xC00, v1;
	v4 =	vor.u32 $0xD00, v1  }
0x192: {  	v3 =	vor.u32 $0xE00, v1;
	v17 =	vor.u32 $0xF00, v1;
	vm1 =	vge.s32 v18, v12  }
0x193: {  	vm2 =	vge.s32 v18, v16;
	vm3 =	vge.s32 v18, v17;
	vm4 =	vge.s32 v18, v13  }
0x194: {  	vm5 =	vge.s32 v18, v14;
	vm15 =	vge.s32 v18, v7;
	v2 =	vmpcnt.ones.xlane vm3  }
0x195: {  	vm3 =	vge.s32 v18, v15;
	v19 =	vmpcnt.ones.xlane vm1;
	vm1 =	vge.s32 v18, v11  }
0x196: {  	v20 =	vmpcnt.ones.xlane vm2;
	vm2 =	vge.s32 v18, v10;
	v23 =	vmpcnt.ones.xlane vm4  }
0x197: {  	vm4 =	vge.s32 v18, v9;
	v37 =	vmpcnt.ones.xlane vm5;
	vm5 =	vge.s32 v18, v8  }
0x198: {  	v34 =	vmpcnt.ones.xlane vm3;
	v32 =	vmpcnt.ones.xlane vm1;
	vm3 =	vge.s32 v18, v6  }
0x199: {  	v33 =	vmpcnt.ones.xlane vm2;
	vm2 =	vge.s32 v18, v5;
	v35 =	vmpcnt.ones.xlane vm4  }
0x19a: {  	vm4 =	vge.s32 v18, v4;
	v36 =	vmpcnt.ones.xlane vm5;
	vm1 =	vge.s32 v18, v3  }
0x19b: {  	v18 =	vimm.s32 $0x0;
	v2 =	vadd.s32 v22, v2;
	v21 =	vadd.s32 v22, v19  }
0x19c: {  	s13 =	simm.s32 $0x10;
	s12 =	simm.s32 $0x80;
	v19 =	vadd.s32 v22, v20;
	v20 =	vadd.s32 v22, v23;
	v23 =	vimm.s32 $0x0  }
.LBB2_14:
0x19d: {  	p0 =	sne.s32 s12, $0x7C0;
	v38 =	vld [tilespmem:s13+$0x0];
	v22 =	vadd.s32 v22, v37;
	v37 =	vmpcnt.ones.xlane vm15;
	v39 =	vmpcnt.ones.xlane vm3  }
0x19e: {  	v31 =	vadd.s32 v31, v34;
	v34 =	vmpcnt.ones.xlane vm2;
	v40 =	vmpcnt.ones.xlane vm4  }
0x19f: {  	v27 =	vadd.s32 v27, v32;
	v28 =	vadd.s32 v28, v33;
	v32 =	vmpcnt.ones.xlane vm1  }
0x1a0: {  	v23 =	vadd.s32 v23, v35;
	v24 =	vadd.s32 v24, v36;
	v25 =	vadd.s32 v25, v37  }
0x1a1: {  	v26 =	vadd.s32 v26, v39;
	v29 =	vadd.s32 v29, v34;
	v30 =	vadd.s32 v30, v40  }
0x1a2: {  	vm1 =	vge.s32 v38, v12;
	vm5 =	vge.s32 v38, v16;
	vm2 =	vge.s32 v38, v17  }
0x1a3: {  	vm6 =	vge.s32 v38, v13;
	vm7 =	vge.s32 v38, v14;
	v33 =	vmpcnt.ones.xlane vm2  }
0x1a4: {  	vm8 =	vge.s32 v38, v15;
	vm9 =	vge.s32 v38, v11;
	vm10 =	vge.s32 v38, v10  }
0x1a5: {  	vm11 =	vge.s32 v38, v9;
	vm12 =	vge.s32 v38, v8;
	v2 =	vadd.s32 v2, v33  }
0x1a6: {  	vm15 =	vge.s32 v38, v7;
	vm3 =	vge.s32 v38, v6;
	vm2 =	vge.s32 v38, v5  }
.Ltmp7:
0x1a7: {  	vm4 =	vge.s32 v38, v4;
	v33 =	vmpcnt.ones.xlane vm1;
	vm1 =	vge.s32 v38, v3;
	(pc) =	sbr.rel @p0 .LBB2_14-.Ltmp7, $4  }
0x1a8: {  	v18 =	vadd.s32 v18, v32;
	v35 =	vmpcnt.ones.xlane vm5;
	v36 =	vmpcnt.ones.xlane vm6  }
0x1a9: {  	v37 =	vmpcnt.ones.xlane vm7;
	v34 =	vmpcnt.ones.xlane vm8;
	v21 =	vadd.s32 v21, v33  }
0x1aa: {  	v32 =	vmpcnt.ones.xlane vm9;
	v19 =	vadd.s32 v19, v35;
	v33 =	vmpcnt.ones.xlane vm10  }
0x1ab: {  	s13 =	sshra.s32 s12, $0x2;
	s12 =	sadd.s32 $0x40, s12;
	v20 =	vadd.s32 v20, v36;
	v35 =	vmpcnt.ones.xlane vm11;
	v36 =	vmpcnt.ones.xlane vm12  }
0x1ac: {  	v22 =	vadd.s32 v22, v37  }
0x1ad: {  	v38 =	vld [tilespmem:s13+$0x0];
	v61 =	vmpcnt.ones.xlane vm15;
	v39 =	vmpcnt.ones.xlane vm3;
	v31 =	vadd.s32 v31, v34  }
0x1ae: {  	v62 =	vmpcnt.ones.xlane vm2;
	v40 =	vmpcnt.ones.xlane vm4;
	v27 =	vadd.s32 v27, v32  }
0x1af: {  	v28 =	vadd.s32 v28, v33;
	v63 =	vmpcnt.ones.xlane vm1;
	vm6 =	vcmask $0x73C  }
0x1b0: {  	v23 =	vadd.s32 v23, v35;
	v24 =	vadd.s32 v24, v36;
	v25 =	vadd.s32 v25, v61  }
0x1b1: {  	v26 =	vadd.s32 v26, v39;
	v29 =	vadd.s32 v29, v62;
	v30 =	vadd.s32 v30, v40  }
0x1b2: {  	vm1 =	vge.s32 v38, v12;
	vm2 =	vge.s32 v38, v16;
	vm3 =	vge.s32 v38, v17  }
0x1b3: {  	vm4 =	vge.s32 v38, v13;
	vm5 =	vge.s32 v38, v14;
	v14 =	vlaneseq.u32  }
0x1b4: {  	v12 =	vmpcnt.ones.xlane vm3;
	vm3 =	vge.s32 v38, v15;
	v13 =	vmpcnt.ones.xlane vm1  }
0x1b5: {  	vm1 =	vge.s32 v38, v11;
	v11 =	vmpcnt.ones.xlane vm2;
	vm2 =	vge.s32 v38, v10  }
0x1b6: {  	v10 =	vmpcnt.ones.xlane vm4;
	vm4 =	vge.s32 v38, v9;
	v9 =	vmpcnt.ones.xlane vm5  }
0x1b7: {  	vm5 =	vge.s32 v38, v8;
	v8 =	vmpcnt.ones.xlane vm3;
	vm3 =	vge.s32 v38, v7  }
0x1b8: {  	v7 =	vmpcnt.ones.xlane vm1;
	vm1 =	vge.s32 v38, v6;
	v6 =	vadd.s32 v21, v13  }
0x1b9: {  	v13 =	vmpcnt.ones.xlane vm2;
	vm2 =	veq.s32 v14, $0xF;
	v10 =	vadd.s32 v20, v10  }
0x1ba: {  	v6 =	vsel vm2, $0x0, v6;
	vm2 =	vge.s32 v38, v5;
	v5 =	vadd.s32 v19, v11  }
0x1bb: {  	v11 =	vmpcnt.ones.xlane vm4;
	vm4 =	vcmask $0x33C;
	v8 =	vadd.s32 v31, v8  }
0x1bc: {  	v5 =	vsel vm4, v6, v5;
	vm4 =	vge.s32 v38, v4;
	v4 =	vadd.s32 v22, v9  }
0x1bd: {  	v6 =	vmpcnt.ones.xlane vm5;
	vm5 =	vcmask $0xB3C;
	v5 =	vsel vm6, v5, v10  }
0x1be: {  	vm6 =	vcmask $0xF3C;
	v4 =	vsel vm5, v5, v4;
	vm5 =	vge.s32 v38, v3  }
0x1bf: {  	v3 =	vadd.s32 v27, v7;
	v5 =	vadd.s32 v18, v63;
	v7 =	vadd.s32 v28, v13  }
0x1c0: {  	v4 =	vsel vm6, v4, v8;
	vm6 =	vcmask $0x133C;
	v8 =	vadd.s32 v23, v11  }
0x1c1: {  	v3 =	vsel vm6, v4, v3;
	v4 =	vmpcnt.ones.xlane vm3;
	vm3 =	vcmask $0x173C  }
0x1c2: {  	v3 =	vsel vm3, v3, v7;
	v7 =	vmpcnt.ones.xlane vm1;
	vm1 =	vcmask $0x1B3C  }
0x1c3: {  	v6 =	vadd.s32 v24, v6;
	v3 =	vsel vm1, v3, v8;
	vm1 =	vcmask $0x1F3C  }
0x1c4: {  	v8 =	vmpcnt.ones.xlane vm2;
	v4 =	vadd.s32 v25, v4;
	v3 =	vsel vm1, v3, v6  }
0x1c5: {  	v6 =	vmpcnt.ones.xlane vm4;
	v7 =	vadd.s32 v26, v7;
	vm1 =	vcmask $0x233C  }
0x1c6: {  	v3 =	vsel vm1, v3, v4;
	v4 =	vmpcnt.ones.xlane vm5;
	vm1 =	vcmask $0x273C  }
0x1c7: {  	v8 =	vadd.s32 v29, v8;
	v3 =	vsel vm1, v3, v7;
	vm1 =	vcmask $0x2B3C  }
0x1c8: {  	v6 =	vadd.s32 v30, v6;
	v7 =	vor.u32 $0x50, v14;
	v3 =	vsel vm1, v3, v8  }
0x1c9: {  	v4 =	vadd.s32 v5, v4;
	v3 =	vsel vm13, v3, v6  }
0x1ca: {  	v2 =	vadd.s32 v2, v12;
	vm1 =	vcmask $0x373C;
	v3 =	vsel vm14, v3, v4  }
0x1cb: {  	v2 =	vsel vm1, v3, v2  }
0x1cc: {  	s12 =	simm.s32 $0x200;
	s30 =	simm.s32 $0x1;
	[tilespmem:$0x200] =	vst v2  }
0x1cd: {  	[spmem:s3] =	stream.indirect_vreg.scatter.add.s32 [tilespmem:s12], [sflag:$0x1], $0x1, v7, vm0, $0xb8;
	[tilespmem:$0x510] =	vst v63  }
0x1ce: {  	_ =	swait.ge [sflag:s30], $0x10  }
0x1cf: {  	[sflag:s30] =	ssyncset.done $0x0  }
0x1d0: {  	[sflag:s30] =	ssyncadd.s32 $0xFFFFFFF0  }
0x1d1: {  	[bflag:$0x0] =	sbarrier.arrive $0xFFFF  }
0x1d2: {  	[tilespmem:s12], [sflag:$0x1] =	stream.linear.gather [spmem:s11], $0x10, $0x38;
	[tilespmem:$0x510] =	vst v63  }
0x1d3: {  	_ =	swait.ge [sflag:s30], $0x10  }
0x1d4: {  	[sflag:s30] =	ssyncset.done $0x0  }
0x1d5: {  	[sflag:s30] =	ssyncadd.s32 $0xFFFFFFF0  }
0x1d6: {  	v2 =	vld [tilespmem:$0x200];
	_ =	sdelay $0x4  }
0x1d7: {  	vm1 =	vgt.s32 v2, $0xFFF  }
0x1d8: {  	v2 =	vmpcnt.ones.xlane vm1  }
0x1d9: {  	v31 =	vimm.s32 $0x0;
	v22 =	vimm.s32 $0x0;
	v27 =	vimm.s32 $0x0  }
0x1da: {  	v28 =	vimm.s32 $0x0;
	v24 =	vimm.s32 $0x0;
	v2 =	vshll.u32 v2, $0x8  }
0x1db: {  	s31 =	simm.s32 $0x0;
	v25 =	vimm.s32 $0x0;
	v26 =	vimm.s32 $0x0;
	v1 =	vor.u32 v1, v2  }
0x1dc: {  	v29 =	vimm.s32 $0x0;
	v30 =	vimm.s32 $0x0;
	v18 =	vld [tilespmem:s31+$0x0];
	v12 =	vor.u32 $0x10, v1  }
0x1dd: {  	v16 =	vor.u32 $0x20, v1;
	v13 =	vor.u32 $0x30, v1;
	v14 =	vor.u32 $0x40, v1  }
0x1de: {  	v15 =	vor.u32 $0x50, v1;
	v11 =	vor.u32 $0x60, v1;
	v10 =	vor.u32 $0x70, v1  }
0x1df: {  	v9 =	vor.u32 $0x80, v1;
	v8 =	vor.u32 $0x90, v1;
	v7 =	vor.u32 $0xA0, v1  }
0x1e0: {  	v6 =	vor.u32 $0xB0, v1;
	v5 =	vor.u32 $0xC0, v1;
	v4 =	vor.u32 $0xD0, v1  }
0x1e1: {  	v3 =	vor.u32 $0xE0, v1;
	v17 =	vor.u32 $0xF0, v1;
	vm1 =	vge.s32 v18, v12  }
0x1e2: {  	vm2 =	vge.s32 v18, v16;
	vm3 =	vge.s32 v18, v17;
	vm4 =	vge.s32 v18, v13  }
0x1e3: {  	vm5 =	vge.s32 v18, v14;
	vm15 =	vge.s32 v18, v7;
	v2 =	vmpcnt.ones.xlane vm3  }
0x1e4: {  	vm3 =	vge.s32 v18, v15;
	v19 =	vmpcnt.ones.xlane vm1;
	vm1 =	vge.s32 v18, v11  }
0x1e5: {  	v20 =	vmpcnt.ones.xlane vm2;
	vm2 =	vge.s32 v18, v10;
	v23 =	vmpcnt.ones.xlane vm4  }
0x1e6: {  	vm4 =	vge.s32 v18, v9;
	v37 =	vmpcnt.ones.xlane vm5;
	vm5 =	vge.s32 v18, v8  }
0x1e7: {  	v34 =	vmpcnt.ones.xlane vm3;
	v32 =	vmpcnt.ones.xlane vm1;
	vm3 =	vge.s32 v18, v6  }
0x1e8: {  	v33 =	vmpcnt.ones.xlane vm2;
	vm2 =	vge.s32 v18, v5;
	v35 =	vmpcnt.ones.xlane vm4  }
0x1e9: {  	vm4 =	vge.s32 v18, v4;
	v36 =	vmpcnt.ones.xlane vm5;
	vm1 =	vge.s32 v18, v3  }
0x1ea: {  	v18 =	vimm.s32 $0x0;
	v2 =	vadd.s32 v22, v2;
	v21 =	vadd.s32 v22, v19  }
0x1eb: {  	s12 =	simm.s32 $0x10;
	s11 =	simm.s32 $0x80;
	v19 =	vadd.s32 v22, v20;
	v20 =	vadd.s32 v22, v23;
	v23 =	vimm.s32 $0x0  }
.LBB2_16:
0x1ec: {  	p0 =	sne.s32 s11, $0x7C0;
	v38 =	vld [tilespmem:s12+$0x0];
	v22 =	vadd.s32 v22, v37;
	v37 =	vmpcnt.ones.xlane vm15;
	v39 =	vmpcnt.ones.xlane vm3  }
0x1ed: {  	v31 =	vadd.s32 v31, v34;
	v34 =	vmpcnt.ones.xlane vm2;
	v40 =	vmpcnt.ones.xlane vm4  }
0x1ee: {  	v27 =	vadd.s32 v27, v32;
	v28 =	vadd.s32 v28, v33;
	v32 =	vmpcnt.ones.xlane vm1  }
0x1ef: {  	v23 =	vadd.s32 v23, v35;
	v24 =	vadd.s32 v24, v36;
	v25 =	vadd.s32 v25, v37  }
0x1f0: {  	v26 =	vadd.s32 v26, v39;
	v29 =	vadd.s32 v29, v34;
	v30 =	vadd.s32 v30, v40  }
0x1f1: {  	vm1 =	vge.s32 v38, v12;
	vm5 =	vge.s32 v38, v16;
	vm2 =	vge.s32 v38, v17  }
0x1f2: {  	vm6 =	vge.s32 v38, v13;
	vm7 =	vge.s32 v38, v14;
	v33 =	vmpcnt.ones.xlane vm2  }
0x1f3: {  	vm8 =	vge.s32 v38, v15;
	vm9 =	vge.s32 v38, v11;
	vm10 =	vge.s32 v38, v10  }
0x1f4: {  	vm11 =	vge.s32 v38, v9;
	vm12 =	vge.s32 v38, v8;
	v2 =	vadd.s32 v2, v33  }
0x1f5: {  	vm15 =	vge.s32 v38, v7;
	vm3 =	vge.s32 v38, v6;
	vm2 =	vge.s32 v38, v5  }
.Ltmp8:
0x1f6: {  	vm4 =	vge.s32 v38, v4;
	v33 =	vmpcnt.ones.xlane vm1;
	vm1 =	vge.s32 v38, v3;
	(pc) =	sbr.rel @p0 .LBB2_16-.Ltmp8, $4  }
0x1f7: {  	v18 =	vadd.s32 v18, v32;
	v35 =	vmpcnt.ones.xlane vm5;
	v36 =	vmpcnt.ones.xlane vm6  }
0x1f8: {  	v37 =	vmpcnt.ones.xlane vm7;
	v34 =	vmpcnt.ones.xlane vm8;
	v21 =	vadd.s32 v21, v33  }
0x1f9: {  	v32 =	vmpcnt.ones.xlane vm9;
	v19 =	vadd.s32 v19, v35;
	v33 =	vmpcnt.ones.xlane vm10  }
0x1fa: {  	s12 =	sshra.s32 s11, $0x2;
	s11 =	sadd.s32 $0x40, s11;
	v20 =	vadd.s32 v20, v36;
	v35 =	vmpcnt.ones.xlane vm11;
	v36 =	vmpcnt.ones.xlane vm12  }
0x1fb: {  	v22 =	vadd.s32 v22, v37  }
0x1fc: {  	v38 =	vld [tilespmem:s12+$0x0];
	v61 =	vmpcnt.ones.xlane vm15;
	v39 =	vmpcnt.ones.xlane vm3;
	v31 =	vadd.s32 v31, v34  }
0x1fd: {  	v62 =	vmpcnt.ones.xlane vm2;
	v40 =	vmpcnt.ones.xlane vm4;
	v27 =	vadd.s32 v27, v32  }
0x1fe: {  	v28 =	vadd.s32 v28, v33;
	v63 =	vmpcnt.ones.xlane vm1;
	vm6 =	vcmask $0x73C  }
0x1ff: {  	v23 =	vadd.s32 v23, v35;
	v24 =	vadd.s32 v24, v36;
	v25 =	vadd.s32 v25, v61  }
0x200: {  	v26 =	vadd.s32 v26, v39;
	v29 =	vadd.s32 v29, v62;
	v30 =	vadd.s32 v30, v40  }
0x201: {  	vm1 =	vge.s32 v38, v12;
	vm2 =	vge.s32 v38, v16;
	vm3 =	vge.s32 v38, v17  }
0x202: {  	vm4 =	vge.s32 v38, v13;
	vm5 =	vge.s32 v38, v14;
	v14 =	vlaneseq.u32  }
0x203: {  	v12 =	vmpcnt.ones.xlane vm3;
	vm3 =	vge.s32 v38, v15;
	v13 =	vmpcnt.ones.xlane vm1  }
0x204: {  	vm1 =	vge.s32 v38, v11;
	v11 =	vmpcnt.ones.xlane vm2;
	vm2 =	vge.s32 v38, v10  }
0x205: {  	v10 =	vmpcnt.ones.xlane vm4;
	vm4 =	vge.s32 v38, v9;
	v9 =	vmpcnt.ones.xlane vm5  }
0x206: {  	vm5 =	vge.s32 v38, v8;
	v8 =	vmpcnt.ones.xlane vm3;
	vm3 =	vge.s32 v38, v7  }
0x207: {  	v7 =	vmpcnt.ones.xlane vm1;
	vm1 =	vge.s32 v38, v6;
	v6 =	vadd.s32 v21, v13  }
0x208: {  	v13 =	vmpcnt.ones.xlane vm2;
	vm2 =	veq.s32 v14, $0xF;
	v10 =	vadd.s32 v20, v10  }
0x209: {  	v6 =	vsel vm2, $0x0, v6;
	vm2 =	vge.s32 v38, v5;
	v5 =	vadd.s32 v19, v11  }
0x20a: {  	v11 =	vmpcnt.ones.xlane vm4;
	vm4 =	vcmask $0x33C;
	v8 =	vadd.s32 v31, v8  }
0x20b: {  	v5 =	vsel vm4, v6, v5;
	vm4 =	vge.s32 v38, v4;
	v4 =	vadd.s32 v22, v9  }
0x20c: {  	v6 =	vmpcnt.ones.xlane vm5;
	vm5 =	vcmask $0xB3C;
	v5 =	vsel vm6, v5, v10  }
0x20d: {  	vm6 =	vcmask $0xF3C;
	v4 =	vsel vm5, v5, v4;
	vm5 =	vge.s32 v38, v3  }
0x20e: {  	v3 =	vadd.s32 v27, v7;
	v5 =	vadd.s32 v18, v63;
	v7 =	vadd.s32 v28, v13  }
0x20f: {  	v4 =	vsel vm6, v4, v8;
	vm6 =	vcmask $0x133C;
	v8 =	vadd.s32 v23, v11  }
0x210: {  	v3 =	vsel vm6, v4, v3;
	v4 =	vmpcnt.ones.xlane vm3;
	vm3 =	vcmask $0x173C  }
0x211: {  	v3 =	vsel vm3, v3, v7;
	v7 =	vmpcnt.ones.xlane vm1;
	vm1 =	vcmask $0x1B3C  }
0x212: {  	v6 =	vadd.s32 v24, v6;
	v3 =	vsel vm1, v3, v8;
	vm1 =	vcmask $0x1F3C  }
0x213: {  	v8 =	vmpcnt.ones.xlane vm2;
	v4 =	vadd.s32 v25, v4;
	v3 =	vsel vm1, v3, v6  }
0x214: {  	v6 =	vmpcnt.ones.xlane vm4;
	v7 =	vadd.s32 v26, v7;
	vm1 =	vcmask $0x233C  }
0x215: {  	v3 =	vsel vm1, v3, v4;
	v4 =	vmpcnt.ones.xlane vm5;
	vm1 =	vcmask $0x273C  }
0x216: {  	v8 =	vadd.s32 v29, v8;
	v3 =	vsel vm1, v3, v7;
	vm1 =	vcmask $0x2B3C  }
0x217: {  	v6 =	vadd.s32 v30, v6;
	v7 =	vor.u32 $0x60, v14;
	v3 =	vsel vm1, v3, v8  }
0x218: {  	v4 =	vadd.s32 v5, v4;
	v3 =	vsel vm13, v3, v6  }
0x219: {  	v2 =	vadd.s32 v2, v12;
	vm1 =	vcmask $0x373C;
	v3 =	vsel vm14, v3, v4  }
0x21a: {  	v2 =	vsel vm1, v3, v2  }
0x21b: {  	s11 =	simm.s32 $0x200;
	s30 =	simm.s32 $0x1;
	[tilespmem:$0x200] =	vst v2  }
0x21c: {  	[spmem:s3] =	stream.indirect_vreg.scatter.add.s32 [tilespmem:s11], [sflag:$0x1], $0x1, v7, vm0, $0xb8;
	[tilespmem:$0x510] =	vst v63  }
0x21d: {  	_ =	swait.ge [sflag:s30], $0x10  }
0x21e: {  	[sflag:s30] =	ssyncset.done $0x0  }
0x21f: {  	[sflag:s30] =	ssyncadd.s32 $0xFFFFFFF0  }
0x220: {  	[bflag:$0x0] =	sbarrier.arrive $0xFFFF  }
0x221: {  	[tilespmem:s11], [sflag:$0x1] =	stream.linear.gather [spmem:s10], $0x10, $0x38;
	[tilespmem:$0x510] =	vst v63  }
0x222: {  	_ =	swait.ge [sflag:s30], $0x10  }
0x223: {  	[sflag:s30] =	ssyncset.done $0x0  }
0x224: {  	[sflag:s30] =	ssyncadd.s32 $0xFFFFFFF0  }
0x225: {  	v2 =	vld [tilespmem:$0x200];
	_ =	sdelay $0x4  }
0x226: {  	vm1 =	vgt.s32 v2, $0xFFF  }
0x227: {  	v2 =	vmpcnt.ones.xlane vm1  }
0x228: {  	v31 =	vimm.s32 $0x0;
	v22 =	vimm.s32 $0x0;
	v28 =	vimm.s32 $0x0  }
0x229: {  	v27 =	vimm.s32 $0x0;
	v24 =	vimm.s32 $0x0;
	v2 =	vshll.u32 v2, $0x4  }
0x22a: {  	s31 =	simm.s32 $0x0;
	v25 =	vimm.s32 $0x0;
	v26 =	vimm.s32 $0x0;
	v1 =	vor.u32 v1, v2  }
0x22b: {  	v29 =	vimm.s32 $0x0;
	v30 =	vimm.s32 $0x0;
	v17 =	vld [tilespmem:s31+$0x0];
	v16 =	vor.u32 $0x1, v1  }
0x22c: {  	v15 =	vor.u32 $0x2, v1;
	v14 =	vor.u32 $0x3, v1;
	v13 =	vor.u32 $0x4, v1  }
0x22d: {  	v12 =	vor.u32 $0x5, v1;
	v11 =	vor.u32 $0x6, v1;
	v10 =	vor.u32 $0x7, v1  }
0x22e: {  	v9 =	vor.u32 $0x8, v1;
	v8 =	vor.u32 $0x9, v1;
	v7 =	vor.u32 $0xA, v1  }
0x22f: {  	v6 =	vor.u32 $0xB, v1;
	v5 =	vor.u32 $0xC, v1;
	v4 =	vor.u32 $0xD, v1  }
0x230: {  	v2 =	vor.u32 $0xE, v1;
	v21 =	vor.u32 $0xF, v1;
	vm1 =	vge.s32 v17, v16  }
0x231: {  	vm2 =	vge.s32 v17, v15;
	vm3 =	vge.s32 v17, v21;
	vm4 =	vge.s32 v17, v14  }
0x232: {  	vm5 =	vge.s32 v17, v13;
	vm6 =	vge.s32 v17, v11;
	vm7 =	vge.s32 v17, v9  }
0x233: {  	vm15 =	vge.s32 v17, v4;
	v3 =	vmpcnt.ones.xlane vm3;
	vm3 =	vge.s32 v17, v12  }
0x234: {  	v18 =	vmpcnt.ones.xlane vm1;
	v19 =	vmpcnt.ones.xlane vm2;
	vm2 =	vge.s32 v17, v10  }
0x235: {  	v23 =	vmpcnt.ones.xlane vm4;
	v37 =	vmpcnt.ones.xlane vm5;
	vm5 =	vge.s32 v17, v8  }
0x236: {  	vm1 =	vge.s32 v17, v7;
	v34 =	vmpcnt.ones.xlane vm6;
	v35 =	vmpcnt.ones.xlane vm7  }
0x237: {  	vm4 =	vge.s32 v17, v6;
	v36 =	vmpcnt.ones.xlane vm3;
	v32 =	vmpcnt.ones.xlane vm2  }
0x238: {  	vm2 =	vge.s32 v17, v5;
	v33 =	vmpcnt.ones.xlane vm5;
	vm3 =	vge.s32 v17, v2  }
0x239: {  	v17 =	vimm.s32 $0x0;
	v3 =	vadd.s32 v22, v3;
	v20 =	vadd.s32 v22, v18  }
0x23a: {  	s11 =	simm.s32 $0x10;
	s10 =	simm.s32 $0x80;
	v18 =	vadd.s32 v22, v19;
	v19 =	vadd.s32 v22, v23;
	v23 =	vimm.s32 $0x0  }
.LBB2_18:
0x23b: {  	p0 =	sne.s32 s10, $0x7C0;
	v38 =	vld [tilespmem:s11+$0x0];
	v22 =	vadd.s32 v22, v37;
	v37 =	vmpcnt.ones.xlane vm1;
	v39 =	vmpcnt.ones.xlane vm4  }
0x23c: {  	v31 =	vadd.s32 v31, v36;
	v36 =	vmpcnt.ones.xlane vm2;
	v40 =	vmpcnt.ones.xlane vm15  }
0x23d: {  	v30 =	vadd.s32 v30, v34;
	v29 =	vadd.s32 v29, v32;
	v32 =	vmpcnt.ones.xlane vm3  }
0x23e: {  	v28 =	vadd.s32 v28, v35;
	v27 =	vadd.s32 v27, v33;
	v26 =	vadd.s32 v26, v37  }
0x23f: {  	v24 =	vadd.s32 v24, v39;
	v25 =	vadd.s32 v25, v36;
	v23 =	vadd.s32 v23, v40  }
0x240: {  	vm3 =	vge.s32 v38, v16;
	vm5 =	vge.s32 v38, v15;
	vm1 =	vge.s32 v38, v21  }
0x241: {  	vm6 =	vge.s32 v38, v14;
	vm7 =	vge.s32 v38, v13;
	v33 =	vmpcnt.ones.xlane vm1  }
0x242: {  	vm8 =	vge.s32 v38, v12;
	vm9 =	vge.s32 v38, v11;
	vm10 =	vge.s32 v38, v10  }
0x243: {  	vm11 =	vge.s32 v38, v9;
	vm12 =	vge.s32 v38, v8;
	v3 =	vadd.s32 v3, v33  }
0x244: {  	vm4 =	vge.s32 v38, v6;
	vm2 =	vge.s32 v38, v5;
	vm1 =	vge.s32 v38, v7  }
.Ltmp9:
0x245: {  	vm15 =	vge.s32 v38, v4;
	v33 =	vmpcnt.ones.xlane vm3;
	vm3 =	vge.s32 v38, v2;
	(pc) =	sbr.rel @p0 .LBB2_18-.Ltmp9, $4  }
0x246: {  	v17 =	vadd.s32 v17, v32;
	v34 =	vmpcnt.ones.xlane vm5;
	v35 =	vmpcnt.ones.xlane vm6  }
0x247: {  	v37 =	vmpcnt.ones.xlane vm7;
	v36 =	vmpcnt.ones.xlane vm8;
	v20 =	vadd.s32 v20, v33  }
0x248: {  	v32 =	vmpcnt.ones.xlane vm10;
	v18 =	vadd.s32 v18, v34;
	v34 =	vmpcnt.ones.xlane vm9  }
0x249: {  	s11 =	sshra.s32 s10, $0x2;
	s10 =	sadd.s32 $0x40, s10;
	v19 =	vadd.s32 v19, v35;
	v35 =	vmpcnt.ones.xlane vm11;
	v33 =	vmpcnt.ones.xlane vm12  }
0x24a: {  	v38 =	vld [tilespmem:s11+$0x0];
	_ =	sdelay $0x1  }
0x24b: {  	v39 =	vmpcnt.ones.xlane vm1;
	v40 =	vmpcnt.ones.xlane vm4  }
0x24c: {  	v41 =	vmpcnt.ones.xlane vm2;
	v42 =	vmpcnt.ones.xlane vm15  }
0x24d: {  	v22 =	vadd.s32 v22, v37;
	v37 =	vmpcnt.ones.xlane vm3;
	v60 =	vadd.s32 v31, v36  }
0x24e: {  	v61 =	vadd.s32 v30, v34;
	v63 =	vadd.s32 v29, v32;
	vm1 =	vge.s32 v38, v21  }
0x24f: {  	v51 =	vlaneseq.u32;
	v31 =	vmpcnt.ones.xlane vm1;
	vm1 =	vge.s32 v38, v16  }
0x250: {  	vm2 =	vcmask $0x73C;
	v62 =	vmpcnt.ones.xlane vm1;
	vm1 =	vge.s32 v38, v15  }
0x251: {  	v35 =	vadd.s32 v28, v35;
	v34 =	vmpcnt.ones.xlane vm1;
	vm1 =	vge.s32 v38, v14  }
0x252: {  	v43 =	vadd.s32 v27, v33;
	v36 =	vmpcnt.ones.xlane vm1;
	vm1 =	vge.s32 v38, v13  }
0x253: {  	v45 =	vadd.s32 v26, v39;
	v44 =	vmpcnt.ones.xlane vm1;
	vm1 =	vge.s32 v38, v12  }
0x254: {  	v47 =	vadd.s32 v24, v40;
	v46 =	vmpcnt.ones.xlane vm1;
	vm1 =	vge.s32 v38, v11  }
0x255: {  	v49 =	vadd.s32 v25, v41;
	v48 =	vmpcnt.ones.xlane vm1;
	vm1 =	vge.s32 v38, v10  }
0x256: {  	v23 =	vadd.s32 v23, v42;
	v50 =	vmpcnt.ones.xlane vm1;
	vm1 =	vge.s32 v38, v9  }
0x257: {  	v20 =	vadd.s32 v20, v62;
	v9 =	vmpcnt.ones.xlane vm1;
	vm1 =	vge.s32 v38, v8  }
0x258: {  	v53 =	vadd.s32 v18, v34;
	v52 =	vmpcnt.ones.xlane vm1;
	vm1 =	veq.s32 v51, $0xF  }
0x259: {  	v54 =	vadd.s32 v19, v36;
	v20 =	vsel vm1, $0x0, v20;
	vm1 =	vge.s32 v38, v7  }
0x25a: {  	v56 =	vadd.s32 v22, v44;
	v55 =	vmpcnt.ones.xlane vm1;
	vm1 =	vcmask $0x33C  }
0x25b: {  	v58 =	vadd.s32 v60, v46;
	v15 =	vadd.s32 v63, v50;
	v7 =	vsel vm1, v20, v53  }
0x25c: {  	v63 =	vor.u32 $0x70, v51;
	vm1 =	vge.s32 v38, v6;
	v7 =	vsel vm2, v7, v54  }
0x25d: {  	v57 =	vmpcnt.ones.xlane vm1;
	vm1 =	vcmask $0xB3C;
	vm2 =	vcmask $0xF3C  }
0x25e: {  	v6 =	vsel vm1, v7, v56;
	vm1 =	vge.s32 v38, v5;
	v5 =	vadd.s32 v61, v48  }
0x25f: {  	v61 =	vadd.s32 v43, v52;
	v6 =	vsel vm2, v6, v58;
	v59 =	vmpcnt.ones.xlane vm1  }
0x260: {  	vm1 =	vcmask $0x133C;
	vm2 =	vcmask $0x173C;
	v62 =	vadd.s32 v47, v57  }
0x261: {  	v5 =	vsel vm1, v6, v5;
	vm1 =	vge.s32 v38, v4;
	v4 =	vadd.s32 v35, v9  }
0x262: {  	v5 =	vsel vm2, v5, v15;
	v60 =	vmpcnt.ones.xlane vm1;
	vm1 =	vcmask $0x1B3C  }
0x263: {  	vm2 =	vcmask $0x1F3C;
	v4 =	vsel vm1, v5, v4;
	vm1 =	vge.s32 v38, v2  }
0x264: {  	v2 =	vadd.s32 v45, v55;
	v4 =	vsel vm2, v4, v61;
	vm2 =	vcmask $0x233C  }
0x265: {  	v2 =	vsel vm2, v4, v2;
	v4 =	vmpcnt.ones.xlane vm1;
	vm1 =	vcmask $0x273C  }
0x266: {  	v7 =	vadd.s32 v49, v59;
	v2 =	vsel vm1, v2, v62;
	vm1 =	vcmask $0x2B3C  }
0x267: {  	v5 =	vadd.s32 v17, v37;
	v6 =	vadd.s32 v23, v60;
	v2 =	vsel vm1, v2, v7  }
0x268: {  	v4 =	vadd.s32 v5, v4;
	v2 =	vsel vm13, v2, v6  }
0x269: {  	v3 =	vadd.s32 v3, v31;
	vm1 =	vcmask $0x373C;
	v2 =	vsel vm14, v2, v4  }
0x26a: {  	v2 =	vsel vm1, v2, v3  }
0x26b: {  	s10 =	simm.s32 $0x200;
	s30 =	simm.s32 $0x1;
	[tilespmem:$0x200] =	vst v2  }
0x26c: {  	[spmem:s3] =	stream.indirect_vreg.scatter.add.s32 [tilespmem:s10], [sflag:$0x1], $0x1, v63, vm0, $0xb8;
	[tilespmem:$0x510] =	vst v63  }
0x26d: {  	_ =	swait.ge [sflag:s30], $0x10  }
0x26e: {  	[sflag:s30] =	ssyncset.done $0x0  }
0x26f: {  	[sflag:s30] =	ssyncadd.s32 $0xFFFFFFF0  }
0x270: {  	[bflag:$0x0] =	sbarrier.arrive $0xFFFF  }
0x271: {  	[tilespmem:s10], [sflag:$0x1] =	stream.linear.gather [spmem:s9], $0x10, $0x38;
	[tilespmem:$0x510] =	vst v63  }
0x272: {  	_ =	swait.ge [sflag:s30], $0x10  }
0x273: {  	[sflag:s30] =	ssyncset.done $0x0  }
0x274: {  	[sflag:s30] =	ssyncadd.s32 $0xFFFFFFF0  }
0x275: {  	v2 =	vld [tilespmem:$0x200];
	_ =	sdelay $0x4  }
0x276: {  	vm1 =	vgt.s32 v2, $0xFFF  }
0x277: {  	v2 =	vmpcnt.ones.xlane vm1  }
0x278: {  	s31 =	simm.s32 $0x0  }
0x279: {  	s9 =	simm.s32 $0x40;
	v3 =	vld [tilespmem:s31+$0x0];
	v1 =	vor.u32 v1, v2;
	v2 =	vimm.s32 $0x0  }
.LBB2_20:
0x27a: {  	_ =	sdelay $0x1  }
0x27b: {  	p0 =	sne.s32 s9, $0x7C0  }
.Ltmp10:
0x27c: {  	_ = 	snop;
	(pc) =	sbr.rel @p0 .LBB2_20-.Ltmp10, $4  }
0x27d: {  	vm1 =	vgt.s32 v3, v1  }
0x27e: {  	v4 =	vmpcnt.ones.xlane vm1  }
0x27f: {  	s10 =	sshra.s32 s9, $0x2  }
0x280: {  	s9 =	sadd.s32 $0x40, s9;
	v3 =	vld [tilespmem:s10+$0x0];
	v2 =	vadd.s32 v2, v4  }
0x281: {  	_ =	sdelay $0x2  }
0x282: {  	v4 =	vlaneseq.u32  }
0x283: {  	vm1 =	vgt.s32 v3, v1;
	v3 =	vor.u32 $0x80, v4  }
0x284: {  	v4 =	vmpcnt.ones.xlane vm1;
	_ =	sdelay $0x1  }
0x285: {  	v2 =	vadd.s32 v2, v4  }
0x286: {  	s9 =	simm.s32 $0x200;
	[tilespmem:$0x200] =	vst v2;
	v2 =	vimm.s32 $0x0  }
0x287: {  	v2 =	vsel vm0, $0xFFFFFFFF, v2;
	[spmem:s3] =	stream.indirect_vreg.scatter.add.s32 [tilespmem:s9], [sflag:$0x1], $0x1, v3, vm0, $0xb8;
	[tilespmem:$0x510] =	vst v63  }
0x288: {  	s10 =	simm.s32 $0x1;
	[tilespmem:$0x1FFF0] =	vst v2  }
0x289: {  	_ =	swait.ge [sflag:s10], $0x10  }
0x28a: {  	[sflag:s10] =	ssyncset.done $0x0  }
0x28b: {  	[sflag:s10] =	ssyncadd.s32 $0xFFFFFFF0  }
0x28c: {  	[bflag:$0x0] =	sbarrier.arrive $0xFFFF  }
0x28d: {  	[tilespmem:s9], [sflag:$0x1] =	stream.linear.gather [spmem:s8], $0x10, $0x38;
	[tilespmem:$0x510] =	vst v63  }
0x28e: {  	_ =	swait.ge [sflag:s10], $0x10  }
0x28f: {  	s31 =	simm.s32 $0x0;
	[sflag:s10] =	ssyncset.done $0x0  }
0x290: {  	v5 =	vor.u32 s31, v0;
	[sflag:s10] =	ssyncadd.s32 $0xFFFFFFF0  }
0x291: {  	v17 =	vimm.s32 $0x0;
	vm9 =	vlt.u32 v5, $0x1000;
	vm10 =	vlt.u32 v5, $0xF000;
	v2 =	vld [tilespmem:s31+$0x0]  }
0x292: {  	vm11 =	vlt.u32 v5, $0x3000;
	vm12 =	vlt.u32 v5, $0x5000;
	vm15 =	vlt.u32 v5, $0x7000  }
0x293: {  	vm13 =	vlt.u32 v5, $0x9000;
	vm14 =	vlt.u32 v5, $0xD000;
	v4 =	vmov s31  }
0x294: {  	vm1 =	vlt.u32 v4, $0x2000;
	vm2 =	vlt.u32 v4, $0x4000;
	vm3 =	vlt.u32 v4, $0x6000  }
0x295: {  	vm4 =	vlt.u32 v4, $0x8000;
	vm5 =	vlt.u32 v4, $0xA000;
	vm6 =	vlt.u32 v4, $0xC000  }
0x296: {  	vm7 =	vlt.u32 v4, $0xE000;
	v3 =	vimm.s32 $0x0;
	s8 =	simm.s32 $0x10;
	vm8 =	veq.s32 v2, v1  }
0x297: {  	v18 =	vmov s8;
	vm10 =	vmand vm10, vm8;
	vm9 =	vmand vm9, vm8  }
0x298: {  	vm1 =	vmand vm1, vm8;
	vm11 =	vmand vm11, vm8;
	vm2 =	vmand vm2, vm8  }
0x299: {  	vm12 =	vmand vm12, vm8;
	vm3 =	vmand vm3, vm8;
	vm15 =	vmand vm15, vm8  }
0x29a: {  	vm13 =	vmand vm13, vm8;
	vm5 =	vmand vm5, vm8;
	v2 =	vmpcnt.ones.xlane vm10  }
0x29b: {  	vm10 =	vlt.u32 v5, $0xB000;
	v4 =	vmpcnt.ones.xlane vm9;
	v5 =	vmpcnt.ones.xlane vm1  }
0x29c: {  	vm6 =	vmand vm6, vm8;
	v6 =	vmpcnt.ones.xlane vm11;
	v7 =	vmpcnt.ones.xlane vm12  }
0x29d: {  	vm14 =	vmand vm14, vm8;
	v8 =	vmpcnt.ones.xlane vm15;
	v15 =	vmpcnt.ones.xlane vm13  }
0x29e: {  	vm7 =	vmand vm7, vm8;
	v16 =	vmpcnt.ones.xlane vm5;
	v20 =	vmpcnt.ones.xlane vm6  }
0x29f: {  	vm4 =	vmand vm4, vm8;
	v21 =	vmpcnt.ones.xlane vm14;
	v22 =	vmpcnt.ones.xlane vm7  }
0x2a0: {  	vm10 =	vmand vm10, vm8;
	v2 =	vadd.s32 v3, v2;
	v14 =	vadd.s32 v3, v4  }
0x2a1: {  	v4 =	vmpcnt.ones.xlane vm2;
	v9 =	vadd.s32 v3, v5;
	v5 =	vmpcnt.ones.xlane vm3  }
0x2a2: {  	v10 =	vadd.s32 v3, v6;
	v6 =	vmpcnt.ones.xlane vm4;
	v19 =	vmpcnt.ones.xlane vm10  }
0x2a3: {  	v12 =	vadd.s32 v3, v7;
	v7 =	vadd.s32 v3, v8;
	v11 =	vadd.s32 v3, v4  }
0x2a4: {  	v23 =	vld [tilespmem:s8+$0x0];
	v13 =	vadd.s32 v3, v5;
	v8 =	vadd.s32 v3, v6;
	v6 =	vadd.s32 v3, v15  }
0x2a5: {  	s9 =	simm.s32 $0x20;
	s10 =	simm.s32 $0x10;
	v4 =	vld [tilespmem:$0x200];
	v5 =	vadd.s32 v3, v16;
	v16 =	vimm.s32 $0x0;
	v15 =	vimm.s32 $0x0  }
.LBB2_22:
0x2a6: {  	p0 =	sne.s32 s9, $0x1F0;
	v3 =	vadd.s32 v3, v19;
	v16 =	vadd.s32 v16, v20;
	v17 =	vadd.s32 v17, v21  }
0x2a7: {  	vm6 =	vlt.u32 v18, $0x2000;
	vm7 =	vlt.u32 v18, $0x4000;
	v15 =	vadd.s32 v15, v22  }
0x2a8: {  	vm8 =	vlt.u32 v18, $0x6000;
	vm5 =	vlt.u32 v18, $0x8000;
	vm2 =	vlt.u32 v18, $0xA000  }
0x2a9: {  	v19 =	vor.u32 s8, v0;
	vm4 =	vlt.u32 v18, $0xC000;
	vm1 =	vlt.u32 v18, $0xE000;
	s8 =	smov.u32 s9  }
0x2aa: {  	vm9 =	vlt.u32 v19, $0x1000;
	vm10 =	vlt.u32 v19, $0xF000;
	vm3 =	veq.s32 v23, v1  }
0x2ab: {  	vm11 =	vlt.u32 v19, $0x3000;
	vm12 =	vlt.u32 v19, $0x5000;
	vm10 =	vmand vm10, vm3  }
0x2ac: {  	vm13 =	vlt.u32 v19, $0x7000;
	vm14 =	vlt.u32 v19, $0x9000;
	v18 =	vmpcnt.ones.xlane vm10  }
0x2ad: {  	vm15 =	vlt.u32 v19, $0xD000;
	vm9 =	vmand vm9, vm3;
	vm10 =	vlt.u32 v19, $0xB000  }
0x2ae: {  	vm6 =	vmand vm6, vm3;
	vm11 =	vmand vm11, vm3;
	v2 =	vadd.s32 v2, v18  }
0x2af: {  	vm7 =	vmand vm7, vm3;
	vm12 =	vmand vm12, vm3;
	vm8 =	vmand vm8, vm3  }
0x2b0: {  	vm13 =	vmand vm13, vm3;
	vm5 =	vmand vm5, vm3;
	vm14 =	vmand vm14, vm3  }
0x2b1: {  	vm2 =	vmand vm2, vm3;
	vm4 =	vmand vm4, vm3;
	vm10 =	vmand vm10, vm3  }
0x2b2: {  	vm1 =	vmand vm1, vm3;
	v19 =	vmpcnt.ones.xlane vm9;
	vm9 =	vmand vm15, vm3  }
0x2b3: {  	v20 =	vmpcnt.ones.xlane vm6;
	v21 =	vmpcnt.ones.xlane vm11;
	v18 =	vmov s9  }
0x2b4: {  	v22 =	vmpcnt.ones.xlane vm12;
	v14 =	vadd.s32 v14, v19;
	v19 =	vmpcnt.ones.xlane vm7  }
0x2b5: {  	v23 =	vmpcnt.ones.xlane vm8;
	v24 =	vmpcnt.ones.xlane vm13;
	v9 =	vadd.s32 v9, v20  }
.Ltmp11:
0x2b6: {  	v25 =	vmpcnt.ones.xlane vm5;
	v26 =	vmpcnt.ones.xlane vm14;
	v10 =	vadd.s32 v10, v21;
	(pc) =	sbr.rel @p0 .LBB2_22-.Ltmp11, $4  }
0x2b7: {  	v27 =	vmpcnt.ones.xlane vm2;
	v11 =	vadd.s32 v11, v19;
	v19 =	vmpcnt.ones.xlane vm10  }
0x2b8: {  	v12 =	vadd.s32 v12, v22;
	v20 =	vmpcnt.ones.xlane vm4;
	v21 =	vmpcnt.ones.xlane vm9  }
0x2b9: {  	s10 =	sadd.s32 $0x10, s10;
	v13 =	vadd.s32 v13, v23;
	v7 =	vadd.s32 v7, v24;
	v22 =	vmpcnt.ones.xlane vm1  }
0x2ba: {  	s9 =	sadd.s32 $0x10, s9;
	v8 =	vadd.s32 v8, v25;
	v6 =	vadd.s32 v6, v26;
	v5 =	vadd.s32 v5, v27;
	v23 =	vld [tilespmem:s10+$0x0]  }
0x2bb: {  	vm1 =	vlt.u32 v18, $0x2000;
	vm2 =	vlt.u32 v18, $0x4000;
	vm3 =	vlt.u32 v18, $0x6000  }
0x2bc: {  	vm4 =	vlt.u32 v18, $0x8000;
	vm5 =	vlt.u32 v18, $0xA000;
	v24 =	vor.u32 s8, v0  }
0x2bd: {  	vm6 =	vlt.u32 v18, $0xC000;
	vm7 =	vlt.u32 v18, $0xE000;
	v25 =	vlaneseq.u32  }
0x2be: {  	v3 =	vadd.s32 v3, v19;
	v16 =	vadd.s32 v16, v20;
	v17 =	vadd.s32 v17, v21  }
0x2bf: {  	v15 =	vadd.s32 v15, v22;
	vm9 =	vlt.u32 v24, $0x1000;
	vm10 =	vlt.u32 v24, $0xF000  }
0x2c0: {  	vm11 =	vlt.u32 v24, $0x3000;
	vm12 =	vlt.u32 v24, $0x5000;
	vm8 =	veq.s32 v23, v1  }
0x2c1: {  	vm13 =	vlt.u32 v24, $0x7000;
	vm14 =	vlt.u32 v24, $0x9000;
	vm10 =	vmand vm10, vm8  }
0x2c2: {  	vm9 =	vmand vm9, vm8;
	vm15 =	vmand vm1, vm8;
	vm11 =	vmand vm11, vm8  }
0x2c3: {  	vm0 =	vmand vm2, vm8;
	vm12 =	vmand vm12, vm8;
	vm1 =	vmand vm3, vm8  }
0x2c4: {  	vm13 =	vmand vm13, vm8;
	vm2 =	vmand vm4, vm8;
	vm14 =	vmand vm14, vm8  }
0x2c5: {  	vm5 =	vmand vm5, vm8;
	vm3 =	vmand vm6, vm8;
	vm7 =	vmand vm7, vm8  }
0x2c6: {  	v18 =	vmpcnt.ones.xlane vm10;
	vm10 =	vlt.u32 v24, $0xB000;
	v23 =	vmpcnt.ones.xlane vm9  }
0x2c7: {  	vm9 =	vlt.u32 v24, $0xD000;
	v24 =	vmpcnt.ones.xlane vm15;
	v26 =	vmpcnt.ones.xlane vm11  }
0x2c8: {  	v27 =	vmpcnt.ones.xlane vm12;
	vm4 =	vmand vm10, vm8;
	vm10 =	vmand vm9, vm8  }
0x2c9: {  	v14 =	vadd.s32 v14, v23;
	v23 =	vmpcnt.ones.xlane vm0;
	vm0 =	veq.s32 v25, $0xF  }
0x2ca: {  	v9 =	vadd.s32 v9, v24;
	v14 =	vsel vm0, $0x0, v14;
	vm0 =	vcmask $0x33C  }
0x2cb: {  	v10 =	vadd.s32 v10, v26;
	v12 =	vadd.s32 v12, v27;
	v9 =	vsel vm0, v14, v9  }
0x2cc: {  	v14 =	vmpcnt.ones.xlane vm1;
	v11 =	vadd.s32 v11, v23;
	vm0 =	vcmask $0x73C  }
0x2cd: {  	v9 =	vsel vm0, v9, v10;
	v10 =	vmpcnt.ones.xlane vm13;
	vm0 =	vcmask $0xB3C  }
0x2ce: {  	v9 =	vsel vm0, v9, v11;
	v11 =	vmpcnt.ones.xlane vm2;
	vm0 =	vcmask $0xF3C  }
0x2cf: {  	v13 =	vadd.s32 v13, v14;
	v9 =	vsel vm0, v9, v12;
	v12 =	vmpcnt.ones.xlane vm14  }
0x2d0: {  	v7 =	vadd.s32 v7, v10;
	vm0 =	vcmask $0x133C;
	v10 =	vmpcnt.ones.xlane vm5  }
0x2d1: {  	v9 =	vsel vm0, v9, v13;
	v8 =	vadd.s32 v8, v11;
	vm0 =	vcmask $0x173C  }
0x2d2: {  	v7 =	vsel vm0, v9, v7;
	v9 =	vmpcnt.ones.xlane vm4;
	vm0 =	vcmask $0x1B3C  }
0x2d3: {  	v6 =	vadd.s32 v6, v12;
	v7 =	vsel vm0, v7, v8;
	vm0 =	vcmask $0x1F3C  }
0x2d4: {  	v5 =	vadd.s32 v5, v10;
	v8 =	vmpcnt.ones.xlane vm3;
	v6 =	vsel vm0, v7, v6  }
0x2d5: {  	v7 =	vmpcnt.ones.xlane vm10;
	v3 =	vadd.s32 v3, v9;
	vm0 =	vcmask $0x233C  }
0x2d6: {  	v5 =	vsel vm0, v6, v5;
	v6 =	vmpcnt.ones.xlane vm7;
	vm0 =	vcmask $0x273C  }
0x2d7: {  	v8 =	vadd.s32 v16, v8;
	v3 =	vsel vm0, v5, v3;
	vm0 =	vcmask $0x2B3C  }
0x2d8: {  	v5 =	vadd.s32 v17, v7;
	v3 =	vsel vm0, v3, v8;
	vm0 =	vcmask $0x2F3C  }
0x2d9: {  	v6 =	vadd.s32 v15, v6;
	v3 =	vsel vm0, v3, v5;
	vm0 =	vcmask $0x333C  }
0x2da: {  	v2 =	vadd.s32 v2, v18;
	v3 =	vsel vm0, v3, v6;
	vm0 =	vcmask $0x373C  }
0x2db: {  	v2 =	vsel vm0, v3, v2  }
0x2dc: {  	[tilespmem:$0x200] =	vst v2;
	v2 =	vld [tilespmem:$0x1FFF0]  }
0x2dd: {  	v7 =	vor.u32 $0x90, v25;
	_ =	sdelay $0x3  }
0x2de: {  	s30 =	simm.s32 $0x200;
	s9 =	simm.s32 $0x1;
	vm0 =	vnez.u8 v2  }
0x2df: {  	[spmem:s3] =	stream.indirect_vreg.scatter.add.s32 [tilespmem:s30], [sflag:$0x1], $0x1, v7, vm0, $0xb8;
	[tilespmem:$0x510] =	vst v63  }
0x2e0: {  	_ =	swait.ge [sflag:s9], $0x10  }
0x2e1: {  	[sflag:s9] =	ssyncset.done $0x0  }
0x2e2: {  	[sflag:s9] =	ssyncadd.s32 $0xFFFFFFF0  }
0x2e3: {  	[bflag:$0x0] =	sbarrier.arrive $0xFFFF  }
0x2e4: {  	[tilespmem:s30], [sflag:$0x1] =	stream.linear.gather [spmem:s7], $0x10, $0x38;
	[tilespmem:$0x510] =	vst v63  }
0x2e5: {  	_ =	swait.ge [sflag:s9], $0x10  }
0x2e6: {  	[sflag:s9] =	ssyncset.done $0x0  }
0x2e7: {  	[sflag:s9] =	ssyncadd.s32 $0xFFFFFFF0  }
0x2e8: {  	v3 =	vld [tilespmem:$0x200];
	_ =	sdelay $0x3  }
0x2e9: {  	s31 =	simm.s32 $0x0;
	v28 =	vimm.s32 $0x0;
	v2 =	vsub.s32 $0xFFF, v4  }
0x2ea: {  	vm1 =	vmmov $0x7fff;
	v4 =	vld [tilespmem:s31+$0x0];
	vm0 =	vle.s32 v3, v2;
	v3 =	vimm.s32 $0x0  }
0x2eb: {  	v29 =	vimm.s32 $0x0;
	v3 =	vsel vm1, $0xFFFFFFFF, v3;
	vm0 =	vmand vm0, vm1  }
0x2ec: {  	v30 =	vimm.s32 $0x0;
	v33 =	vimm.s32 $0x0;
	[tilespmem:$0x1FFE0] =	vst v3;
	v3 =	vmpcnt.ones.xlane vm0  }
0x2ed: {  	v31 =	vimm.s32 $0x0;
	v19 =	vor.u32 s31, v0;
	v26 =	vimm.s32 $0x0  }
0x2ee: {  	v27 =	vimm.s32 $0x0;
	v23 =	vimm.s32 $0x0;
	v3 =	vshll.u32 v3, $0xC  }
0x2ef: {  	vm1 =	veq.s32 v4, v1;
	v18 =	vor.u32 $0x100, v3;
	v14 =	vor.u32 $0x200, v3  }
0x2f0: {  	v15 =	vor.u32 $0x300, v3;
	v16 =	vor.u32 $0x400, v3;
	v17 =	vor.u32 $0x500, v3  }
0x2f1: {  	v7 =	vor.u32 $0x600, v3;
	v8 =	vor.u32 $0x700, v3;
	v9 =	vor.u32 $0x800, v3  }
0x2f2: {  	v10 =	vor.u32 $0x900, v3;
	v11 =	vor.u32 $0xA00, v3;
	v12 =	vor.u32 $0xB00, v3  }
0x2f3: {  	v13 =	vor.u32 $0xC00, v3;
	v6 =	vor.u32 $0xD00, v3;
	v21 =	vor.u32 $0xF00, v3  }
0x2f4: {  	v5 =	vor.u32 $0xE00, v3;
	vm0 =	vlt.s32 v19, v18;
	vm2 =	vlt.s32 v19, v21  }
0x2f5: {  	vm3 =	vlt.s32 v19, v14;
	vm15 =	vlt.s32 v19, v15;
	vm9 =	vlt.s32 v19, v16  }
0x2f6: {  	vm10 =	vlt.s32 v19, v17;
	vm11 =	vlt.s32 v19, v8;
	vm12 =	vlt.s32 v19, v11  }
0x2f7: {  	vm13 =	vlt.s32 v19, v12;
	vm14 =	vlt.s32 v19, v13;
	vm2 =	vmand vm2, vm1  }
0x2f8: {  	vm0 =	vmand vm0, vm1;
	vm3 =	vmand vm3, vm1;
	vm4 =	vmand vm15, vm1  }
0x2f9: {  	vm5 =	vmand vm9, vm1;
	vm6 =	vmand vm10, vm1;
	vm7 =	vmand vm11, vm1  }
0x2fa: {  	vm15 =	vlt.s32 v19, v5;
	v4 =	vmpcnt.ones.xlane vm2;
	vm2 =	vlt.s32 v19, v7  }
0x2fb: {  	v20 =	vmpcnt.ones.xlane vm0;
	vm0 =	vlt.s32 v19, v9;
	v22 =	vmpcnt.ones.xlane vm3  }
0x2fc: {  	vm3 =	vlt.s32 v19, v10;
	v24 =	vmpcnt.ones.xlane vm4;
	v25 =	vmpcnt.ones.xlane vm5  }
0x2fd: {  	v35 =	vmpcnt.ones.xlane vm6;
	v36 =	vmpcnt.ones.xlane vm7;
	vm4 =	vmand vm12, vm1  }
0x2fe: {  	vm5 =	vmand vm13, vm1;
	vm6 =	vmand vm14, vm1;
	vm2 =	vmand vm2, vm1  }
0x2ff: {  	vm0 =	vmand vm0, vm1;
	v39 =	vmpcnt.ones.xlane vm4;
	v41 =	vmpcnt.ones.xlane vm5  }
0x300: {  	vm3 =	vmand vm3, vm1;
	v40 =	vmpcnt.ones.xlane vm6;
	v34 =	vmpcnt.ones.xlane vm2  }
0x301: {  	vm2 =	vlt.s32 v19, v6;
	v37 =	vmpcnt.ones.xlane vm0;
	v38 =	vmpcnt.ones.xlane vm3  }
0x302: {  	v4 =	vadd.s32 v23, v4;
	v32 =	vadd.s32 v23, v20;
	v22 =	vadd.s32 v23, v22  }
0x303: {  	s7 =	simm.s32 $0x10;
	v20 =	vadd.s32 v23, v24;
	v19 =	vadd.s32 v23, v25;
	v24 =	vimm.s32 $0x0  }
0x304: {  	s8 =	simm.s32 $0x20;
	s9 =	simm.s32 $0x10;
	v42 =	vld [tilespmem:s7+$0x0];
	v25 =	vimm.s32 $0x0;
	vm2 =	vmand vm2, vm1;
	vm1 =	vmand vm15, vm1  }
.LBB2_24:
0x305: {  	p0 =	sne.s32 s8, $0x1F0;
	v23 =	vadd.s32 v23, v35;
	v35 =	vmpcnt.ones.xlane vm2;
	v43 =	vmpcnt.ones.xlane vm1  }
0x306: {  	v24 =	vadd.s32 v24, v34;
	v25 =	vadd.s32 v25, v36;
	v26 =	vadd.s32 v26, v37  }
0x307: {  	v28 =	vadd.s32 v28, v38;
	v29 =	vadd.s32 v29, v39;
	v30 =	vadd.s32 v30, v41  }
0x308: {  	v34 =	vor.u32 s7, v0;
	s7 =	smov.u32 s8;
	v33 =	vadd.s32 v33, v40;
	v31 =	vadd.s32 v31, v35  }
0x309: {  	vm0 =	vlt.s32 v34, v18;
	vm2 =	vlt.s32 v34, v21;
	vm1 =	veq.s32 v42, v1  }
0x30a: {  	vm3 =	vlt.s32 v34, v14;
	vm4 =	vlt.s32 v34, v15;
	vm2 =	vmand vm2, vm1  }
0x30b: {  	vm5 =	vlt.s32 v34, v16;
	vm6 =	vlt.s32 v34, v17;
	v35 =	vmpcnt.ones.xlane vm2  }
0x30c: {  	vm7 =	vlt.s32 v34, v8;
	vm8 =	vlt.s32 v34, v9;
	vm2 =	vlt.s32 v34, v7  }
0x30d: {  	vm9 =	vlt.s32 v34, v10;
	vm10 =	vlt.s32 v34, v11;
	v4 =	vadd.s32 v4, v35  }
0x30e: {  	vm11 =	vlt.s32 v34, v12;
	vm12 =	vlt.s32 v34, v13;
	vm13 =	vlt.s32 v34, v6  }
0x30f: {  	vm14 =	vlt.s32 v34, v5;
	vm0 =	vmand vm0, vm1;
	vm3 =	vmand vm3, vm1  }
0x310: {  	vm4 =	vmand vm4, vm1;
	vm5 =	vmand vm5, vm1;
	vm6 =	vmand vm6, vm1  }
0x311: {  	vm7 =	vmand vm7, vm1;
	vm8 =	vmand vm8, vm1;
	vm15 =	vmand vm2, vm1  }
0x312: {  	vm9 =	vmand vm9, vm1;
	vm10 =	vmand vm10, vm1;
	vm11 =	vmand vm11, vm1  }
0x313: {  	vm12 =	vmand vm12, vm1;
	vm2 =	vmand vm13, vm1;
	vm1 =	vmand vm14, vm1  }
0x314: {  	v27 =	vadd.s32 v27, v43;
	v34 =	vmpcnt.ones.xlane vm0;
	v36 =	vmpcnt.ones.xlane vm3  }
.Ltmp12:
0x315: {  	v38 =	vmpcnt.ones.xlane vm4;
	v40 =	vmpcnt.ones.xlane vm5;
	(pc) =	sbr.rel @p0 .LBB2_24-.Ltmp12, $4  }
0x316: {  	v32 =	vadd.s32 v32, v34;
	v35 =	vmpcnt.ones.xlane vm6;
	v34 =	vmpcnt.ones.xlane vm15  }
0x317: {  	v37 =	vmpcnt.ones.xlane vm8;
	v22 =	vadd.s32 v22, v36;
	v36 =	vmpcnt.ones.xlane vm7  }
0x318: {  	s9 =	sadd.s32 $0x10, s9;
	v39 =	vmpcnt.ones.xlane vm10;
	v20 =	vadd.s32 v20, v38;
	v38 =	vmpcnt.ones.xlane vm9  }
0x319: {  	s8 =	sadd.s32 $0x10, s8;
	v41 =	vmpcnt.ones.xlane vm11;
	v19 =	vadd.s32 v19, v40;
	v40 =	vmpcnt.ones.xlane vm12;
	v42 =	vld [tilespmem:s9+$0x0]  }
0x31a: {  	v43 =	vor.u32 s7, v0;
	v63 =	vmpcnt.ones.xlane vm2  }
0x31b: {  	vm0 =	vlt.s32 v43, v18;
	v18 =	vmpcnt.ones.xlane vm1;
	vm1 =	vlt.s32 v43, v21  }
0x31c: {  	vm2 =	vlt.s32 v43, v14;
	vm3 =	vlt.s32 v43, v15;
	vm4 =	vlt.s32 v43, v16  }
0x31d: {  	vm5 =	vlt.s32 v43, v17;
	vm6 =	vlt.s32 v43, v8;
	vm8 =	vlt.s32 v43, v9  }
0x31e: {  	vm9 =	vlt.s32 v43, v10;
	vm10 =	vlt.s32 v43, v11;
	vm11 =	vlt.s32 v43, v12  }
0x31f: {  	vm12 =	vlt.s32 v43, v13;
	vm13 =	vlt.s32 v43, v6;
	v12 =	vadd.s32 v23, v35  }
0x320: {  	v13 =	vadd.s32 v24, v34;
	v15 =	vadd.s32 v25, v36;
	v16 =	vadd.s32 v26, v37  }
0x321: {  	v17 =	vadd.s32 v28, v38;
	v21 =	vadd.s32 v29, v39;
	vm7 =	veq.s32 v42, v1  }
0x322: {  	v23 =	vadd.s32 v30, v41;
	v24 =	vadd.s32 v33, v40;
	vm1 =	vmand vm1, vm7  }
0x323: {  	vm0 =	vmand vm0, vm7;
	vm14 =	vmand vm2, vm7;
	vm15 =	vmand vm3, vm7  }
0x324: {  	vm2 =	vmand vm4, vm7;
	vm3 =	vmand vm5, vm7;
	vm4 =	vmand vm6, vm7  }
0x325: {  	vm8 =	vmand vm8, vm7;
	vm6 =	vmand vm9, vm7;
	vm5 =	vmand vm10, vm7  }
0x326: {  	vm11 =	vmand vm11, vm7;
	vm12 =	vmand vm12, vm7;
	vm13 =	vmand vm13, vm7  }
0x327: {  	v14 =	vmpcnt.ones.xlane vm1;
	vm1 =	vlt.s32 v43, v7;
	v6 =	vmpcnt.ones.xlane vm0  }
0x328: {  	vm0 =	vlt.s32 v43, v5;
	v5 =	vmpcnt.ones.xlane vm14;
	v8 =	vmpcnt.ones.xlane vm15  }
0x329: {  	v7 =	vlaneseq.u32;
	v9 =	vmpcnt.ones.xlane vm2;
	v10 =	vmpcnt.ones.xlane vm3  }
0x32a: {  	vm1 =	vmand vm1, vm7;
	vm0 =	vmand vm0, vm7;
	vm2 =	veq.s32 v7, $0xF  }
0x32b: {  	v6 =	vadd.s32 v32, v6;
	v11 =	vmpcnt.ones.xlane vm1;
	v5 =	vadd.s32 v22, v5  }
0x32c: {  	v22 =	vadd.s32 v31, v63;
	v8 =	vadd.s32 v20, v8;
	vm1 =	vcmask $0x33C  }
0x32d: {  	v9 =	vadd.s32 v19, v9;
	v10 =	vadd.s32 v12, v10;
	v6 =	vsel vm2, $0x0, v6  }
0x32e: {  	v5 =	vsel vm1, v6, v5;
	v6 =	vadd.s32 v27, v18;
	vm1 =	vcmask $0x73C  }
0x32f: {  	v11 =	vadd.s32 v13, v11;
	v5 =	vsel vm1, v5, v8;
	vm1 =	vcmask $0xB3C  }
0x330: {  	v8 =	vmpcnt.ones.xlane vm4;
	v5 =	vsel vm1, v5, v9;
	vm1 =	vcmask $0xF3C  }
0x331: {  	v9 =	vmpcnt.ones.xlane vm8;
	v5 =	vsel vm1, v5, v10;
	vm1 =	vcmask $0x133C  }
0x332: {  	v10 =	vmpcnt.ones.xlane vm6;
	v8 =	vadd.s32 v15, v8;
	v5 =	vsel vm1, v5, v11  }
0x333: {  	v11 =	vmpcnt.ones.xlane vm5;
	v9 =	vadd.s32 v16, v9;
	vm1 =	vcmask $0x173C  }
0x334: {  	v5 =	vsel vm1, v5, v8;
	v8 =	vmpcnt.ones.xlane vm11;
	vm1 =	vcmask $0x1B3C  }
0x335: {  	v10 =	vadd.s32 v17, v10;
	v5 =	vsel vm1, v5, v9;
	vm1 =	vcmask $0x1F3C  }
0x336: {  	v9 =	vmpcnt.ones.xlane vm12;
	v11 =	vadd.s32 v21, v11;
	v5 =	vsel vm1, v5, v10  }
0x337: {  	v10 =	vmpcnt.ones.xlane vm13;
	v8 =	vadd.s32 v23, v8;
	vm1 =	vcmask $0x233C  }
0x338: {  	v5 =	vsel vm1, v5, v11;
	v11 =	vmpcnt.ones.xlane vm0;
	vm0 =	vcmask $0x273C  }
0x339: {  	v9 =	vadd.s32 v24, v9;
	v5 =	vsel vm0, v5, v8;
	vm0 =	vcmask $0x2B3C  }
0x33a: {  	v8 =	vadd.s32 v22, v10;
	v5 =	vsel vm0, v5, v9;
	vm0 =	vcmask $0x2F3C  }
0x33b: {  	v6 =	vadd.s32 v6, v11;
	v5 =	vsel vm0, v5, v8;
	vm0 =	vcmask $0x333C  }
0x33c: {  	v4 =	vadd.s32 v4, v14;
	v5 =	vsel vm0, v5, v6;
	vm0 =	vcmask $0x373C  }
0x33d: {  	v4 =	vsel vm0, v5, v4  }
0x33e: {  	[tilespmem:$0x200] =	vst v4;
	v4 =	vld [tilespmem:$0x1FFF0]  }
0x33f: {  	v7 =	vor.u32 $0xA0, v7;
	_ =	sdelay $0x3  }
0x340: {  	s30 =	simm.s32 $0x200;
	s8 =	simm.s32 $0x1;
	vm0 =	vnez.u8 v4  }
0x341: {  	[spmem:s3] =	stream.indirect_vreg.scatter.add.s32 [tilespmem:s30], [sflag:$0x1], $0x1, v7, vm0, $0xb8;
	[tilespmem:$0x510] =	vst v63  }
0x342: {  	_ =	swait.ge [sflag:s8], $0x10  }
0x343: {  	[sflag:s8] =	ssyncset.done $0x0  }
0x344: {  	[sflag:s8] =	ssyncadd.s32 $0xFFFFFFF0  }
0x345: {  	[bflag:$0x0] =	sbarrier.arrive $0xFFFF  }
0x346: {  	[tilespmem:s30], [sflag:$0x1] =	stream.linear.gather [spmem:s6], $0x10, $0x38;
	[tilespmem:$0x510] =	vst v63  }
0x347: {  	_ =	swait.ge [sflag:s8], $0x10  }
0x348: {  	[sflag:s8] =	ssyncset.done $0x0  }
0x349: {  	[sflag:s8] =	ssyncadd.s32 $0xFFFFFFF0  }
0x34a: {  	v4 =	vld [tilespmem:$0x200];
	_ =	sdelay $0x4  }
0x34b: {  	vm0 =	vle.s32 v4, v2;
	v4 =	vld [tilespmem:$0x1FFE0];
	_ =	sdelay $0x4  }
0x34c: {  	vm1 =	vnez.u8 v4  }
0x34d: {  	vm0 =	vmand vm0, vm1  }
0x34e: {  	v26 =	vimm.s32 $0x0;
	v28 =	vimm.s32 $0x0;
	v4 =	vmpcnt.ones.xlane vm0  }
0x34f: {  	s31 =	simm.s32 $0x0;
	v29 =	vimm.s32 $0x0;
	v30 =	vimm.s32 $0x0;
	v33 =	vimm.s32 $0x0  }
0x350: {  	v19 =	vor.u32 s31, v0;
	v31 =	vimm.s32 $0x0;
	v4 =	vshll.u32 v4, $0x8  }
0x351: {  	v27 =	vimm.s32 $0x0;
	v23 =	vimm.s32 $0x0;
	v3 =	vor.u32 v3, v4  }
0x352: {  	v18 =	vor.u32 $0x10, v3;
	v14 =	vor.u32 $0x20, v3;
	v15 =	vor.u32 $0x30, v3  }
0x353: {  	v16 =	vor.u32 $0x40, v3;
	v17 =	vor.u32 $0x50, v3;
	v7 =	vor.u32 $0x60, v3  }
0x354: {  	v4 =	vld [tilespmem:s31+$0x0];
	v8 =	vor.u32 $0x70, v3;
	v9 =	vor.u32 $0x80, v3;
	v10 =	vor.u32 $0x90, v3  }
0x355: {  	v11 =	vor.u32 $0xA0, v3;
	v12 =	vor.u32 $0xB0, v3;
	v13 =	vor.u32 $0xC0, v3  }
0x356: {  	v6 =	vor.u32 $0xD0, v3;
	v5 =	vor.u32 $0xE0, v3;
	v21 =	vor.u32 $0xF0, v3  }
0x357: {  	vm0 =	vlt.s32 v19, v18;
	vm2 =	vlt.s32 v19, v21;
	vm3 =	vlt.s32 v19, v14  }
0x358: {  	vm15 =	vlt.s32 v19, v15;
	vm9 =	vlt.s32 v19, v16;
	vm10 =	vlt.s32 v19, v17  }
0x359: {  	vm11 =	vlt.s32 v19, v8;
	vm12 =	vlt.s32 v19, v11;
	vm1 =	veq.s32 v4, v1  }
0x35a: {  	vm13 =	vlt.s32 v19, v12;
	vm14 =	vlt.s32 v19, v13;
	vm2 =	vmand vm2, vm1  }
0x35b: {  	vm0 =	vmand vm0, vm1;
	vm3 =	vmand vm3, vm1;
	vm4 =	vmand vm15, vm1  }
0x35c: {  	vm5 =	vmand vm9, vm1;
	vm6 =	vmand vm10, vm1;
	vm7 =	vmand vm11, vm1  }
0x35d: {  	vm15 =	vlt.s32 v19, v5;
	v4 =	vmpcnt.ones.xlane vm2;
	vm2 =	vlt.s32 v19, v7  }
0x35e: {  	v20 =	vmpcnt.ones.xlane vm0;
	vm0 =	vlt.s32 v19, v9;
	v22 =	vmpcnt.ones.xlane vm3  }
0x35f: {  	vm3 =	vlt.s32 v19, v10;
	v24 =	vmpcnt.ones.xlane vm4;
	v25 =	vmpcnt.ones.xlane vm5  }
0x360: {  	v35 =	vmpcnt.ones.xlane vm6;
	v36 =	vmpcnt.ones.xlane vm7;
	vm4 =	vmand vm12, vm1  }
0x361: {  	vm5 =	vmand vm13, vm1;
	vm6 =	vmand vm14, vm1;
	vm2 =	vmand vm2, vm1  }
0x362: {  	vm0 =	vmand vm0, vm1;
	v39 =	vmpcnt.ones.xlane vm4;
	v41 =	vmpcnt.ones.xlane vm5  }
0x363: {  	vm3 =	vmand vm3, vm1;
	v40 =	vmpcnt.ones.xlane vm6;
	v34 =	vmpcnt.ones.xlane vm2  }
0x364: {  	vm2 =	vlt.s32 v19, v6;
	v37 =	vmpcnt.ones.xlane vm0;
	v38 =	vmpcnt.ones.xlane vm3  }
0x365: {  	v4 =	vadd.s32 v23, v4;
	v32 =	vadd.s32 v23, v20;
	v22 =	vadd.s32 v23, v22  }
0x366: {  	s6 =	simm.s32 $0x10;
	v20 =	vadd.s32 v23, v24;
	v19 =	vadd.s32 v23, v25;
	v24 =	vimm.s32 $0x0  }
0x367: {  	s7 =	simm.s32 $0x20;
	s8 =	simm.s32 $0x10;
	v42 =	vld [tilespmem:s6+$0x0];
	v25 =	vimm.s32 $0x0;
	vm2 =	vmand vm2, vm1;
	vm1 =	vmand vm15, vm1  }
.LBB2_26:
0x368: {  	p0 =	sne.s32 s7, $0x1F0;
	v23 =	vadd.s32 v23, v35;
	v35 =	vmpcnt.ones.xlane vm2;
	v43 =	vmpcnt.ones.xlane vm1  }
0x369: {  	v24 =	vadd.s32 v24, v34;
	v25 =	vadd.s32 v25, v36;
	v26 =	vadd.s32 v26, v37  }
0x36a: {  	v28 =	vadd.s32 v28, v38;
	v29 =	vadd.s32 v29, v39;
	v30 =	vadd.s32 v30, v41  }
0x36b: {  	v34 =	vor.u32 s6, v0;
	s6 =	smov.u32 s7;
	v33 =	vadd.s32 v33, v40;
	v31 =	vadd.s32 v31, v35  }
0x36c: {  	vm0 =	vlt.s32 v34, v18;
	vm2 =	vlt.s32 v34, v21;
	vm1 =	veq.s32 v42, v1  }
0x36d: {  	vm3 =	vlt.s32 v34, v14;
	vm4 =	vlt.s32 v34, v15;
	vm2 =	vmand vm2, vm1  }
0x36e: {  	vm5 =	vlt.s32 v34, v16;
	vm6 =	vlt.s32 v34, v17;
	v35 =	vmpcnt.ones.xlane vm2  }
0x36f: {  	vm7 =	vlt.s32 v34, v8;
	vm8 =	vlt.s32 v34, v9;
	vm2 =	vlt.s32 v34, v7  }
0x370: {  	vm9 =	vlt.s32 v34, v10;
	vm10 =	vlt.s32 v34, v11;
	v4 =	vadd.s32 v4, v35  }
0x371: {  	vm11 =	vlt.s32 v34, v12;
	vm12 =	vlt.s32 v34, v13;
	vm13 =	vlt.s32 v34, v6  }
0x372: {  	vm14 =	vlt.s32 v34, v5;
	vm0 =	vmand vm0, vm1;
	vm3 =	vmand vm3, vm1  }
0x373: {  	vm4 =	vmand vm4, vm1;
	vm5 =	vmand vm5, vm1;
	vm6 =	vmand vm6, vm1  }
0x374: {  	vm7 =	vmand vm7, vm1;
	vm8 =	vmand vm8, vm1;
	vm15 =	vmand vm2, vm1  }
0x375: {  	vm9 =	vmand vm9, vm1;
	vm10 =	vmand vm10, vm1;
	vm11 =	vmand vm11, vm1  }
0x376: {  	vm12 =	vmand vm12, vm1;
	vm2 =	vmand vm13, vm1;
	vm1 =	vmand vm14, vm1  }
0x377: {  	v27 =	vadd.s32 v27, v43;
	v34 =	vmpcnt.ones.xlane vm0;
	v36 =	vmpcnt.ones.xlane vm3  }
.Ltmp13:
0x378: {  	v38 =	vmpcnt.ones.xlane vm4;
	v40 =	vmpcnt.ones.xlane vm5;
	(pc) =	sbr.rel @p0 .LBB2_26-.Ltmp13, $4  }
0x379: {  	v32 =	vadd.s32 v32, v34;
	v35 =	vmpcnt.ones.xlane vm6;
	v34 =	vmpcnt.ones.xlane vm15  }
0x37a: {  	v37 =	vmpcnt.ones.xlane vm8;
	v22 =	vadd.s32 v22, v36;
	v36 =	vmpcnt.ones.xlane vm7  }
0x37b: {  	s8 =	sadd.s32 $0x10, s8;
	v39 =	vmpcnt.ones.xlane vm10;
	v20 =	vadd.s32 v20, v38;
	v38 =	vmpcnt.ones.xlane vm9  }
0x37c: {  	s7 =	sadd.s32 $0x10, s7;
	v41 =	vmpcnt.ones.xlane vm11;
	v19 =	vadd.s32 v19, v40;
	v40 =	vmpcnt.ones.xlane vm12;
	v42 =	vld [tilespmem:s8+$0x0]  }
0x37d: {  	v43 =	vor.u32 s6, v0;
	v63 =	vmpcnt.ones.xlane vm2  }
0x37e: {  	vm0 =	vlt.s32 v43, v18;
	v18 =	vmpcnt.ones.xlane vm1;
	vm1 =	vlt.s32 v43, v21  }
0x37f: {  	vm2 =	vlt.s32 v43, v14;
	vm3 =	vlt.s32 v43, v15;
	vm4 =	vlt.s32 v43, v16  }
0x380: {  	vm5 =	vlt.s32 v43, v17;
	vm6 =	vlt.s32 v43, v8;
	vm8 =	vlt.s32 v43, v9  }
0x381: {  	vm9 =	vlt.s32 v43, v10;
	vm10 =	vlt.s32 v43, v11;
	vm11 =	vlt.s32 v43, v12  }
0x382: {  	vm12 =	vlt.s32 v43, v13;
	vm13 =	vlt.s32 v43, v6;
	v12 =	vadd.s32 v23, v35  }
0x383: {  	v13 =	vadd.s32 v24, v34;
	v15 =	vadd.s32 v25, v36;
	v16 =	vadd.s32 v26, v37  }
0x384: {  	v17 =	vadd.s32 v28, v38;
	v21 =	vadd.s32 v29, v39;
	vm7 =	veq.s32 v42, v1  }
0x385: {  	v23 =	vadd.s32 v30, v41;
	v24 =	vadd.s32 v33, v40;
	vm1 =	vmand vm1, vm7  }
0x386: {  	vm0 =	vmand vm0, vm7;
	vm14 =	vmand vm2, vm7;
	vm15 =	vmand vm3, vm7  }
0x387: {  	vm2 =	vmand vm4, vm7;
	vm3 =	vmand vm5, vm7;
	vm4 =	vmand vm6, vm7  }
0x388: {  	vm8 =	vmand vm8, vm7;
	vm6 =	vmand vm9, vm7;
	vm5 =	vmand vm10, vm7  }
0x389: {  	vm11 =	vmand vm11, vm7;
	vm12 =	vmand vm12, vm7;
	vm13 =	vmand vm13, vm7  }
0x38a: {  	v14 =	vmpcnt.ones.xlane vm1;
	vm1 =	vlt.s32 v43, v7;
	v6 =	vmpcnt.ones.xlane vm0  }
0x38b: {  	vm0 =	vlt.s32 v43, v5;
	v5 =	vmpcnt.ones.xlane vm14;
	v8 =	vmpcnt.ones.xlane vm15  }
0x38c: {  	v7 =	vlaneseq.u32;
	v9 =	vmpcnt.ones.xlane vm2;
	v10 =	vmpcnt.ones.xlane vm3  }
0x38d: {  	vm1 =	vmand vm1, vm7;
	vm0 =	vmand vm0, vm7;
	vm2 =	veq.s32 v7, $0xF  }
0x38e: {  	v6 =	vadd.s32 v32, v6;
	v11 =	vmpcnt.ones.xlane vm1;
	v5 =	vadd.s32 v22, v5  }
0x38f: {  	v22 =	vadd.s32 v31, v63;
	v8 =	vadd.s32 v20, v8;
	vm1 =	vcmask $0x33C  }
0x390: {  	v9 =	vadd.s32 v19, v9;
	v10 =	vadd.s32 v12, v10;
	v6 =	vsel vm2, $0x0, v6  }
0x391: {  	v5 =	vsel vm1, v6, v5;
	v6 =	vadd.s32 v27, v18;
	vm1 =	vcmask $0x73C  }
0x392: {  	v11 =	vadd.s32 v13, v11;
	v5 =	vsel vm1, v5, v8;
	vm1 =	vcmask $0xB3C  }
0x393: {  	v8 =	vmpcnt.ones.xlane vm4;
	v5 =	vsel vm1, v5, v9;
	vm1 =	vcmask $0xF3C  }
0x394: {  	v9 =	vmpcnt.ones.xlane vm8;
	v5 =	vsel vm1, v5, v10;
	vm1 =	vcmask $0x133C  }
0x395: {  	v10 =	vmpcnt.ones.xlane vm6;
	v8 =	vadd.s32 v15, v8;
	v5 =	vsel vm1, v5, v11  }
0x396: {  	v11 =	vmpcnt.ones.xlane vm5;
	v9 =	vadd.s32 v16, v9;
	vm1 =	vcmask $0x173C  }
0x397: {  	v5 =	vsel vm1, v5, v8;
	v8 =	vmpcnt.ones.xlane vm11;
	vm1 =	vcmask $0x1B3C  }
0x398: {  	v10 =	vadd.s32 v17, v10;
	v5 =	vsel vm1, v5, v9;
	vm1 =	vcmask $0x1F3C  }
0x399: {  	v9 =	vmpcnt.ones.xlane vm12;
	v11 =	vadd.s32 v21, v11;
	v5 =	vsel vm1, v5, v10  }
0x39a: {  	v10 =	vmpcnt.ones.xlane vm13;
	v8 =	vadd.s32 v23, v8;
	vm1 =	vcmask $0x233C  }
0x39b: {  	v5 =	vsel vm1, v5, v11;
	v11 =	vmpcnt.ones.xlane vm0;
	vm0 =	vcmask $0x273C  }
0x39c: {  	v9 =	vadd.s32 v24, v9;
	v5 =	vsel vm0, v5, v8;
	vm0 =	vcmask $0x2B3C  }
0x39d: {  	v8 =	vadd.s32 v22, v10;
	v5 =	vsel vm0, v5, v9;
	vm0 =	vcmask $0x2F3C  }
0x39e: {  	v6 =	vadd.s32 v6, v11;
	v5 =	vsel vm0, v5, v8;
	vm0 =	vcmask $0x333C  }
0x39f: {  	v4 =	vadd.s32 v4, v14;
	v5 =	vsel vm0, v5, v6;
	vm0 =	vcmask $0x373C  }
0x3a0: {  	v4 =	vsel vm0, v5, v4  }
0x3a1: {  	[tilespmem:$0x200] =	vst v4;
	v4 =	vld [tilespmem:$0x1FFF0]  }
0x3a2: {  	v7 =	vor.u32 $0xB0, v7;
	_ =	sdelay $0x3  }
0x3a3: {  	s30 =	simm.s32 $0x200;
	s7 =	simm.s32 $0x1;
	vm0 =	vnez.u8 v4  }
0x3a4: {  	[spmem:s3] =	stream.indirect_vreg.scatter.add.s32 [tilespmem:s30], [sflag:$0x1], $0x1, v7, vm0, $0xb8;
	[tilespmem:$0x510] =	vst v63  }
0x3a5: {  	_ =	swait.ge [sflag:s7], $0x10  }
0x3a6: {  	[sflag:s7] =	ssyncset.done $0x0  }
0x3a7: {  	[sflag:s7] =	ssyncadd.s32 $0xFFFFFFF0  }
0x3a8: {  	[bflag:$0x0] =	sbarrier.arrive $0xFFFF  }
0x3a9: {  	[tilespmem:s30], [sflag:$0x1] =	stream.linear.gather [spmem:s5], $0x10, $0x38;
	[tilespmem:$0x510] =	vst v63  }
0x3aa: {  	_ =	swait.ge [sflag:s7], $0x10  }
0x3ab: {  	[sflag:s7] =	ssyncset.done $0x0  }
0x3ac: {  	[sflag:s7] =	ssyncadd.s32 $0xFFFFFFF0  }
0x3ad: {  	v4 =	vld [tilespmem:$0x200];
	_ =	sdelay $0x4  }
0x3ae: {  	vm0 =	vle.s32 v4, v2;
	v4 =	vld [tilespmem:$0x1FFE0];
	_ =	sdelay $0x4  }
0x3af: {  	vm1 =	vnez.u8 v4  }
0x3b0: {  	vm0 =	vmand vm0, vm1  }
0x3b1: {  	v4 =	vmpcnt.ones.xlane vm0  }
0x3b2: {  	s31 =	simm.s32 $0x0;
	v26 =	vimm.s32 $0x0  }
0x3b3: {  	v25 =	vimm.s32 $0x0;
	v18 =	vor.u32 s31, v0;
	v4 =	vshll.u32 v4, $0x4  }
0x3b4: {  	v27 =	vimm.s32 $0x0;
	v23 =	vimm.s32 $0x0;
	v3 =	vor.u32 v3, v4  }
0x3b5: {  	v24 =	vimm.s32 $0x0;
	v16 =	vor.u32 $0x2, v3;
	v15 =	vor.u32 $0x3, v3  }
0x3b6: {  	v17 =	vor.u32 $0x4, v3;
	v14 =	vor.u32 $0x5, v3;
	v12 =	vor.u32 $0x6, v3  }
0x3b7: {  	v4 =	vld [tilespmem:s31+$0x0];
	v13 =	vor.u32 $0x7, v3;
	v11 =	vor.u32 $0x8, v3;
	v9 =	vor.u32 $0x9, v3  }
0x3b8: {  	v10 =	vor.u32 $0xA, v3;
	v8 =	vor.u32 $0xB, v3;
	v6 =	vor.u32 $0xC, v3  }
0x3b9: {  	v7 =	vor.u32 $0xD, v3;
	v5 =	vor.u32 $0xE, v3;
	v29 =	vor.u32 $0xF, v3  }
0x3ba: {  	vm0 =	vle.s32 v18, v3;
	vm2 =	vlt.s32 v18, v29;
	vm3 =	vlt.s32 v18, v16  }
0x3bb: {  	vm15 =	vlt.s32 v18, v15;
	vm9 =	vlt.s32 v18, v17;
	vm10 =	vlt.s32 v18, v14  }
0x3bc: {  	vm11 =	vlt.s32 v18, v13;
	vm12 =	vlt.s32 v18, v10;
	vm1 =	veq.s32 v4, v1  }
0x3bd: {  	vm13 =	vlt.s32 v18, v8;
	vm14 =	vlt.s32 v18, v6;
	vm2 =	vmand vm2, vm1  }
0x3be: {  	vm0 =	vmand vm0, vm1;
	vm3 =	vmand vm3, vm1;
	vm4 =	vmand vm15, vm1  }
0x3bf: {  	vm5 =	vmand vm9, vm1;
	vm6 =	vmand vm10, vm1;
	vm7 =	vmand vm11, vm1  }
0x3c0: {  	vm15 =	vlt.s32 v18, v5;
	v4 =	vmpcnt.ones.xlane vm2;
	vm2 =	vlt.s32 v18, v12  }
0x3c1: {  	v19 =	vmpcnt.ones.xlane vm0;
	vm0 =	vlt.s32 v18, v11;
	v20 =	vmpcnt.ones.xlane vm3  }
0x3c2: {  	vm3 =	vlt.s32 v18, v9;
	v21 =	vmpcnt.ones.xlane vm4;
	v22 =	vmpcnt.ones.xlane vm5  }
0x3c3: {  	v35 =	vmpcnt.ones.xlane vm6;
	v34 =	vmpcnt.ones.xlane vm7;
	vm4 =	vmand vm12, vm1  }
0x3c4: {  	vm5 =	vmand vm13, vm1;
	vm6 =	vmand vm14, vm1;
	vm2 =	vmand vm2, vm1  }
0x3c5: {  	vm0 =	vmand vm0, vm1;
	v36 =	vmpcnt.ones.xlane vm4;
	v40 =	vmpcnt.ones.xlane vm5  }
0x3c6: {  	vm3 =	vmand vm3, vm1;
	v37 =	vmpcnt.ones.xlane vm6;
	v33 =	vmpcnt.ones.xlane vm2  }
0x3c7: {  	vm2 =	vlt.s32 v18, v7;
	v39 =	vmpcnt.ones.xlane vm0;
	v38 =	vmpcnt.ones.xlane vm3  }
0x3c8: {  	v4 =	vadd.s32 v24, v4;
	v32 =	vadd.s32 v24, v19;
	v31 =	vadd.s32 v24, v20  }
0x3c9: {  	v30 =	vadd.s32 v24, v21;
	v28 =	vadd.s32 v24, v22;
	v22 =	vimm.s32 $0x0  }
0x3ca: {  	s5 =	simm.s32 $0x10;
	v20 =	vimm.s32 $0x0;
	v21 =	vimm.s32 $0x0;
	v18 =	vimm.s32 $0x0  }
0x3cb: {  	s6 =	simm.s32 $0x20;
	s7 =	simm.s32 $0x10;
	v41 =	vld [tilespmem:s5+$0x0];
	v19 =	vimm.s32 $0x0;
	vm2 =	vmand vm2, vm1;
	vm1 =	vmand vm15, vm1  }
.LBB2_28:
0x3cc: {  	p0 =	sne.s32 s6, $0x1F0;
	v24 =	vadd.s32 v24, v35;
	v35 =	vmpcnt.ones.xlane vm2;
	v42 =	vmpcnt.ones.xlane vm1  }
0x3cd: {  	v27 =	vadd.s32 v27, v33;
	v26 =	vadd.s32 v26, v34;
	v25 =	vadd.s32 v25, v39  }
0x3ce: {  	v23 =	vadd.s32 v23, v38;
	v22 =	vadd.s32 v22, v36;
	v20 =	vadd.s32 v20, v40  }
0x3cf: {  	v33 =	vor.u32 s5, v0;
	s5 =	smov.u32 s6;
	v21 =	vadd.s32 v21, v37;
	v18 =	vadd.s32 v18, v35  }
0x3d0: {  	vm0 =	vle.s32 v33, v3;
	vm2 =	vlt.s32 v33, v29;
	vm1 =	veq.s32 v41, v1  }
0x3d1: {  	vm3 =	vlt.s32 v33, v16;
	vm4 =	vlt.s32 v33, v15;
	vm2 =	vmand vm2, vm1  }
0x3d2: {  	vm5 =	vlt.s32 v33, v17;
	vm6 =	vlt.s32 v33, v14;
	v34 =	vmpcnt.ones.xlane vm2  }
0x3d3: {  	vm7 =	vlt.s32 v33, v13;
	vm8 =	vlt.s32 v33, v11;
	vm2 =	vlt.s32 v33, v12  }
0x3d4: {  	vm9 =	vlt.s32 v33, v9;
	vm10 =	vlt.s32 v33, v10;
	v4 =	vadd.s32 v4, v34  }
0x3d5: {  	vm11 =	vlt.s32 v33, v8;
	vm12 =	vlt.s32 v33, v6;
	vm13 =	vlt.s32 v33, v7  }
0x3d6: {  	vm14 =	vlt.s32 v33, v5;
	vm0 =	vmand vm0, vm1;
	vm3 =	vmand vm3, vm1  }
0x3d7: {  	vm4 =	vmand vm4, vm1;
	vm5 =	vmand vm5, vm1;
	vm6 =	vmand vm6, vm1  }
0x3d8: {  	vm7 =	vmand vm7, vm1;
	vm8 =	vmand vm8, vm1;
	vm15 =	vmand vm2, vm1  }
0x3d9: {  	vm9 =	vmand vm9, vm1;
	vm10 =	vmand vm10, vm1;
	vm11 =	vmand vm11, vm1  }
0x3da: {  	vm12 =	vmand vm12, vm1;
	vm2 =	vmand vm13, vm1;
	vm1 =	vmand vm14, vm1  }
0x3db: {  	v19 =	vadd.s32 v19, v42;
	v33 =	vmpcnt.ones.xlane vm0;
	v34 =	vmpcnt.ones.xlane vm3  }
.Ltmp14:
0x3dc: {  	v36 =	vmpcnt.ones.xlane vm4;
	v37 =	vmpcnt.ones.xlane vm5;
	(pc) =	sbr.rel @p0 .LBB2_28-.Ltmp14, $4  }
0x3dd: {  	v35 =	vmpcnt.ones.xlane vm6;
	v32 =	vadd.s32 v32, v33;
	v33 =	vmpcnt.ones.xlane vm15  }
0x3de: {  	v39 =	vmpcnt.ones.xlane vm8;
	v31 =	vadd.s32 v31, v34;
	v34 =	vmpcnt.ones.xlane vm7  }
0x3df: {  	s7 =	sadd.s32 $0x10, s7;
	v38 =	vmpcnt.ones.xlane vm9;
	v30 =	vadd.s32 v30, v36;
	v36 =	vmpcnt.ones.xlane vm10  }
0x3e0: {  	s6 =	sadd.s32 $0x10, s6;
	v40 =	vmpcnt.ones.xlane vm11;
	v28 =	vadd.s32 v28, v37;
	v37 =	vmpcnt.ones.xlane vm12;
	v41 =	vld [tilespmem:s7+$0x0]  }
0x3e1: {  	v42 =	vmpcnt.ones.xlane vm2;
	v43 =	vor.u32 s5, v0  }
0x3e2: {  	v49 =	vmpcnt.ones.xlane vm1;
	v52 =	vlaneseq.u32;
	vm0 =	vle.s32 v43, v3  }
0x3e3: {  	vm11 =	vlt.s32 v43, v29;
	vm13 =	vlt.s32 v43, v16;
	vm14 =	vlt.s32 v43, v15  }
0x3e4: {  	vm15 =	vlt.s32 v43, v17;
	vm7 =	vlt.s32 v43, v14;
	vm8 =	vlt.s32 v43, v12  }
0x3e5: {  	vm9 =	vlt.s32 v43, v13;
	vm10 =	vlt.s32 v43, v11;
	vm3 =	veq.s32 v41, v1  }
0x3e6: {  	vm2 =	vlt.s32 v43, v7;
	vm12 =	vmand vm11, vm3;
	vm0 =	vmand vm0, vm3  }
0x3e7: {  	vm4 =	vmand vm14, vm3;
	vm5 =	vmand vm15, vm3;
	vm6 =	vmand vm7, vm3  }
0x3e8: {  	vm7 =	vmand vm8, vm3;
	vm8 =	vmand vm9, vm3;
	vm9 =	vmand vm10, vm3  }
0x3e9: {  	vm11 =	vlt.s32 v43, v9;
	vm14 =	vlt.s32 v43, v6;
	vm2 =	vmand vm2, vm3  }
0x3ea: {  	vm15 =	vlt.s32 v43, v5;
	v50 =	vmpcnt.ones.xlane vm12;
	v44 =	vmpcnt.ones.xlane vm0  }
0x3eb: {  	vm0 =	vmand vm13, vm3;
	vm12 =	vlt.s32 v43, v10;
	vm10 =	vmand vm11, vm3  }
0x3ec: {  	vm13 =	vlt.s32 v43, v8;
	v6 =	vmpcnt.ones.xlane vm4;
	v7 =	vmpcnt.ones.xlane vm5  }
0x3ed: {  	vm1 =	vmand vm15, vm3;
	v51 =	vmpcnt.ones.xlane vm6;
	v53 =	vmpcnt.ones.xlane vm7  }
0x3ee: {  	v54 =	vmpcnt.ones.xlane vm8;
	vm7 =	veq.s32 v52, $0xF;
	v56 =	vmpcnt.ones.xlane vm9  }
0x3ef: {  	vm8 =	vcmask $0x33C;
	vm9 =	vcmask $0x73C;
	vm15 =	vcmask $0x1F3C  }
0x3f0: {  	vm4 =	vcmask $0x233C;
	v61 =	vmpcnt.ones.xlane vm2;
	vm5 =	vcmask $0x273C  }
0x3f1: {  	vm11 =	vmand vm12, vm3;
	vm12 =	vmand vm13, vm3;
	vm13 =	vmand vm14, vm3  }
0x3f2: {  	v5 =	vmpcnt.ones.xlane vm0;
	v57 =	vmpcnt.ones.xlane vm10;
	vm10 =	vcmask $0xB3C  }
0x3f3: {  	vm14 =	vcmask $0x1B3C;
	v55 =	vadd.s32 v32, v44;
	v58 =	vmpcnt.ones.xlane vm11  }
0x3f4: {  	v59 =	vmpcnt.ones.xlane vm12;
	v60 =	vmpcnt.ones.xlane vm13;
	v6 =	vadd.s32 v30, v6  }
0x3f5: {  	v7 =	vadd.s32 v28, v7;
	v12 =	vsel vm7, $0x0, v55;
	v5 =	vadd.s32 v31, v5  }
0x3f6: {  	vm11 =	vcmask $0xF3C;
	vm12 =	vcmask $0x133C;
	v5 =	vsel vm8, v12, v5  }
0x3f7: {  	vm13 =	vcmask $0x173C;
	v5 =	vsel vm9, v5, v6;
	v6 =	vadd.s32 v24, v35  }
0x3f8: {  	v5 =	vsel vm10, v5, v7;
	v7 =	vadd.s32 v27, v33;
	v6 =	vadd.s32 v6, v51  }
0x3f9: {  	v5 =	vsel vm11, v5, v6;
	v6 =	vadd.s32 v26, v34;
	v7 =	vadd.s32 v7, v53  }
0x3fa: {  	v5 =	vsel vm12, v5, v7;
	v7 =	vadd.s32 v25, v39;
	v6 =	vadd.s32 v6, v54  }
0x3fb: {  	v5 =	vsel vm13, v5, v6;
	v6 =	vadd.s32 v23, v38;
	v7 =	vadd.s32 v7, v56  }
0x3fc: {  	v5 =	vsel vm14, v5, v7;
	v7 =	vadd.s32 v22, v36;
	v6 =	vadd.s32 v6, v57  }
0x3fd: {  	v5 =	vsel vm15, v5, v6;
	v6 =	vadd.s32 v20, v40;
	v7 =	vadd.s32 v7, v58  }
0x3fe: {  	v5 =	vsel vm4, v5, v7;
	v7 =	vadd.s32 v21, v37;
	v6 =	vadd.s32 v6, v59  }
0x3ff: {  	vm6 =	vcmask $0x2B3C;
	v5 =	vsel vm5, v5, v6;
	v6 =	vadd.s32 v7, v60  }
0x400: {  	v7 =	vmpcnt.ones.xlane vm1;
	v5 =	vsel vm6, v5, v6;
	v6 =	vadd.s32 v18, v42  }
0x401: {  	v62 =	vadd.s32 v19, v49;
	vm7 =	vcmask $0x2F3C;
	v6 =	vadd.s32 v6, v61  }
0x402: {  	vm8 =	vcmask $0x333C;
	v5 =	vsel vm7, v5, v6;
	v6 =	vadd.s32 v62, v7  }
0x403: {  	v4 =	vadd.s32 v4, v50;
	vm9 =	vcmask $0x373C;
	v5 =	vsel vm8, v5, v6  }
0x404: {  	v4 =	vsel vm9, v5, v4  }
0x405: {  	[tilespmem:$0x200] =	vst v4;
	v4 =	vld [tilespmem:$0x1FFF0]  }
0x406: {  	v63 =	vor.u32 $0xC0, v52;
	_ =	sdelay $0x3  }
0x407: {  	s29 =	simm.s32 $0x200;
	s30 =	simm.s32 $0x1;
	vm10 =	vnez.u8 v4  }
0x408: {  	[spmem:s3] =	stream.indirect_vreg.scatter.add.s32 [tilespmem:s29], [sflag:$0x1], $0x1, v63, vm10, $0xb8;
	[tilespmem:$0x510] =	vst v63  }
0x409: {  	_ =	swait.ge [sflag:s30], $0x10  }
0x40a: {  	[sflag:s30] =	ssyncset.done $0x0  }
0x40b: {  	[sflag:s30] =	ssyncadd.s32 $0xFFFFFFF0  }
0x40c: {  	[bflag:$0x0] =	sbarrier.arrive $0xFFFF  }
0x40d: {  	[tilespmem:s29], [sflag:$0x1] =	stream.linear.gather [spmem:s4], $0x10, $0x38;
	[tilespmem:$0x510] =	vst v63  }
0x40e: {  	_ =	swait.ge [sflag:s30], $0x10  }
0x40f: {  	[sflag:s30] =	ssyncset.done $0x0  }
0x410: {  	[sflag:s30] =	ssyncadd.s32 $0xFFFFFFF0  }
0x411: {  	v4 =	vld [tilespmem:$0x200];
	_ =	sdelay $0x4  }
0x412: {  	vm11 =	vle.s32 v4, v2;
	v2 =	vld [tilespmem:$0x1FFE0];
	_ =	sdelay $0x3  }
0x413: {  	s31 =	simm.s32 $0x0  }
0x414: {  	v4 =	vld [tilespmem:s31+$0x0];
	vm12 =	vnez.u8 v2  }
0x415: {  	vm0 =	vmand vm11, vm12  }
0x416: {  	v2 =	vmpcnt.ones.xlane vm0;
	_ =	sdelay $0x1  }
0x417: {  	v2 =	vor.u32 v3, v2;
	v3 =	vor.u32 s31, v0  }
0x418: {  	vm13 =	veq.s32 v4, v1;
	vm14 =	vle.s32 v3, v2  }
0x419: {  	vm15 =	vgt.s32 v4, v1;
	vm0 =	vmand vm14, vm13  }
0x41a: {  	v3 =	vimm.f32 $0.0e+00;
	vm0 =	vmor vm15, vm0  }
0x41b: {  	s3 =	simm.s32 $0x300;
	v4 =	vsel vm0, $0x3F800000, v3  }
0x41c: {  	s4 =	simm.s32 $0x10;
	[tilespmem:s3+$0x0] =	vst v4  }
0x41d: {  	s5 =	simm.s32 $0x20;
	s6 =	simm.s32 $0x10;
	v4 =	vld [tilespmem:s4+$0x0]  }
.LBB2_30:
0x41e: {  	p0 =	sne.s32 s5, $0x1F0;
	_ =	sdelay $0x2  }
0x41f: {  	v5 =	vor.u32 s4, v0;
	s4 =	smov.u32 s5  }
0x420: {  	vm1 =	vle.s32 v5, v2;
	vm0 =	veq.s32 v4, v1  }
.Ltmp15:
0x421: {  	vm2 =	vgt.s32 v4, v1;
	vm0 =	vmand vm1, vm0;
	(pc) =	sbr.rel @p0 .LBB2_30-.Ltmp15, $4  }
0x422: {  	vm0 =	vmor vm2, vm0  }
0x423: {  	s3 =	sadd.s32 $0x10, s3;
	v4 =	vsel vm0, $0x3F800000, v3  }
0x424: {  	s6 =	sadd.s32 $0x10, s6;
	[tilespmem:s3+$0x0] =	vst v4  }
0x425: {  	s5 =	sadd.s32 $0x10, s5;
	v4 =	vld [tilespmem:s6+$0x0]  }
0x426: {  	_ =	sdelay $0x2  }
0x427: {  	v0 =	vor.u32 s4, v0  }
0x428: {  	vm1 =	vle.s32 v0, v2;
	vm0 =	veq.s32 v4, v1  }
0x429: {  	vm2 =	vgt.s32 v4, v1;
	vm0 =	vmand vm1, vm0  }
0x42a: {  	vm0 =	vmor vm2, vm0  }
0x42b: {  	s3 =	sadd.s32 $0x10, s3;
	v63 =	vsel vm0, $0x3F800000, v3  }
0x42c: {  	s29 =	simm.s32 $0x0;
	s30 =	simm.s32 $0x300;
	s31 =	simm.s32 $0x1;
	[tilespmem:s3+$0x0] =	vst v63  }
0x42d: {  	[hbm4b:s2+s29] =	stream.linear.scatter [tilespmem:s30], [sflag:$0x1], $0x200, $0x38;
	[tilespmem:$0x510] =	vst v63  }
0x42e: {  	_ =	swait.ge [sflag:s31], $0x200  }
0x42f: {  	[sflag:s31] =	ssyncset.done $0x0  }
0x430: {  	[sflag:s31] =	ssyncadd.s32 $0xFFFFFE00  }
.LBB2_32:
0x431: {  	_ =	sfence.sel $0x180000  }
0x432: {  	[bflag:$0x0] =	sbarrier.arrive $0xFFFF  }
0x433: {  	p0 =	sne.s32 s1, $0x0;
	_ =	strace $0x90000047  }
0x434: {  	s0 =	sadd.s32 @!p0 $0x100000, s0;
	[bflag:$0x2] =	sbarrier.arrive $0xFFFF  }
0x435: {  	[sflag:s0] =	ssyncadd.tile.s32 @!p0 $0x1;
	_ =	shalt  }
.Lfunc_end2:
_tile_overlayer_lowered:
.L_overlay_start_2:
0x436: {  	(tag) =	ssettag $0x2  }
0x437: {  	s0 =	rddreg [dreg:$0x0];
	s2 =	stileid.u32  }
0x438: {  	s1 =	rddreg [dreg:$0x1];
	p0 =	sne.s32 s2, $0x0  }
0x439: {  	s3 =	rddreg [dreg:$0x2];
	[bflag:$0x3] =	sbarrier.arrive $0xFFFF;
	s2 =	simm.s32 @!p0 $0x1C01  }
0x43a: {  	[timem:s3], [sflag:s2] =	dma.local @!p0 [hbm:s0], s1  }
0x43b: {  	s0 =	simm.s32 @!p0 $0x1  }
0x43c: {  	_ =	swait.ge @!p0 [sflag:s0], s1  }
0x43d: {  	s1 =	ssub.s32 @!p0 $0x0, s1;
	[sflag:s0] =	ssyncset.done @!p0 $0x0  }
0x43e: {  	[sflag:s0] =	ssyncadd.s32 @!p0 s1  }
0x43f: {  	[bflag:$0x3] =	sbarrier.arrive $0xFFFF  }
0x440: {  	_ =	shalt  }

</sc_bundles>
